<compile_context>
chip_gen: v7x
topology: tpu7x:2x2x1
jax: 0.10.2.dev20260603
libtpu: 0.0.44.dev20260713+nightly
codegen_flags: <defaults>
</compile_context>

<pallas_src>
import functools

import jax
import jax.numpy as jnp
from jax import lax
from jax.experimental import pallas as pl
from jax.experimental.pallas import tpu as pltpu
from jax.experimental.pallas import tpu_sc as plsc

_N = 10000
_NP = 10240
_D = 128
_E = 320000
_NC = 2
_NS = 16
_NW = _NC * _NS
_CH = 64
_K = 160
_RCH = _E // _CH
_RPT = _NP // _NS


_NB = 5


def _sc_agg_body(*refs, with_counts):
    if with_counts:
        (y_hbm, edges_hbm, zr_hbm, zc_hbm, agg_hbm, cnt_hbm,
         acc_sh, cnt_sh, rows_v, sidx, didx, ones_v, gsem, ssem, csem, isem) = refs
    else:
        (y_hbm, edges_hbm, zr_hbm, agg_hbm,
         acc_sh, rows_v, sidx, didx, gsem, ssem, isem) = refs

    c = lax.axis_index("c")
    s = lax.axis_index("s")
    wid = s * _NC + c
    base = s * _RPT
    ebase = wid * _K * _CH
    nchunks = jnp.minimum(_K, jnp.maximum(_RCH - wid * _K, 0))

    pltpu.sync_copy(zr_hbm, rows_v[0])
    for i in range(_RPT // _CH):
        pltpu.sync_copy(rows_v[0], acc_sh.at[pl.ds(base + i * _CH, _CH)])
    if with_counts:
        pltpu.sync_copy(zc_hbm, cnt_sh.at[pl.ds(base, _RPT)])
        for i in range(_CH // 16):
            ones_v[pl.ds(i * 16, 16)] = jnp.full((16,), 1.0, jnp.float32)
    plsc.subcore_barrier()

    def idx_start(j, b, p):
        off = ebase + j * _CH
        pltpu.async_copy(edges_hbm.at[pl.ds(off, _CH)], sidx[p][b], isem[p][b])
        pltpu.async_copy(edges_hbm.at[pl.ds(_E + off, _CH)], didx[p][b], isem[p][b])

    def idx_wait(b, p):
        pltpu.make_async_copy(edges_hbm.at[pl.ds(0, _CH)], sidx[p][b], isem[p][b]).wait()
        pltpu.make_async_copy(edges_hbm.at[pl.ds(0, _CH)], didx[p][b], isem[p][b]).wait()

    def gather_start(b, p):
        pltpu.async_copy(y_hbm.at[sidx[p][b]], rows_v[b], gsem[b])

    def gather_wait(b):
        pltpu.make_async_copy(y_hbm.at[pl.ds(0, _CH)], rows_v[b], gsem[b]).wait()

    def scatter_start(b, p):
        pltpu.async_copy(rows_v[b], acc_sh.at[didx[p][b]], ssem[b], add=True)
        if with_counts:
            pltpu.async_copy(ones_v, cnt_sh.at[didx[p][b]], csem[b], add=True)

    def scatter_wait(b):
        pltpu.make_async_copy(rows_v[b], acc_sh.at[pl.ds(0, _CH)], ssem[b]).wait()
        if with_counts:
            pltpu.make_async_copy(ones_v, cnt_sh.at[pl.ds(0, _CH)], csem[b]).wait()

    def halfgroup(base_chunk, p):
        for b in range(_NB):
            j = base_chunk + b
            gather_wait(b)
            scatter_start(b, p)

            @pl.when(j + _NB < nchunks)
            def _():
                idx_start(j + _NB, b, 1 - p)
        for b in range(_NB):
            j = base_chunk + b
            scatter_wait(b)

            @pl.when(j + _NB < nchunks)
            def _():
                idx_wait(b, 1 - p)
                gather_start(b, 1 - p)

    def group(jj, carry):
        q0 = jj * 2 * _NB
        halfgroup(q0, 0)
        halfgroup(q0 + _NB, 1)
        return carry

    for b in range(_NB):
        idx_start(b, b, 0)
    for b in range(_NB):
        idx_wait(b, 0)
        gather_start(b, 0)
    lax.fori_loop(0, nchunks // (2 * _NB), group, 0)
    plsc.subcore_barrier()

    off = c * _NP + base
    pltpu.sync_copy(acc_sh.at[pl.ds(base, _RPT)], agg_hbm.at[pl.ds(off, _RPT)])
    if with_counts:
        pltpu.sync_copy(cnt_sh.at[pl.ds(base, _RPT)], cnt_hbm.at[pl.ds(off, _RPT)])


_SC_MESH = plsc.VectorSubcoreMesh(core_axis_name="c", subcore_axis_name="s")


def _sc_agg_with_counts(y, edges, zr, zc):
    return pl.kernel(
        functools.partial(_sc_agg_body, with_counts=True),
        out_type=(jax.ShapeDtypeStruct((_NC * _NP, _D), jnp.float32),
                  jax.ShapeDtypeStruct((_NC * _NP,), jnp.float32)),
        mesh=_SC_MESH,
        scratch_types=[
            pltpu.VMEM_SHARED((_NP, _D), jnp.float32),
            pltpu.VMEM_SHARED((_NP,), jnp.float32),
            [pltpu.VMEM((_CH, _D), jnp.float32) for _ in range(_NB)],
            [[pltpu.VMEM((_CH,), jnp.int32) for _ in range(_NB)] for _ in range(2)],
            [[pltpu.VMEM((_CH,), jnp.int32) for _ in range(_NB)] for _ in range(2)],
            pltpu.VMEM((_CH,), jnp.float32),
            [pltpu.SemaphoreType.DMA for _ in range(_NB)],
            [pltpu.SemaphoreType.DMA for _ in range(_NB)],
            [pltpu.SemaphoreType.DMA for _ in range(_NB)],
            [[pltpu.SemaphoreType.DMA for _ in range(_NB)] for _ in range(2)],
        ],
    )(y, edges, zr, zc)


def _sc_agg(y, edges, zr):
    return pl.kernel(
        functools.partial(_sc_agg_body, with_counts=False),
        out_type=jax.ShapeDtypeStruct((_NC * _NP, _D), jnp.float32),
        mesh=_SC_MESH,
        scratch_types=[
            pltpu.VMEM_SHARED((_NP, _D), jnp.float32),
            [pltpu.VMEM((_CH, _D), jnp.float32) for _ in range(_NB)],
            [[pltpu.VMEM((_CH,), jnp.int32) for _ in range(_NB)] for _ in range(2)],
            [[pltpu.VMEM((_CH,), jnp.int32) for _ in range(_NB)] for _ in range(2)],
            [pltpu.SemaphoreType.DMA for _ in range(_NB)],
            [pltpu.SemaphoreType.DMA for _ in range(_NB)],
            [[pltpu.SemaphoreType.DMA for _ in range(_NB)] for _ in range(2)],
        ],
    )(y, edges, zr)


_BLK = 1024


def _tc_combine_body(agg_ref, cnt_ref, x_ref, wl_ref, wr_ref, b_ref, *out_refs, relu):
    a = agg_ref[0] + agg_ref[1]
    cntv = cnt_ref[0] + cnt_ref[1]
    inv = 1.0 / jnp.maximum(cntv, 1.0)
    mean = a * inv[:, None]
    r = (jnp.dot(mean, wl_ref[...], preferred_element_type=jnp.float32)
         + jnp.dot(x_ref[...], wr_ref[...], preferred_element_type=jnp.float32)
         + b_ref[...])
    out_refs[0][...] = jnp.maximum(r, 0.0) if relu else r


def _tc_combine(agg2, cnt2, xin, wlT, wrT, b, relu):
    return pl.pallas_call(
        functools.partial(_tc_combine_body, relu=relu),
        grid=(pl.cdiv(_N, _BLK),),
        in_specs=[
            pl.BlockSpec((_NC, _BLK, _D), lambda i: (0, i, 0)),
            pl.BlockSpec((_NC, _BLK), lambda i: (0, i)),
            pl.BlockSpec((_BLK, _D), lambda i: (i, 0)),
            pl.BlockSpec((_D, _D), lambda i: (0, 0)),
            pl.BlockSpec((_D, _D), lambda i: (0, 0)),
            pl.BlockSpec((1, _D), lambda i: (0, 0)),
        ],
        out_specs=pl.BlockSpec((_BLK, _D), lambda i: (i, 0)),
        out_shape=jax.ShapeDtypeStruct((_N, _D), jnp.float32),
    )(agg2, cnt2, xin, wlT, wrT, b)


def kernel(x, edge_index, W1_l, W1_r, b1, W2_l, W2_r, b2):
    zr = jnp.zeros((_CH, _D), jnp.float32)
    zc = jnp.zeros((_RPT,), jnp.float32)

    edges = edge_index.reshape(2 * _E)
    agg1, cnt = _sc_agg_with_counts(x, edges, zr, zc)
    h = _tc_combine(agg1.reshape(_NC, _NP, _D), cnt.reshape(_NC, _NP),
                    x, W1_l.T, W1_r.T, b1.reshape(1, _D), relu=True)
    agg2 = _sc_agg(h, edges, zr)
    out = _tc_combine(agg2.reshape(_NC, _NP, _D), cnt.reshape(_NC, _NP),
                      h, W2_l.T, W2_r.T, b2.reshape(1, _D), relu=False)
    return out

# --- scband reference (transcript-rebuilt; emitter-appended) ---
"""Pipeline reference for scband-sageencoder-16174846836858 (READ-ONLY COPY).

The authoritative reference and input builder live on the scoring server;
editing this copy changes nothing except your own understanding.
"""

import jax, jax.numpy as jnp
import numpy as np

N = 10000
E = 320000
D = 128
H = 128
O = 128


def setup_inputs(seed: int = 0) -> dict:
    key = jax.random.key(seed)
    ks = jax.random.split(key, 8)
    x = jax.random.normal(ks[0], (N, D), dtype=jnp.float32)
    edge_index = jax.random.randint(ks[1], (2, E), 0, N, dtype=jnp.int32)
    # SAGEConv params: lin_l (applied to aggregated neighbors, with bias),
    # lin_r (applied to root/self features, no bias). Two layers.
    W1_l = jax.random.normal(ks[2], (H, D), dtype=jnp.float32) * (1.0 / np.sqrt(D))
    W1_r = jax.random.normal(ks[3], (H, D), dtype=jnp.float32) * (1.0 / np.sqrt(D))
    b1 = jnp.zeros((H,), dtype=jnp.float32)
    W2_l = jax.random.normal(ks[4], (O, H), dtype=jnp.float32) * (1.0 / np.sqrt(H))
    W2_r = jax.random.normal(ks[5], (O, H), dtype=jnp.float32) * (1.0 / np.sqrt(H))
    b2 = jnp.zeros((O,), dtype=jnp.float32)
    return {"x": x, "edge_index": edge_index, "W1_l": W1_l, "W1_r": W1_r, "b1": b1,
            "W2_l": W2_l, "W2_r": W2_r, "b2": b2}


def _sage_conv(x, edge_index, W_l, W_r, b):
    # PyG SAGEConv with mean aggregation:
    # out = lin_l(mean_{j in N(i)} x_j) + lin_r(x_i)
    src = edge_index[0]
    dst = edge_index[1]
    n = x.shape[0]
    msgs = jnp.take(x, src, axis=0)                      # gather [E, d]
    summed = jax.ops.segment_sum(msgs, dst, num_segments=n)  # scatter-add [N, d]
    counts = jax.ops.segment_sum(jnp.ones((src.shape[0],), dtype=x.dtype), dst, num_segments=n)
    mean = summed / jnp.clip(counts, 1.0)[:, None]
    return mean @ W_l.T + x @ W_r.T + b


def reference(x, edge_index, W1_l, W1_r, b1, W2_l, W2_r, b2):
    h = _sage_conv(x, edge_index, W1_l, W1_r, b1)
    h = jax.nn.relu(h)
    # nn.Dropout is identity in eval mode
    out = _sage_conv(h, edge_index, W2_l, W2_r, b2)
    return out

if __name__ == "__main__":
    import jax
    _d = setup_inputs()
    print(jax.jit(kernel)(*tuple(_d.values())))

</pallas_src>

<mosaic_0001>
#map = affine_map<(d0, d1) -> (0, 0)>
#map1 = affine_map<(d0, d1) -> (0)>
module attributes {stable_mosaic.version = 14 : i64} {
  func.func @_sc_agg_body(%arg0: i32, %arg1: i32, %arg2: memref<10000x128xf32, #tpu.memory_space<hbm>>, %arg3: memref<640000xi32, #tpu.memory_space<hbm>>, %arg4: memref<64x128xf32, #tpu.memory_space<hbm>>, %arg5: memref<640xf32, #tpu.memory_space<hbm>>, %arg6: memref<20480x128xf32, #tpu.memory_space<hbm>>, %arg7: memref<20480xf32, #tpu.memory_space<hbm>>, %arg8: memref<10240x128xf32, #tpu.memory_space<vmem_shared>>, %arg9: memref<10240xf32, #tpu.memory_space<vmem_shared>>, %arg10: memref<64x128xf32, #tpu.memory_space<vmem>>, %arg11: memref<64x128xf32, #tpu.memory_space<vmem>>, %arg12: memref<64x128xf32, #tpu.memory_space<vmem>>, %arg13: memref<64x128xf32, #tpu.memory_space<vmem>>, %arg14: memref<64x128xf32, #tpu.memory_space<vmem>>, %arg15: memref<64xi32, #tpu.memory_space<vmem>>, %arg16: memref<64xi32, #tpu.memory_space<vmem>>, %arg17: memref<64xi32, #tpu.memory_space<vmem>>, %arg18: memref<64xi32, #tpu.memory_space<vmem>>, %arg19: memref<64xi32, #tpu.memory_space<vmem>>, %arg20: memref<64xi32, #tpu.memory_space<vmem>>, %arg21: memref<64xi32, #tpu.memory_space<vmem>>, %arg22: memref<64xi32, #tpu.memory_space<vmem>>, %arg23: memref<64xi32, #tpu.memory_space<vmem>>, %arg24: memref<64xi32, #tpu.memory_space<vmem>>, %arg25: memref<64xi32, #tpu.memory_space<vmem>>, %arg26: memref<64xi32, #tpu.memory_space<vmem>>, %arg27: memref<64xi32, #tpu.memory_space<vmem>>, %arg28: memref<64xi32, #tpu.memory_space<vmem>>, %arg29: memref<64xi32, #tpu.memory_space<vmem>>, %arg30: memref<64xi32, #tpu.memory_space<vmem>>, %arg31: memref<64xi32, #tpu.memory_space<vmem>>, %arg32: memref<64xi32, #tpu.memory_space<vmem>>, %arg33: memref<64xi32, #tpu.memory_space<vmem>>, %arg34: memref<64xi32, #tpu.memory_space<vmem>>, %arg35: memref<64xf32, #tpu.memory_space<vmem>>, %arg36: memref<!tpu.dma_semaphore, #tpu.memory_space<semaphore_mem>>, %arg37: memref<!tpu.dma_semaphore, #tpu.memory_space<semaphore_mem>>, %arg38: memref<!tpu.dma_semaphore, #tpu.memory_space<semaphore_mem>>, %arg39: memref<!tpu.dma_semaphore, #tpu.memory_space<semaphore_mem>>, %arg40: memref<!tpu.dma_semaphore, #tpu.memory_space<semaphore_mem>>, %arg41: memref<!tpu.dma_semaphore, #tpu.memory_space<semaphore_mem>>, %arg42: memref<!tpu.dma_semaphore, #tpu.memory_space<semaphore_mem>>, %arg43: memref<!tpu.dma_semaphore, #tpu.memory_space<semaphore_mem>>, %arg44: memref<!tpu.dma_semaphore, #tpu.memory_space<semaphore_mem>>, %arg45: memref<!tpu.dma_semaphore, #tpu.memory_space<semaphore_mem>>, %arg46: memref<!tpu.dma_semaphore, #tpu.memory_space<semaphore_mem>>, %arg47: memref<!tpu.dma_semaphore, #tpu.memory_space<semaphore_mem>>, %arg48: memref<!tpu.dma_semaphore, #tpu.memory_space<semaphore_mem>>, %arg49: memref<!tpu.dma_semaphore, #tpu.memory_space<semaphore_mem>>, %arg50: memref<!tpu.dma_semaphore, #tpu.memory_space<semaphore_mem>>, %arg51: memref<!tpu.dma_semaphore, #tpu.memory_space<semaphore_mem>>, %arg52: memref<!tpu.dma_semaphore, #tpu.memory_space<semaphore_mem>>, %arg53: memref<!tpu.dma_semaphore, #tpu.memory_space<semaphore_mem>>, %arg54: memref<!tpu.dma_semaphore, #tpu.memory_space<semaphore_mem>>, %arg55: memref<!tpu.dma_semaphore, #tpu.memory_space<semaphore_mem>>, %arg56: memref<!tpu.dma_semaphore, #tpu.memory_space<semaphore_mem>>, %arg57: memref<!tpu.dma_semaphore, #tpu.memory_space<semaphore_mem>>, %arg58: memref<!tpu.dma_semaphore, #tpu.memory_space<semaphore_mem>>, %arg59: memref<!tpu.dma_semaphore, #tpu.memory_space<semaphore_mem>>, %arg60: memref<!tpu.dma_semaphore, #tpu.memory_space<semaphore_mem>>) attributes {dimension_semantics = [#tpu.dimension_semantics<core_parallel>, #tpu.dimension_semantics<subcore_parallel>], iteration_bounds = array<i64: 2, 16>, scalar_prefetch = 0 : i64, scratch_operands = 53 : i64, tpu.core_type = #tpu.core_type<sc_vector_subcore>, window_params = [{transform_indices = #map}, {transform_indices = #map1}, {transform_indices = #map}, {transform_indices = #map1}, {transform_indices = #map}, {transform_indices = #map1}]} {
    %mul3A = arith.constant 2 : i32
    %mul3A_0 = arith.muli %arg1, %mul3A : i32
    %add3A = arith.addi %mul3A_0, %arg0 : i32
    %mul3A_1 = arith.constant 640 : i32
    %mul3A_2 = arith.muli %arg1, %mul3A_1 : i32
    %mul3A_3 = arith.constant 160 : i32
    %mul3A_4 = arith.muli %add3A, %mul3A_3 : i32
    %mul3A_5 = arith.constant 64 : i32
    %mul3A_6 = arith.muli %mul3A_4, %mul3A_5 : i32
    %mul3A_7 = arith.constant 160 : i32
    %mul3A_8 = arith.muli %add3A, %mul3A_7 : i32
    %sub3A = arith.constant 5000 : i32
    %sub3A_9 = arith.subi %sub3A, %mul3A_8 : i32
    %max3A = arith.constant 0 : i32
    %max3A_10 = arith.maxsi %sub3A_9, %max3A : i32
    %min3A = arith.constant 160 : i32
    %min3A_11 = arith.minsi %min3A, %max3A_10 : i32
    "tpu.region"() ({
      %run_scoped3A = tpu.sem_alloc : memref<!tpu.dma_semaphore, #tpu.memory_space<semaphore_mem>>
      tpu.enqueue_dma source(%arg4 : memref<64x128xf32, #tpu.memory_space<hbm>>) target(%arg10 : memref<64x128xf32, #tpu.memory_space<vmem>>) target_semaphore(%run_scoped3A : memref<!tpu.dma_semaphore, #tpu.memory_space<semaphore_mem>>)
      tpu.wait_dma2 semaphore(%run_scoped3A : memref<!tpu.dma_semaphore, #tpu.memory_space<semaphore_mem>>) src(%arg4 : memref<64x128xf32, #tpu.memory_space<hbm>>) dst(%arg10 : memref<64x128xf32, #tpu.memory_space<vmem>>)
      tpu.yield
    }) : () -> ()
    %add3A_12 = arith.constant 0 : i32
    %add3A_13 = arith.addi %mul3A_2, %add3A_12 : i32
    "tpu.region"() ({
      %run_scoped3A = tpu.sem_alloc : memref<!tpu.dma_semaphore, #tpu.memory_space<semaphore_mem>>
      %dma_start3A_177 = arith.constant 0 : i32
      %dma_start3A_178 = tpu.memref_slice %arg8[%add3A_13, %dma_start3A_177] : memref<10240x128xf32, #tpu.memory_space<vmem_shared>> -> memref<64x128xf32, #tpu.memory_space<vmem_shared>>
      %dma_start3A_179 = arith.constant 0 : i32
      %dma_start3A_180 = tpu.memref_slice %arg8[%add3A_13, %dma_start3A_179] : memref<10240x128xf32, #tpu.memory_space<vmem_shared>> -> memref<64x128xf32, #tpu.memory_space<vmem_shared>>
      tpu.enqueue_dma source(%arg10 : memref<64x128xf32, #tpu.memory_space<vmem>>) target(%dma_start3A_180 : memref<64x128xf32, #tpu.memory_space<vmem_shared>>) target_semaphore(%run_scoped3A : memref<!tpu.dma_semaphore, #tpu.memory_space<semaphore_mem>>)
      %dma_wait3A_181 = arith.constant 0 : i32
      %dma_wait3A_182 = tpu.memref_slice %arg8[%add3A_13, %dma_wait3A_181] : memref<10240x128xf32, #tpu.memory_space<vmem_shared>> -> memref<64x128xf32, #tpu.memory_space<vmem_shared>>
      %dma_wait3A_183 = arith.constant 0 : i32
      %dma_wait3A_184 = tpu.memref_slice %arg8[%add3A_13, %dma_wait3A_183] : memref<10240x128xf32, #tpu.memory_space<vmem_shared>> -> memref<64x128xf32, #tpu.memory_space<vmem_shared>>
      tpu.wait_dma2 semaphore(%run_scoped3A : memref<!tpu.dma_semaphore, #tpu.memory_space<semaphore_mem>>) src(%arg10 : memref<64x128xf32, #tpu.memory_space<vmem>>) dst(%dma_wait3A_184 : memref<64x128xf32, #tpu.memory_space<vmem_shared>>)
      tpu.yield
    }) : () -> ()
    %add3A_14 = arith.constant 64 : i32
    %add3A_15 = arith.addi %mul3A_2, %add3A_14 : i32
    "tpu.region"() ({
      %run_scoped3A = tpu.sem_alloc : memref<!tpu.dma_semaphore, #tpu.memory_space<semaphore_mem>>
      %dma_start3A_177 = arith.constant 0 : i32
      %dma_start3A_178 = tpu.memref_slice %arg8[%add3A_15, %dma_start3A_177] : memref<10240x128xf32, #tpu.memory_space<vmem_shared>> -> memref<64x128xf32, #tpu.memory_space<vmem_shared>>
      %dma_start3A_179 = arith.constant 0 : i32
      %dma_start3A_180 = tpu.memref_slice %arg8[%add3A_15, %dma_start3A_179] : memref<10240x128xf32, #tpu.memory_space<vmem_shared>> -> memref<64x128xf32, #tpu.memory_space<vmem_shared>>
      tpu.enqueue_dma source(%arg10 : memref<64x128xf32, #tpu.memory_space<vmem>>) target(%dma_start3A_180 : memref<64x128xf32, #tpu.memory_space<vmem_shared>>) target_semaphore(%run_scoped3A : memref<!tpu.dma_semaphore, #tpu.memory_space<semaphore_mem>>)
      %dma_wait3A_181 = arith.constant 0 : i32
      %dma_wait3A_182 = tpu.memref_slice %arg8[%add3A_15, %dma_wait3A_181] : memref<10240x128xf32, #tpu.memory_space<vmem_shared>> -> memref<64x128xf32, #tpu.memory_space<vmem_shared>>
      %dma_wait3A_183 = arith.constant 0 : i32
      %dma_wait3A_184 = tpu.memref_slice %arg8[%add3A_15, %dma_wait3A_183] : memref<10240x128xf32, #tpu.memory_space<vmem_shared>> -> memref<64x128xf32, #tpu.memory_space<vmem_shared>>
      tpu.wait_dma2 semaphore(%run_scoped3A : memref<!tpu.dma_semaphore, #tpu.memory_space<semaphore_mem>>) src(%arg10 : memref<64x128xf32, #tpu.memory_space<vmem>>) dst(%dma_wait3A_184 : memref<64x128xf32, #tpu.memory_space<vmem_shared>>)
      tpu.yield
    }) : () -> ()
    %add3A_16 = arith.constant 128 : i32
    %add3A_17 = arith.addi %mul3A_2, %add3A_16 : i32
    "tpu.region"() ({
      %run_scoped3A = tpu.sem_alloc : memref<!tpu.dma_semaphore, #tpu.memory_space<semaphore_mem>>
      %dma_start3A_177 = arith.constant 0 : i32
      %dma_start3A_178 = tpu.memref_slice %arg8[%add3A_17, %dma_start3A_177] : memref<10240x128xf32, #tpu.memory_space<vmem_shared>> -> memref<64x128xf32, #tpu.memory_space<vmem_shared>>
      %dma_start3A_179 = arith.constant 0 : i32
      %dma_start3A_180 = tpu.memref_slice %arg8[%add3A_17, %dma_start3A_179] : memref<10240x128xf32, #tpu.memory_space<vmem_shared>> -> memref<64x128xf32, #tpu.memory_space<vmem_shared>>
      tpu.enqueue_dma source(%arg10 : memref<64x128xf32, #tpu.memory_space<vmem>>) target(%dma_start3A_180 : memref<64x128xf32, #tpu.memory_space<vmem_shared>>) target_semaphore(%run_scoped3A : memref<!tpu.dma_semaphore, #tpu.memory_space<semaphore_mem>>)
      %dma_wait3A_181 = arith.constant 0 : i32
      %dma_wait3A_182 = tpu.memref_slice %arg8[%add3A_17, %dma_wait3A_181] : memref<10240x128xf32, #tpu.memory_space<vmem_shared>> -> memref<64x128xf32, #tpu.memory_space<vmem_shared>>
      %dma_wait3A_183 = arith.constant 0 : i32
      %dma_wait3A_184 = tpu.memref_slice %arg8[%add3A_17, %dma_wait3A_183] : memref<10240x128xf32, #tpu.memory_space<vmem_shared>> -> memref<64x128xf32, #tpu.memory_space<vmem_shared>>
      tpu.wait_dma2 semaphore(%run_scoped3A : memref<!tpu.dma_semaphore, #tpu.memory_space<semaphore_mem>>) src(%arg10 : memref<64x128xf32, #tpu.memory_space<vmem>>) dst(%dma_wait3A_184 : memref<64x128xf32, #tpu.memory_space<vmem_shared>>)
      tpu.yield
    }) : () -> ()
    %add3A_18 = arith.constant 192 : i32
    %add3A_19 = arith.addi %mul3A_2, %add3A_18 : i32
    "tpu.region"() ({
      %run_scoped3A = tpu.sem_alloc : memref<!tpu.dma_semaphore, #tpu.memory_space<semaphore_mem>>
      %dma_start3A_177 = arith.constant 0 : i32
      %dma_start3A_178 = tpu.memref_slice %arg8[%add3A_19, %dma_start3A_177] : memref<10240x128xf32, #tpu.memory_space<vmem_shared>> -> memref<64x128xf32, #tpu.memory_space<vmem_shared>>
      %dma_start3A_179 = arith.constant 0 : i32
      %dma_start3A_180 = tpu.memref_slice %arg8[%add3A_19, %dma_start3A_179] : memref<10240x128xf32, #tpu.memory_space<vmem_shared>> -> memref<64x128xf32, #tpu.memory_space<vmem_shared>>
      tpu.enqueue_dma source(%arg10 : memref<64x128xf32, #tpu.memory_space<vmem>>) target(%dma_start3A_180 : memref<64x128xf32, #tpu.memory_space<vmem_shared>>) target_semaphore(%run_scoped3A : memref<!tpu.dma_semaphore, #tpu.memory_space<semaphore_mem>>)
      %dma_wait3A_181 = arith.constant 0 : i32
      %dma_wait3A_182 = tpu.memref_slice %arg8[%add3A_19, %dma_wait3A_181] : memref<10240x128xf32, #tpu.memory_space<vmem_shared>> -> memref<64x128xf32, #tpu.memory_space<vmem_shared>>
      %dma_wait3A_183 = arith.constant 0 : i32
      %dma_wait3A_184 = tpu.memref_slice %arg8[%add3A_19, %dma_wait3A_183] : memref<10240x128xf32, #tpu.memory_space<vmem_shared>> -> memref<64x128xf32, #tpu.memory_space<vmem_shared>>
      tpu.wait_dma2 semaphore(%run_scoped3A : memref<!tpu.dma_semaphore, #tpu.memory_space<semaphore_mem>>) src(%arg10 : memref<64x128xf32, #tpu.memory_space<vmem>>) dst(%dma_wait3A_184 : memref<64x128xf32, #tpu.memory_space<vmem_shared>>)
      tpu.yield
    }) : () -> ()
    %add3A_20 = arith.constant 256 : i32
    %add3A_21 = arith.addi %mul3A_2, %add3A_20 : i32
    "tpu.region"() ({
      %run_scoped3A = tpu.sem_alloc : memref<!tpu.dma_semaphore, #tpu.memory_space<semaphore_mem>>
      %dma_start3A_177 = arith.constant 0 : i32
      %dma_start3A_178 = tpu.memref_slice %arg8[%add3A_21, %dma_start3A_177] : memref<10240x128xf32, #tpu.memory_space<vmem_shared>> -> memref<64x128xf32, #tpu.memory_space<vmem_shared>>
      %dma_start3A_179 = arith.constant 0 : i32
      %dma_start3A_180 = tpu.memref_slice %arg8[%add3A_21, %dma_start3A_179] : memref<10240x128xf32, #tpu.memory_space<vmem_shared>> -> memref<64x128xf32, #tpu.memory_space<vmem_shared>>
      tpu.enqueue_dma source(%arg10 : memref<64x128xf32, #tpu.memory_space<vmem>>) target(%dma_start3A_180 : memref<64x128xf32, #tpu.memory_space<vmem_shared>>) target_semaphore(%run_scoped3A : memref<!tpu.dma_semaphore, #tpu.memory_space<semaphore_mem>>)
      %dma_wait3A_181 = arith.constant 0 : i32
      %dma_wait3A_182 = tpu.memref_slice %arg8[%add3A_21, %dma_wait3A_181] : memref<10240x128xf32, #tpu.memory_space<vmem_shared>> -> memref<64x128xf32, #tpu.memory_space<vmem_shared>>
      %dma_wait3A_183 = arith.constant 0 : i32
      %dma_wait3A_184 = tpu.memref_slice %arg8[%add3A_21, %dma_wait3A_183] : memref<10240x128xf32, #tpu.memory_space<vmem_shared>> -> memref<64x128xf32, #tpu.memory_space<vmem_shared>>
      tpu.wait_dma2 semaphore(%run_scoped3A : memref<!tpu.dma_semaphore, #tpu.memory_space<semaphore_mem>>) src(%arg10 : memref<64x128xf32, #tpu.memory_space<vmem>>) dst(%dma_wait3A_184 : memref<64x128xf32, #tpu.memory_space<vmem_shared>>)
      tpu.yield
    }) : () -> ()
    %add3A_22 = arith.constant 320 : i32
    %add3A_23 = arith.addi %mul3A_2, %add3A_22 : i32
    "tpu.region"() ({
      %run_scoped3A = tpu.sem_alloc : memref<!tpu.dma_semaphore, #tpu.memory_space<semaphore_mem>>
      %dma_start3A_177 = arith.constant 0 : i32
      %dma_start3A_178 = tpu.memref_slice %arg8[%add3A_23, %dma_start3A_177] : memref<10240x128xf32, #tpu.memory_space<vmem_shared>> -> memref<64x128xf32, #tpu.memory_space<vmem_shared>>
      %dma_start3A_179 = arith.constant 0 : i32
      %dma_start3A_180 = tpu.memref_slice %arg8[%add3A_23, %dma_start3A_179] : memref<10240x128xf32, #tpu.memory_space<vmem_shared>> -> memref<64x128xf32, #tpu.memory_space<vmem_shared>>
      tpu.enqueue_dma source(%arg10 : memref<64x128xf32, #tpu.memory_space<vmem>>) target(%dma_start3A_180 : memref<64x128xf32, #tpu.memory_space<vmem_shared>>) target_semaphore(%run_scoped3A : memref<!tpu.dma_semaphore, #tpu.memory_space<semaphore_mem>>)
      %dma_wait3A_181 = arith.constant 0 : i32
      %dma_wait3A_182 = tpu.memref_slice %arg8[%add3A_23, %dma_wait3A_181] : memref<10240x128xf32, #tpu.memory_space<vmem_shared>> -> memref<64x128xf32, #tpu.memory_space<vmem_shared>>
      %dma_wait3A_183 = arith.constant 0 : i32
      %dma_wait3A_184 = tpu.memref_slice %arg8[%add3A_23, %dma_wait3A_183] : memref<10240x128xf32, #tpu.memory_space<vmem_shared>> -> memref<64x128xf32, #tpu.memory_space<vmem_shared>>
      tpu.wait_dma2 semaphore(%run_scoped3A : memref<!tpu.dma_semaphore, #tpu.memory_space<semaphore_mem>>) src(%arg10 : memref<64x128xf32, #tpu.memory_space<vmem>>) dst(%dma_wait3A_184 : memref<64x128xf32, #tpu.memory_space<vmem_shared>>)
      tpu.yield
    }) : () -> ()
    %add3A_24 = arith.constant 384 : i32
    %add3A_25 = arith.addi %mul3A_2, %add3A_24 : i32
    "tpu.region"() ({
      %run_scoped3A = tpu.sem_alloc : memref<!tpu.dma_semaphore, #tpu.memory_space<semaphore_mem>>
      %dma_start3A_177 = arith.constant 0 : i32
      %dma_start3A_178 = tpu.memref_slice %arg8[%add3A_25, %dma_start3A_177] : memref<10240x128xf32, #tpu.memory_space<vmem_shared>> -> memref<64x128xf32, #tpu.memory_space<vmem_shared>>
      %dma_start3A_179 = arith.constant 0 : i32
      %dma_start3A_180 = tpu.memref_slice %arg8[%add3A_25, %dma_start3A_179] : memref<10240x128xf32, #tpu.memory_space<vmem_shared>> -> memref<64x128xf32, #tpu.memory_space<vmem_shared>>
      tpu.enqueue_dma source(%arg10 : memref<64x128xf32, #tpu.memory_space<vmem>>) target(%dma_start3A_180 : memref<64x128xf32, #tpu.memory_space<vmem_shared>>) target_semaphore(%run_scoped3A : memref<!tpu.dma_semaphore, #tpu.memory_space<semaphore_mem>>)
      %dma_wait3A_181 = arith.constant 0 : i32
      %dma_wait3A_182 = tpu.memref_slice %arg8[%add3A_25, %dma_wait3A_181] : memref<10240x128xf32, #tpu.memory_space<vmem_shared>> -> memref<64x128xf32, #tpu.memory_space<vmem_shared>>
      %dma_wait3A_183 = arith.constant 0 : i32
      %dma_wait3A_184 = tpu.memref_slice %arg8[%add3A_25, %dma_wait3A_183] : memref<10240x128xf32, #tpu.memory_space<vmem_shared>> -> memref<64x128xf32, #tpu.memory_space<vmem_shared>>
      tpu.wait_dma2 semaphore(%run_scoped3A : memref<!tpu.dma_semaphore, #tpu.memory_space<semaphore_mem>>) src(%arg10 : memref<64x128xf32, #tpu.memory_space<vmem>>) dst(%dma_wait3A_184 : memref<64x128xf32, #tpu.memory_space<vmem_shared>>)
      tpu.yield
    }) : () -> ()
    %add3A_26 = arith.constant 448 : i32
    %add3A_27 = arith.addi %mul3A_2, %add3A_26 : i32
    "tpu.region"() ({
      %run_scoped3A = tpu.sem_alloc : memref<!tpu.dma_semaphore, #tpu.memory_space<semaphore_mem>>
      %dma_start3A_177 = arith.constant 0 : i32
      %dma_start3A_178 = tpu.memref_slice %arg8[%add3A_27, %dma_start3A_177] : memref<10240x128xf32, #tpu.memory_space<vmem_shared>> -> memref<64x128xf32, #tpu.memory_space<vmem_shared>>
      %dma_start3A_179 = arith.constant 0 : i32
      %dma_start3A_180 = tpu.memref_slice %arg8[%add3A_27, %dma_start3A_179] : memref<10240x128xf32, #tpu.memory_space<vmem_shared>> -> memref<64x128xf32, #tpu.memory_space<vmem_shared>>
      tpu.enqueue_dma source(%arg10 : memref<64x128xf32, #tpu.memory_space<vmem>>) target(%dma_start3A_180 : memref<64x128xf32, #tpu.memory_space<vmem_shared>>) target_semaphore(%run_scoped3A : memref<!tpu.dma_semaphore, #tpu.memory_space<semaphore_mem>>)
      %dma_wait3A_181 = arith.constant 0 : i32
      %dma_wait3A_182 = tpu.memref_slice %arg8[%add3A_27, %dma_wait3A_181] : memref<10240x128xf32, #tpu.memory_space<vmem_shared>> -> memref<64x128xf32, #tpu.memory_space<vmem_shared>>
      %dma_wait3A_183 = arith.constant 0 : i32
      %dma_wait3A_184 = tpu.memref_slice %arg8[%add3A_27, %dma_wait3A_183] : memref<10240x128xf32, #tpu.memory_space<vmem_shared>> -> memref<64x128xf32, #tpu.memory_space<vmem_shared>>
      tpu.wait_dma2 semaphore(%run_scoped3A : memref<!tpu.dma_semaphore, #tpu.memory_space<semaphore_mem>>) src(%arg10 : memref<64x128xf32, #tpu.memory_space<vmem>>) dst(%dma_wait3A_184 : memref<64x128xf32, #tpu.memory_space<vmem_shared>>)
      tpu.yield
    }) : () -> ()
    %add3A_28 = arith.constant 512 : i32
    %add3A_29 = arith.addi %mul3A_2, %add3A_28 : i32
    "tpu.region"() ({
      %run_scoped3A = tpu.sem_alloc : memref<!tpu.dma_semaphore, #tpu.memory_space<semaphore_mem>>
      %dma_start3A_177 = arith.constant 0 : i32
      %dma_start3A_178 = tpu.memref_slice %arg8[%add3A_29, %dma_start3A_177] : memref<10240x128xf32, #tpu.memory_space<vmem_shared>> -> memref<64x128xf32, #tpu.memory_space<vmem_shared>>
      %dma_start3A_179 = arith.constant 0 : i32
      %dma_start3A_180 = tpu.memref_slice %arg8[%add3A_29, %dma_start3A_179] : memref<10240x128xf32, #tpu.memory_space<vmem_shared>> -> memref<64x128xf32, #tpu.memory_space<vmem_shared>>
      tpu.enqueue_dma source(%arg10 : memref<64x128xf32, #tpu.memory_space<vmem>>) target(%dma_start3A_180 : memref<64x128xf32, #tpu.memory_space<vmem_shared>>) target_semaphore(%run_scoped3A : memref<!tpu.dma_semaphore, #tpu.memory_space<semaphore_mem>>)
      %dma_wait3A_181 = arith.constant 0 : i32
      %dma_wait3A_182 = tpu.memref_slice %arg8[%add3A_29, %dma_wait3A_181] : memref<10240x128xf32, #tpu.memory_space<vmem_shared>> -> memref<64x128xf32, #tpu.memory_space<vmem_shared>>
      %dma_wait3A_183 = arith.constant 0 : i32
      %dma_wait3A_184 = tpu.memref_slice %arg8[%add3A_29, %dma_wait3A_183] : memref<10240x128xf32, #tpu.memory_space<vmem_shared>> -> memref<64x128xf32, #tpu.memory_space<vmem_shared>>
      tpu.wait_dma2 semaphore(%run_scoped3A : memref<!tpu.dma_semaphore, #tpu.memory_space<semaphore_mem>>) src(%arg10 : memref<64x128xf32, #tpu.memory_space<vmem>>) dst(%dma_wait3A_184 : memref<64x128xf32, #tpu.memory_space<vmem_shared>>)
      tpu.yield
    }) : () -> ()
    %add3A_30 = arith.constant 576 : i32
    %add3A_31 = arith.addi %mul3A_2, %add3A_30 : i32
    "tpu.region"() ({
      %run_scoped3A = tpu.sem_alloc : memref<!tpu.dma_semaphore, #tpu.memory_space<semaphore_mem>>
      %dma_start3A_177 = arith.constant 0 : i32
      %dma_start3A_178 = tpu.memref_slice %arg8[%add3A_31, %dma_start3A_177] : memref<10240x128xf32, #tpu.memory_space<vmem_shared>> -> memref<64x128xf32, #tpu.memory_space<vmem_shared>>
      %dma_start3A_179 = arith.constant 0 : i32
      %dma_start3A_180 = tpu.memref_slice %arg8[%add3A_31, %dma_start3A_179] : memref<10240x128xf32, #tpu.memory_space<vmem_shared>> -> memref<64x128xf32, #tpu.memory_space<vmem_shared>>
      tpu.enqueue_dma source(%arg10 : memref<64x128xf32, #tpu.memory_space<vmem>>) target(%dma_start3A_180 : memref<64x128xf32, #tpu.memory_space<vmem_shared>>) target_semaphore(%run_scoped3A : memref<!tpu.dma_semaphore, #tpu.memory_space<semaphore_mem>>)
      %dma_wait3A_181 = arith.constant 0 : i32
      %dma_wait3A_182 = tpu.memref_slice %arg8[%add3A_31, %dma_wait3A_181] : memref<10240x128xf32, #tpu.memory_space<vmem_shared>> -> memref<64x128xf32, #tpu.memory_space<vmem_shared>>
      %dma_wait3A_183 = arith.constant 0 : i32
      %dma_wait3A_184 = tpu.memref_slice %arg8[%add3A_31, %dma_wait3A_183] : memref<10240x128xf32, #tpu.memory_space<vmem_shared>> -> memref<64x128xf32, #tpu.memory_space<vmem_shared>>
      tpu.wait_dma2 semaphore(%run_scoped3A : memref<!tpu.dma_semaphore, #tpu.memory_space<semaphore_mem>>) src(%arg10 : memref<64x128xf32, #tpu.memory_space<vmem>>) dst(%dma_wait3A_184 : memref<64x128xf32, #tpu.memory_space<vmem_shared>>)
      tpu.yield
    }) : () -> ()
    "tpu.region"() ({
      %run_scoped3A = tpu.sem_alloc : memref<!tpu.dma_semaphore, #tpu.memory_space<semaphore_mem>>
      %dma_start3A_177 = tpu.memref_slice %arg9[%mul3A_2] : memref<10240xf32, #tpu.memory_space<vmem_shared>> -> memref<640xf32, #tpu.memory_space<vmem_shared>>
      tpu.enqueue_dma source(%arg5 : memref<640xf32, #tpu.memory_space<hbm>>) target(%dma_start3A_177 : memref<640xf32, #tpu.memory_space<vmem_shared>>) target_semaphore(%run_scoped3A : memref<!tpu.dma_semaphore, #tpu.memory_space<semaphore_mem>>)
      %dma_wait3A_178 = tpu.memref_slice %arg9[%mul3A_2] : memref<10240xf32, #tpu.memory_space<vmem_shared>> -> memref<640xf32, #tpu.memory_space<vmem_shared>>
      tpu.wait_dma2 semaphore(%run_scoped3A : memref<!tpu.dma_semaphore, #tpu.memory_space<semaphore_mem>>) src(%arg5 : memref<640xf32, #tpu.memory_space<hbm>>) dst(%dma_wait3A_178 : memref<640xf32, #tpu.memory_space<vmem_shared>>)
      tpu.yield
    }) : () -> ()
    %broadcast_in_dim3A = arith.constant 1.000000e+00 : f32
    %broadcast_in_dim3A_32 = vector.broadcast %broadcast_in_dim3A : f32 to vector<16xf32>
    %swap3A = arith.constant 0 : index
    %swap3A_33 = tpu.vector_load %arg35[%swap3A] {strides = array<i32>} : memref<64xf32, #tpu.memory_space<vmem>>, vector<16xf32>,
    %swap3A_34 = vector.shape_cast %swap3A_33 : vector<16xf32> to vector<16xf32>
    %swap3A_35 = vector.shape_cast %broadcast_in_dim3A_32 : vector<16xf32> to vector<16xf32>
    tpu.vector_store %arg35[%swap3A], %swap3A_35 {strides = array<i32>} : memref<64xf32, #tpu.memory_space<vmem>>, vector<16xf32>,
    %broadcast_in_dim3A_36 = arith.constant 1.000000e+00 : f32
    %broadcast_in_dim3A_37 = vector.broadcast %broadcast_in_dim3A_36 : f32 to vector<16xf32>
    %swap3A_38 = arith.constant 16 : index
    %swap3A_39 = tpu.vector_load %arg35[%swap3A_38] {strides = array<i32>} : memref<64xf32, #tpu.memory_space<vmem>>, vector<16xf32>,
    %swap3A_40 = vector.shape_cast %swap3A_39 : vector<16xf32> to vector<16xf32>
    %swap3A_41 = vector.shape_cast %broadcast_in_dim3A_37 : vector<16xf32> to vector<16xf32>
    tpu.vector_store %arg35[%swap3A_38], %swap3A_41 {strides = array<i32>} : memref<64xf32, #tpu.memory_space<vmem>>, vector<16xf32>,
    %broadcast_in_dim3A_42 = arith.constant 1.000000e+00 : f32
    %broadcast_in_dim3A_43 = vector.broadcast %broadcast_in_dim3A_42 : f32 to vector<16xf32>
    %swap3A_44 = arith.constant 32 : index
    %swap3A_45 = tpu.vector_load %arg35[%swap3A_44] {strides = array<i32>} : memref<64xf32, #tpu.memory_space<vmem>>, vector<16xf32>,
    %swap3A_46 = vector.shape_cast %swap3A_45 : vector<16xf32> to vector<16xf32>
    %swap3A_47 = vector.shape_cast %broadcast_in_dim3A_43 : vector<16xf32> to vector<16xf32>
    tpu.vector_store %arg35[%swap3A_44], %swap3A_47 {strides = array<i32>} : memref<64xf32, #tpu.memory_space<vmem>>, vector<16xf32>,
    %broadcast_in_dim3A_48 = arith.constant 1.000000e+00 : f32
    %broadcast_in_dim3A_49 = vector.broadcast %broadcast_in_dim3A_48 : f32 to vector<16xf32>
    %swap3A_50 = arith.constant 48 : index
    %swap3A_51 = tpu.vector_load %arg35[%swap3A_50] {strides = array<i32>} : memref<64xf32, #tpu.memory_space<vmem>>, vector<16xf32>,
    %swap3A_52 = vector.shape_cast %swap3A_51 : vector<16xf32> to vector<16xf32>
    %swap3A_53 = vector.shape_cast %broadcast_in_dim3A_49 : vector<16xf32> to vector<16xf32>
    tpu.vector_store %arg35[%swap3A_50], %swap3A_53 {strides = array<i32>} : memref<64xf32, #tpu.memory_space<vmem>>, vector<16xf32>,
    %barrier3A = arith.constant 0 : index
    tpu.barrier barrier_id(%barrier3A)
    %add3A_54 = arith.constant 0 : i32
    %add3A_55 = arith.addi %mul3A_6, %add3A_54 : i32
    %dma_start3A = tpu.memref_slice %arg3[%add3A_55] : memref<640000xi32, #tpu.memory_space<hbm>> -> memref<64xi32, #tpu.memory_space<hbm>>
    %dma_start3A_56 = tpu.memref_slice %arg3[%add3A_55] : memref<640000xi32, #tpu.memory_space<hbm>> -> memref<64xi32, #tpu.memory_space<hbm>>
    tpu.enqueue_dma source(%dma_start3A_56 : memref<64xi32, #tpu.memory_space<hbm>>) target(%arg15 : memref<64xi32, #tpu.memory_space<vmem>>) target_semaphore(%arg51 : memref<!tpu.dma_semaphore, #tpu.memory_space<semaphore_mem>>)
    %add3A_57 = arith.constant 320000 : i32
    %add3A_58 = arith.addi %add3A_57, %add3A_55 : i32
    %dma_start3A_59 = tpu.memref_slice %arg3[%add3A_58] : memref<640000xi32, #tpu.memory_space<hbm>> -> memref<64xi32, #tpu.memory_space<hbm>>
    %dma_start3A_60 = tpu.memref_slice %arg3[%add3A_58] : memref<640000xi32, #tpu.memory_space<hbm>> -> memref<64xi32, #tpu.memory_space<hbm>>
    tpu.enqueue_dma source(%dma_start3A_60 : memref<64xi32, #tpu.memory_space<hbm>>) target(%arg25 : memref<64xi32, #tpu.memory_space<vmem>>) target_semaphore(%arg51 : memref<!tpu.dma_semaphore, #tpu.memory_space<semaphore_mem>>)
    %add3A_61 = arith.constant 64 : i32
    %add3A_62 = arith.addi %mul3A_6, %add3A_61 : i32
    %dma_start3A_63 = tpu.memref_slice %arg3[%add3A_62] : memref<640000xi32, #tpu.memory_space<hbm>> -> memref<64xi32, #tpu.memory_space<hbm>>
    %dma_start3A_64 = tpu.memref_slice %arg3[%add3A_62] : memref<640000xi32, #tpu.memory_space<hbm>> -> memref<64xi32, #tpu.memory_space<hbm>>
    tpu.enqueue_dma source(%dma_start3A_64 : memref<64xi32, #tpu.memory_space<hbm>>) target(%arg16 : memref<64xi32, #tpu.memory_space<vmem>>) target_semaphore(%arg52 : memref<!tpu.dma_semaphore, #tpu.memory_space<semaphore_mem>>)
    %add3A_65 = arith.constant 320000 : i32
    %add3A_66 = arith.addi %add3A_65, %add3A_62 : i32
    %dma_start3A_67 = tpu.memref_slice %arg3[%add3A_66] : memref<640000xi32, #tpu.memory_space<hbm>> -> memref<64xi32, #tpu.memory_space<hbm>>
    %dma_start3A_68 = tpu.memref_slice %arg3[%add3A_66] : memref<640000xi32, #tpu.memory_space<hbm>> -> memref<64xi32, #tpu.memory_space<hbm>>
    tpu.enqueue_dma source(%dma_start3A_68 : memref<64xi32, #tpu.memory_space<hbm>>) target(%arg26 : memref<64xi32, #tpu.memory_space<vmem>>) target_semaphore(%arg52 : memref<!tpu.dma_semaphore, #tpu.memory_space<semaphore_mem>>)
    %add3A_69 = arith.constant 128 : i32
    %add3A_70 = arith.addi %mul3A_6, %add3A_69 : i32
    %dma_start3A_71 = tpu.memref_slice %arg3[%add3A_70] : memref<640000xi32, #tpu.memory_space<hbm>> -> memref<64xi32, #tpu.memory_space<hbm>>
    %dma_start3A_72 = tpu.memref_slice %arg3[%add3A_70] : memref<640000xi32, #tpu.memory_space<hbm>> -> memref<64xi32, #tpu.memory_space<hbm>>
    tpu.enqueue_dma source(%dma_start3A_72 : memref<64xi32, #tpu.memory_space<hbm>>) target(%arg17 : memref<64xi32, #tpu.memory_space<vmem>>) target_semaphore(%arg53 : memref<!tpu.dma_semaphore, #tpu.memory_space<semaphore_mem>>)
    %add3A_73 = arith.constant 320000 : i32
    %add3A_74 = arith.addi %add3A_73, %add3A_70 : i32
    %dma_start3A_75 = tpu.memref_slice %arg3[%add3A_74] : memref<640000xi32, #tpu.memory_space<hbm>> -> memref<64xi32, #tpu.memory_space<hbm>>
    %dma_start3A_76 = tpu.memref_slice %arg3[%add3A_74] : memref<640000xi32, #tpu.memory_space<hbm>> -> memref<64xi32, #tpu.memory_space<hbm>>
    tpu.enqueue_dma source(%dma_start3A_76 : memref<64xi32, #tpu.memory_space<hbm>>) target(%arg27 : memref<64xi32, #tpu.memory_space<vmem>>) target_semaphore(%arg53 : memref<!tpu.dma_semaphore, #tpu.memory_space<semaphore_mem>>)
    %add3A_77 = arith.constant 192 : i32
    %add3A_78 = arith.addi %mul3A_6, %add3A_77 : i32
    %dma_start3A_79 = tpu.memref_slice %arg3[%add3A_78] : memref<640000xi32, #tpu.memory_space<hbm>> -> memref<64xi32, #tpu.memory_space<hbm>>
    %dma_start3A_80 = tpu.memref_slice %arg3[%add3A_78] : memref<640000xi32, #tpu.memory_space<hbm>> -> memref<64xi32, #tpu.memory_space<hbm>>
    tpu.enqueue_dma source(%dma_start3A_80 : memref<64xi32, #tpu.memory_space<hbm>>) target(%arg18 : memref<64xi32, #tpu.memory_space<vmem>>) target_semaphore(%arg54 : memref<!tpu.dma_semaphore, #tpu.memory_space<semaphore_mem>>)
    %add3A_81 = arith.constant 320000 : i32
    %add3A_82 = arith.addi %add3A_81, %add3A_78 : i32
    %dma_start3A_83 = tpu.memref_slice %arg3[%add3A_82] : memref<640000xi32, #tpu.memory_space<hbm>> -> memref<64xi32, #tpu.memory_space<hbm>>
    %dma_start3A_84 = tpu.memref_slice %arg3[%add3A_82] : memref<640000xi32, #tpu.memory_space<hbm>> -> memref<64xi32, #tpu.memory_space<hbm>>
    tpu.enqueue_dma source(%dma_start3A_84 : memref<64xi32, #tpu.memory_space<hbm>>) target(%arg28 : memref<64xi32, #tpu.memory_space<vmem>>) target_semaphore(%arg54 : memref<!tpu.dma_semaphore, #tpu.memory_space<semaphore_mem>>)
    %add3A_85 = arith.constant 256 : i32
    %add3A_86 = arith.addi %mul3A_6, %add3A_85 : i32
    %dma_start3A_87 = tpu.memref_slice %arg3[%add3A_86] : memref<640000xi32, #tpu.memory_space<hbm>> -> memref<64xi32, #tpu.memory_space<hbm>>
    %dma_start3A_88 = tpu.memref_slice %arg3[%add3A_86] : memref<640000xi32, #tpu.memory_space<hbm>> -> memref<64xi32, #tpu.memory_space<hbm>>
    tpu.enqueue_dma source(%dma_start3A_88 : memref<64xi32, #tpu.memory_space<hbm>>) target(%arg19 : memref<64xi32, #tpu.memory_space<vmem>>) target_semaphore(%arg55 : memref<!tpu.dma_semaphore, #tpu.memory_space<semaphore_mem>>)
    %add3A_89 = arith.constant 320000 : i32
    %add3A_90 = arith.addi %add3A_89, %add3A_86 : i32
    %dma_start3A_91 = tpu.memref_slice %arg3[%add3A_90] : memref<640000xi32, #tpu.memory_space<hbm>> -> memref<64xi32, #tpu.memory_space<hbm>>
    %dma_start3A_92 = tpu.memref_slice %arg3[%add3A_90] : memref<640000xi32, #tpu.memory_space<hbm>> -> memref<64xi32, #tpu.memory_space<hbm>>
    tpu.enqueue_dma source(%dma_start3A_92 : memref<64xi32, #tpu.memory_space<hbm>>) target(%arg29 : memref<64xi32, #tpu.memory_space<vmem>>) target_semaphore(%arg55 : memref<!tpu.dma_semaphore, #tpu.memory_space<semaphore_mem>>)
    %dma_wait3A = arith.constant 0 : i32
    %dma_wait3A_93 = tpu.memref_slice %arg3[%dma_wait3A] : memref<640000xi32, #tpu.memory_space<hbm>> -> memref<64xi32, #tpu.memory_space<hbm>>
    %dma_wait3A_94 = arith.constant 0 : i32
    %dma_wait3A_95 = tpu.memref_slice %arg3[%dma_wait3A_94] : memref<640000xi32, #tpu.memory_space<hbm>> -> memref<64xi32, #tpu.memory_space<hbm>>
    tpu.wait_dma2 semaphore(%arg51 : memref<!tpu.dma_semaphore, #tpu.memory_space<semaphore_mem>>) src(%dma_wait3A_95 : memref<64xi32, #tpu.memory_space<hbm>>) dst(%arg15 : memref<64xi32, #tpu.memory_space<vmem>>)
    %dma_wait3A_96 = arith.constant 0 : i32
    %dma_wait3A_97 = tpu.memref_slice %arg3[%dma_wait3A_96] : memref<640000xi32, #tpu.memory_space<hbm>> -> memref<64xi32, #tpu.memory_space<hbm>>
    %dma_wait3A_98 = arith.constant 0 : i32
    %dma_wait3A_99 = tpu.memref_slice %arg3[%dma_wait3A_98] : memref<640000xi32, #tpu.memory_space<hbm>> -> memref<64xi32, #tpu.memory_space<hbm>>
    tpu.wait_dma2 semaphore(%arg51 : memref<!tpu.dma_semaphore, #tpu.memory_space<semaphore_mem>>) src(%dma_wait3A_99 : memref<64xi32, #tpu.memory_space<hbm>>) dst(%arg25 : memref<64xi32, #tpu.memory_space<vmem>>)
    %dma_start3A_100 = arith.constant 0 : i32
    %dma_start3A_101 = arith.constant 0 : i32
    %dma_start3A_102 = tpu.memref_slice %arg2[%dma_start3A_100, %dma_start3A_101] : memref<10000x128xf32, #tpu.memory_space<hbm>> -> memref<10000x128xf32, #tpu.memory_space<hbm>>
    tpu.enqueue_indirect_dma source(%dma_start3A_102 : memref<10000x128xf32, #tpu.memory_space<hbm>>) target(%arg10 : memref<64x128xf32, #tpu.memory_space<vmem>>) offsets(%arg15 : memref<64xi32, #tpu.memory_space<vmem>>) semaphore(%arg36 : memref<!tpu.dma_semaphore, #tpu.memory_space<semaphore_mem>>)
    %dma_wait3A_103 = arith.constant 0 : i32
    %dma_wait3A_104 = tpu.memref_slice %arg3[%dma_wait3A_103] : memref<640000xi32, #tpu.memory_space<hbm>> -> memref<64xi32, #tpu.memory_space<hbm>>
    %dma_wait3A_105 = arith.constant 0 : i32
    %dma_wait3A_106 = tpu.memref_slice %arg3[%dma_wait3A_105] : memref<640000xi32, #tpu.memory_space<hbm>> -> memref<64xi32, #tpu.memory_space<hbm>>
    tpu.wait_dma2 semaphore(%arg52 : memref<!tpu.dma_semaphore, #tpu.memory_space<semaphore_mem>>) src(%dma_wait3A_106 : memref<64xi32, #tpu.memory_space<hbm>>) dst(%arg16 : memref<64xi32, #tpu.memory_space<vmem>>)
    %dma_wait3A_107 = arith.constant 0 : i32
    %dma_wait3A_108 = tpu.memref_slice %arg3[%dma_wait3A_107] : memref<640000xi32, #tpu.memory_space<hbm>> -> memref<64xi32, #tpu.memory_space<hbm>>
    %dma_wait3A_109 = arith.constant 0 : i32
    %dma_wait3A_110 = tpu.memref_slice %arg3[%dma_wait3A_109] : memref<640000xi32, #tpu.memory_space<hbm>> -> memref<64xi32, #tpu.memory_space<hbm>>
    tpu.wait_dma2 semaphore(%arg52 : memref<!tpu.dma_semaphore, #tpu.memory_space<semaphore_mem>>) src(%dma_wait3A_110 : memref<64xi32, #tpu.memory_space<hbm>>) dst(%arg26 : memref<64xi32, #tpu.memory_space<vmem>>)
    %dma_start3A_111 = arith.constant 0 : i32
    %dma_start3A_112 = arith.constant 0 : i32
    %dma_start3A_113 = tpu.memref_slice %arg2[%dma_start3A_111, %dma_start3A_112] : memref<10000x128xf32, #tpu.memory_space<hbm>> -> memref<10000x128xf32, #tpu.memory_space<hbm>>
    tpu.enqueue_indirect_dma source(%dma_start3A_113 : memref<10000x128xf32, #tpu.memory_space<hbm>>) target(%arg11 : memref<64x128xf32, #tpu.memory_space<vmem>>) offsets(%arg16 : memref<64xi32, #tpu.memory_space<vmem>>) semaphore(%arg37 : memref<!tpu.dma_semaphore, #tpu.memory_space<semaphore_mem>>)
    %dma_wait3A_114 = arith.constant 0 : i32
    %dma_wait3A_115 = tpu.memref_slice %arg3[%dma_wait3A_114] : memref<640000xi32, #tpu.memory_space<hbm>> -> memref<64xi32, #tpu.memory_space<hbm>>
    %dma_wait3A_116 = arith.constant 0 : i32
    %dma_wait3A_117 = tpu.memref_slice %arg3[%dma_wait3A_116] : memref<640000xi32, #tpu.memory_space<hbm>> -> memref<64xi32, #tpu.memory_space<hbm>>
    tpu.wait_dma2 semaphore(%arg53 : memref<!tpu.dma_semaphore, #tpu.memory_space<semaphore_mem>>) src(%dma_wait3A_117 : memref<64xi32, #tpu.memory_space<hbm>>) dst(%arg17 : memref<64xi32, #tpu.memory_space<vmem>>)
    %dma_wait3A_118 = arith.constant 0 : i32
    %dma_wait3A_119 = tpu.memref_slice %arg3[%dma_wait3A_118] : memref<640000xi32, #tpu.memory_space<hbm>> -> memref<64xi32, #tpu.memory_space<hbm>>
    %dma_wait3A_120 = arith.constant 0 : i32
    %dma_wait3A_121 = tpu.memref_slice %arg3[%dma_wait3A_120] : memref<640000xi32, #tpu.memory_space<hbm>> -> memref<64xi32, #tpu.memory_space<hbm>>
    tpu.wait_dma2 semaphore(%arg53 : memref<!tpu.dma_semaphore, #tpu.memory_space<semaphore_mem>>) src(%dma_wait3A_121 : memref<64xi32, #tpu.memory_space<hbm>>) dst(%arg27 : memref<64xi32, #tpu.memory_space<vmem>>)
    %dma_start3A_122 = arith.constant 0 : i32
    %dma_start3A_123 = arith.constant 0 : i32
    %dma_start3A_124 = tpu.memref_slice %arg2[%dma_start3A_122, %dma_start3A_123] : memref<10000x128xf32, #tpu.memory_space<hbm>> -> memref<10000x128xf32, #tpu.memory_space<hbm>>
    tpu.enqueue_indirect_dma source(%dma_start3A_124 : memref<10000x128xf32, #tpu.memory_space<hbm>>) target(%arg12 : memref<64x128xf32, #tpu.memory_space<vmem>>) offsets(%arg17 : memref<64xi32, #tpu.memory_space<vmem>>) semaphore(%arg38 : memref<!tpu.dma_semaphore, #tpu.memory_space<semaphore_mem>>)
    %dma_wait3A_125 = arith.constant 0 : i32
    %dma_wait3A_126 = tpu.memref_slice %arg3[%dma_wait3A_125] : memref<640000xi32, #tpu.memory_space<hbm>> -> memref<64xi32, #tpu.memory_space<hbm>>
    %dma_wait3A_127 = arith.constant 0 : i32
    %dma_wait3A_128 = tpu.memref_slice %arg3[%dma_wait3A_127] : memref<640000xi32, #tpu.memory_space<hbm>> -> memref<64xi32, #tpu.memory_space<hbm>>
    tpu.wait_dma2 semaphore(%arg54 : memref<!tpu.dma_semaphore, #tpu.memory_space<semaphore_mem>>) src(%dma_wait3A_128 : memref<64xi32, #tpu.memory_space<hbm>>) dst(%arg18 : memref<64xi32, #tpu.memory_space<vmem>>)
    %dma_wait3A_129 = arith.constant 0 : i32
    %dma_wait3A_130 = tpu.memref_slice %arg3[%dma_wait3A_129] : memref<640000xi32, #tpu.memory_space<hbm>> -> memref<64xi32, #tpu.memory_space<hbm>>
    %dma_wait3A_131 = arith.constant 0 : i32
    %dma_wait3A_132 = tpu.memref_slice %arg3[%dma_wait3A_131] : memref<640000xi32, #tpu.memory_space<hbm>> -> memref<64xi32, #tpu.memory_space<hbm>>
    tpu.wait_dma2 semaphore(%arg54 : memref<!tpu.dma_semaphore, #tpu.memory_space<semaphore_mem>>) src(%dma_wait3A_132 : memref<64xi32, #tpu.memory_space<hbm>>) dst(%arg28 : memref<64xi32, #tpu.memory_space<vmem>>)
    %dma_start3A_133 = arith.constant 0 : i32
    %dma_start3A_134 = arith.constant 0 : i32
    %dma_start3A_135 = tpu.memref_slice %arg2[%dma_start3A_133, %dma_start3A_134] : memref<10000x128xf32, #tpu.memory_space<hbm>> -> memref<10000x128xf32, #tpu.memory_space<hbm>>
    tpu.enqueue_indirect_dma source(%dma_start3A_135 : memref<10000x128xf32, #tpu.memory_space<hbm>>) target(%arg13 : memref<64x128xf32, #tpu.memory_space<vmem>>) offsets(%arg18 : memref<64xi32, #tpu.memory_space<vmem>>) semaphore(%arg39 : memref<!tpu.dma_semaphore, #tpu.memory_space<semaphore_mem>>)
    %dma_wait3A_136 = arith.constant 0 : i32
    %dma_wait3A_137 = tpu.memref_slice %arg3[%dma_wait3A_136] : memref<640000xi32, #tpu.memory_space<hbm>> -> memref<64xi32, #tpu.memory_space<hbm>>
    %dma_wait3A_138 = arith.constant 0 : i32
    %dma_wait3A_139 = tpu.memref_slice %arg3[%dma_wait3A_138] : memref<640000xi32, #tpu.memory_space<hbm>> -> memref<64xi32, #tpu.memory_space<hbm>>
    tpu.wait_dma2 semaphore(%arg55 : memref<!tpu.dma_semaphore, #tpu.memory_space<semaphore_mem>>) src(%dma_wait3A_139 : memref<64xi32, #tpu.memory_space<hbm>>) dst(%arg19 : memref<64xi32, #tpu.memory_space<vmem>>)
    %dma_wait3A_140 = arith.constant 0 : i32
    %dma_wait3A_141 = tpu.memref_slice %arg3[%dma_wait3A_140] : memref<640000xi32, #tpu.memory_space<hbm>> -> memref<64xi32, #tpu.memory_space<hbm>>
    %dma_wait3A_142 = arith.constant 0 : i32
    %dma_wait3A_143 = tpu.memref_slice %arg3[%dma_wait3A_142] : memref<640000xi32, #tpu.memory_space<hbm>> -> memref<64xi32, #tpu.memory_space<hbm>>
    tpu.wait_dma2 semaphore(%arg55 : memref<!tpu.dma_semaphore, #tpu.memory_space<semaphore_mem>>) src(%dma_wait3A_143 : memref<64xi32, #tpu.memory_space<hbm>>) dst(%arg29 : memref<64xi32, #tpu.memory_space<vmem>>)
    %dma_start3A_144 = arith.constant 0 : i32
    %dma_start3A_145 = arith.constant 0 : i32
    %dma_start3A_146 = tpu.memref_slice %arg2[%dma_start3A_144, %dma_start3A_145] : memref<10000x128xf32, #tpu.memory_space<hbm>> -> memref<10000x128xf32, #tpu.memory_space<hbm>>
    tpu.enqueue_indirect_dma source(%dma_start3A_146 : memref<10000x128xf32, #tpu.memory_space<hbm>>) target(%arg14 : memref<64x128xf32, #tpu.memory_space<vmem>>) offsets(%arg19 : memref<64xi32, #tpu.memory_space<vmem>>) semaphore(%arg40 : memref<!tpu.dma_semaphore, #tpu.memory_space<semaphore_mem>>)
    %jit3A = arith.constant 10 : i32
    %div3A = arith.divsi %min3A_11, %jit3A : i32
    %sign3A = arith.constant 0 : i32
    %sign3A_147 = arith.cmpi sgt, %min3A_11, %sign3A : i32
    %sign3A_148 = arith.extui %sign3A_147 : i1 to i32
    %sign3A_149 = arith.constant 0 : i32
    %sign3A_150 = arith.cmpi slt, %min3A_11, %sign3A_149 : i32
    %sign3A_151 = arith.extui %sign3A_150 : i1 to i32
    %sign3A_152 = arith.subi %sign3A_148, %sign3A_151 : i32
    %sign3A_153 = arith.constant 0 : i32
    %sign3A_154 = arith.cmpi sgt, %jit3A, %sign3A_153 : i32
    %sign3A_155 = arith.extui %sign3A_154 : i1 to i32
    %sign3A_156 = arith.constant 0 : i32
    %sign3A_157 = arith.cmpi slt, %jit3A, %sign3A_156 : i32
    %sign3A_158 = arith.extui %sign3A_157 : i1 to i32
    %sign3A_159 = arith.subi %sign3A_155, %sign3A_158 : i32
    %ne3A = arith.cmpi ne, %sign3A_152, %sign3A_159 : i32
    %rem3A = arith.remsi %min3A_11, %jit3A : i32
    %ne3A_160 = arith.constant 0 : i32
    %ne3A_161 = arith.cmpi ne, %rem3A, %ne3A_160 : i32
    %and3A = arith.andi %ne3A, %ne3A_161 : i1
    %sub3A_162 = arith.constant 1 : i32
    %sub3A_163 = arith.subi %div3A, %sub3A_162 : i32
    %select_n3A = arith.select %and3A, %sub3A_163, %div3A : i32
    %while3A = arith.constant 0 : i32
    %while3A_164 = arith.constant 0 : i32
    %while3A_165 = arith.subi %select_n3A, %while3A_164 : i32
    %while3A_166 = arith.addi %while3A_164, %while3A_165 : i32
    %while3A_167 = arith.constant 1 : i32
    %while3A_168 = arith.divsi %while3A_165, %while3A_167 : i32
    %while3A_169 = arith.muli %while3A_168, %while3A_167 : i32
    %while3A_170 = arith.addi %while3A_164, %while3A_169 : i32
    %while3A_171 = arith.constant 1 : i32
    scf.for %while3A_177 = %while3A_164 to %while3A_170 step %while3A_171  : i32 {
      %mul3A_178 = arith.constant 2 : i32
      %mul3A_179 = arith.muli %while3A_177, %mul3A_178 : i32
      %mul3A_180 = arith.constant 5 : i32
      %mul3A_181 = arith.muli %mul3A_179, %mul3A_180 : i32
      %add3A_182 = arith.constant 0 : i32
      %add3A_183 = arith.addi %mul3A_181, %add3A_182 : i32
      %dma_wait3A_184 = arith.constant 0 : i32
      %dma_wait3A_185 = arith.constant 0 : i32
      %dma_wait3A_186 = tpu.memref_slice %arg2[%dma_wait3A_184, %dma_wait3A_185] : memref<10000x128xf32, #tpu.memory_space<hbm>> -> memref<64x128xf32, #tpu.memory_space<hbm>>
      %dma_wait3A_187 = arith.constant 0 : i32
      %dma_wait3A_188 = arith.constant 0 : i32
      %dma_wait3A_189 = tpu.memref_slice %arg2[%dma_wait3A_187, %dma_wait3A_188] : memref<10000x128xf32, #tpu.memory_space<hbm>> -> memref<64x128xf32, #tpu.memory_space<hbm>>
      tpu.wait_dma2 semaphore(%arg36 : memref<!tpu.dma_semaphore, #tpu.memory_space<semaphore_mem>>) src(%dma_wait3A_189 : memref<64x128xf32, #tpu.memory_space<hbm>>) dst(%arg10 : memref<64x128xf32, #tpu.memory_space<vmem>>)
      %dma_start3A_190 = arith.constant 0 : i32
      %dma_start3A_191 = arith.constant 0 : i32
      %dma_start3A_192 = tpu.memref_slice %arg8[%dma_start3A_190, %dma_start3A_191] : memref<10240x128xf32, #tpu.memory_space<vmem_shared>> -> memref<10240x128xf32, #tpu.memory_space<vmem_shared>>
      tpu.enqueue_indirect_dma source(%arg10 : memref<64x128xf32, #tpu.memory_space<vmem>>) target(%dma_start3A_192 : memref<10240x128xf32, #tpu.memory_space<vmem_shared>>) offsets(%arg25 : memref<64xi32, #tpu.memory_space<vmem>>) semaphore(%arg41 : memref<!tpu.dma_semaphore, #tpu.memory_space<semaphore_mem>>) {add = true}
      %dma_start3A_193 = arith.constant 0 : i32
      %dma_start3A_194 = tpu.memref_slice %arg9[%dma_start3A_193] : memref<10240xf32, #tpu.memory_space<vmem_shared>> -> memref<10240xf32, #tpu.memory_space<vmem_shared>>
      tpu.enqueue_indirect_dma source(%arg35 : memref<64xf32, #tpu.memory_space<vmem>>) target(%dma_start3A_194 : memref<10240xf32, #tpu.memory_space<vmem_shared>>) offsets(%arg25 : memref<64xi32, #tpu.memory_space<vmem>>) semaphore(%arg46 : memref<!tpu.dma_semaphore, #tpu.memory_space<semaphore_mem>>) {add = true}
      %add3A_195 = arith.constant 5 : i32
      %add3A_196 = arith.addi %add3A_183, %add3A_195 : i32
      %lt3A = arith.cmpi slt, %add3A_196, %min3A_11 : i32
      %convert_element_type3A = arith.extui %lt3A : i1 to i32
      %cond3A = arith.constant 0 : i32
      %cond3A_197 = arith.cmpi ne, %convert_element_type3A, %cond3A : i32
      scf.if %cond3A_197 {
        %add3A_551 = arith.constant 5 : i32
        %add3A_552 = arith.addi %add3A_183, %add3A_551 : i32
        %mul3A_553 = arith.constant 64 : i32
        %mul3A_554 = arith.muli %add3A_552, %mul3A_553 : i32
        %add3A_555 = arith.addi %mul3A_6, %mul3A_554 : i32
        %dma_start3A_556 = tpu.memref_slice %arg3[%add3A_555] : memref<640000xi32, #tpu.memory_space<hbm>> -> memref<64xi32, #tpu.memory_space<hbm>>
        %dma_start3A_557 = tpu.memref_slice %arg3[%add3A_555] : memref<640000xi32, #tpu.memory_space<hbm>> -> memref<64xi32, #tpu.memory_space<hbm>>
        tpu.enqueue_dma source(%dma_start3A_557 : memref<64xi32, #tpu.memory_space<hbm>>) target(%arg20 : memref<64xi32, #tpu.memory_space<vmem>>) target_semaphore(%arg56 : memref<!tpu.dma_semaphore, #tpu.memory_space<semaphore_mem>>)
        %add3A_558 = arith.constant 320000 : i32
        %add3A_559 = arith.addi %add3A_558, %add3A_555 : i32
        %dma_start3A_560 = tpu.memref_slice %arg3[%add3A_559] : memref<640000xi32, #tpu.memory_space<hbm>> -> memref<64xi32, #tpu.memory_space<hbm>>
        %dma_start3A_561 = tpu.memref_slice %arg3[%add3A_559] : memref<640000xi32, #tpu.memory_space<hbm>> -> memref<64xi32, #tpu.memory_space<hbm>>
        tpu.enqueue_dma source(%dma_start3A_561 : memref<64xi32, #tpu.memory_space<hbm>>) target(%arg30 : memref<64xi32, #tpu.memory_space<vmem>>) target_semaphore(%arg56 : memref<!tpu.dma_semaphore, #tpu.memory_space<semaphore_mem>>)
      } else {
      }
      %add3A_198 = arith.constant 1 : i32
      %add3A_199 = arith.addi %mul3A_181, %add3A_198 : i32
      %dma_wait3A_200 = arith.constant 0 : i32
      %dma_wait3A_201 = arith.constant 0 : i32
      %dma_wait3A_202 = tpu.memref_slice %arg2[%dma_wait3A_200, %dma_wait3A_201] : memref<10000x128xf32, #tpu.memory_space<hbm>> -> memref<64x128xf32, #tpu.memory_space<hbm>>
      %dma_wait3A_203 = arith.constant 0 : i32
      %dma_wait3A_204 = arith.constant 0 : i32
      %dma_wait3A_205 = tpu.memref_slice %arg2[%dma_wait3A_203, %dma_wait3A_204] : memref<10000x128xf32, #tpu.memory_space<hbm>> -> memref<64x128xf32, #tpu.memory_space<hbm>>
      tpu.wait_dma2 semaphore(%arg37 : memref<!tpu.dma_semaphore, #tpu.memory_space<semaphore_mem>>) src(%dma_wait3A_205 : memref<64x128xf32, #tpu.memory_space<hbm>>) dst(%arg11 : memref<64x128xf32, #tpu.memory_space<vmem>>)
      %dma_start3A_206 = arith.constant 0 : i32
      %dma_start3A_207 = arith.constant 0 : i32
      %dma_start3A_208 = tpu.memref_slice %arg8[%dma_start3A_206, %dma_start3A_207] : memref<10240x128xf32, #tpu.memory_space<vmem_shared>> -> memref<10240x128xf32, #tpu.memory_space<vmem_shared>>
      tpu.enqueue_indirect_dma source(%arg11 : memref<64x128xf32, #tpu.memory_space<vmem>>) target(%dma_start3A_208 : memref<10240x128xf32, #tpu.memory_space<vmem_shared>>) offsets(%arg26 : memref<64xi32, #tpu.memory_space<vmem>>) semaphore(%arg42 : memref<!tpu.dma_semaphore, #tpu.memory_space<semaphore_mem>>) {add = true}
      %dma_start3A_209 = arith.constant 0 : i32
      %dma_start3A_210 = tpu.memref_slice %arg9[%dma_start3A_209] : memref<10240xf32, #tpu.memory_space<vmem_shared>> -> memref<10240xf32, #tpu.memory_space<vmem_shared>>
      tpu.enqueue_indirect_dma source(%arg35 : memref<64xf32, #tpu.memory_space<vmem>>) target(%dma_start3A_210 : memref<10240xf32, #tpu.memory_space<vmem_shared>>) offsets(%arg26 : memref<64xi32, #tpu.memory_space<vmem>>) semaphore(%arg47 : memref<!tpu.dma_semaphore, #tpu.memory_space<semaphore_mem>>) {add = true}
      %add3A_211 = arith.constant 5 : i32
      %add3A_212 = arith.addi %add3A_199, %add3A_211 : i32
      %lt3A_213 = arith.cmpi slt, %add3A_212, %min3A_11 : i32
      %convert_element_type3A_214 = arith.extui %lt3A_213 : i1 to i32
      %cond3A_215 = arith.constant 0 : i32
      %cond3A_216 = arith.cmpi ne, %convert_element_type3A_214, %cond3A_215 : i32
      scf.if %cond3A_216 {
        %add3A_551 = arith.constant 5 : i32
        %add3A_552 = arith.addi %add3A_199, %add3A_551 : i32
        %mul3A_553 = arith.constant 64 : i32
        %mul3A_554 = arith.muli %add3A_552, %mul3A_553 : i32
        %add3A_555 = arith.addi %mul3A_6, %mul3A_554 : i32
        %dma_start3A_556 = tpu.memref_slice %arg3[%add3A_555] : memref<640000xi32, #tpu.memory_space<hbm>> -> memref<64xi32, #tpu.memory_space<hbm>>
        %dma_start3A_557 = tpu.memref_slice %arg3[%add3A_555] : memref<640000xi32, #tpu.memory_space<hbm>> -> memref<64xi32, #tpu.memory_space<hbm>>
        tpu.enqueue_dma source(%dma_start3A_557 : memref<64xi32, #tpu.memory_space<hbm>>) target(%arg21 : memref<64xi32, #tpu.memory_space<vmem>>) target_semaphore(%arg57 : memref<!tpu.dma_semaphore, #tpu.memory_space<semaphore_mem>>)
        %add3A_558 = arith.constant 320000 : i32
        %add3A_559 = arith.addi %add3A_558, %add3A_555 : i32
        %dma_start3A_560 = tpu.memref_slice %arg3[%add3A_559] : memref<640000xi32, #tpu.memory_space<hbm>> -> memref<64xi32, #tpu.memory_space<hbm>>
        %dma_start3A_561 = tpu.memref_slice %arg3[%add3A_559] : memref<640000xi32, #tpu.memory_space<hbm>> -> memref<64xi32, #tpu.memory_space<hbm>>
        tpu.enqueue_dma source(%dma_start3A_561 : memref<64xi32, #tpu.memory_space<hbm>>) target(%arg31 : memref<64xi32, #tpu.memory_space<vmem>>) target_semaphore(%arg57 : memref<!tpu.dma_semaphore, #tpu.memory_space<semaphore_mem>>)
      } else {
      }
      %add3A_217 = arith.constant 2 : i32
      %add3A_218 = arith.addi %mul3A_181, %add3A_217 : i32
      %dma_wait3A_219 = arith.constant 0 : i32
      %dma_wait3A_220 = arith.constant 0 : i32
      %dma_wait3A_221 = tpu.memref_slice %arg2[%dma_wait3A_219, %dma_wait3A_220] : memref<10000x128xf32, #tpu.memory_space<hbm>> -> memref<64x128xf32, #tpu.memory_space<hbm>>
      %dma_wait3A_222 = arith.constant 0 : i32
      %dma_wait3A_223 = arith.constant 0 : i32
      %dma_wait3A_224 = tpu.memref_slice %arg2[%dma_wait3A_222, %dma_wait3A_223] : memref<10000x128xf32, #tpu.memory_space<hbm>> -> memref<64x128xf32, #tpu.memory_space<hbm>>
      tpu.wait_dma2 semaphore(%arg38 : memref<!tpu.dma_semaphore, #tpu.memory_space<semaphore_mem>>) src(%dma_wait3A_224 : memref<64x128xf32, #tpu.memory_space<hbm>>) dst(%arg12 : memref<64x128xf32, #tpu.memory_space<vmem>>)
      %dma_start3A_225 = arith.constant 0 : i32
      %dma_start3A_226 = arith.constant 0 : i32
      %dma_start3A_227 = tpu.memref_slice %arg8[%dma_start3A_225, %dma_start3A_226] : memref<10240x128xf32, #tpu.memory_space<vmem_shared>> -> memref<10240x128xf32, #tpu.memory_space<vmem_shared>>
      tpu.enqueue_indirect_dma source(%arg12 : memref<64x128xf32, #tpu.memory_space<vmem>>) target(%dma_start3A_227 : memref<10240x128xf32, #tpu.memory_space<vmem_shared>>) offsets(%arg27 : memref<64xi32, #tpu.memory_space<vmem>>) semaphore(%arg43 : memref<!tpu.dma_semaphore, #tpu.memory_space<semaphore_mem>>) {add = true}
      %dma_start3A_228 = arith.constant 0 : i32
      %dma_start3A_229 = tpu.memref_slice %arg9[%dma_start3A_228] : memref<10240xf32, #tpu.memory_space<vmem_shared>> -> memref<10240xf32, #tpu.memory_space<vmem_shared>>
      tpu.enqueue_indirect_dma source(%arg35 : memref<64xf32, #tpu.memory_space<vmem>>) target(%dma_start3A_229 : memref<10240xf32, #tpu.memory_space<vmem_shared>>) offsets(%arg27 : memref<64xi32, #tpu.memory_space<vmem>>) semaphore(%arg48 : memref<!tpu.dma_semaphore, #tpu.memory_space<semaphore_mem>>) {add = true}
      %add3A_230 = arith.constant 5 : i32
      %add3A_231 = arith.addi %add3A_218, %add3A_230 : i32
      %lt3A_232 = arith.cmpi slt, %add3A_231, %min3A_11 : i32
      %convert_element_type3A_233 = arith.extui %lt3A_232 : i1 to i32
      %cond3A_234 = arith.constant 0 : i32
      %cond3A_235 = arith.cmpi ne, %convert_element_type3A_233, %cond3A_234 : i32
      scf.if %cond3A_235 {
        %add3A_551 = arith.constant 5 : i32
        %add3A_552 = arith.addi %add3A_218, %add3A_551 : i32
        %mul3A_553 = arith.constant 64 : i32
        %mul3A_554 = arith.muli %add3A_552, %mul3A_553 : i32
        %add3A_555 = arith.addi %mul3A_6, %mul3A_554 : i32
        %dma_start3A_556 = tpu.memref_slice %arg3[%add3A_555] : memref<640000xi32, #tpu.memory_space<hbm>> -> memref<64xi32, #tpu.memory_space<hbm>>
        %dma_start3A_557 = tpu.memref_slice %arg3[%add3A_555] : memref<640000xi32, #tpu.memory_space<hbm>> -> memref<64xi32, #tpu.memory_space<hbm>>
        tpu.enqueue_dma source(%dma_start3A_557 : memref<64xi32, #tpu.memory_space<hbm>>) target(%arg22 : memref<64xi32, #tpu.memory_space<vmem>>) target_semaphore(%arg58 : memref<!tpu.dma_semaphore, #tpu.memory_space<semaphore_mem>>)
        %add3A_558 = arith.constant 320000 : i32
        %add3A_559 = arith.addi %add3A_558, %add3A_555 : i32
        %dma_start3A_560 = tpu.memref_slice %arg3[%add3A_559] : memref<640000xi32, #tpu.memory_space<hbm>> -> memref<64xi32, #tpu.memory_space<hbm>>
        %dma_start3A_561 = tpu.memref_slice %arg3[%add3A_559] : memref<640000xi32, #tpu.memory_space<hbm>> -> memref<64xi32, #tpu.memory_space<hbm>>
        tpu.enqueue_dma source(%dma_start3A_561 : memref<64xi32, #tpu.memory_space<hbm>>) target(%arg32 : memref<64xi32, #tpu.memory_space<vmem>>) target_semaphore(%arg58 : memref<!tpu.dma_semaphore, #tpu.memory_space<semaphore_mem>>)
      } else {
      }
      %add3A_236 = arith.constant 3 : i32
      %add3A_237 = arith.addi %mul3A_181, %add3A_236 : i32
      %dma_wait3A_238 = arith.constant 0 : i32
      %dma_wait3A_239 = arith.constant 0 : i32
      %dma_wait3A_240 = tpu.memref_slice %arg2[%dma_wait3A_238, %dma_wait3A_239] : memref<10000x128xf32, #tpu.memory_space<hbm>> -> memref<64x128xf32, #tpu.memory_space<hbm>>
      %dma_wait3A_241 = arith.constant 0 : i32
      %dma_wait3A_242 = arith.constant 0 : i32
      %dma_wait3A_243 = tpu.memref_slice %arg2[%dma_wait3A_241, %dma_wait3A_242] : memref<10000x128xf32, #tpu.memory_space<hbm>> -> memref<64x128xf32, #tpu.memory_space<hbm>>
      tpu.wait_dma2 semaphore(%arg39 : memref<!tpu.dma_semaphore, #tpu.memory_space<semaphore_mem>>) src(%dma_wait3A_243 : memref<64x128xf32, #tpu.memory_space<hbm>>) dst(%arg13 : memref<64x128xf32, #tpu.memory_space<vmem>>)
      %dma_start3A_244 = arith.constant 0 : i32
      %dma_start3A_245 = arith.constant 0 : i32
      %dma_start3A_246 = tpu.memref_slice %arg8[%dma_start3A_244, %dma_start3A_245] : memref<10240x128xf32, #tpu.memory_space<vmem_shared>> -> memref<10240x128xf32, #tpu.memory_space<vmem_shared>>
      tpu.enqueue_indirect_dma source(%arg13 : memref<64x128xf32, #tpu.memory_space<vmem>>) target(%dma_start3A_246 : memref<10240x128xf32, #tpu.memory_space<vmem_shared>>) offsets(%arg28 : memref<64xi32, #tpu.memory_space<vmem>>) semaphore(%arg44 : memref<!tpu.dma_semaphore, #tpu.memory_space<semaphore_mem>>) {add = true}
      %dma_start3A_247 = arith.constant 0 : i32
      %dma_start3A_248 = tpu.memref_slice %arg9[%dma_start3A_247] : memref<10240xf32, #tpu.memory_space<vmem_shared>> -> memref<10240xf32, #tpu.memory_space<vmem_shared>>
      tpu.enqueue_indirect_dma source(%arg35 : memref<64xf32, #tpu.memory_space<vmem>>) target(%dma_start3A_248 : memref<10240xf32, #tpu.memory_space<vmem_shared>>) offsets(%arg28 : memref<64xi32, #tpu.memory_space<vmem>>) semaphore(%arg49 : memref<!tpu.dma_semaphore, #tpu.memory_space<semaphore_mem>>) {add = true}
      %add3A_249 = arith.constant 5 : i32
      %add3A_250 = arith.addi %add3A_237, %add3A_249 : i32
      %lt3A_251 = arith.cmpi slt, %add3A_250, %min3A_11 : i32
      %convert_element_type3A_252 = arith.extui %lt3A_251 : i1 to i32
      %cond3A_253 = arith.constant 0 : i32
      %cond3A_254 = arith.cmpi ne, %convert_element_type3A_252, %cond3A_253 : i32
      scf.if %cond3A_254 {
        %add3A_551 = arith.constant 5 : i32
        %add3A_552 = arith.addi %add3A_237, %add3A_551 : i32
        %mul3A_553 = arith.constant 64 : i32
        %mul3A_554 = arith.muli %add3A_552, %mul3A_553 : i32
        %add3A_555 = arith.addi %mul3A_6, %mul3A_554 : i32
        %dma_start3A_556 = tpu.memref_slice %arg3[%add3A_555] : memref<640000xi32, #tpu.memory_space<hbm>> -> memref<64xi32, #tpu.memory_space<hbm>>
        %dma_start3A_557 = tpu.memref_slice %arg3[%add3A_555] : memref<640000xi32, #tpu.memory_space<hbm>> -> memref<64xi32, #tpu.memory_space<hbm>>
        tpu.enqueue_dma source(%dma_start3A_557 : memref<64xi32, #tpu.memory_space<hbm>>) target(%arg23 : memref<64xi32, #tpu.memory_space<vmem>>) target_semaphore(%arg59 : memref<!tpu.dma_semaphore, #tpu.memory_space<semaphore_mem>>)
        %add3A_558 = arith.constant 320000 : i32
        %add3A_559 = arith.addi %add3A_558, %add3A_555 : i32
        %dma_start3A_560 = tpu.memref_slice %arg3[%add3A_559] : memref<640000xi32, #tpu.memory_space<hbm>> -> memref<64xi32, #tpu.memory_space<hbm>>
        %dma_start3A_561 = tpu.memref_slice %arg3[%add3A_559] : memref<640000xi32, #tpu.memory_space<hbm>> -> memref<64xi32, #tpu.memory_space<hbm>>
        tpu.enqueue_dma source(%dma_start3A_561 : memref<64xi32, #tpu.memory_space<hbm>>) target(%arg33 : memref<64xi32, #tpu.memory_space<vmem>>) target_semaphore(%arg59 : memref<!tpu.dma_semaphore, #tpu.memory_space<semaphore_mem>>)
      } else {
      }
      %add3A_255 = arith.constant 4 : i32
      %add3A_256 = arith.addi %mul3A_181, %add3A_255 : i32
      %dma_wait3A_257 = arith.constant 0 : i32
      %dma_wait3A_258 = arith.constant 0 : i32
      %dma_wait3A_259 = tpu.memref_slice %arg2[%dma_wait3A_257, %dma_wait3A_258] : memref<10000x128xf32, #tpu.memory_space<hbm>> -> memref<64x128xf32, #tpu.memory_space<hbm>>
      %dma_wait3A_260 = arith.constant 0 : i32
      %dma_wait3A_261 = arith.constant 0 : i32
      %dma_wait3A_262 = tpu.memref_slice %arg2[%dma_wait3A_260, %dma_wait3A_261] : memref<10000x128xf32, #tpu.memory_space<hbm>> -> memref<64x128xf32, #tpu.memory_space<hbm>>
      tpu.wait_dma2 semaphore(%arg40 : memref<!tpu.dma_semaphore, #tpu.memory_space<semaphore_mem>>) src(%dma_wait3A_262 : memref<64x128xf32, #tpu.memory_space<hbm>>) dst(%arg14 : memref<64x128xf32, #tpu.memory_space<vmem>>)
      %dma_start3A_263 = arith.constant 0 : i32
      %dma_start3A_264 = arith.constant 0 : i32
      %dma_start3A_265 = tpu.memref_slice %arg8[%dma_start3A_263, %dma_start3A_264] : memref<10240x128xf32, #tpu.memory_space<vmem_shared>> -> memref<10240x128xf32, #tpu.memory_space<vmem_shared>>
      tpu.enqueue_indirect_dma source(%arg14 : memref<64x128xf32, #tpu.memory_space<vmem>>) target(%dma_start3A_265 : memref<10240x128xf32, #tpu.memory_space<vmem_shared>>) offsets(%arg29 : memref<64xi32, #tpu.memory_space<vmem>>) semaphore(%arg45 : memref<!tpu.dma_semaphore, #tpu.memory_space<semaphore_mem>>) {add = true}
      %dma_start3A_266 = arith.constant 0 : i32
      %dma_start3A_267 = tpu.memref_slice %arg9[%dma_start3A_266] : memref<10240xf32, #tpu.memory_space<vmem_shared>> -> memref<10240xf32, #tpu.memory_space<vmem_shared>>
      tpu.enqueue_indirect_dma source(%arg35 : memref<64xf32, #tpu.memory_space<vmem>>) target(%dma_start3A_267 : memref<10240xf32, #tpu.memory_space<vmem_shared>>) offsets(%arg29 : memref<64xi32, #tpu.memory_space<vmem>>) semaphore(%arg50 : memref<!tpu.dma_semaphore, #tpu.memory_space<semaphore_mem>>) {add = true}
      %add3A_268 = arith.constant 5 : i32
      %add3A_269 = arith.addi %add3A_256, %add3A_268 : i32
      %lt3A_270 = arith.cmpi slt, %add3A_269, %min3A_11 : i32
      %convert_element_type3A_271 = arith.extui %lt3A_270 : i1 to i32
      %cond3A_272 = arith.constant 0 : i32
      %cond3A_273 = arith.cmpi ne, %convert_element_type3A_271, %cond3A_272 : i32
      scf.if %cond3A_273 {
        %add3A_551 = arith.constant 5 : i32
        %add3A_552 = arith.addi %add3A_256, %add3A_551 : i32
        %mul3A_553 = arith.constant 64 : i32
        %mul3A_554 = arith.muli %add3A_552, %mul3A_553 : i32
        %add3A_555 = arith.addi %mul3A_6, %mul3A_554 : i32
        %dma_start3A_556 = tpu.memref_slice %arg3[%add3A_555] : memref<640000xi32, #tpu.memory_space<hbm>> -> memref<64xi32, #tpu.memory_space<hbm>>
        %dma_start3A_557 = tpu.memref_slice %arg3[%add3A_555] : memref<640000xi32, #tpu.memory_space<hbm>> -> memref<64xi32, #tpu.memory_space<hbm>>
        tpu.enqueue_dma source(%dma_start3A_557 : memref<64xi32, #tpu.memory_space<hbm>>) target(%arg24 : memref<64xi32, #tpu.memory_space<vmem>>) target_semaphore(%arg60 : memref<!tpu.dma_semaphore, #tpu.memory_space<semaphore_mem>>)
        %add3A_558 = arith.constant 320000 : i32
        %add3A_559 = arith.addi %add3A_558, %add3A_555 : i32
        %dma_start3A_560 = tpu.memref_slice %arg3[%add3A_559] : memref<640000xi32, #tpu.memory_space<hbm>> -> memref<64xi32, #tpu.memory_space<hbm>>
        %dma_start3A_561 = tpu.memref_slice %arg3[%add3A_559] : memref<640000xi32, #tpu.memory_space<hbm>> -> memref<64xi32, #tpu.memory_space<hbm>>
        tpu.enqueue_dma source(%dma_start3A_561 : memref<64xi32, #tpu.memory_space<hbm>>) target(%arg34 : memref<64xi32, #tpu.memory_space<vmem>>) target_semaphore(%arg60 : memref<!tpu.dma_semaphore, #tpu.memory_space<semaphore_mem>>)
      } else {
      }
      %add3A_274 = arith.constant 0 : i32
      %add3A_275 = arith.addi %mul3A_181, %add3A_274 : i32
      %dma_wait3A_276 = arith.constant 0 : i32
      %dma_wait3A_277 = arith.constant 0 : i32
      %dma_wait3A_278 = tpu.memref_slice %arg8[%dma_wait3A_276, %dma_wait3A_277] : memref<10240x128xf32, #tpu.memory_space<vmem_shared>> -> memref<64x128xf32, #tpu.memory_space<vmem_shared>>
      %dma_wait3A_279 = arith.constant 0 : i32
      %dma_wait3A_280 = arith.constant 0 : i32
      %dma_wait3A_281 = tpu.memref_slice %arg8[%dma_wait3A_279, %dma_wait3A_280] : memref<10240x128xf32, #tpu.memory_space<vmem_shared>> -> memref<64x128xf32, #tpu.memory_space<vmem_shared>>
      tpu.wait_dma2 semaphore(%arg41 : memref<!tpu.dma_semaphore, #tpu.memory_space<semaphore_mem>>) src(%arg10 : memref<64x128xf32, #tpu.memory_space<vmem>>) dst(%dma_wait3A_281 : memref<64x128xf32, #tpu.memory_space<vmem_shared>>)
      %dma_wait3A_282 = arith.constant 0 : i32
      %dma_wait3A_283 = tpu.memref_slice %arg9[%dma_wait3A_282] : memref<10240xf32, #tpu.memory_space<vmem_shared>> -> memref<64xf32, #tpu.memory_space<vmem_shared>>
      %dma_wait3A_284 = arith.constant 0 : i32
      %dma_wait3A_285 = tpu.memref_slice %arg9[%dma_wait3A_284] : memref<10240xf32, #tpu.memory_space<vmem_shared>> -> memref<64xf32, #tpu.memory_space<vmem_shared>>
      tpu.wait_dma2 semaphore(%arg46 : memref<!tpu.dma_semaphore, #tpu.memory_space<semaphore_mem>>) src(%arg35 : memref<64xf32, #tpu.memory_space<vmem>>) dst(%dma_wait3A_285 : memref<64xf32, #tpu.memory_space<vmem_shared>>)
      %add3A_286 = arith.constant 5 : i32
      %add3A_287 = arith.addi %add3A_275, %add3A_286 : i32
      %lt3A_288 = arith.cmpi slt, %add3A_287, %min3A_11 : i32
      %convert_element_type3A_289 = arith.extui %lt3A_288 : i1 to i32
      %cond3A_290 = arith.constant 0 : i32
      %cond3A_291 = arith.cmpi ne, %convert_element_type3A_289, %cond3A_290 : i32
      scf.if %cond3A_291 {
        %dma_wait3A_551 = arith.constant 0 : i32
        %dma_wait3A_552 = tpu.memref_slice %arg3[%dma_wait3A_551] : memref<640000xi32, #tpu.memory_space<hbm>> -> memref<64xi32, #tpu.memory_space<hbm>>
        %dma_wait3A_553 = arith.constant 0 : i32
        %dma_wait3A_554 = tpu.memref_slice %arg3[%dma_wait3A_553] : memref<640000xi32, #tpu.memory_space<hbm>> -> memref<64xi32, #tpu.memory_space<hbm>>
        tpu.wait_dma2 semaphore(%arg56 : memref<!tpu.dma_semaphore, #tpu.memory_space<semaphore_mem>>) src(%dma_wait3A_554 : memref<64xi32, #tpu.memory_space<hbm>>) dst(%arg20 : memref<64xi32, #tpu.memory_space<vmem>>)
        %dma_wait3A_555 = arith.constant 0 : i32
        %dma_wait3A_556 = tpu.memref_slice %arg3[%dma_wait3A_555] : memref<640000xi32, #tpu.memory_space<hbm>> -> memref<64xi32, #tpu.memory_space<hbm>>
        %dma_wait3A_557 = arith.constant 0 : i32
        %dma_wait3A_558 = tpu.memref_slice %arg3[%dma_wait3A_557] : memref<640000xi32, #tpu.memory_space<hbm>> -> memref<64xi32, #tpu.memory_space<hbm>>
        tpu.wait_dma2 semaphore(%arg56 : memref<!tpu.dma_semaphore, #tpu.memory_space<semaphore_mem>>) src(%dma_wait3A_558 : memref<64xi32, #tpu.memory_space<hbm>>) dst(%arg30 : memref<64xi32, #tpu.memory_space<vmem>>)
        %dma_start3A_559 = arith.constant 0 : i32
        %dma_start3A_560 = arith.constant 0 : i32
        %dma_start3A_561 = tpu.memref_slice %arg2[%dma_start3A_559, %dma_start3A_560] : memref<10000x128xf32, #tpu.memory_space<hbm>> -> memref<10000x128xf32, #tpu.memory_space<hbm>>
        tpu.enqueue_indirect_dma source(%dma_start3A_561 : memref<10000x128xf32, #tpu.memory_space<hbm>>) target(%arg10 : memref<64x128xf32, #tpu.memory_space<vmem>>) offsets(%arg20 : memref<64xi32, #tpu.memory_space<vmem>>) semaphore(%arg36 : memref<!tpu.dma_semaphore, #tpu.memory_space<semaphore_mem>>)
      } else {
      }
      %add3A_292 = arith.constant 1 : i32
      %add3A_293 = arith.addi %mul3A_181, %add3A_292 : i32
      %dma_wait3A_294 = arith.constant 0 : i32
      %dma_wait3A_295 = arith.constant 0 : i32
      %dma_wait3A_296 = tpu.memref_slice %arg8[%dma_wait3A_294, %dma_wait3A_295] : memref<10240x128xf32, #tpu.memory_space<vmem_shared>> -> memref<64x128xf32, #tpu.memory_space<vmem_shared>>
      %dma_wait3A_297 = arith.constant 0 : i32
      %dma_wait3A_298 = arith.constant 0 : i32
      %dma_wait3A_299 = tpu.memref_slice %arg8[%dma_wait3A_297, %dma_wait3A_298] : memref<10240x128xf32, #tpu.memory_space<vmem_shared>> -> memref<64x128xf32, #tpu.memory_space<vmem_shared>>
      tpu.wait_dma2 semaphore(%arg42 : memref<!tpu.dma_semaphore, #tpu.memory_space<semaphore_mem>>) src(%arg11 : memref<64x128xf32, #tpu.memory_space<vmem>>) dst(%dma_wait3A_299 : memref<64x128xf32, #tpu.memory_space<vmem_shared>>)
      %dma_wait3A_300 = arith.constant 0 : i32
      %dma_wait3A_301 = tpu.memref_slice %arg9[%dma_wait3A_300] : memref<10240xf32, #tpu.memory_space<vmem_shared>> -> memref<64xf32, #tpu.memory_space<vmem_shared>>
      %dma_wait3A_302 = arith.constant 0 : i32
      %dma_wait3A_303 = tpu.memref_slice %arg9[%dma_wait3A_302] : memref<10240xf32, #tpu.memory_space<vmem_shared>> -> memref<64xf32, #tpu.memory_space<vmem_shared>>
      tpu.wait_dma2 semaphore(%arg47 : memref<!tpu.dma_semaphore, #tpu.memory_space<semaphore_mem>>) src(%arg35 : memref<64xf32, #tpu.memory_space<vmem>>) dst(%dma_wait3A_303 : memref<64xf32, #tpu.memory_space<vmem_shared>>)
      %add3A_304 = arith.constant 5 : i32
      %add3A_305 = arith.addi %add3A_293, %add3A_304 : i32
      %lt3A_306 = arith.cmpi slt, %add3A_305, %min3A_11 : i32
      %convert_element_type3A_307 = arith.extui %lt3A_306 : i1 to i32
      %cond3A_308 = arith.constant 0 : i32
      %cond3A_309 = arith.cmpi ne, %convert_element_type3A_307, %cond3A_308 : i32
      scf.if %cond3A_309 {
        %dma_wait3A_551 = arith.constant 0 : i32
        %dma_wait3A_552 = tpu.memref_slice %arg3[%dma_wait3A_551] : memref<640000xi32, #tpu.memory_space<hbm>> -> memref<64xi32, #tpu.memory_space<hbm>>
        %dma_wait3A_553 = arith.constant 0 : i32
        %dma_wait3A_554 = tpu.memref_slice %arg3[%dma_wait3A_553] : memref<640000xi32, #tpu.memory_space<hbm>> -> memref<64xi32, #tpu.memory_space<hbm>>
        tpu.wait_dma2 semaphore(%arg57 : memref<!tpu.dma_semaphore, #tpu.memory_space<semaphore_mem>>) src(%dma_wait3A_554 : memref<64xi32, #tpu.memory_space<hbm>>) dst(%arg21 : memref<64xi32, #tpu.memory_space<vmem>>)
        %dma_wait3A_555 = arith.constant 0 : i32
        %dma_wait3A_556 = tpu.memref_slice %arg3[%dma_wait3A_555] : memref<640000xi32, #tpu.memory_space<hbm>> -> memref<64xi32, #tpu.memory_space<hbm>>
        %dma_wait3A_557 = arith.constant 0 : i32
        %dma_wait3A_558 = tpu.memref_slice %arg3[%dma_wait3A_557] : memref<640000xi32, #tpu.memory_space<hbm>> -> memref<64xi32, #tpu.memory_space<hbm>>
        tpu.wait_dma2 semaphore(%arg57 : memref<!tpu.dma_semaphore, #tpu.memory_space<semaphore_mem>>) src(%dma_wait3A_558 : memref<64xi32, #tpu.memory_space<hbm>>) dst(%arg31 : memref<64xi32, #tpu.memory_space<vmem>>)
        %dma_start3A_559 = arith.constant 0 : i32
        %dma_start3A_560 = arith.constant 0 : i32
        %dma_start3A_561 = tpu.memref_slice %arg2[%dma_start3A_559, %dma_start3A_560] : memref<10000x128xf32, #tpu.memory_space<hbm>> -> memref<10000x128xf32, #tpu.memory_space<hbm>>
        tpu.enqueue_indirect_dma source(%dma_start3A_561 : memref<10000x128xf32, #tpu.memory_space<hbm>>) target(%arg11 : memref<64x128xf32, #tpu.memory_space<vmem>>) offsets(%arg21 : memref<64xi32, #tpu.memory_space<vmem>>) semaphore(%arg37 : memref<!tpu.dma_semaphore, #tpu.memory_space<semaphore_mem>>)
      } else {
      }
      %add3A_310 = arith.constant 2 : i32
      %add3A_311 = arith.addi %mul3A_181, %add3A_310 : i32
      %dma_wait3A_312 = arith.constant 0 : i32
      %dma_wait3A_313 = arith.constant 0 : i32
      %dma_wait3A_314 = tpu.memref_slice %arg8[%dma_wait3A_312, %dma_wait3A_313] : memref<10240x128xf32, #tpu.memory_space<vmem_shared>> -> memref<64x128xf32, #tpu.memory_space<vmem_shared>>
      %dma_wait3A_315 = arith.constant 0 : i32
      %dma_wait3A_316 = arith.constant 0 : i32
      %dma_wait3A_317 = tpu.memref_slice %arg8[%dma_wait3A_315, %dma_wait3A_316] : memref<10240x128xf32, #tpu.memory_space<vmem_shared>> -> memref<64x128xf32, #tpu.memory_space<vmem_shared>>
      tpu.wait_dma2 semaphore(%arg43 : memref<!tpu.dma_semaphore, #tpu.memory_space<semaphore_mem>>) src(%arg12 : memref<64x128xf32, #tpu.memory_space<vmem>>) dst(%dma_wait3A_317 : memref<64x128xf32, #tpu.memory_space<vmem_shared>>)
      %dma_wait3A_318 = arith.constant 0 : i32
      %dma_wait3A_319 = tpu.memref_slice %arg9[%dma_wait3A_318] : memref<10240xf32, #tpu.memory_space<vmem_shared>> -> memref<64xf32, #tpu.memory_space<vmem_shared>>
      %dma_wait3A_320 = arith.constant 0 : i32
      %dma_wait3A_321 = tpu.memref_slice %arg9[%dma_wait3A_320] : memref<10240xf32, #tpu.memory_space<vmem_shared>> -> memref<64xf32, #tpu.memory_space<vmem_shared>>
      tpu.wait_dma2 semaphore(%arg48 : memref<!tpu.dma_semaphore, #tpu.memory_space<semaphore_mem>>) src(%arg35 : memref<64xf32, #tpu.memory_space<vmem>>) dst(%dma_wait3A_321 : memref<64xf32, #tpu.memory_space<vmem_shared>>)
      %add3A_322 = arith.constant 5 : i32
      %add3A_323 = arith.addi %add3A_311, %add3A_322 : i32
      %lt3A_324 = arith.cmpi slt, %add3A_323, %min3A_11 : i32
      %convert_element_type3A_325 = arith.extui %lt3A_324 : i1 to i32
      %cond3A_326 = arith.constant 0 : i32
      %cond3A_327 = arith.cmpi ne, %convert_element_type3A_325, %cond3A_326 : i32
      scf.if %cond3A_327 {
        %dma_wait3A_551 = arith.constant 0 : i32
        %dma_wait3A_552 = tpu.memref_slice %arg3[%dma_wait3A_551] : memref<640000xi32, #tpu.memory_space<hbm>> -> memref<64xi32, #tpu.memory_space<hbm>>
        %dma_wait3A_553 = arith.constant 0 : i32
        %dma_wait3A_554 = tpu.memref_slice %arg3[%dma_wait3A_553] : memref<640000xi32, #tpu.memory_space<hbm>> -> memref<64xi32, #tpu.memory_space<hbm>>
        tpu.wait_dma2 semaphore(%arg58 : memref<!tpu.dma_semaphore, #tpu.memory_space<semaphore_mem>>) src(%dma_wait3A_554 : memref<64xi32, #tpu.memory_space<hbm>>) dst(%arg22 : memref<64xi32, #tpu.memory_space<vmem>>)
        %dma_wait3A_555 = arith.constant 0 : i32
        %dma_wait3A_556 = tpu.memref_slice %arg3[%dma_wait3A_555] : memref<640000xi32, #tpu.memory_space<hbm>> -> memref<64xi32, #tpu.memory_space<hbm>>
        %dma_wait3A_557 = arith.constant 0 : i32
        %dma_wait3A_558 = tpu.memref_slice %arg3[%dma_wait3A_557] : memref<640000xi32, #tpu.memory_space<hbm>> -> memref<64xi32, #tpu.memory_space<hbm>>
        tpu.wait_dma2 semaphore(%arg58 : memref<!tpu.dma_semaphore, #tpu.memory_space<semaphore_mem>>) src(%dma_wait3A_558 : memref<64xi32, #tpu.memory_space<hbm>>) dst(%arg32 : memref<64xi32, #tpu.memory_space<vmem>>)
        %dma_start3A_559 = arith.constant 0 : i32
        %dma_start3A_560 = arith.constant 0 : i32
        %dma_start3A_561 = tpu.memref_slice %arg2[%dma_start3A_559, %dma_start3A_560] : memref<10000x128xf32, #tpu.memory_space<hbm>> -> memref<10000x128xf32, #tpu.memory_space<hbm>>
        tpu.enqueue_indirect_dma source(%dma_start3A_561 : memref<10000x128xf32, #tpu.memory_space<hbm>>) target(%arg12 : memref<64x128xf32, #tpu.memory_space<vmem>>) offsets(%arg22 : memref<64xi32, #tpu.memory_space<vmem>>) semaphore(%arg38 : memref<!tpu.dma_semaphore, #tpu.memory_space<semaphore_mem>>)
      } else {
      }
      %add3A_328 = arith.constant 3 : i32
      %add3A_329 = arith.addi %mul3A_181, %add3A_328 : i32
      %dma_wait3A_330 = arith.constant 0 : i32
      %dma_wait3A_331 = arith.constant 0 : i32
      %dma_wait3A_332 = tpu.memref_slice %arg8[%dma_wait3A_330, %dma_wait3A_331] : memref<10240x128xf32, #tpu.memory_space<vmem_shared>> -> memref<64x128xf32, #tpu.memory_space<vmem_shared>>
      %dma_wait3A_333 = arith.constant 0 : i32
      %dma_wait3A_334 = arith.constant 0 : i32
      %dma_wait3A_335 = tpu.memref_slice %arg8[%dma_wait3A_333, %dma_wait3A_334] : memref<10240x128xf32, #tpu.memory_space<vmem_shared>> -> memref<64x128xf32, #tpu.memory_space<vmem_shared>>
      tpu.wait_dma2 semaphore(%arg44 : memref<!tpu.dma_semaphore, #tpu.memory_space<semaphore_mem>>) src(%arg13 : memref<64x128xf32, #tpu.memory_space<vmem>>) dst(%dma_wait3A_335 : memref<64x128xf32, #tpu.memory_space<vmem_shared>>)
      %dma_wait3A_336 = arith.constant 0 : i32
      %dma_wait3A_337 = tpu.memref_slice %arg9[%dma_wait3A_336] : memref<10240xf32, #tpu.memory_space<vmem_shared>> -> memref<64xf32, #tpu.memory_space<vmem_shared>>
      %dma_wait3A_338 = arith.constant 0 : i32
      %dma_wait3A_339 = tpu.memref_slice %arg9[%dma_wait3A_338] : memref<10240xf32, #tpu.memory_space<vmem_shared>> -> memref<64xf32, #tpu.memory_space<vmem_shared>>
      tpu.wait_dma2 semaphore(%arg49 : memref<!tpu.dma_semaphore, #tpu.memory_space<semaphore_mem>>) src(%arg35 : memref<64xf32, #tpu.memory_space<vmem>>) dst(%dma_wait3A_339 : memref<64xf32, #tpu.memory_space<vmem_shared>>)
      %add3A_340 = arith.constant 5 : i32
      %add3A_341 = arith.addi %add3A_329, %add3A_340 : i32
      %lt3A_342 = arith.cmpi slt, %add3A_341, %min3A_11 : i32
      %convert_element_type3A_343 = arith.extui %lt3A_342 : i1 to i32
      %cond3A_344 = arith.constant 0 : i32
      %cond3A_345 = arith.cmpi ne, %convert_element_type3A_343, %cond3A_344 : i32
      scf.if %cond3A_345 {
        %dma_wait3A_551 = arith.constant 0 : i32
        %dma_wait3A_552 = tpu.memref_slice %arg3[%dma_wait3A_551] : memref<640000xi32, #tpu.memory_space<hbm>> -> memref<64xi32, #tpu.memory_space<hbm>>
        %dma_wait3A_553 = arith.constant 0 : i32
        %dma_wait3A_554 = tpu.memref_slice %arg3[%dma_wait3A_553] : memref<640000xi32, #tpu.memory_space<hbm>> -> memref<64xi32, #tpu.memory_space<hbm>>
        tpu.wait_dma2 semaphore(%arg59 : memref<!tpu.dma_semaphore, #tpu.memory_space<semaphore_mem>>) src(%dma_wait3A_554 : memref<64xi32, #tpu.memory_space<hbm>>) dst(%arg23 : memref<64xi32, #tpu.memory_space<vmem>>)
        %dma_wait3A_555 = arith.constant 0 : i32
        %dma_wait3A_556 = tpu.memref_slice %arg3[%dma_wait3A_555] : memref<640000xi32, #tpu.memory_space<hbm>> -> memref<64xi32, #tpu.memory_space<hbm>>
        %dma_wait3A_557 = arith.constant 0 : i32
        %dma_wait3A_558 = tpu.memref_slice %arg3[%dma_wait3A_557] : memref<640000xi32, #tpu.memory_space<hbm>> -> memref<64xi32, #tpu.memory_space<hbm>>
        tpu.wait_dma2 semaphore(%arg59 : memref<!tpu.dma_semaphore, #tpu.memory_space<semaphore_mem>>) src(%dma_wait3A_558 : memref<64xi32, #tpu.memory_space<hbm>>) dst(%arg33 : memref<64xi32, #tpu.memory_space<vmem>>)
        %dma_start3A_559 = arith.constant 0 : i32
        %dma_start3A_560 = arith.constant 0 : i32
        %dma_start3A_561 = tpu.memref_slice %arg2[%dma_start3A_559, %dma_start3A_560] : memref<10000x128xf32, #tpu.memory_space<hbm>> -> memref<10000x128xf32, #tpu.memory_space<hbm>>
        tpu.enqueue_indirect_dma source(%dma_start3A_561 : memref<10000x128xf32, #tpu.memory_space<hbm>>) target(%arg13 : memref<64x128xf32, #tpu.memory_space<vmem>>) offsets(%arg23 : memref<64xi32, #tpu.memory_space<vmem>>) semaphore(%arg39 : memref<!tpu.dma_semaphore, #tpu.memory_space<semaphore_mem>>)
      } else {
      }
      %add3A_346 = arith.constant 4 : i32
      %add3A_347 = arith.addi %mul3A_181, %add3A_346 : i32
      %dma_wait3A_348 = arith.constant 0 : i32
      %dma_wait3A_349 = arith.constant 0 : i32
      %dma_wait3A_350 = tpu.memref_slice %arg8[%dma_wait3A_348, %dma_wait3A_349] : memref<10240x128xf32, #tpu.memory_space<vmem_shared>> -> memref<64x128xf32, #tpu.memory_space<vmem_shared>>
      %dma_wait3A_351 = arith.constant 0 : i32
      %dma_wait3A_352 = arith.constant 0 : i32
      %dma_wait3A_353 = tpu.memref_slice %arg8[%dma_wait3A_351, %dma_wait3A_352] : memref<10240x128xf32, #tpu.memory_space<vmem_shared>> -> memref<64x128xf32, #tpu.memory_space<vmem_shared>>
      tpu.wait_dma2 semaphore(%arg45 : memref<!tpu.dma_semaphore, #tpu.memory_space<semaphore_mem>>) src(%arg14 : memref<64x128xf32, #tpu.memory_space<vmem>>) dst(%dma_wait3A_353 : memref<64x128xf32, #tpu.memory_space<vmem_shared>>)
      %dma_wait3A_354 = arith.constant 0 : i32
      %dma_wait3A_355 = tpu.memref_slice %arg9[%dma_wait3A_354] : memref<10240xf32, #tpu.memory_space<vmem_shared>> -> memref<64xf32, #tpu.memory_space<vmem_shared>>
      %dma_wait3A_356 = arith.constant 0 : i32
      %dma_wait3A_357 = tpu.memref_slice %arg9[%dma_wait3A_356] : memref<10240xf32, #tpu.memory_space<vmem_shared>> -> memref<64xf32, #tpu.memory_space<vmem_shared>>
      tpu.wait_dma2 semaphore(%arg50 : memref<!tpu.dma_semaphore, #tpu.memory_space<semaphore_mem>>) src(%arg35 : memref<64xf32, #tpu.memory_space<vmem>>) dst(%dma_wait3A_357 : memref<64xf32, #tpu.memory_space<vmem_shared>>)
      %add3A_358 = arith.constant 5 : i32
      %add3A_359 = arith.addi %add3A_347, %add3A_358 : i32
      %lt3A_360 = arith.cmpi slt, %add3A_359, %min3A_11 : i32
      %convert_element_type3A_361 = arith.extui %lt3A_360 : i1 to i32
      %cond3A_362 = arith.constant 0 : i32
      %cond3A_363 = arith.cmpi ne, %convert_element_type3A_361, %cond3A_362 : i32
      scf.if %cond3A_363 {
        %dma_wait3A_551 = arith.constant 0 : i32
        %dma_wait3A_552 = tpu.memref_slice %arg3[%dma_wait3A_551] : memref<640000xi32, #tpu.memory_space<hbm>> -> memref<64xi32, #tpu.memory_space<hbm>>
        %dma_wait3A_553 = arith.constant 0 : i32
        %dma_wait3A_554 = tpu.memref_slice %arg3[%dma_wait3A_553] : memref<640000xi32, #tpu.memory_space<hbm>> -> memref<64xi32, #tpu.memory_space<hbm>>
        tpu.wait_dma2 semaphore(%arg60 : memref<!tpu.dma_semaphore, #tpu.memory_space<semaphore_mem>>) src(%dma_wait3A_554 : memref<64xi32, #tpu.memory_space<hbm>>) dst(%arg24 : memref<64xi32, #tpu.memory_space<vmem>>)
        %dma_wait3A_555 = arith.constant 0 : i32
        %dma_wait3A_556 = tpu.memref_slice %arg3[%dma_wait3A_555] : memref<640000xi32, #tpu.memory_space<hbm>> -> memref<64xi32, #tpu.memory_space<hbm>>
        %dma_wait3A_557 = arith.constant 0 : i32
        %dma_wait3A_558 = tpu.memref_slice %arg3[%dma_wait3A_557] : memref<640000xi32, #tpu.memory_space<hbm>> -> memref<64xi32, #tpu.memory_space<hbm>>
        tpu.wait_dma2 semaphore(%arg60 : memref<!tpu.dma_semaphore, #tpu.memory_space<semaphore_mem>>) src(%dma_wait3A_558 : memref<64xi32, #tpu.memory_space<hbm>>) dst(%arg34 : memref<64xi32, #tpu.memory_space<vmem>>)
        %dma_start3A_559 = arith.constant 0 : i32
        %dma_start3A_560 = arith.constant 0 : i32
        %dma_start3A_561 = tpu.memref_slice %arg2[%dma_start3A_559, %dma_start3A_560] : memref<10000x128xf32, #tpu.memory_space<hbm>> -> memref<10000x128xf32, #tpu.memory_space<hbm>>
        tpu.enqueue_indirect_dma source(%dma_start3A_561 : memref<10000x128xf32, #tpu.memory_space<hbm>>) target(%arg14 : memref<64x128xf32, #tpu.memory_space<vmem>>) offsets(%arg24 : memref<64xi32, #tpu.memory_space<vmem>>) semaphore(%arg40 : memref<!tpu.dma_semaphore, #tpu.memory_space<semaphore_mem>>)
      } else {
      }
      %add3A_364 = arith.constant 5 : i32
      %add3A_365 = arith.addi %mul3A_181, %add3A_364 : i32
      %add3A_366 = arith.constant 0 : i32
      %add3A_367 = arith.addi %add3A_365, %add3A_366 : i32
      %dma_wait3A_368 = arith.constant 0 : i32
      %dma_wait3A_369 = arith.constant 0 : i32
      %dma_wait3A_370 = tpu.memref_slice %arg2[%dma_wait3A_368, %dma_wait3A_369] : memref<10000x128xf32, #tpu.memory_space<hbm>> -> memref<64x128xf32, #tpu.memory_space<hbm>>
      %dma_wait3A_371 = arith.constant 0 : i32
      %dma_wait3A_372 = arith.constant 0 : i32
      %dma_wait3A_373 = tpu.memref_slice %arg2[%dma_wait3A_371, %dma_wait3A_372] : memref<10000x128xf32, #tpu.memory_space<hbm>> -> memref<64x128xf32, #tpu.memory_space<hbm>>
      tpu.wait_dma2 semaphore(%arg36 : memref<!tpu.dma_semaphore, #tpu.memory_space<semaphore_mem>>) src(%dma_wait3A_373 : memref<64x128xf32, #tpu.memory_space<hbm>>) dst(%arg10 : memref<64x128xf32, #tpu.memory_space<vmem>>)
      %dma_start3A_374 = arith.constant 0 : i32
      %dma_start3A_375 = arith.constant 0 : i32
      %dma_start3A_376 = tpu.memref_slice %arg8[%dma_start3A_374, %dma_start3A_375] : memref<10240x128xf32, #tpu.memory_space<vmem_shared>> -> memref<10240x128xf32, #tpu.memory_space<vmem_shared>>
      tpu.enqueue_indirect_dma source(%arg10 : memref<64x128xf32, #tpu.memory_space<vmem>>) target(%dma_start3A_376 : memref<10240x128xf32, #tpu.memory_space<vmem_shared>>) offsets(%arg30 : memref<64xi32, #tpu.memory_space<vmem>>) semaphore(%arg41 : memref<!tpu.dma_semaphore, #tpu.memory_space<semaphore_mem>>) {add = true}
      %dma_start3A_377 = arith.constant 0 : i32
      %dma_start3A_378 = tpu.memref_slice %arg9[%dma_start3A_377] : memref<10240xf32, #tpu.memory_space<vmem_shared>> -> memref<10240xf32, #tpu.memory_space<vmem_shared>>
      tpu.enqueue_indirect_dma source(%arg35 : memref<64xf32, #tpu.memory_space<vmem>>) target(%dma_start3A_378 : memref<10240xf32, #tpu.memory_space<vmem_shared>>) offsets(%arg30 : memref<64xi32, #tpu.memory_space<vmem>>) semaphore(%arg46 : memref<!tpu.dma_semaphore, #tpu.memory_space<semaphore_mem>>) {add = true}
      %add3A_379 = arith.constant 5 : i32
      %add3A_380 = arith.addi %add3A_367, %add3A_379 : i32
      %lt3A_381 = arith.cmpi slt, %add3A_380, %min3A_11 : i32
      %convert_element_type3A_382 = arith.extui %lt3A_381 : i1 to i32
      %cond3A_383 = arith.constant 0 : i32
      %cond3A_384 = arith.cmpi ne, %convert_element_type3A_382, %cond3A_383 : i32
      scf.if %cond3A_384 {
        %add3A_551 = arith.constant 5 : i32
        %add3A_552 = arith.addi %add3A_367, %add3A_551 : i32
        %mul3A_553 = arith.constant 64 : i32
        %mul3A_554 = arith.muli %add3A_552, %mul3A_553 : i32
        %add3A_555 = arith.addi %mul3A_6, %mul3A_554 : i32
        %dma_start3A_556 = tpu.memref_slice %arg3[%add3A_555] : memref<640000xi32, #tpu.memory_space<hbm>> -> memref<64xi32, #tpu.memory_space<hbm>>
        %dma_start3A_557 = tpu.memref_slice %arg3[%add3A_555] : memref<640000xi32, #tpu.memory_space<hbm>> -> memref<64xi32, #tpu.memory_space<hbm>>
        tpu.enqueue_dma source(%dma_start3A_557 : memref<64xi32, #tpu.memory_space<hbm>>) target(%arg15 : memref<64xi32, #tpu.memory_space<vmem>>) target_semaphore(%arg51 : memref<!tpu.dma_semaphore, #tpu.memory_space<semaphore_mem>>)
        %add3A_558 = arith.constant 320000 : i32
        %add3A_559 = arith.addi %add3A_558, %add3A_555 : i32
        %dma_start3A_560 = tpu.memref_slice %arg3[%add3A_559] : memref<640000xi32, #tpu.memory_space<hbm>> -> memref<64xi32, #tpu.memory_space<hbm>>
        %dma_start3A_561 = tpu.memref_slice %arg3[%add3A_559] : memref<640000xi32, #tpu.memory_space<hbm>> -> memref<64xi32, #tpu.memory_space<hbm>>
        tpu.enqueue_dma source(%dma_start3A_561 : memref<64xi32, #tpu.memory_space<hbm>>) target(%arg25 : memref<64xi32, #tpu.memory_space<vmem>>) target_semaphore(%arg51 : memref<!tpu.dma_semaphore, #tpu.memory_space<semaphore_mem>>)
      } else {
      }
      %add3A_385 = arith.constant 1 : i32
      %add3A_386 = arith.addi %add3A_365, %add3A_385 : i32
      %dma_wait3A_387 = arith.constant 0 : i32
      %dma_wait3A_388 = arith.constant 0 : i32
      %dma_wait3A_389 = tpu.memref_slice %arg2[%dma_wait3A_387, %dma_wait3A_388] : memref<10000x128xf32, #tpu.memory_space<hbm>> -> memref<64x128xf32, #tpu.memory_space<hbm>>
      %dma_wait3A_390 = arith.constant 0 : i32
      %dma_wait3A_391 = arith.constant 0 : i32
      %dma_wait3A_392 = tpu.memref_slice %arg2[%dma_wait3A_390, %dma_wait3A_391] : memref<10000x128xf32, #tpu.memory_space<hbm>> -> memref<64x128xf32, #tpu.memory_space<hbm>>
      tpu.wait_dma2 semaphore(%arg37 : memref<!tpu.dma_semaphore, #tpu.memory_space<semaphore_mem>>) src(%dma_wait3A_392 : memref<64x128xf32, #tpu.memory_space<hbm>>) dst(%arg11 : memref<64x128xf32, #tpu.memory_space<vmem>>)
      %dma_start3A_393 = arith.constant 0 : i32
      %dma_start3A_394 = arith.constant 0 : i32
      %dma_start3A_395 = tpu.memref_slice %arg8[%dma_start3A_393, %dma_start3A_394] : memref<10240x128xf32, #tpu.memory_space<vmem_shared>> -> memref<10240x128xf32, #tpu.memory_space<vmem_shared>>
      tpu.enqueue_indirect_dma source(%arg11 : memref<64x128xf32, #tpu.memory_space<vmem>>) target(%dma_start3A_395 : memref<10240x128xf32, #tpu.memory_space<vmem_shared>>) offsets(%arg31 : memref<64xi32, #tpu.memory_space<vmem>>) semaphore(%arg42 : memref<!tpu.dma_semaphore, #tpu.memory_space<semaphore_mem>>) {add = true}
      %dma_start3A_396 = arith.constant 0 : i32
      %dma_start3A_397 = tpu.memref_slice %arg9[%dma_start3A_396] : memref<10240xf32, #tpu.memory_space<vmem_shared>> -> memref<10240xf32, #tpu.memory_space<vmem_shared>>
      tpu.enqueue_indirect_dma source(%arg35 : memref<64xf32, #tpu.memory_space<vmem>>) target(%dma_start3A_397 : memref<10240xf32, #tpu.memory_space<vmem_shared>>) offsets(%arg31 : memref<64xi32, #tpu.memory_space<vmem>>) semaphore(%arg47 : memref<!tpu.dma_semaphore, #tpu.memory_space<semaphore_mem>>) {add = true}
      %add3A_398 = arith.constant 5 : i32
      %add3A_399 = arith.addi %add3A_386, %add3A_398 : i32
      %lt3A_400 = arith.cmpi slt, %add3A_399, %min3A_11 : i32
      %convert_element_type3A_401 = arith.extui %lt3A_400 : i1 to i32
      %cond3A_402 = arith.constant 0 : i32
      %cond3A_403 = arith.cmpi ne, %convert_element_type3A_401, %cond3A_402 : i32
      scf.if %cond3A_403 {
        %add3A_551 = arith.constant 5 : i32
        %add3A_552 = arith.addi %add3A_386, %add3A_551 : i32
        %mul3A_553 = arith.constant 64 : i32
        %mul3A_554 = arith.muli %add3A_552, %mul3A_553 : i32
        %add3A_555 = arith.addi %mul3A_6, %mul3A_554 : i32
        %dma_start3A_556 = tpu.memref_slice %arg3[%add3A_555] : memref<640000xi32, #tpu.memory_space<hbm>> -> memref<64xi32, #tpu.memory_space<hbm>>
        %dma_start3A_557 = tpu.memref_slice %arg3[%add3A_555] : memref<640000xi32, #tpu.memory_space<hbm>> -> memref<64xi32, #tpu.memory_space<hbm>>
        tpu.enqueue_dma source(%dma_start3A_557 : memref<64xi32, #tpu.memory_space<hbm>>) target(%arg16 : memref<64xi32, #tpu.memory_space<vmem>>) target_semaphore(%arg52 : memref<!tpu.dma_semaphore, #tpu.memory_space<semaphore_mem>>)
        %add3A_558 = arith.constant 320000 : i32
        %add3A_559 = arith.addi %add3A_558, %add3A_555 : i32
        %dma_start3A_560 = tpu.memref_slice %arg3[%add3A_559] : memref<640000xi32, #tpu.memory_space<hbm>> -> memref<64xi32, #tpu.memory_space<hbm>>
        %dma_start3A_561 = tpu.memref_slice %arg3[%add3A_559] : memref<640000xi32, #tpu.memory_space<hbm>> -> memref<64xi32, #tpu.memory_space<hbm>>
        tpu.enqueue_dma source(%dma_start3A_561 : memref<64xi32, #tpu.memory_space<hbm>>) target(%arg26 : memref<64xi32, #tpu.memory_space<vmem>>) target_semaphore(%arg52 : memref<!tpu.dma_semaphore, #tpu.memory_space<semaphore_mem>>)
      } else {
      }
      %add3A_404 = arith.constant 2 : i32
      %add3A_405 = arith.addi %add3A_365, %add3A_404 : i32
      %dma_wait3A_406 = arith.constant 0 : i32
      %dma_wait3A_407 = arith.constant 0 : i32
      %dma_wait3A_408 = tpu.memref_slice %arg2[%dma_wait3A_406, %dma_wait3A_407] : memref<10000x128xf32, #tpu.memory_space<hbm>> -> memref<64x128xf32, #tpu.memory_space<hbm>>
      %dma_wait3A_409 = arith.constant 0 : i32
      %dma_wait3A_410 = arith.constant 0 : i32
      %dma_wait3A_411 = tpu.memref_slice %arg2[%dma_wait3A_409, %dma_wait3A_410] : memref<10000x128xf32, #tpu.memory_space<hbm>> -> memref<64x128xf32, #tpu.memory_space<hbm>>
      tpu.wait_dma2 semaphore(%arg38 : memref<!tpu.dma_semaphore, #tpu.memory_space<semaphore_mem>>) src(%dma_wait3A_411 : memref<64x128xf32, #tpu.memory_space<hbm>>) dst(%arg12 : memref<64x128xf32, #tpu.memory_space<vmem>>)
      %dma_start3A_412 = arith.constant 0 : i32
      %dma_start3A_413 = arith.constant 0 : i32
      %dma_start3A_414 = tpu.memref_slice %arg8[%dma_start3A_412, %dma_start3A_413] : memref<10240x128xf32, #tpu.memory_space<vmem_shared>> -> memref<10240x128xf32, #tpu.memory_space<vmem_shared>>
      tpu.enqueue_indirect_dma source(%arg12 : memref<64x128xf32, #tpu.memory_space<vmem>>) target(%dma_start3A_414 : memref<10240x128xf32, #tpu.memory_space<vmem_shared>>) offsets(%arg32 : memref<64xi32, #tpu.memory_space<vmem>>) semaphore(%arg43 : memref<!tpu.dma_semaphore, #tpu.memory_space<semaphore_mem>>) {add = true}
      %dma_start3A_415 = arith.constant 0 : i32
      %dma_start3A_416 = tpu.memref_slice %arg9[%dma_start3A_415] : memref<10240xf32, #tpu.memory_space<vmem_shared>> -> memref<10240xf32, #tpu.memory_space<vmem_shared>>
      tpu.enqueue_indirect_dma source(%arg35 : memref<64xf32, #tpu.memory_space<vmem>>) target(%dma_start3A_416 : memref<10240xf32, #tpu.memory_space<vmem_shared>>) offsets(%arg32 : memref<64xi32, #tpu.memory_space<vmem>>) semaphore(%arg48 : memref<!tpu.dma_semaphore, #tpu.memory_space<semaphore_mem>>) {add = true}
      %add3A_417 = arith.constant 5 : i32
      %add3A_418 = arith.addi %add3A_405, %add3A_417 : i32
      %lt3A_419 = arith.cmpi slt, %add3A_418, %min3A_11 : i32
      %convert_element_type3A_420 = arith.extui %lt3A_419 : i1 to i32
      %cond3A_421 = arith.constant 0 : i32
      %cond3A_422 = arith.cmpi ne, %convert_element_type3A_420, %cond3A_421 : i32
      scf.if %cond3A_422 {
        %add3A_551 = arith.constant 5 : i32
        %add3A_552 = arith.addi %add3A_405, %add3A_551 : i32
        %mul3A_553 = arith.constant 64 : i32
        %mul3A_554 = arith.muli %add3A_552, %mul3A_553 : i32
        %add3A_555 = arith.addi %mul3A_6, %mul3A_554 : i32
        %dma_start3A_556 = tpu.memref_slice %arg3[%add3A_555] : memref<640000xi32, #tpu.memory_space<hbm>> -> memref<64xi32, #tpu.memory_space<hbm>>
        %dma_start3A_557 = tpu.memref_slice %arg3[%add3A_555] : memref<640000xi32, #tpu.memory_space<hbm>> -> memref<64xi32, #tpu.memory_space<hbm>>
        tpu.enqueue_dma source(%dma_start3A_557 : memref<64xi32, #tpu.memory_space<hbm>>) target(%arg17 : memref<64xi32, #tpu.memory_space<vmem>>) target_semaphore(%arg53 : memref<!tpu.dma_semaphore, #tpu.memory_space<semaphore_mem>>)
        %add3A_558 = arith.constant 320000 : i32
        %add3A_559 = arith.addi %add3A_558, %add3A_555 : i32
        %dma_start3A_560 = tpu.memref_slice %arg3[%add3A_559] : memref<640000xi32, #tpu.memory_space<hbm>> -> memref<64xi32, #tpu.memory_space<hbm>>
        %dma_start3A_561 = tpu.memref_slice %arg3[%add3A_559] : memref<640000xi32, #tpu.memory_space<hbm>> -> memref<64xi32, #tpu.memory_space<hbm>>
        tpu.enqueue_dma source(%dma_start3A_561 : memref<64xi32, #tpu.memory_space<hbm>>) target(%arg27 : memref<64xi32, #tpu.memory_space<vmem>>) target_semaphore(%arg53 : memref<!tpu.dma_semaphore, #tpu.memory_space<semaphore_mem>>)
      } else {
      }
      %add3A_423 = arith.constant 3 : i32
      %add3A_424 = arith.addi %add3A_365, %add3A_423 : i32
      %dma_wait3A_425 = arith.constant 0 : i32
      %dma_wait3A_426 = arith.constant 0 : i32
      %dma_wait3A_427 = tpu.memref_slice %arg2[%dma_wait3A_425, %dma_wait3A_426] : memref<10000x128xf32, #tpu.memory_space<hbm>> -> memref<64x128xf32, #tpu.memory_space<hbm>>
      %dma_wait3A_428 = arith.constant 0 : i32
      %dma_wait3A_429 = arith.constant 0 : i32
      %dma_wait3A_430 = tpu.memref_slice %arg2[%dma_wait3A_428, %dma_wait3A_429] : memref<10000x128xf32, #tpu.memory_space<hbm>> -> memref<64x128xf32, #tpu.memory_space<hbm>>
      tpu.wait_dma2 semaphore(%arg39 : memref<!tpu.dma_semaphore, #tpu.memory_space<semaphore_mem>>) src(%dma_wait3A_430 : memref<64x128xf32, #tpu.memory_space<hbm>>) dst(%arg13 : memref<64x128xf32, #tpu.memory_space<vmem>>)
      %dma_start3A_431 = arith.constant 0 : i32
      %dma_start3A_432 = arith.constant 0 : i32
      %dma_start3A_433 = tpu.memref_slice %arg8[%dma_start3A_431, %dma_start3A_432] : memref<10240x128xf32, #tpu.memory_space<vmem_shared>> -> memref<10240x128xf32, #tpu.memory_space<vmem_shared>>
      tpu.enqueue_indirect_dma source(%arg13 : memref<64x128xf32, #tpu.memory_space<vmem>>) target(%dma_start3A_433 : memref<10240x128xf32, #tpu.memory_space<vmem_shared>>) offsets(%arg33 : memref<64xi32, #tpu.memory_space<vmem>>) semaphore(%arg44 : memref<!tpu.dma_semaphore, #tpu.memory_space<semaphore_mem>>) {add = true}
      %dma_start3A_434 = arith.constant 0 : i32
      %dma_start3A_435 = tpu.memref_slice %arg9[%dma_start3A_434] : memref<10240xf32, #tpu.memory_space<vmem_shared>> -> memref<10240xf32, #tpu.memory_space<vmem_shared>>
      tpu.enqueue_indirect_dma source(%arg35 : memref<64xf32, #tpu.memory_space<vmem>>) target(%dma_start3A_435 : memref<10240xf32, #tpu.memory_space<vmem_shared>>) offsets(%arg33 : memref<64xi32, #tpu.memory_space<vmem>>) semaphore(%arg49 : memref<!tpu.dma_semaphore, #tpu.memory_space<semaphore_mem>>) {add = true}
      %add3A_436 = arith.constant 5 : i32
      %add3A_437 = arith.addi %add3A_424, %add3A_436 : i32
      %lt3A_438 = arith.cmpi slt, %add3A_437, %min3A_11 : i32
      %convert_element_type3A_439 = arith.extui %lt3A_438 : i1 to i32
      %cond3A_440 = arith.constant 0 : i32
      %cond3A_441 = arith.cmpi ne, %convert_element_type3A_439, %cond3A_440 : i32
      scf.if %cond3A_441 {
        %add3A_551 = arith.constant 5 : i32
        %add3A_552 = arith.addi %add3A_424, %add3A_551 : i32
        %mul3A_553 = arith.constant 64 : i32
        %mul3A_554 = arith.muli %add3A_552, %mul3A_553 : i32
        %add3A_555 = arith.addi %mul3A_6, %mul3A_554 : i32
        %dma_start3A_556 = tpu.memref_slice %arg3[%add3A_555] : memref<640000xi32, #tpu.memory_space<hbm>> -> memref<64xi32, #tpu.memory_space<hbm>>
        %dma_start3A_557 = tpu.memref_slice %arg3[%add3A_555] : memref<640000xi32, #tpu.memory_space<hbm>> -> memref<64xi32, #tpu.memory_space<hbm>>
        tpu.enqueue_dma source(%dma_start3A_557 : memref<64xi32, #tpu.memory_space<hbm>>) target(%arg18 : memref<64xi32, #tpu.memory_space<vmem>>) target_semaphore(%arg54 : memref<!tpu.dma_semaphore, #tpu.memory_space<semaphore_mem>>)
        %add3A_558 = arith.constant 320000 : i32
        %add3A_559 = arith.addi %add3A_558, %add3A_555 : i32
        %dma_start3A_560 = tpu.memref_slice %arg3[%add3A_559] : memref<640000xi32, #tpu.memory_space<hbm>> -> memref<64xi32, #tpu.memory_space<hbm>>
        %dma_start3A_561 = tpu.memref_slice %arg3[%add3A_559] : memref<640000xi32, #tpu.memory_space<hbm>> -> memref<64xi32, #tpu.memory_space<hbm>>
        tpu.enqueue_dma source(%dma_start3A_561 : memref<64xi32, #tpu.memory_space<hbm>>) target(%arg28 : memref<64xi32, #tpu.memory_space<vmem>>) target_semaphore(%arg54 : memref<!tpu.dma_semaphore, #tpu.memory_space<semaphore_mem>>)
      } else {
      }
      %add3A_442 = arith.constant 4 : i32
      %add3A_443 = arith.addi %add3A_365, %add3A_442 : i32
      %dma_wait3A_444 = arith.constant 0 : i32
      %dma_wait3A_445 = arith.constant 0 : i32
      %dma_wait3A_446 = tpu.memref_slice %arg2[%dma_wait3A_444, %dma_wait3A_445] : memref<10000x128xf32, #tpu.memory_space<hbm>> -> memref<64x128xf32, #tpu.memory_space<hbm>>
      %dma_wait3A_447 = arith.constant 0 : i32
      %dma_wait3A_448 = arith.constant 0 : i32
      %dma_wait3A_449 = tpu.memref_slice %arg2[%dma_wait3A_447, %dma_wait3A_448] : memref<10000x128xf32, #tpu.memory_space<hbm>> -> memref<64x128xf32, #tpu.memory_space<hbm>>
      tpu.wait_dma2 semaphore(%arg40 : memref<!tpu.dma_semaphore, #tpu.memory_space<semaphore_mem>>) src(%dma_wait3A_449 : memref<64x128xf32, #tpu.memory_space<hbm>>) dst(%arg14 : memref<64x128xf32, #tpu.memory_space<vmem>>)
      %dma_start3A_450 = arith.constant 0 : i32
      %dma_start3A_451 = arith.constant 0 : i32
      %dma_start3A_452 = tpu.memref_slice %arg8[%dma_start3A_450, %dma_start3A_451] : memref<10240x128xf32, #tpu.memory_space<vmem_shared>> -> memref<10240x128xf32, #tpu.memory_space<vmem_shared>>
      tpu.enqueue_indirect_dma source(%arg14 : memref<64x128xf32, #tpu.memory_space<vmem>>) target(%dma_start3A_452 : memref<10240x128xf32, #tpu.memory_space<vmem_shared>>) offsets(%arg34 : memref<64xi32, #tpu.memory_space<vmem>>) semaphore(%arg45 : memref<!tpu.dma_semaphore, #tpu.memory_space<semaphore_mem>>) {add = true}
      %dma_start3A_453 = arith.constant 0 : i32
      %dma_start3A_454 = tpu.memref_slice %arg9[%dma_start3A_453] : memref<10240xf32, #tpu.memory_space<vmem_shared>> -> memref<10240xf32, #tpu.memory_space<vmem_shared>>
      tpu.enqueue_indirect_dma source(%arg35 : memref<64xf32, #tpu.memory_space<vmem>>) target(%dma_start3A_454 : memref<10240xf32, #tpu.memory_space<vmem_shared>>) offsets(%arg34 : memref<64xi32, #tpu.memory_space<vmem>>) semaphore(%arg50 : memref<!tpu.dma_semaphore, #tpu.memory_space<semaphore_mem>>) {add = true}
      %add3A_455 = arith.constant 5 : i32
      %add3A_456 = arith.addi %add3A_443, %add3A_455 : i32
      %lt3A_457 = arith.cmpi slt, %add3A_456, %min3A_11 : i32
      %convert_element_type3A_458 = arith.extui %lt3A_457 : i1 to i32
      %cond3A_459 = arith.constant 0 : i32
      %cond3A_460 = arith.cmpi ne, %convert_element_type3A_458, %cond3A_459 : i32
      scf.if %cond3A_460 {
        %add3A_551 = arith.constant 5 : i32
        %add3A_552 = arith.addi %add3A_443, %add3A_551 : i32
        %mul3A_553 = arith.constant 64 : i32
        %mul3A_554 = arith.muli %add3A_552, %mul3A_553 : i32
        %add3A_555 = arith.addi %mul3A_6, %mul3A_554 : i32
        %dma_start3A_556 = tpu.memref_slice %arg3[%add3A_555] : memref<640000xi32, #tpu.memory_space<hbm>> -> memref<64xi32, #tpu.memory_space<hbm>>
        %dma_start3A_557 = tpu.memref_slice %arg3[%add3A_555] : memref<640000xi32, #tpu.memory_space<hbm>> -> memref<64xi32, #tpu.memory_space<hbm>>
        tpu.enqueue_dma source(%dma_start3A_557 : memref<64xi32, #tpu.memory_space<hbm>>) target(%arg19 : memref<64xi32, #tpu.memory_space<vmem>>) target_semaphore(%arg55 : memref<!tpu.dma_semaphore, #tpu.memory_space<semaphore_mem>>)
        %add3A_558 = arith.constant 320000 : i32
        %add3A_559 = arith.addi %add3A_558, %add3A_555 : i32
        %dma_start3A_560 = tpu.memref_slice %arg3[%add3A_559] : memref<640000xi32, #tpu.memory_space<hbm>> -> memref<64xi32, #tpu.memory_space<hbm>>
        %dma_start3A_561 = tpu.memref_slice %arg3[%add3A_559] : memref<640000xi32, #tpu.memory_space<hbm>> -> memref<64xi32, #tpu.memory_space<hbm>>
        tpu.enqueue_dma source(%dma_start3A_561 : memref<64xi32, #tpu.memory_space<hbm>>) target(%arg29 : memref<64xi32, #tpu.memory_space<vmem>>) target_semaphore(%arg55 : memref<!tpu.dma_semaphore, #tpu.memory_space<semaphore_mem>>)
      } else {
      }
      %add3A_461 = arith.constant 0 : i32
      %add3A_462 = arith.addi %add3A_365, %add3A_461 : i32
      %dma_wait3A_463 = arith.constant 0 : i32
      %dma_wait3A_464 = arith.constant 0 : i32
      %dma_wait3A_465 = tpu.memref_slice %arg8[%dma_wait3A_463, %dma_wait3A_464] : memref<10240x128xf32, #tpu.memory_space<vmem_shared>> -> memref<64x128xf32, #tpu.memory_space<vmem_shared>>
      %dma_wait3A_466 = arith.constant 0 : i32
      %dma_wait3A_467 = arith.constant 0 : i32
      %dma_wait3A_468 = tpu.memref_slice %arg8[%dma_wait3A_466, %dma_wait3A_467] : memref<10240x128xf32, #tpu.memory_space<vmem_shared>> -> memref<64x128xf32, #tpu.memory_space<vmem_shared>>
      tpu.wait_dma2 semaphore(%arg41 : memref<!tpu.dma_semaphore, #tpu.memory_space<semaphore_mem>>) src(%arg10 : memref<64x128xf32, #tpu.memory_space<vmem>>) dst(%dma_wait3A_468 : memref<64x128xf32, #tpu.memory_space<vmem_shared>>)
      %dma_wait3A_469 = arith.constant 0 : i32
      %dma_wait3A_470 = tpu.memref_slice %arg9[%dma_wait3A_469] : memref<10240xf32, #tpu.memory_space<vmem_shared>> -> memref<64xf32, #tpu.memory_space<vmem_shared>>
      %dma_wait3A_471 = arith.constant 0 : i32
      %dma_wait3A_472 = tpu.memref_slice %arg9[%dma_wait3A_471] : memref<10240xf32, #tpu.memory_space<vmem_shared>> -> memref<64xf32, #tpu.memory_space<vmem_shared>>
      tpu.wait_dma2 semaphore(%arg46 : memref<!tpu.dma_semaphore, #tpu.memory_space<semaphore_mem>>) src(%arg35 : memref<64xf32, #tpu.memory_space<vmem>>) dst(%dma_wait3A_472 : memref<64xf32, #tpu.memory_space<vmem_shared>>)
      %add3A_473 = arith.constant 5 : i32
      %add3A_474 = arith.addi %add3A_462, %add3A_473 : i32
      %lt3A_475 = arith.cmpi slt, %add3A_474, %min3A_11 : i32
      %convert_element_type3A_476 = arith.extui %lt3A_475 : i1 to i32
      %cond3A_477 = arith.constant 0 : i32
      %cond3A_478 = arith.cmpi ne, %convert_element_type3A_476, %cond3A_477 : i32
      scf.if %cond3A_478 {
        %dma_wait3A_551 = arith.constant 0 : i32
        %dma_wait3A_552 = tpu.memref_slice %arg3[%dma_wait3A_551] : memref<640000xi32, #tpu.memory_space<hbm>> -> memref<64xi32, #tpu.memory_space<hbm>>
        %dma_wait3A_553 = arith.constant 0 : i32
        %dma_wait3A_554 = tpu.memref_slice %arg3[%dma_wait3A_553] : memref<640000xi32, #tpu.memory_space<hbm>> -> memref<64xi32, #tpu.memory_space<hbm>>
        tpu.wait_dma2 semaphore(%arg51 : memref<!tpu.dma_semaphore, #tpu.memory_space<semaphore_mem>>) src(%dma_wait3A_554 : memref<64xi32, #tpu.memory_space<hbm>>) dst(%arg15 : memref<64xi32, #tpu.memory_space<vmem>>)
        %dma_wait3A_555 = arith.constant 0 : i32
        %dma_wait3A_556 = tpu.memref_slice %arg3[%dma_wait3A_555] : memref<640000xi32, #tpu.memory_space<hbm>> -> memref<64xi32, #tpu.memory_space<hbm>>
        %dma_wait3A_557 = arith.constant 0 : i32
        %dma_wait3A_558 = tpu.memref_slice %arg3[%dma_wait3A_557] : memref<640000xi32, #tpu.memory_space<hbm>> -> memref<64xi32, #tpu.memory_space<hbm>>
        tpu.wait_dma2 semaphore(%arg51 : memref<!tpu.dma_semaphore, #tpu.memory_space<semaphore_mem>>) src(%dma_wait3A_558 : memref<64xi32, #tpu.memory_space<hbm>>) dst(%arg25 : memref<64xi32, #tpu.memory_space<vmem>>)
        %dma_start3A_559 = arith.constant 0 : i32
        %dma_start3A_560 = arith.constant 0 : i32
        %dma_start3A_561 = tpu.memref_slice %arg2[%dma_start3A_559, %dma_start3A_560] : memref<10000x128xf32, #tpu.memory_space<hbm>> -> memref<10000x128xf32, #tpu.memory_space<hbm>>
        tpu.enqueue_indirect_dma source(%dma_start3A_561 : memref<10000x128xf32, #tpu.memory_space<hbm>>) target(%arg10 : memref<64x128xf32, #tpu.memory_space<vmem>>) offsets(%arg15 : memref<64xi32, #tpu.memory_space<vmem>>) semaphore(%arg36 : memref<!tpu.dma_semaphore, #tpu.memory_space<semaphore_mem>>)
      } else {
      }
      %add3A_479 = arith.constant 1 : i32
      %add3A_480 = arith.addi %add3A_365, %add3A_479 : i32
      %dma_wait3A_481 = arith.constant 0 : i32
      %dma_wait3A_482 = arith.constant 0 : i32
      %dma_wait3A_483 = tpu.memref_slice %arg8[%dma_wait3A_481, %dma_wait3A_482] : memref<10240x128xf32, #tpu.memory_space<vmem_shared>> -> memref<64x128xf32, #tpu.memory_space<vmem_shared>>
      %dma_wait3A_484 = arith.constant 0 : i32
      %dma_wait3A_485 = arith.constant 0 : i32
      %dma_wait3A_486 = tpu.memref_slice %arg8[%dma_wait3A_484, %dma_wait3A_485] : memref<10240x128xf32, #tpu.memory_space<vmem_shared>> -> memref<64x128xf32, #tpu.memory_space<vmem_shared>>
      tpu.wait_dma2 semaphore(%arg42 : memref<!tpu.dma_semaphore, #tpu.memory_space<semaphore_mem>>) src(%arg11 : memref<64x128xf32, #tpu.memory_space<vmem>>) dst(%dma_wait3A_486 : memref<64x128xf32, #tpu.memory_space<vmem_shared>>)
      %dma_wait3A_487 = arith.constant 0 : i32
      %dma_wait3A_488 = tpu.memref_slice %arg9[%dma_wait3A_487] : memref<10240xf32, #tpu.memory_space<vmem_shared>> -> memref<64xf32, #tpu.memory_space<vmem_shared>>
      %dma_wait3A_489 = arith.constant 0 : i32
      %dma_wait3A_490 = tpu.memref_slice %arg9[%dma_wait3A_489] : memref<10240xf32, #tpu.memory_space<vmem_shared>> -> memref<64xf32, #tpu.memory_space<vmem_shared>>
      tpu.wait_dma2 semaphore(%arg47 : memref<!tpu.dma_semaphore, #tpu.memory_space<semaphore_mem>>) src(%arg35 : memref<64xf32, #tpu.memory_space<vmem>>) dst(%dma_wait3A_490 : memref<64xf32, #tpu.memory_space<vmem_shared>>)
      %add3A_491 = arith.constant 5 : i32
      %add3A_492 = arith.addi %add3A_480, %add3A_491 : i32
      %lt3A_493 = arith.cmpi slt, %add3A_492, %min3A_11 : i32
      %convert_element_type3A_494 = arith.extui %lt3A_493 : i1 to i32
      %cond3A_495 = arith.constant 0 : i32
      %cond3A_496 = arith.cmpi ne, %convert_element_type3A_494, %cond3A_495 : i32
      scf.if %cond3A_496 {
        %dma_wait3A_551 = arith.constant 0 : i32
        %dma_wait3A_552 = tpu.memref_slice %arg3[%dma_wait3A_551] : memref<640000xi32, #tpu.memory_space<hbm>> -> memref<64xi32, #tpu.memory_space<hbm>>
        %dma_wait3A_553 = arith.constant 0 : i32
        %dma_wait3A_554 = tpu.memref_slice %arg3[%dma_wait3A_553] : memref<640000xi32, #tpu.memory_space<hbm>> -> memref<64xi32, #tpu.memory_space<hbm>>
        tpu.wait_dma2 semaphore(%arg52 : memref<!tpu.dma_semaphore, #tpu.memory_space<semaphore_mem>>) src(%dma_wait3A_554 : memref<64xi32, #tpu.memory_space<hbm>>) dst(%arg16 : memref<64xi32, #tpu.memory_space<vmem>>)
        %dma_wait3A_555 = arith.constant 0 : i32
        %dma_wait3A_556 = tpu.memref_slice %arg3[%dma_wait3A_555] : memref<640000xi32, #tpu.memory_space<hbm>> -> memref<64xi32, #tpu.memory_space<hbm>>
        %dma_wait3A_557 = arith.constant 0 : i32
        %dma_wait3A_558 = tpu.memref_slice %arg3[%dma_wait3A_557] : memref<640000xi32, #tpu.memory_space<hbm>> -> memref<64xi32, #tpu.memory_space<hbm>>
        tpu.wait_dma2 semaphore(%arg52 : memref<!tpu.dma_semaphore, #tpu.memory_space<semaphore_mem>>) src(%dma_wait3A_558 : memref<64xi32, #tpu.memory_space<hbm>>) dst(%arg26 : memref<64xi32, #tpu.memory_space<vmem>>)
        %dma_start3A_559 = arith.constant 0 : i32
        %dma_start3A_560 = arith.constant 0 : i32
        %dma_start3A_561 = tpu.memref_slice %arg2[%dma_start3A_559, %dma_start3A_560] : memref<10000x128xf32, #tpu.memory_space<hbm>> -> memref<10000x128xf32, #tpu.memory_space<hbm>>
        tpu.enqueue_indirect_dma source(%dma_start3A_561 : memref<10000x128xf32, #tpu.memory_space<hbm>>) target(%arg11 : memref<64x128xf32, #tpu.memory_space<vmem>>) offsets(%arg16 : memref<64xi32, #tpu.memory_space<vmem>>) semaphore(%arg37 : memref<!tpu.dma_semaphore, #tpu.memory_space<semaphore_mem>>)
      } else {
      }
      %add3A_497 = arith.constant 2 : i32
      %add3A_498 = arith.addi %add3A_365, %add3A_497 : i32
      %dma_wait3A_499 = arith.constant 0 : i32
      %dma_wait3A_500 = arith.constant 0 : i32
      %dma_wait3A_501 = tpu.memref_slice %arg8[%dma_wait3A_499, %dma_wait3A_500] : memref<10240x128xf32, #tpu.memory_space<vmem_shared>> -> memref<64x128xf32, #tpu.memory_space<vmem_shared>>
      %dma_wait3A_502 = arith.constant 0 : i32
      %dma_wait3A_503 = arith.constant 0 : i32
      %dma_wait3A_504 = tpu.memref_slice %arg8[%dma_wait3A_502, %dma_wait3A_503] : memref<10240x128xf32, #tpu.memory_space<vmem_shared>> -> memref<64x128xf32, #tpu.memory_space<vmem_shared>>
      tpu.wait_dma2 semaphore(%arg43 : memref<!tpu.dma_semaphore, #tpu.memory_space<semaphore_mem>>) src(%arg12 : memref<64x128xf32, #tpu.memory_space<vmem>>) dst(%dma_wait3A_504 : memref<64x128xf32, #tpu.memory_space<vmem_shared>>)
      %dma_wait3A_505 = arith.constant 0 : i32
      %dma_wait3A_506 = tpu.memref_slice %arg9[%dma_wait3A_505] : memref<10240xf32, #tpu.memory_space<vmem_shared>> -> memref<64xf32, #tpu.memory_space<vmem_shared>>
      %dma_wait3A_507 = arith.constant 0 : i32
      %dma_wait3A_508 = tpu.memref_slice %arg9[%dma_wait3A_507] : memref<10240xf32, #tpu.memory_space<vmem_shared>> -> memref<64xf32, #tpu.memory_space<vmem_shared>>
      tpu.wait_dma2 semaphore(%arg48 : memref<!tpu.dma_semaphore, #tpu.memory_space<semaphore_mem>>) src(%arg35 : memref<64xf32, #tpu.memory_space<vmem>>) dst(%dma_wait3A_508 : memref<64xf32, #tpu.memory_space<vmem_shared>>)
      %add3A_509 = arith.constant 5 : i32
      %add3A_510 = arith.addi %add3A_498, %add3A_509 : i32
      %lt3A_511 = arith.cmpi slt, %add3A_510, %min3A_11 : i32
      %convert_element_type3A_512 = arith.extui %lt3A_511 : i1 to i32
      %cond3A_513 = arith.constant 0 : i32
      %cond3A_514 = arith.cmpi ne, %convert_element_type3A_512, %cond3A_513 : i32
      scf.if %cond3A_514 {
        %dma_wait3A_551 = arith.constant 0 : i32
        %dma_wait3A_552 = tpu.memref_slice %arg3[%dma_wait3A_551] : memref<640000xi32, #tpu.memory_space<hbm>> -> memref<64xi32, #tpu.memory_space<hbm>>
        %dma_wait3A_553 = arith.constant 0 : i32
        %dma_wait3A_554 = tpu.memref_slice %arg3[%dma_wait3A_553] : memref<640000xi32, #tpu.memory_space<hbm>> -> memref<64xi32, #tpu.memory_space<hbm>>
        tpu.wait_dma2 semaphore(%arg53 : memref<!tpu.dma_semaphore, #tpu.memory_space<semaphore_mem>>) src(%dma_wait3A_554 : memref<64xi32, #tpu.memory_space<hbm>>) dst(%arg17 : memref<64xi32, #tpu.memory_space<vmem>>)
        %dma_wait3A_555 = arith.constant 0 : i32
        %dma_wait3A_556 = tpu.memref_slice %arg3[%dma_wait3A_555] : memref<640000xi32, #tpu.memory_space<hbm>> -> memref<64xi32, #tpu.memory_space<hbm>>
        %dma_wait3A_557 = arith.constant 0 : i32
        %dma_wait3A_558 = tpu.memref_slice %arg3[%dma_wait3A_557] : memref<640000xi32, #tpu.memory_space<hbm>> -> memref<64xi32, #tpu.memory_space<hbm>>
        tpu.wait_dma2 semaphore(%arg53 : memref<!tpu.dma_semaphore, #tpu.memory_space<semaphore_mem>>) src(%dma_wait3A_558 : memref<64xi32, #tpu.memory_space<hbm>>) dst(%arg27 : memref<64xi32, #tpu.memory_space<vmem>>)
        %dma_start3A_559 = arith.constant 0 : i32
        %dma_start3A_560 = arith.constant 0 : i32
        %dma_start3A_561 = tpu.memref_slice %arg2[%dma_start3A_559, %dma_start3A_560] : memref<10000x128xf32, #tpu.memory_space<hbm>> -> memref<10000x128xf32, #tpu.memory_space<hbm>>
        tpu.enqueue_indirect_dma source(%dma_start3A_561 : memref<10000x128xf32, #tpu.memory_space<hbm>>) target(%arg12 : memref<64x128xf32, #tpu.memory_space<vmem>>) offsets(%arg17 : memref<64xi32, #tpu.memory_space<vmem>>) semaphore(%arg38 : memref<!tpu.dma_semaphore, #tpu.memory_space<semaphore_mem>>)
      } else {
      }
      %add3A_515 = arith.constant 3 : i32
      %add3A_516 = arith.addi %add3A_365, %add3A_515 : i32
      %dma_wait3A_517 = arith.constant 0 : i32
      %dma_wait3A_518 = arith.constant 0 : i32
      %dma_wait3A_519 = tpu.memref_slice %arg8[%dma_wait3A_517, %dma_wait3A_518] : memref<10240x128xf32, #tpu.memory_space<vmem_shared>> -> memref<64x128xf32, #tpu.memory_space<vmem_shared>>
      %dma_wait3A_520 = arith.constant 0 : i32
      %dma_wait3A_521 = arith.constant 0 : i32
      %dma_wait3A_522 = tpu.memref_slice %arg8[%dma_wait3A_520, %dma_wait3A_521] : memref<10240x128xf32, #tpu.memory_space<vmem_shared>> -> memref<64x128xf32, #tpu.memory_space<vmem_shared>>
      tpu.wait_dma2 semaphore(%arg44 : memref<!tpu.dma_semaphore, #tpu.memory_space<semaphore_mem>>) src(%arg13 : memref<64x128xf32, #tpu.memory_space<vmem>>) dst(%dma_wait3A_522 : memref<64x128xf32, #tpu.memory_space<vmem_shared>>)
      %dma_wait3A_523 = arith.constant 0 : i32
      %dma_wait3A_524 = tpu.memref_slice %arg9[%dma_wait3A_523] : memref<10240xf32, #tpu.memory_space<vmem_shared>> -> memref<64xf32, #tpu.memory_space<vmem_shared>>
      %dma_wait3A_525 = arith.constant 0 : i32
      %dma_wait3A_526 = tpu.memref_slice %arg9[%dma_wait3A_525] : memref<10240xf32, #tpu.memory_space<vmem_shared>> -> memref<64xf32, #tpu.memory_space<vmem_shared>>
      tpu.wait_dma2 semaphore(%arg49 : memref<!tpu.dma_semaphore, #tpu.memory_space<semaphore_mem>>) src(%arg35 : memref<64xf32, #tpu.memory_space<vmem>>) dst(%dma_wait3A_526 : memref<64xf32, #tpu.memory_space<vmem_shared>>)
      %add3A_527 = arith.constant 5 : i32
      %add3A_528 = arith.addi %add3A_516, %add3A_527 : i32
      %lt3A_529 = arith.cmpi slt, %add3A_528, %min3A_11 : i32
      %convert_element_type3A_530 = arith.extui %lt3A_529 : i1 to i32
      %cond3A_531 = arith.constant 0 : i32
      %cond3A_532 = arith.cmpi ne, %convert_element_type3A_530, %cond3A_531 : i32
      scf.if %cond3A_532 {
        %dma_wait3A_551 = arith.constant 0 : i32
        %dma_wait3A_552 = tpu.memref_slice %arg3[%dma_wait3A_551] : memref<640000xi32, #tpu.memory_space<hbm>> -> memref<64xi32, #tpu.memory_space<hbm>>
        %dma_wait3A_553 = arith.constant 0 : i32
        %dma_wait3A_554 = tpu.memref_slice %arg3[%dma_wait3A_553] : memref<640000xi32, #tpu.memory_space<hbm>> -> memref<64xi32, #tpu.memory_space<hbm>>
        tpu.wait_dma2 semaphore(%arg54 : memref<!tpu.dma_semaphore, #tpu.memory_space<semaphore_mem>>) src(%dma_wait3A_554 : memref<64xi32, #tpu.memory_space<hbm>>) dst(%arg18 : memref<64xi32, #tpu.memory_space<vmem>>)
        %dma_wait3A_555 = arith.constant 0 : i32
        %dma_wait3A_556 = tpu.memref_slice %arg3[%dma_wait3A_555] : memref<640000xi32, #tpu.memory_space<hbm>> -> memref<64xi32, #tpu.memory_space<hbm>>
        %dma_wait3A_557 = arith.constant 0 : i32
        %dma_wait3A_558 = tpu.memref_slice %arg3[%dma_wait3A_557] : memref<640000xi32, #tpu.memory_space<hbm>> -> memref<64xi32, #tpu.memory_space<hbm>>
        tpu.wait_dma2 semaphore(%arg54 : memref<!tpu.dma_semaphore, #tpu.memory_space<semaphore_mem>>) src(%dma_wait3A_558 : memref<64xi32, #tpu.memory_space<hbm>>) dst(%arg28 : memref<64xi32, #tpu.memory_space<vmem>>)
        %dma_start3A_559 = arith.constant 0 : i32
        %dma_start3A_560 = arith.constant 0 : i32
        %dma_start3A_561 = tpu.memref_slice %arg2[%dma_start3A_559, %dma_start3A_560] : memref<10000x128xf32, #tpu.memory_space<hbm>> -> memref<10000x128xf32, #tpu.memory_space<hbm>>
        tpu.enqueue_indirect_dma source(%dma_start3A_561 : memref<10000x128xf32, #tpu.memory_space<hbm>>) target(%arg13 : memref<64x128xf32, #tpu.memory_space<vmem>>) offsets(%arg18 : memref<64xi32, #tpu.memory_space<vmem>>) semaphore(%arg39 : memref<!tpu.dma_semaphore, #tpu.memory_space<semaphore_mem>>)
      } else {
      }
      %add3A_533 = arith.constant 4 : i32
      %add3A_534 = arith.addi %add3A_365, %add3A_533 : i32
      %dma_wait3A_535 = arith.constant 0 : i32
      %dma_wait3A_536 = arith.constant 0 : i32
      %dma_wait3A_537 = tpu.memref_slice %arg8[%dma_wait3A_535, %dma_wait3A_536] : memref<10240x128xf32, #tpu.memory_space<vmem_shared>> -> memref<64x128xf32, #tpu.memory_space<vmem_shared>>
      %dma_wait3A_538 = arith.constant 0 : i32
      %dma_wait3A_539 = arith.constant 0 : i32
      %dma_wait3A_540 = tpu.memref_slice %arg8[%dma_wait3A_538, %dma_wait3A_539] : memref<10240x128xf32, #tpu.memory_space<vmem_shared>> -> memref<64x128xf32, #tpu.memory_space<vmem_shared>>
      tpu.wait_dma2 semaphore(%arg45 : memref<!tpu.dma_semaphore, #tpu.memory_space<semaphore_mem>>) src(%arg14 : memref<64x128xf32, #tpu.memory_space<vmem>>) dst(%dma_wait3A_540 : memref<64x128xf32, #tpu.memory_space<vmem_shared>>)
      %dma_wait3A_541 = arith.constant 0 : i32
      %dma_wait3A_542 = tpu.memref_slice %arg9[%dma_wait3A_541] : memref<10240xf32, #tpu.memory_space<vmem_shared>> -> memref<64xf32, #tpu.memory_space<vmem_shared>>
      %dma_wait3A_543 = arith.constant 0 : i32
      %dma_wait3A_544 = tpu.memref_slice %arg9[%dma_wait3A_543] : memref<10240xf32, #tpu.memory_space<vmem_shared>> -> memref<64xf32, #tpu.memory_space<vmem_shared>>
      tpu.wait_dma2 semaphore(%arg50 : memref<!tpu.dma_semaphore, #tpu.memory_space<semaphore_mem>>) src(%arg35 : memref<64xf32, #tpu.memory_space<vmem>>) dst(%dma_wait3A_544 : memref<64xf32, #tpu.memory_space<vmem_shared>>)
      %add3A_545 = arith.constant 5 : i32
      %add3A_546 = arith.addi %add3A_534, %add3A_545 : i32
      %lt3A_547 = arith.cmpi slt, %add3A_546, %min3A_11 : i32
      %convert_element_type3A_548 = arith.extui %lt3A_547 : i1 to i32
      %cond3A_549 = arith.constant 0 : i32
      %cond3A_550 = arith.cmpi ne, %convert_element_type3A_548, %cond3A_549 : i32
      scf.if %cond3A_550 {
        %dma_wait3A_551 = arith.constant 0 : i32
        %dma_wait3A_552 = tpu.memref_slice %arg3[%dma_wait3A_551] : memref<640000xi32, #tpu.memory_space<hbm>> -> memref<64xi32, #tpu.memory_space<hbm>>
        %dma_wait3A_553 = arith.constant 0 : i32
        %dma_wait3A_554 = tpu.memref_slice %arg3[%dma_wait3A_553] : memref<640000xi32, #tpu.memory_space<hbm>> -> memref<64xi32, #tpu.memory_space<hbm>>
        tpu.wait_dma2 semaphore(%arg55 : memref<!tpu.dma_semaphore, #tpu.memory_space<semaphore_mem>>) src(%dma_wait3A_554 : memref<64xi32, #tpu.memory_space<hbm>>) dst(%arg19 : memref<64xi32, #tpu.memory_space<vmem>>)
        %dma_wait3A_555 = arith.constant 0 : i32
        %dma_wait3A_556 = tpu.memref_slice %arg3[%dma_wait3A_555] : memref<640000xi32, #tpu.memory_space<hbm>> -> memref<64xi32, #tpu.memory_space<hbm>>
        %dma_wait3A_557 = arith.constant 0 : i32
        %dma_wait3A_558 = tpu.memref_slice %arg3[%dma_wait3A_557] : memref<640000xi32, #tpu.memory_space<hbm>> -> memref<64xi32, #tpu.memory_space<hbm>>
        tpu.wait_dma2 semaphore(%arg55 : memref<!tpu.dma_semaphore, #tpu.memory_space<semaphore_mem>>) src(%dma_wait3A_558 : memref<64xi32, #tpu.memory_space<hbm>>) dst(%arg29 : memref<64xi32, #tpu.memory_space<vmem>>)
        %dma_start3A_559 = arith.constant 0 : i32
        %dma_start3A_560 = arith.constant 0 : i32
        %dma_start3A_561 = tpu.memref_slice %arg2[%dma_start3A_559, %dma_start3A_560] : memref<10000x128xf32, #tpu.memory_space<hbm>> -> memref<10000x128xf32, #tpu.memory_space<hbm>>
        tpu.enqueue_indirect_dma source(%dma_start3A_561 : memref<10000x128xf32, #tpu.memory_space<hbm>>) target(%arg14 : memref<64x128xf32, #tpu.memory_space<vmem>>) offsets(%arg19 : memref<64xi32, #tpu.memory_space<vmem>>) semaphore(%arg40 : memref<!tpu.dma_semaphore, #tpu.memory_space<semaphore_mem>>)
      } else {
      }
    }
    %while3A_172 = arith.constant 1 : i32
    scf.for %while3A_177 = %while3A_170 to %while3A_166 step %while3A_172  : i32 {
      %mul3A_178 = arith.constant 2 : i32
      %mul3A_179 = arith.muli %while3A_177, %mul3A_178 : i32
      %mul3A_180 = arith.constant 5 : i32
      %mul3A_181 = arith.muli %mul3A_179, %mul3A_180 : i32
      %add3A_182 = arith.constant 0 : i32
      %add3A_183 = arith.addi %mul3A_181, %add3A_182 : i32
      %dma_wait3A_184 = arith.constant 0 : i32
      %dma_wait3A_185 = arith.constant 0 : i32
      %dma_wait3A_186 = tpu.memref_slice %arg2[%dma_wait3A_184, %dma_wait3A_185] : memref<10000x128xf32, #tpu.memory_space<hbm>> -> memref<64x128xf32, #tpu.memory_space<hbm>>
      %dma_wait3A_187 = arith.constant 0 : i32
      %dma_wait3A_188 = arith.constant 0 : i32
      %dma_wait3A_189 = tpu.memref_slice %arg2[%dma_wait3A_187, %dma_wait3A_188] : memref<10000x128xf32, #tpu.memory_space<hbm>> -> memref<64x128xf32, #tpu.memory_space<hbm>>
      tpu.wait_dma2 semaphore(%arg36 : memref<!tpu.dma_semaphore, #tpu.memory_space<semaphore_mem>>) src(%dma_wait3A_189 : memref<64x128xf32, #tpu.memory_space<hbm>>) dst(%arg10 : memref<64x128xf32, #tpu.memory_space<vmem>>)
      %dma_start3A_190 = arith.constant 0 : i32
      %dma_start3A_191 = arith.constant 0 : i32
      %dma_start3A_192 = tpu.memref_slice %arg8[%dma_start3A_190, %dma_start3A_191] : memref<10240x128xf32, #tpu.memory_space<vmem_shared>> -> memref<10240x128xf32, #tpu.memory_space<vmem_shared>>
      tpu.enqueue_indirect_dma source(%arg10 : memref<64x128xf32, #tpu.memory_space<vmem>>) target(%dma_start3A_192 : memref<10240x128xf32, #tpu.memory_space<vmem_shared>>) offsets(%arg25 : memref<64xi32, #tpu.memory_space<vmem>>) semaphore(%arg41 : memref<!tpu.dma_semaphore, #tpu.memory_space<semaphore_mem>>) {add = true}
      %dma_start3A_193 = arith.constant 0 : i32
      %dma_start3A_194 = tpu.memref_slice %arg9[%dma_start3A_193] : memref<10240xf32, #tpu.memory_space<vmem_shared>> -> memref<10240xf32, #tpu.memory_space<vmem_shared>>
      tpu.enqueue_indirect_dma source(%arg35 : memref<64xf32, #tpu.memory_space<vmem>>) target(%dma_start3A_194 : memref<10240xf32, #tpu.memory_space<vmem_shared>>) offsets(%arg25 : memref<64xi32, #tpu.memory_space<vmem>>) semaphore(%arg46 : memref<!tpu.dma_semaphore, #tpu.memory_space<semaphore_mem>>) {add = true}
      %add3A_195 = arith.constant 5 : i32
      %add3A_196 = arith.addi %add3A_183, %add3A_195 : i32
      %lt3A = arith.cmpi slt, %add3A_196, %min3A_11 : i32
      %convert_element_type3A = arith.extui %lt3A : i1 to i32
      %cond3A = arith.constant 0 : i32
      %cond3A_197 = arith.cmpi ne, %convert_element_type3A, %cond3A : i32
      scf.if %cond3A_197 {
        %add3A_551 = arith.constant 5 : i32
        %add3A_552 = arith.addi %add3A_183, %add3A_551 : i32
        %mul3A_553 = arith.constant 64 : i32
        %mul3A_554 = arith.muli %add3A_552, %mul3A_553 : i32
        %add3A_555 = arith.addi %mul3A_6, %mul3A_554 : i32
        %dma_start3A_556 = tpu.memref_slice %arg3[%add3A_555] : memref<640000xi32, #tpu.memory_space<hbm>> -> memref<64xi32, #tpu.memory_space<hbm>>
        %dma_start3A_557 = tpu.memref_slice %arg3[%add3A_555] : memref<640000xi32, #tpu.memory_space<hbm>> -> memref<64xi32, #tpu.memory_space<hbm>>
        tpu.enqueue_dma source(%dma_start3A_557 : memref<64xi32, #tpu.memory_space<hbm>>) target(%arg20 : memref<64xi32, #tpu.memory_space<vmem>>) target_semaphore(%arg56 : memref<!tpu.dma_semaphore, #tpu.memory_space<semaphore_mem>>)
        %add3A_558 = arith.constant 320000 : i32
        %add3A_559 = arith.addi %add3A_558, %add3A_555 : i32
        %dma_start3A_560 = tpu.memref_slice %arg3[%add3A_559] : memref<640000xi32, #tpu.memory_space<hbm>> -> memref<64xi32, #tpu.memory_space<hbm>>
        %dma_start3A_561 = tpu.memref_slice %arg3[%add3A_559] : memref<640000xi32, #tpu.memory_space<hbm>> -> memref<64xi32, #tpu.memory_space<hbm>>
        tpu.enqueue_dma source(%dma_start3A_561 : memref<64xi32, #tpu.memory_space<hbm>>) target(%arg30 : memref<64xi32, #tpu.memory_space<vmem>>) target_semaphore(%arg56 : memref<!tpu.dma_semaphore, #tpu.memory_space<semaphore_mem>>)
      } else {
      }
      %add3A_198 = arith.constant 1 : i32
      %add3A_199 = arith.addi %mul3A_181, %add3A_198 : i32
      %dma_wait3A_200 = arith.constant 0 : i32
      %dma_wait3A_201 = arith.constant 0 : i32
      %dma_wait3A_202 = tpu.memref_slice %arg2[%dma_wait3A_200, %dma_wait3A_201] : memref<10000x128xf32, #tpu.memory_space<hbm>> -> memref<64x128xf32, #tpu.memory_space<hbm>>
      %dma_wait3A_203 = arith.constant 0 : i32
      %dma_wait3A_204 = arith.constant 0 : i32
      %dma_wait3A_205 = tpu.memref_slice %arg2[%dma_wait3A_203, %dma_wait3A_204] : memref<10000x128xf32, #tpu.memory_space<hbm>> -> memref<64x128xf32, #tpu.memory_space<hbm>>
      tpu.wait_dma2 semaphore(%arg37 : memref<!tpu.dma_semaphore, #tpu.memory_space<semaphore_mem>>) src(%dma_wait3A_205 : memref<64x128xf32, #tpu.memory_space<hbm>>) dst(%arg11 : memref<64x128xf32, #tpu.memory_space<vmem>>)
      %dma_start3A_206 = arith.constant 0 : i32
      %dma_start3A_207 = arith.constant 0 : i32
      %dma_start3A_208 = tpu.memref_slice %arg8[%dma_start3A_206, %dma_start3A_207] : memref<10240x128xf32, #tpu.memory_space<vmem_shared>> -> memref<10240x128xf32, #tpu.memory_space<vmem_shared>>
      tpu.enqueue_indirect_dma source(%arg11 : memref<64x128xf32, #tpu.memory_space<vmem>>) target(%dma_start3A_208 : memref<10240x128xf32, #tpu.memory_space<vmem_shared>>) offsets(%arg26 : memref<64xi32, #tpu.memory_space<vmem>>) semaphore(%arg42 : memref<!tpu.dma_semaphore, #tpu.memory_space<semaphore_mem>>) {add = true}
      %dma_start3A_209 = arith.constant 0 : i32
      %dma_start3A_210 = tpu.memref_slice %arg9[%dma_start3A_209] : memref<10240xf32, #tpu.memory_space<vmem_shared>> -> memref<10240xf32, #tpu.memory_space<vmem_shared>>
      tpu.enqueue_indirect_dma source(%arg35 : memref<64xf32, #tpu.memory_space<vmem>>) target(%dma_start3A_210 : memref<10240xf32, #tpu.memory_space<vmem_shared>>) offsets(%arg26 : memref<64xi32, #tpu.memory_space<vmem>>) semaphore(%arg47 : memref<!tpu.dma_semaphore, #tpu.memory_space<semaphore_mem>>) {add = true}
      %add3A_211 = arith.constant 5 : i32
      %add3A_212 = arith.addi %add3A_199, %add3A_211 : i32
      %lt3A_213 = arith.cmpi slt, %add3A_212, %min3A_11 : i32
      %convert_element_type3A_214 = arith.extui %lt3A_213 : i1 to i32
      %cond3A_215 = arith.constant 0 : i32
      %cond3A_216 = arith.cmpi ne, %convert_element_type3A_214, %cond3A_215 : i32
      scf.if %cond3A_216 {
        %add3A_551 = arith.constant 5 : i32
        %add3A_552 = arith.addi %add3A_199, %add3A_551 : i32
        %mul3A_553 = arith.constant 64 : i32
        %mul3A_554 = arith.muli %add3A_552, %mul3A_553 : i32
        %add3A_555 = arith.addi %mul3A_6, %mul3A_554 : i32
        %dma_start3A_556 = tpu.memref_slice %arg3[%add3A_555] : memref<640000xi32, #tpu.memory_space<hbm>> -> memref<64xi32, #tpu.memory_space<hbm>>
        %dma_start3A_557 = tpu.memref_slice %arg3[%add3A_555] : memref<640000xi32, #tpu.memory_space<hbm>> -> memref<64xi32, #tpu.memory_space<hbm>>
        tpu.enqueue_dma source(%dma_start3A_557 : memref<64xi32, #tpu.memory_space<hbm>>) target(%arg21 : memref<64xi32, #tpu.memory_space<vmem>>) target_semaphore(%arg57 : memref<!tpu.dma_semaphore, #tpu.memory_space<semaphore_mem>>)
        %add3A_558 = arith.constant 320000 : i32
        %add3A_559 = arith.addi %add3A_558, %add3A_555 : i32
        %dma_start3A_560 = tpu.memref_slice %arg3[%add3A_559] : memref<640000xi32, #tpu.memory_space<hbm>> -> memref<64xi32, #tpu.memory_space<hbm>>
        %dma_start3A_561 = tpu.memref_slice %arg3[%add3A_559] : memref<640000xi32, #tpu.memory_space<hbm>> -> memref<64xi32, #tpu.memory_space<hbm>>
        tpu.enqueue_dma source(%dma_start3A_561 : memref<64xi32, #tpu.memory_space<hbm>>) target(%arg31 : memref<64xi32, #tpu.memory_space<vmem>>) target_semaphore(%arg57 : memref<!tpu.dma_semaphore, #tpu.memory_space<semaphore_mem>>)
      } else {
      }
      %add3A_217 = arith.constant 2 : i32
      %add3A_218 = arith.addi %mul3A_181, %add3A_217 : i32
      %dma_wait3A_219 = arith.constant 0 : i32
      %dma_wait3A_220 = arith.constant 0 : i32
      %dma_wait3A_221 = tpu.memref_slice %arg2[%dma_wait3A_219, %dma_wait3A_220] : memref<10000x128xf32, #tpu.memory_space<hbm>> -> memref<64x128xf32, #tpu.memory_space<hbm>>
      %dma_wait3A_222 = arith.constant 0 : i32
      %dma_wait3A_223 = arith.constant 0 : i32
      %dma_wait3A_224 = tpu.memref_slice %arg2[%dma_wait3A_222, %dma_wait3A_223] : memref<10000x128xf32, #tpu.memory_space<hbm>> -> memref<64x128xf32, #tpu.memory_space<hbm>>
      tpu.wait_dma2 semaphore(%arg38 : memref<!tpu.dma_semaphore, #tpu.memory_space<semaphore_mem>>) src(%dma_wait3A_224 : memref<64x128xf32, #tpu.memory_space<hbm>>) dst(%arg12 : memref<64x128xf32, #tpu.memory_space<vmem>>)
      %dma_start3A_225 = arith.constant 0 : i32
      %dma_start3A_226 = arith.constant 0 : i32
      %dma_start3A_227 = tpu.memref_slice %arg8[%dma_start3A_225, %dma_start3A_226] : memref<10240x128xf32, #tpu.memory_space<vmem_shared>> -> memref<10240x128xf32, #tpu.memory_space<vmem_shared>>
      tpu.enqueue_indirect_dma source(%arg12 : memref<64x128xf32, #tpu.memory_space<vmem>>) target(%dma_start3A_227 : memref<10240x128xf32, #tpu.memory_space<vmem_shared>>) offsets(%arg27 : memref<64xi32, #tpu.memory_space<vmem>>) semaphore(%arg43 : memref<!tpu.dma_semaphore, #tpu.memory_space<semaphore_mem>>) {add = true}
      %dma_start3A_228 = arith.constant 0 : i32
      %dma_start3A_229 = tpu.memref_slice %arg9[%dma_start3A_228] : memref<10240xf32, #tpu.memory_space<vmem_shared>> -> memref<10240xf32, #tpu.memory_space<vmem_shared>>
      tpu.enqueue_indirect_dma source(%arg35 : memref<64xf32, #tpu.memory_space<vmem>>) target(%dma_start3A_229 : memref<10240xf32, #tpu.memory_space<vmem_shared>>) offsets(%arg27 : memref<64xi32, #tpu.memory_space<vmem>>) semaphore(%arg48 : memref<!tpu.dma_semaphore, #tpu.memory_space<semaphore_mem>>) {add = true}
      %add3A_230 = arith.constant 5 : i32
      %add3A_231 = arith.addi %add3A_218, %add3A_230 : i32
      %lt3A_232 = arith.cmpi slt, %add3A_231, %min3A_11 : i32
      %convert_element_type3A_233 = arith.extui %lt3A_232 : i1 to i32
      %cond3A_234 = arith.constant 0 : i32
      %cond3A_235 = arith.cmpi ne, %convert_element_type3A_233, %cond3A_234 : i32
      scf.if %cond3A_235 {
        %add3A_551 = arith.constant 5 : i32
        %add3A_552 = arith.addi %add3A_218, %add3A_551 : i32
        %mul3A_553 = arith.constant 64 : i32
        %mul3A_554 = arith.muli %add3A_552, %mul3A_553 : i32
        %add3A_555 = arith.addi %mul3A_6, %mul3A_554 : i32
        %dma_start3A_556 = tpu.memref_slice %arg3[%add3A_555] : memref<640000xi32, #tpu.memory_space<hbm>> -> memref<64xi32, #tpu.memory_space<hbm>>
        %dma_start3A_557 = tpu.memref_slice %arg3[%add3A_555] : memref<640000xi32, #tpu.memory_space<hbm>> -> memref<64xi32, #tpu.memory_space<hbm>>
        tpu.enqueue_dma source(%dma_start3A_557 : memref<64xi32, #tpu.memory_space<hbm>>) target(%arg22 : memref<64xi32, #tpu.memory_space<vmem>>) target_semaphore(%arg58 : memref<!tpu.dma_semaphore, #tpu.memory_space<semaphore_mem>>)
        %add3A_558 = arith.constant 320000 : i32
        %add3A_559 = arith.addi %add3A_558, %add3A_555 : i32
        %dma_start3A_560 = tpu.memref_slice %arg3[%add3A_559] : memref<640000xi32, #tpu.memory_space<hbm>> -> memref<64xi32, #tpu.memory_space<hbm>>
        %dma_start3A_561 = tpu.memref_slice %arg3[%add3A_559] : memref<640000xi32, #tpu.memory_space<hbm>> -> memref<64xi32, #tpu.memory_space<hbm>>
        tpu.enqueue_dma source(%dma_start3A_561 : memref<64xi32, #tpu.memory_space<hbm>>) target(%arg32 : memref<64xi32, #tpu.memory_space<vmem>>) target_semaphore(%arg58 : memref<!tpu.dma_semaphore, #tpu.memory_space<semaphore_mem>>)
      } else {
      }
      %add3A_236 = arith.constant 3 : i32
      %add3A_237 = arith.addi %mul3A_181, %add3A_236 : i32
      %dma_wait3A_238 = arith.constant 0 : i32
      %dma_wait3A_239 = arith.constant 0 : i32
      %dma_wait3A_240 = tpu.memref_slice %arg2[%dma_wait3A_238, %dma_wait3A_239] : memref<10000x128xf32, #tpu.memory_space<hbm>> -> memref<64x128xf32, #tpu.memory_space<hbm>>
      %dma_wait3A_241 = arith.constant 0 : i32
      %dma_wait3A_242 = arith.constant 0 : i32
      %dma_wait3A_243 = tpu.memref_slice %arg2[%dma_wait3A_241, %dma_wait3A_242] : memref<10000x128xf32, #tpu.memory_space<hbm>> -> memref<64x128xf32, #tpu.memory_space<hbm>>
      tpu.wait_dma2 semaphore(%arg39 : memref<!tpu.dma_semaphore, #tpu.memory_space<semaphore_mem>>) src(%dma_wait3A_243 : memref<64x128xf32, #tpu.memory_space<hbm>>) dst(%arg13 : memref<64x128xf32, #tpu.memory_space<vmem>>)
      %dma_start3A_244 = arith.constant 0 : i32
      %dma_start3A_245 = arith.constant 0 : i32
      %dma_start3A_246 = tpu.memref_slice %arg8[%dma_start3A_244, %dma_start3A_245] : memref<10240x128xf32, #tpu.memory_space<vmem_shared>> -> memref<10240x128xf32, #tpu.memory_space<vmem_shared>>
      tpu.enqueue_indirect_dma source(%arg13 : memref<64x128xf32, #tpu.memory_space<vmem>>) target(%dma_start3A_246 : memref<10240x128xf32, #tpu.memory_space<vmem_shared>>) offsets(%arg28 : memref<64xi32, #tpu.memory_space<vmem>>) semaphore(%arg44 : memref<!tpu.dma_semaphore, #tpu.memory_space<semaphore_mem>>) {add = true}
      %dma_start3A_247 = arith.constant 0 : i32
      %dma_start3A_248 = tpu.memref_slice %arg9[%dma_start3A_247] : memref<10240xf32, #tpu.memory_space<vmem_shared>> -> memref<10240xf32, #tpu.memory_space<vmem_shared>>
      tpu.enqueue_indirect_dma source(%arg35 : memref<64xf32, #tpu.memory_space<vmem>>) target(%dma_start3A_248 : memref<10240xf32, #tpu.memory_space<vmem_shared>>) offsets(%arg28 : memref<64xi32, #tpu.memory_space<vmem>>) semaphore(%arg49 : memref<!tpu.dma_semaphore, #tpu.memory_space<semaphore_mem>>) {add = true}
      %add3A_249 = arith.constant 5 : i32
      %add3A_250 = arith.addi %add3A_237, %add3A_249 : i32
      %lt3A_251 = arith.cmpi slt, %add3A_250, %min3A_11 : i32
      %convert_element_type3A_252 = arith.extui %lt3A_251 : i1 to i32
      %cond3A_253 = arith.constant 0 : i32
      %cond3A_254 = arith.cmpi ne, %convert_element_type3A_252, %cond3A_253 : i32
      scf.if %cond3A_254 {
        %add3A_551 = arith.constant 5 : i32
        %add3A_552 = arith.addi %add3A_237, %add3A_551 : i32
        %mul3A_553 = arith.constant 64 : i32
        %mul3A_554 = arith.muli %add3A_552, %mul3A_553 : i32
        %add3A_555 = arith.addi %mul3A_6, %mul3A_554 : i32
        %dma_start3A_556 = tpu.memref_slice %arg3[%add3A_555] : memref<640000xi32, #tpu.memory_space<hbm>> -> memref<64xi32, #tpu.memory_space<hbm>>
        %dma_start3A_557 = tpu.memref_slice %arg3[%add3A_555] : memref<640000xi32, #tpu.memory_space<hbm>> -> memref<64xi32, #tpu.memory_space<hbm>>
        tpu.enqueue_dma source(%dma_start3A_557 : memref<64xi32, #tpu.memory_space<hbm>>) target(%arg23 : memref<64xi32, #tpu.memory_space<vmem>>) target_semaphore(%arg59 : memref<!tpu.dma_semaphore, #tpu.memory_space<semaphore_mem>>)
        %add3A_558 = arith.constant 320000 : i32
        %add3A_559 = arith.addi %add3A_558, %add3A_555 : i32
        %dma_start3A_560 = tpu.memref_slice %arg3[%add3A_559] : memref<640000xi32, #tpu.memory_space<hbm>> -> memref<64xi32, #tpu.memory_space<hbm>>
        %dma_start3A_561 = tpu.memref_slice %arg3[%add3A_559] : memref<640000xi32, #tpu.memory_space<hbm>> -> memref<64xi32, #tpu.memory_space<hbm>>
        tpu.enqueue_dma source(%dma_start3A_561 : memref<64xi32, #tpu.memory_space<hbm>>) target(%arg33 : memref<64xi32, #tpu.memory_space<vmem>>) target_semaphore(%arg59 : memref<!tpu.dma_semaphore, #tpu.memory_space<semaphore_mem>>)
      } else {
      }
      %add3A_255 = arith.constant 4 : i32
      %add3A_256 = arith.addi %mul3A_181, %add3A_255 : i32
      %dma_wait3A_257 = arith.constant 0 : i32
      %dma_wait3A_258 = arith.constant 0 : i32
      %dma_wait3A_259 = tpu.memref_slice %arg2[%dma_wait3A_257, %dma_wait3A_258] : memref<10000x128xf32, #tpu.memory_space<hbm>> -> memref<64x128xf32, #tpu.memory_space<hbm>>
      %dma_wait3A_260 = arith.constant 0 : i32
      %dma_wait3A_261 = arith.constant 0 : i32
      %dma_wait3A_262 = tpu.memref_slice %arg2[%dma_wait3A_260, %dma_wait3A_261] : memref<10000x128xf32, #tpu.memory_space<hbm>> -> memref<64x128xf32, #tpu.memory_space<hbm>>
      tpu.wait_dma2 semaphore(%arg40 : memref<!tpu.dma_semaphore, #tpu.memory_space<semaphore_mem>>) src(%dma_wait3A_262 : memref<64x128xf32, #tpu.memory_space<hbm>>) dst(%arg14 : memref<64x128xf32, #tpu.memory_space<vmem>>)
      %dma_start3A_263 = arith.constant 0 : i32
      %dma_start3A_264 = arith.constant 0 : i32
      %dma_start3A_265 = tpu.memref_slice %arg8[%dma_start3A_263, %dma_start3A_264] : memref<10240x128xf32, #tpu.memory_space<vmem_shared>> -> memref<10240x128xf32, #tpu.memory_space<vmem_shared>>
      tpu.enqueue_indirect_dma source(%arg14 : memref<64x128xf32, #tpu.memory_space<vmem>>) target(%dma_start3A_265 : memref<10240x128xf32, #tpu.memory_space<vmem_shared>>) offsets(%arg29 : memref<64xi32, #tpu.memory_space<vmem>>) semaphore(%arg45 : memref<!tpu.dma_semaphore, #tpu.memory_space<semaphore_mem>>) {add = true}
      %dma_start3A_266 = arith.constant 0 : i32
      %dma_start3A_267 = tpu.memref_slice %arg9[%dma_start3A_266] : memref<10240xf32, #tpu.memory_space<vmem_shared>> -> memref<10240xf32, #tpu.memory_space<vmem_shared>>
      tpu.enqueue_indirect_dma source(%arg35 : memref<64xf32, #tpu.memory_space<vmem>>) target(%dma_start3A_267 : memref<10240xf32, #tpu.memory_space<vmem_shared>>) offsets(%arg29 : memref<64xi32, #tpu.memory_space<vmem>>) semaphore(%arg50 : memref<!tpu.dma_semaphore, #tpu.memory_space<semaphore_mem>>) {add = true}
      %add3A_268 = arith.constant 5 : i32
      %add3A_269 = arith.addi %add3A_256, %add3A_268 : i32
      %lt3A_270 = arith.cmpi slt, %add3A_269, %min3A_11 : i32
      %convert_element_type3A_271 = arith.extui %lt3A_270 : i1 to i32
      %cond3A_272 = arith.constant 0 : i32
      %cond3A_273 = arith.cmpi ne, %convert_element_type3A_271, %cond3A_272 : i32
      scf.if %cond3A_273 {
        %add3A_551 = arith.constant 5 : i32
        %add3A_552 = arith.addi %add3A_256, %add3A_551 : i32
        %mul3A_553 = arith.constant 64 : i32
        %mul3A_554 = arith.muli %add3A_552, %mul3A_553 : i32
        %add3A_555 = arith.addi %mul3A_6, %mul3A_554 : i32
        %dma_start3A_556 = tpu.memref_slice %arg3[%add3A_555] : memref<640000xi32, #tpu.memory_space<hbm>> -> memref<64xi32, #tpu.memory_space<hbm>>
        %dma_start3A_557 = tpu.memref_slice %arg3[%add3A_555] : memref<640000xi32, #tpu.memory_space<hbm>> -> memref<64xi32, #tpu.memory_space<hbm>>
        tpu.enqueue_dma source(%dma_start3A_557 : memref<64xi32, #tpu.memory_space<hbm>>) target(%arg24 : memref<64xi32, #tpu.memory_space<vmem>>) target_semaphore(%arg60 : memref<!tpu.dma_semaphore, #tpu.memory_space<semaphore_mem>>)
        %add3A_558 = arith.constant 320000 : i32
        %add3A_559 = arith.addi %add3A_558, %add3A_555 : i32
        %dma_start3A_560 = tpu.memref_slice %arg3[%add3A_559] : memref<640000xi32, #tpu.memory_space<hbm>> -> memref<64xi32, #tpu.memory_space<hbm>>
        %dma_start3A_561 = tpu.memref_slice %arg3[%add3A_559] : memref<640000xi32, #tpu.memory_space<hbm>> -> memref<64xi32, #tpu.memory_space<hbm>>
        tpu.enqueue_dma source(%dma_start3A_561 : memref<64xi32, #tpu.memory_space<hbm>>) target(%arg34 : memref<64xi32, #tpu.memory_space<vmem>>) target_semaphore(%arg60 : memref<!tpu.dma_semaphore, #tpu.memory_space<semaphore_mem>>)
      } else {
      }
      %add3A_274 = arith.constant 0 : i32
      %add3A_275 = arith.addi %mul3A_181, %add3A_274 : i32
      %dma_wait3A_276 = arith.constant 0 : i32
      %dma_wait3A_277 = arith.constant 0 : i32
      %dma_wait3A_278 = tpu.memref_slice %arg8[%dma_wait3A_276, %dma_wait3A_277] : memref<10240x128xf32, #tpu.memory_space<vmem_shared>> -> memref<64x128xf32, #tpu.memory_space<vmem_shared>>
      %dma_wait3A_279 = arith.constant 0 : i32
      %dma_wait3A_280 = arith.constant 0 : i32
      %dma_wait3A_281 = tpu.memref_slice %arg8[%dma_wait3A_279, %dma_wait3A_280] : memref<10240x128xf32, #tpu.memory_space<vmem_shared>> -> memref<64x128xf32, #tpu.memory_space<vmem_shared>>
      tpu.wait_dma2 semaphore(%arg41 : memref<!tpu.dma_semaphore, #tpu.memory_space<semaphore_mem>>) src(%arg10 : memref<64x128xf32, #tpu.memory_space<vmem>>) dst(%dma_wait3A_281 : memref<64x128xf32, #tpu.memory_space<vmem_shared>>)
      %dma_wait3A_282 = arith.constant 0 : i32
      %dma_wait3A_283 = tpu.memref_slice %arg9[%dma_wait3A_282] : memref<10240xf32, #tpu.memory_space<vmem_shared>> -> memref<64xf32, #tpu.memory_space<vmem_shared>>
      %dma_wait3A_284 = arith.constant 0 : i32
      %dma_wait3A_285 = tpu.memref_slice %arg9[%dma_wait3A_284] : memref<10240xf32, #tpu.memory_space<vmem_shared>> -> memref<64xf32, #tpu.memory_space<vmem_shared>>
      tpu.wait_dma2 semaphore(%arg46 : memref<!tpu.dma_semaphore, #tpu.memory_space<semaphore_mem>>) src(%arg35 : memref<64xf32, #tpu.memory_space<vmem>>) dst(%dma_wait3A_285 : memref<64xf32, #tpu.memory_space<vmem_shared>>)
      %add3A_286 = arith.constant 5 : i32
      %add3A_287 = arith.addi %add3A_275, %add3A_286 : i32
      %lt3A_288 = arith.cmpi slt, %add3A_287, %min3A_11 : i32
      %convert_element_type3A_289 = arith.extui %lt3A_288 : i1 to i32
      %cond3A_290 = arith.constant 0 : i32
      %cond3A_291 = arith.cmpi ne, %convert_element_type3A_289, %cond3A_290 : i32
      scf.if %cond3A_291 {
        %dma_wait3A_551 = arith.constant 0 : i32
        %dma_wait3A_552 = tpu.memref_slice %arg3[%dma_wait3A_551] : memref<640000xi32, #tpu.memory_space<hbm>> -> memref<64xi32, #tpu.memory_space<hbm>>
        %dma_wait3A_553 = arith.constant 0 : i32
        %dma_wait3A_554 = tpu.memref_slice %arg3[%dma_wait3A_553] : memref<640000xi32, #tpu.memory_space<hbm>> -> memref<64xi32, #tpu.memory_space<hbm>>
        tpu.wait_dma2 semaphore(%arg56 : memref<!tpu.dma_semaphore, #tpu.memory_space<semaphore_mem>>) src(%dma_wait3A_554 : memref<64xi32, #tpu.memory_space<hbm>>) dst(%arg20 : memref<64xi32, #tpu.memory_space<vmem>>)
        %dma_wait3A_555 = arith.constant 0 : i32
        %dma_wait3A_556 = tpu.memref_slice %arg3[%dma_wait3A_555] : memref<640000xi32, #tpu.memory_space<hbm>> -> memref<64xi32, #tpu.memory_space<hbm>>
        %dma_wait3A_557 = arith.constant 0 : i32
        %dma_wait3A_558 = tpu.memref_slice %arg3[%dma_wait3A_557] : memref<640000xi32, #tpu.memory_space<hbm>> -> memref<64xi32, #tpu.memory_space<hbm>>
        tpu.wait_dma2 semaphore(%arg56 : memref<!tpu.dma_semaphore, #tpu.memory_space<semaphore_mem>>) src(%dma_wait3A_558 : memref<64xi32, #tpu.memory_space<hbm>>) dst(%arg30 : memref<64xi32, #tpu.memory_space<vmem>>)
        %dma_start3A_559 = arith.constant 0 : i32
        %dma_start3A_560 = arith.constant 0 : i32
        %dma_start3A_561 = tpu.memref_slice %arg2[%dma_start3A_559, %dma_start3A_560] : memref<10000x128xf32, #tpu.memory_space<hbm>> -> memref<10000x128xf32, #tpu.memory_space<hbm>>
        tpu.enqueue_indirect_dma source(%dma_start3A_561 : memref<10000x128xf32, #tpu.memory_space<hbm>>) target(%arg10 : memref<64x128xf32, #tpu.memory_space<vmem>>) offsets(%arg20 : memref<64xi32, #tpu.memory_space<vmem>>) semaphore(%arg36 : memref<!tpu.dma_semaphore, #tpu.memory_space<semaphore_mem>>)
      } else {
      }
      %add3A_292 = arith.constant 1 : i32
      %add3A_293 = arith.addi %mul3A_181, %add3A_292 : i32
      %dma_wait3A_294 = arith.constant 0 : i32
      %dma_wait3A_295 = arith.constant 0 : i32
      %dma_wait3A_296 = tpu.memref_slice %arg8[%dma_wait3A_294, %dma_wait3A_295] : memref<10240x128xf32, #tpu.memory_space<vmem_shared>> -> memref<64x128xf32, #tpu.memory_space<vmem_shared>>
      %dma_wait3A_297 = arith.constant 0 : i32
      %dma_wait3A_298 = arith.constant 0 : i32
      %dma_wait3A_299 = tpu.memref_slice %arg8[%dma_wait3A_297, %dma_wait3A_298] : memref<10240x128xf32, #tpu.memory_space<vmem_shared>> -> memref<64x128xf32, #tpu.memory_space<vmem_shared>>
      tpu.wait_dma2 semaphore(%arg42 : memref<!tpu.dma_semaphore, #tpu.memory_space<semaphore_mem>>) src(%arg11 : memref<64x128xf32, #tpu.memory_space<vmem>>) dst(%dma_wait3A_299 : memref<64x128xf32, #tpu.memory_space<vmem_shared>>)
      %dma_wait3A_300 = arith.constant 0 : i32
      %dma_wait3A_301 = tpu.memref_slice %arg9[%dma_wait3A_300] : memref<10240xf32, #tpu.memory_space<vmem_shared>> -> memref<64xf32, #tpu.memory_space<vmem_shared>>
      %dma_wait3A_302 = arith.constant 0 : i32
      %dma_wait3A_303 = tpu.memref_slice %arg9[%dma_wait3A_302] : memref<10240xf32, #tpu.memory_space<vmem_shared>> -> memref<64xf32, #tpu.memory_space<vmem_shared>>
      tpu.wait_dma2 semaphore(%arg47 : memref<!tpu.dma_semaphore, #tpu.memory_space<semaphore_mem>>) src(%arg35 : memref<64xf32, #tpu.memory_space<vmem>>) dst(%dma_wait3A_303 : memref<64xf32, #tpu.memory_space<vmem_shared>>)
      %add3A_304 = arith.constant 5 : i32
      %add3A_305 = arith.addi %add3A_293, %add3A_304 : i32
      %lt3A_306 = arith.cmpi slt, %add3A_305, %min3A_11 : i32
      %convert_element_type3A_307 = arith.extui %lt3A_306 : i1 to i32
      %cond3A_308 = arith.constant 0 : i32
      %cond3A_309 = arith.cmpi ne, %convert_element_type3A_307, %cond3A_308 : i32
      scf.if %cond3A_309 {
        %dma_wait3A_551 = arith.constant 0 : i32
        %dma_wait3A_552 = tpu.memref_slice %arg3[%dma_wait3A_551] : memref<640000xi32, #tpu.memory_space<hbm>> -> memref<64xi32, #tpu.memory_space<hbm>>
        %dma_wait3A_553 = arith.constant 0 : i32
        %dma_wait3A_554 = tpu.memref_slice %arg3[%dma_wait3A_553] : memref<640000xi32, #tpu.memory_space<hbm>> -> memref<64xi32, #tpu.memory_space<hbm>>
        tpu.wait_dma2 semaphore(%arg57 : memref<!tpu.dma_semaphore, #tpu.memory_space<semaphore_mem>>) src(%dma_wait3A_554 : memref<64xi32, #tpu.memory_space<hbm>>) dst(%arg21 : memref<64xi32, #tpu.memory_space<vmem>>)
        %dma_wait3A_555 = arith.constant 0 : i32
        %dma_wait3A_556 = tpu.memref_slice %arg3[%dma_wait3A_555] : memref<640000xi32, #tpu.memory_space<hbm>> -> memref<64xi32, #tpu.memory_space<hbm>>
        %dma_wait3A_557 = arith.constant 0 : i32
        %dma_wait3A_558 = tpu.memref_slice %arg3[%dma_wait3A_557] : memref<640000xi32, #tpu.memory_space<hbm>> -> memref<64xi32, #tpu.memory_space<hbm>>
        tpu.wait_dma2 semaphore(%arg57 : memref<!tpu.dma_semaphore, #tpu.memory_space<semaphore_mem>>) src(%dma_wait3A_558 : memref<64xi32, #tpu.memory_space<hbm>>) dst(%arg31 : memref<64xi32, #tpu.memory_space<vmem>>)
        %dma_start3A_559 = arith.constant 0 : i32
        %dma_start3A_560 = arith.constant 0 : i32
        %dma_start3A_561 = tpu.memref_slice %arg2[%dma_start3A_559, %dma_start3A_560] : memref<10000x128xf32, #tpu.memory_space<hbm>> -> memref<10000x128xf32, #tpu.memory_space<hbm>>
        tpu.enqueue_indirect_dma source(%dma_start3A_561 : memref<10000x128xf32, #tpu.memory_space<hbm>>) target(%arg11 : memref<64x128xf32, #tpu.memory_space<vmem>>) offsets(%arg21 : memref<64xi32, #tpu.memory_space<vmem>>) semaphore(%arg37 : memref<!tpu.dma_semaphore, #tpu.memory_space<semaphore_mem>>)
      } else {
      }
      %add3A_310 = arith.constant 2 : i32
      %add3A_311 = arith.addi %mul3A_181, %add3A_310 : i32
      %dma_wait3A_312 = arith.constant 0 : i32
      %dma_wait3A_313 = arith.constant 0 : i32
      %dma_wait3A_314 = tpu.memref_slice %arg8[%dma_wait3A_312, %dma_wait3A_313] : memref<10240x128xf32, #tpu.memory_space<vmem_shared>> -> memref<64x128xf32, #tpu.memory_space<vmem_shared>>
      %dma_wait3A_315 = arith.constant 0 : i32
      %dma_wait3A_316 = arith.constant 0 : i32
      %dma_wait3A_317 = tpu.memref_slice %arg8[%dma_wait3A_315, %dma_wait3A_316] : memref<10240x128xf32, #tpu.memory_space<vmem_shared>> -> memref<64x128xf32, #tpu.memory_space<vmem_shared>>
      tpu.wait_dma2 semaphore(%arg43 : memref<!tpu.dma_semaphore, #tpu.memory_space<semaphore_mem>>) src(%arg12 : memref<64x128xf32, #tpu.memory_space<vmem>>) dst(%dma_wait3A_317 : memref<64x128xf32, #tpu.memory_space<vmem_shared>>)
      %dma_wait3A_318 = arith.constant 0 : i32
      %dma_wait3A_319 = tpu.memref_slice %arg9[%dma_wait3A_318] : memref<10240xf32, #tpu.memory_space<vmem_shared>> -> memref<64xf32, #tpu.memory_space<vmem_shared>>
      %dma_wait3A_320 = arith.constant 0 : i32
      %dma_wait3A_321 = tpu.memref_slice %arg9[%dma_wait3A_320] : memref<10240xf32, #tpu.memory_space<vmem_shared>> -> memref<64xf32, #tpu.memory_space<vmem_shared>>
      tpu.wait_dma2 semaphore(%arg48 : memref<!tpu.dma_semaphore, #tpu.memory_space<semaphore_mem>>) src(%arg35 : memref<64xf32, #tpu.memory_space<vmem>>) dst(%dma_wait3A_321 : memref<64xf32, #tpu.memory_space<vmem_shared>>)
      %add3A_322 = arith.constant 5 : i32
      %add3A_323 = arith.addi %add3A_311, %add3A_322 : i32
      %lt3A_324 = arith.cmpi slt, %add3A_323, %min3A_11 : i32
      %convert_element_type3A_325 = arith.extui %lt3A_324 : i1 to i32
      %cond3A_326 = arith.constant 0 : i32
      %cond3A_327 = arith.cmpi ne, %convert_element_type3A_325, %cond3A_326 : i32
      scf.if %cond3A_327 {
        %dma_wait3A_551 = arith.constant 0 : i32
        %dma_wait3A_552 = tpu.memref_slice %arg3[%dma_wait3A_551] : memref<640000xi32, #tpu.memory_space<hbm>> -> memref<64xi32, #tpu.memory_space<hbm>>
        %dma_wait3A_553 = arith.constant 0 : i32
        %dma_wait3A_554 = tpu.memref_slice %arg3[%dma_wait3A_553] : memref<640000xi32, #tpu.memory_space<hbm>> -> memref<64xi32, #tpu.memory_space<hbm>>
        tpu.wait_dma2 semaphore(%arg58 : memref<!tpu.dma_semaphore, #tpu.memory_space<semaphore_mem>>) src(%dma_wait3A_554 : memref<64xi32, #tpu.memory_space<hbm>>) dst(%arg22 : memref<64xi32, #tpu.memory_space<vmem>>)
        %dma_wait3A_555 = arith.constant 0 : i32
        %dma_wait3A_556 = tpu.memref_slice %arg3[%dma_wait3A_555] : memref<640000xi32, #tpu.memory_space<hbm>> -> memref<64xi32, #tpu.memory_space<hbm>>
        %dma_wait3A_557 = arith.constant 0 : i32
        %dma_wait3A_558 = tpu.memref_slice %arg3[%dma_wait3A_557] : memref<640000xi32, #tpu.memory_space<hbm>> -> memref<64xi32, #tpu.memory_space<hbm>>
        tpu.wait_dma2 semaphore(%arg58 : memref<!tpu.dma_semaphore, #tpu.memory_space<semaphore_mem>>) src(%dma_wait3A_558 : memref<64xi32, #tpu.memory_space<hbm>>) dst(%arg32 : memref<64xi32, #tpu.memory_space<vmem>>)
        %dma_start3A_559 = arith.constant 0 : i32
        %dma_start3A_560 = arith.constant 0 : i32
        %dma_start3A_561 = tpu.memref_slice %arg2[%dma_start3A_559, %dma_start3A_560] : memref<10000x128xf32, #tpu.memory_space<hbm>> -> memref<10000x128xf32, #tpu.memory_space<hbm>>
        tpu.enqueue_indirect_dma source(%dma_start3A_561 : memref<10000x128xf32, #tpu.memory_space<hbm>>) target(%arg12 : memref<64x128xf32, #tpu.memory_space<vmem>>) offsets(%arg22 : memref<64xi32, #tpu.memory_space<vmem>>) semaphore(%arg38 : memref<!tpu.dma_semaphore, #tpu.memory_space<semaphore_mem>>)
      } else {
      }
      %add3A_328 = arith.constant 3 : i32
      %add3A_329 = arith.addi %mul3A_181, %add3A_328 : i32
      %dma_wait3A_330 = arith.constant 0 : i32
      %dma_wait3A_331 = arith.constant 0 : i32
      %dma_wait3A_332 = tpu.memref_slice %arg8[%dma_wait3A_330, %dma_wait3A_331] : memref<10240x128xf32, #tpu.memory_space<vmem_shared>> -> memref<64x128xf32, #tpu.memory_space<vmem_shared>>
      %dma_wait3A_333 = arith.constant 0 : i32
      %dma_wait3A_334 = arith.constant 0 : i32
      %dma_wait3A_335 = tpu.memref_slice %arg8[%dma_wait3A_333, %dma_wait3A_334] : memref<10240x128xf32, #tpu.memory_space<vmem_shared>> -> memref<64x128xf32, #tpu.memory_space<vmem_shared>>
      tpu.wait_dma2 semaphore(%arg44 : memref<!tpu.dma_semaphore, #tpu.memory_space<semaphore_mem>>) src(%arg13 : memref<64x128xf32, #tpu.memory_space<vmem>>) dst(%dma_wait3A_335 : memref<64x128xf32, #tpu.memory_space<vmem_shared>>)
      %dma_wait3A_336 = arith.constant 0 : i32
      %dma_wait3A_337 = tpu.memref_slice %arg9[%dma_wait3A_336] : memref<10240xf32, #tpu.memory_space<vmem_shared>> -> memref<64xf32, #tpu.memory_space<vmem_shared>>
      %dma_wait3A_338 = arith.constant 0 : i32
      %dma_wait3A_339 = tpu.memref_slice %arg9[%dma_wait3A_338] : memref<10240xf32, #tpu.memory_space<vmem_shared>> -> memref<64xf32, #tpu.memory_space<vmem_shared>>
      tpu.wait_dma2 semaphore(%arg49 : memref<!tpu.dma_semaphore, #tpu.memory_space<semaphore_mem>>) src(%arg35 : memref<64xf32, #tpu.memory_space<vmem>>) dst(%dma_wait3A_339 : memref<64xf32, #tpu.memory_space<vmem_shared>>)
      %add3A_340 = arith.constant 5 : i32
      %add3A_341 = arith.addi %add3A_329, %add3A_340 : i32
      %lt3A_342 = arith.cmpi slt, %add3A_341, %min3A_11 : i32
      %convert_element_type3A_343 = arith.extui %lt3A_342 : i1 to i32
      %cond3A_344 = arith.constant 0 : i32
      %cond3A_345 = arith.cmpi ne, %convert_element_type3A_343, %cond3A_344 : i32
      scf.if %cond3A_345 {
        %dma_wait3A_551 = arith.constant 0 : i32
        %dma_wait3A_552 = tpu.memref_slice %arg3[%dma_wait3A_551] : memref<640000xi32, #tpu.memory_space<hbm>> -> memref<64xi32, #tpu.memory_space<hbm>>
        %dma_wait3A_553 = arith.constant 0 : i32
        %dma_wait3A_554 = tpu.memref_slice %arg3[%dma_wait3A_553] : memref<640000xi32, #tpu.memory_space<hbm>> -> memref<64xi32, #tpu.memory_space<hbm>>
        tpu.wait_dma2 semaphore(%arg59 : memref<!tpu.dma_semaphore, #tpu.memory_space<semaphore_mem>>) src(%dma_wait3A_554 : memref<64xi32, #tpu.memory_space<hbm>>) dst(%arg23 : memref<64xi32, #tpu.memory_space<vmem>>)
        %dma_wait3A_555 = arith.constant 0 : i32
        %dma_wait3A_556 = tpu.memref_slice %arg3[%dma_wait3A_555] : memref<640000xi32, #tpu.memory_space<hbm>> -> memref<64xi32, #tpu.memory_space<hbm>>
        %dma_wait3A_557 = arith.constant 0 : i32
        %dma_wait3A_558 = tpu.memref_slice %arg3[%dma_wait3A_557] : memref<640000xi32, #tpu.memory_space<hbm>> -> memref<64xi32, #tpu.memory_space<hbm>>
        tpu.wait_dma2 semaphore(%arg59 : memref<!tpu.dma_semaphore, #tpu.memory_space<semaphore_mem>>) src(%dma_wait3A_558 : memref<64xi32, #tpu.memory_space<hbm>>) dst(%arg33 : memref<64xi32, #tpu.memory_space<vmem>>)
        %dma_start3A_559 = arith.constant 0 : i32
        %dma_start3A_560 = arith.constant 0 : i32
        %dma_start3A_561 = tpu.memref_slice %arg2[%dma_start3A_559, %dma_start3A_560] : memref<10000x128xf32, #tpu.memory_space<hbm>> -> memref<10000x128xf32, #tpu.memory_space<hbm>>
        tpu.enqueue_indirect_dma source(%dma_start3A_561 : memref<10000x128xf32, #tpu.memory_space<hbm>>) target(%arg13 : memref<64x128xf32, #tpu.memory_space<vmem>>) offsets(%arg23 : memref<64xi32, #tpu.memory_space<vmem>>) semaphore(%arg39 : memref<!tpu.dma_semaphore, #tpu.memory_space<semaphore_mem>>)
      } else {
      }
      %add3A_346 = arith.constant 4 : i32
      %add3A_347 = arith.addi %mul3A_181, %add3A_346 : i32
      %dma_wait3A_348 = arith.constant 0 : i32
      %dma_wait3A_349 = arith.constant 0 : i32
      %dma_wait3A_350 = tpu.memref_slice %arg8[%dma_wait3A_348, %dma_wait3A_349] : memref<10240x128xf32, #tpu.memory_space<vmem_shared>> -> memref<64x128xf32, #tpu.memory_space<vmem_shared>>
      %dma_wait3A_351 = arith.constant 0 : i32
      %dma_wait3A_352 = arith.constant 0 : i32
      %dma_wait3A_353 = tpu.memref_slice %arg8[%dma_wait3A_351, %dma_wait3A_352] : memref<10240x128xf32, #tpu.memory_space<vmem_shared>> -> memref<64x128xf32, #tpu.memory_space<vmem_shared>>
      tpu.wait_dma2 semaphore(%arg45 : memref<!tpu.dma_semaphore, #tpu.memory_space<semaphore_mem>>) src(%arg14 : memref<64x128xf32, #tpu.memory_space<vmem>>) dst(%dma_wait3A_353 : memref<64x128xf32, #tpu.memory_space<vmem_shared>>)
      %dma_wait3A_354 = arith.constant 0 : i32
      %dma_wait3A_355 = tpu.memref_slice %arg9[%dma_wait3A_354] : memref<10240xf32, #tpu.memory_space<vmem_shared>> -> memref<64xf32, #tpu.memory_space<vmem_shared>>
      %dma_wait3A_356 = arith.constant 0 : i32
      %dma_wait3A_357 = tpu.memref_slice %arg9[%dma_wait3A_356] : memref<10240xf32, #tpu.memory_space<vmem_shared>> -> memref<64xf32, #tpu.memory_space<vmem_shared>>
      tpu.wait_dma2 semaphore(%arg50 : memref<!tpu.dma_semaphore, #tpu.memory_space<semaphore_mem>>) src(%arg35 : memref<64xf32, #tpu.memory_space<vmem>>) dst(%dma_wait3A_357 : memref<64xf32, #tpu.memory_space<vmem_shared>>)
      %add3A_358 = arith.constant 5 : i32
      %add3A_359 = arith.addi %add3A_347, %add3A_358 : i32
      %lt3A_360 = arith.cmpi slt, %add3A_359, %min3A_11 : i32
      %convert_element_type3A_361 = arith.extui %lt3A_360 : i1 to i32
      %cond3A_362 = arith.constant 0 : i32
      %cond3A_363 = arith.cmpi ne, %convert_element_type3A_361, %cond3A_362 : i32
      scf.if %cond3A_363 {
        %dma_wait3A_551 = arith.constant 0 : i32
        %dma_wait3A_552 = tpu.memref_slice %arg3[%dma_wait3A_551] : memref<640000xi32, #tpu.memory_space<hbm>> -> memref<64xi32, #tpu.memory_space<hbm>>
        %dma_wait3A_553 = arith.constant 0 : i32
        %dma_wait3A_554 = tpu.memref_slice %arg3[%dma_wait3A_553] : memref<640000xi32, #tpu.memory_space<hbm>> -> memref<64xi32, #tpu.memory_space<hbm>>
        tpu.wait_dma2 semaphore(%arg60 : memref<!tpu.dma_semaphore, #tpu.memory_space<semaphore_mem>>) src(%dma_wait3A_554 : memref<64xi32, #tpu.memory_space<hbm>>) dst(%arg24 : memref<64xi32, #tpu.memory_space<vmem>>)
        %dma_wait3A_555 = arith.constant 0 : i32
        %dma_wait3A_556 = tpu.memref_slice %arg3[%dma_wait3A_555] : memref<640000xi32, #tpu.memory_space<hbm>> -> memref<64xi32, #tpu.memory_space<hbm>>
        %dma_wait3A_557 = arith.constant 0 : i32
        %dma_wait3A_558 = tpu.memref_slice %arg3[%dma_wait3A_557] : memref<640000xi32, #tpu.memory_space<hbm>> -> memref<64xi32, #tpu.memory_space<hbm>>
        tpu.wait_dma2 semaphore(%arg60 : memref<!tpu.dma_semaphore, #tpu.memory_space<semaphore_mem>>) src(%dma_wait3A_558 : memref<64xi32, #tpu.memory_space<hbm>>) dst(%arg34 : memref<64xi32, #tpu.memory_space<vmem>>)
        %dma_start3A_559 = arith.constant 0 : i32
        %dma_start3A_560 = arith.constant 0 : i32
        %dma_start3A_561 = tpu.memref_slice %arg2[%dma_start3A_559, %dma_start3A_560] : memref<10000x128xf32, #tpu.memory_space<hbm>> -> memref<10000x128xf32, #tpu.memory_space<hbm>>
        tpu.enqueue_indirect_dma source(%dma_start3A_561 : memref<10000x128xf32, #tpu.memory_space<hbm>>) target(%arg14 : memref<64x128xf32, #tpu.memory_space<vmem>>) offsets(%arg24 : memref<64xi32, #tpu.memory_space<vmem>>) semaphore(%arg40 : memref<!tpu.dma_semaphore, #tpu.memory_space<semaphore_mem>>)
      } else {
      }
      %add3A_364 = arith.constant 5 : i32
      %add3A_365 = arith.addi %mul3A_181, %add3A_364 : i32
      %add3A_366 = arith.constant 0 : i32
      %add3A_367 = arith.addi %add3A_365, %add3A_366 : i32
      %dma_wait3A_368 = arith.constant 0 : i32
      %dma_wait3A_369 = arith.constant 0 : i32
      %dma_wait3A_370 = tpu.memref_slice %arg2[%dma_wait3A_368, %dma_wait3A_369] : memref<10000x128xf32, #tpu.memory_space<hbm>> -> memref<64x128xf32, #tpu.memory_space<hbm>>
      %dma_wait3A_371 = arith.constant 0 : i32
      %dma_wait3A_372 = arith.constant 0 : i32
      %dma_wait3A_373 = tpu.memref_slice %arg2[%dma_wait3A_371, %dma_wait3A_372] : memref<10000x128xf32, #tpu.memory_space<hbm>> -> memref<64x128xf32, #tpu.memory_space<hbm>>
      tpu.wait_dma2 semaphore(%arg36 : memref<!tpu.dma_semaphore, #tpu.memory_space<semaphore_mem>>) src(%dma_wait3A_373 : memref<64x128xf32, #tpu.memory_space<hbm>>) dst(%arg10 : memref<64x128xf32, #tpu.memory_space<vmem>>)
      %dma_start3A_374 = arith.constant 0 : i32
      %dma_start3A_375 = arith.constant 0 : i32
      %dma_start3A_376 = tpu.memref_slice %arg8[%dma_start3A_374, %dma_start3A_375] : memref<10240x128xf32, #tpu.memory_space<vmem_shared>> -> memref<10240x128xf32, #tpu.memory_space<vmem_shared>>
      tpu.enqueue_indirect_dma source(%arg10 : memref<64x128xf32, #tpu.memory_space<vmem>>) target(%dma_start3A_376 : memref<10240x128xf32, #tpu.memory_space<vmem_shared>>) offsets(%arg30 : memref<64xi32, #tpu.memory_space<vmem>>) semaphore(%arg41 : memref<!tpu.dma_semaphore, #tpu.memory_space<semaphore_mem>>) {add = true}
      %dma_start3A_377 = arith.constant 0 : i32
      %dma_start3A_378 = tpu.memref_slice %arg9[%dma_start3A_377] : memref<10240xf32, #tpu.memory_space<vmem_shared>> -> memref<10240xf32, #tpu.memory_space<vmem_shared>>
      tpu.enqueue_indirect_dma source(%arg35 : memref<64xf32, #tpu.memory_space<vmem>>) target(%dma_start3A_378 : memref<10240xf32, #tpu.memory_space<vmem_shared>>) offsets(%arg30 : memref<64xi32, #tpu.memory_space<vmem>>) semaphore(%arg46 : memref<!tpu.dma_semaphore, #tpu.memory_space<semaphore_mem>>) {add = true}
      %add3A_379 = arith.constant 5 : i32
      %add3A_380 = arith.addi %add3A_367, %add3A_379 : i32
      %lt3A_381 = arith.cmpi slt, %add3A_380, %min3A_11 : i32
      %convert_element_type3A_382 = arith.extui %lt3A_381 : i1 to i32
      %cond3A_383 = arith.constant 0 : i32
      %cond3A_384 = arith.cmpi ne, %convert_element_type3A_382, %cond3A_383 : i32
      scf.if %cond3A_384 {
        %add3A_551 = arith.constant 5 : i32
        %add3A_552 = arith.addi %add3A_367, %add3A_551 : i32
        %mul3A_553 = arith.constant 64 : i32
        %mul3A_554 = arith.muli %add3A_552, %mul3A_553 : i32
        %add3A_555 = arith.addi %mul3A_6, %mul3A_554 : i32
        %dma_start3A_556 = tpu.memref_slice %arg3[%add3A_555] : memref<640000xi32, #tpu.memory_space<hbm>> -> memref<64xi32, #tpu.memory_space<hbm>>
        %dma_start3A_557 = tpu.memref_slice %arg3[%add3A_555] : memref<640000xi32, #tpu.memory_space<hbm>> -> memref<64xi32, #tpu.memory_space<hbm>>
        tpu.enqueue_dma source(%dma_start3A_557 : memref<64xi32, #tpu.memory_space<hbm>>) target(%arg15 : memref<64xi32, #tpu.memory_space<vmem>>) target_semaphore(%arg51 : memref<!tpu.dma_semaphore, #tpu.memory_space<semaphore_mem>>)
        %add3A_558 = arith.constant 320000 : i32
        %add3A_559 = arith.addi %add3A_558, %add3A_555 : i32
        %dma_start3A_560 = tpu.memref_slice %arg3[%add3A_559] : memref<640000xi32, #tpu.memory_space<hbm>> -> memref<64xi32, #tpu.memory_space<hbm>>
        %dma_start3A_561 = tpu.memref_slice %arg3[%add3A_559] : memref<640000xi32, #tpu.memory_space<hbm>> -> memref<64xi32, #tpu.memory_space<hbm>>
        tpu.enqueue_dma source(%dma_start3A_561 : memref<64xi32, #tpu.memory_space<hbm>>) target(%arg25 : memref<64xi32, #tpu.memory_space<vmem>>) target_semaphore(%arg51 : memref<!tpu.dma_semaphore, #tpu.memory_space<semaphore_mem>>)
      } else {
      }
      %add3A_385 = arith.constant 1 : i32
      %add3A_386 = arith.addi %add3A_365, %add3A_385 : i32
      %dma_wait3A_387 = arith.constant 0 : i32
      %dma_wait3A_388 = arith.constant 0 : i32
      %dma_wait3A_389 = tpu.memref_slice %arg2[%dma_wait3A_387, %dma_wait3A_388] : memref<10000x128xf32, #tpu.memory_space<hbm>> -> memref<64x128xf32, #tpu.memory_space<hbm>>
      %dma_wait3A_390 = arith.constant 0 : i32
      %dma_wait3A_391 = arith.constant 0 : i32
      %dma_wait3A_392 = tpu.memref_slice %arg2[%dma_wait3A_390, %dma_wait3A_391] : memref<10000x128xf32, #tpu.memory_space<hbm>> -> memref<64x128xf32, #tpu.memory_space<hbm>>
      tpu.wait_dma2 semaphore(%arg37 : memref<!tpu.dma_semaphore, #tpu.memory_space<semaphore_mem>>) src(%dma_wait3A_392 : memref<64x128xf32, #tpu.memory_space<hbm>>) dst(%arg11 : memref<64x128xf32, #tpu.memory_space<vmem>>)
      %dma_start3A_393 = arith.constant 0 : i32
      %dma_start3A_394 = arith.constant 0 : i32
      %dma_start3A_395 = tpu.memref_slice %arg8[%dma_start3A_393, %dma_start3A_394] : memref<10240x128xf32, #tpu.memory_space<vmem_shared>> -> memref<10240x128xf32, #tpu.memory_space<vmem_shared>>
      tpu.enqueue_indirect_dma source(%arg11 : memref<64x128xf32, #tpu.memory_space<vmem>>) target(%dma_start3A_395 : memref<10240x128xf32, #tpu.memory_space<vmem_shared>>) offsets(%arg31 : memref<64xi32, #tpu.memory_space<vmem>>) semaphore(%arg42 : memref<!tpu.dma_semaphore, #tpu.memory_space<semaphore_mem>>) {add = true}
      %dma_start3A_396 = arith.constant 0 : i32
      %dma_start3A_397 = tpu.memref_slice %arg9[%dma_start3A_396] : memref<10240xf32, #tpu.memory_space<vmem_shared>> -> memref<10240xf32, #tpu.memory_space<vmem_shared>>
      tpu.enqueue_indirect_dma source(%arg35 : memref<64xf32, #tpu.memory_space<vmem>>) target(%dma_start3A_397 : memref<10240xf32, #tpu.memory_space<vmem_shared>>) offsets(%arg31 : memref<64xi32, #tpu.memory_space<vmem>>) semaphore(%arg47 : memref<!tpu.dma_semaphore, #tpu.memory_space<semaphore_mem>>) {add = true}
      %add3A_398 = arith.constant 5 : i32
      %add3A_399 = arith.addi %add3A_386, %add3A_398 : i32
      %lt3A_400 = arith.cmpi slt, %add3A_399, %min3A_11 : i32
      %convert_element_type3A_401 = arith.extui %lt3A_400 : i1 to i32
      %cond3A_402 = arith.constant 0 : i32
      %cond3A_403 = arith.cmpi ne, %convert_element_type3A_401, %cond3A_402 : i32
      scf.if %cond3A_403 {
        %add3A_551 = arith.constant 5 : i32
        %add3A_552 = arith.addi %add3A_386, %add3A_551 : i32
        %mul3A_553 = arith.constant 64 : i32
        %mul3A_554 = arith.muli %add3A_552, %mul3A_553 : i32
        %add3A_555 = arith.addi %mul3A_6, %mul3A_554 : i32
        %dma_start3A_556 = tpu.memref_slice %arg3[%add3A_555] : memref<640000xi32, #tpu.memory_space<hbm>> -> memref<64xi32, #tpu.memory_space<hbm>>
        %dma_start3A_557 = tpu.memref_slice %arg3[%add3A_555] : memref<640000xi32, #tpu.memory_space<hbm>> -> memref<64xi32, #tpu.memory_space<hbm>>
        tpu.enqueue_dma source(%dma_start3A_557 : memref<64xi32, #tpu.memory_space<hbm>>) target(%arg16 : memref<64xi32, #tpu.memory_space<vmem>>) target_semaphore(%arg52 : memref<!tpu.dma_semaphore, #tpu.memory_space<semaphore_mem>>)
        %add3A_558 = arith.constant 320000 : i32
        %add3A_559 = arith.addi %add3A_558, %add3A_555 : i32
        %dma_start3A_560 = tpu.memref_slice %arg3[%add3A_559] : memref<640000xi32, #tpu.memory_space<hbm>> -> memref<64xi32, #tpu.memory_space<hbm>>
        %dma_start3A_561 = tpu.memref_slice %arg3[%add3A_559] : memref<640000xi32, #tpu.memory_space<hbm>> -> memref<64xi32, #tpu.memory_space<hbm>>
        tpu.enqueue_dma source(%dma_start3A_561 : memref<64xi32, #tpu.memory_space<hbm>>) target(%arg26 : memref<64xi32, #tpu.memory_space<vmem>>) target_semaphore(%arg52 : memref<!tpu.dma_semaphore, #tpu.memory_space<semaphore_mem>>)
      } else {
      }
      %add3A_404 = arith.constant 2 : i32
      %add3A_405 = arith.addi %add3A_365, %add3A_404 : i32
      %dma_wait3A_406 = arith.constant 0 : i32
      %dma_wait3A_407 = arith.constant 0 : i32
      %dma_wait3A_408 = tpu.memref_slice %arg2[%dma_wait3A_406, %dma_wait3A_407] : memref<10000x128xf32, #tpu.memory_space<hbm>> -> memref<64x128xf32, #tpu.memory_space<hbm>>
      %dma_wait3A_409 = arith.constant 0 : i32
      %dma_wait3A_410 = arith.constant 0 : i32
      %dma_wait3A_411 = tpu.memref_slice %arg2[%dma_wait3A_409, %dma_wait3A_410] : memref<10000x128xf32, #tpu.memory_space<hbm>> -> memref<64x128xf32, #tpu.memory_space<hbm>>
      tpu.wait_dma2 semaphore(%arg38 : memref<!tpu.dma_semaphore, #tpu.memory_space<semaphore_mem>>) src(%dma_wait3A_411 : memref<64x128xf32, #tpu.memory_space<hbm>>) dst(%arg12 : memref<64x128xf32, #tpu.memory_space<vmem>>)
      %dma_start3A_412 = arith.constant 0 : i32
      %dma_start3A_413 = arith.constant 0 : i32
      %dma_start3A_414 = tpu.memref_slice %arg8[%dma_start3A_412, %dma_start3A_413] : memref<10240x128xf32, #tpu.memory_space<vmem_shared>> -> memref<10240x128xf32, #tpu.memory_space<vmem_shared>>
      tpu.enqueue_indirect_dma source(%arg12 : memref<64x128xf32, #tpu.memory_space<vmem>>) target(%dma_start3A_414 : memref<10240x128xf32, #tpu.memory_space<vmem_shared>>) offsets(%arg32 : memref<64xi32, #tpu.memory_space<vmem>>) semaphore(%arg43 : memref<!tpu.dma_semaphore, #tpu.memory_space<semaphore_mem>>) {add = true}
      %dma_start3A_415 = arith.constant 0 : i32
      %dma_start3A_416 = tpu.memref_slice %arg9[%dma_start3A_415] : memref<10240xf32, #tpu.memory_space<vmem_shared>> -> memref<10240xf32, #tpu.memory_space<vmem_shared>>
      tpu.enqueue_indirect_dma source(%arg35 : memref<64xf32, #tpu.memory_space<vmem>>) target(%dma_start3A_416 : memref<10240xf32, #tpu.memory_space<vmem_shared>>) offsets(%arg32 : memref<64xi32, #tpu.memory_space<vmem>>) semaphore(%arg48 : memref<!tpu.dma_semaphore, #tpu.memory_space<semaphore_mem>>) {add = true}
      %add3A_417 = arith.constant 5 : i32
      %add3A_418 = arith.addi %add3A_405, %add3A_417 : i32
      %lt3A_419 = arith.cmpi slt, %add3A_418, %min3A_11 : i32
      %convert_element_type3A_420 = arith.extui %lt3A_419 : i1 to i32
      %cond3A_421 = arith.constant 0 : i32
      %cond3A_422 = arith.cmpi ne, %convert_element_type3A_420, %cond3A_421 : i32
      scf.if %cond3A_422 {
        %add3A_551 = arith.constant 5 : i32
        %add3A_552 = arith.addi %add3A_405, %add3A_551 : i32
        %mul3A_553 = arith.constant 64 : i32
        %mul3A_554 = arith.muli %add3A_552, %mul3A_553 : i32
        %add3A_555 = arith.addi %mul3A_6, %mul3A_554 : i32
        %dma_start3A_556 = tpu.memref_slice %arg3[%add3A_555] : memref<640000xi32, #tpu.memory_space<hbm>> -> memref<64xi32, #tpu.memory_space<hbm>>
        %dma_start3A_557 = tpu.memref_slice %arg3[%add3A_555] : memref<640000xi32, #tpu.memory_space<hbm>> -> memref<64xi32, #tpu.memory_space<hbm>>
        tpu.enqueue_dma source(%dma_start3A_557 : memref<64xi32, #tpu.memory_space<hbm>>) target(%arg17 : memref<64xi32, #tpu.memory_space<vmem>>) target_semaphore(%arg53 : memref<!tpu.dma_semaphore, #tpu.memory_space<semaphore_mem>>)
        %add3A_558 = arith.constant 320000 : i32
        %add3A_559 = arith.addi %add3A_558, %add3A_555 : i32
        %dma_start3A_560 = tpu.memref_slice %arg3[%add3A_559] : memref<640000xi32, #tpu.memory_space<hbm>> -> memref<64xi32, #tpu.memory_space<hbm>>
        %dma_start3A_561 = tpu.memref_slice %arg3[%add3A_559] : memref<640000xi32, #tpu.memory_space<hbm>> -> memref<64xi32, #tpu.memory_space<hbm>>
        tpu.enqueue_dma source(%dma_start3A_561 : memref<64xi32, #tpu.memory_space<hbm>>) target(%arg27 : memref<64xi32, #tpu.memory_space<vmem>>) target_semaphore(%arg53 : memref<!tpu.dma_semaphore, #tpu.memory_space<semaphore_mem>>)
      } else {
      }
      %add3A_423 = arith.constant 3 : i32
      %add3A_424 = arith.addi %add3A_365, %add3A_423 : i32
      %dma_wait3A_425 = arith.constant 0 : i32
      %dma_wait3A_426 = arith.constant 0 : i32
      %dma_wait3A_427 = tpu.memref_slice %arg2[%dma_wait3A_425, %dma_wait3A_426] : memref<10000x128xf32, #tpu.memory_space<hbm>> -> memref<64x128xf32, #tpu.memory_space<hbm>>
      %dma_wait3A_428 = arith.constant 0 : i32
      %dma_wait3A_429 = arith.constant 0 : i32
      %dma_wait3A_430 = tpu.memref_slice %arg2[%dma_wait3A_428, %dma_wait3A_429] : memref<10000x128xf32, #tpu.memory_space<hbm>> -> memref<64x128xf32, #tpu.memory_space<hbm>>
      tpu.wait_dma2 semaphore(%arg39 : memref<!tpu.dma_semaphore, #tpu.memory_space<semaphore_mem>>) src(%dma_wait3A_430 : memref<64x128xf32, #tpu.memory_space<hbm>>) dst(%arg13 : memref<64x128xf32, #tpu.memory_space<vmem>>)
      %dma_start3A_431 = arith.constant 0 : i32
      %dma_start3A_432 = arith.constant 0 : i32
      %dma_start3A_433 = tpu.memref_slice %arg8[%dma_start3A_431, %dma_start3A_432] : memref<10240x128xf32, #tpu.memory_space<vmem_shared>> -> memref<10240x128xf32, #tpu.memory_space<vmem_shared>>
      tpu.enqueue_indirect_dma source(%arg13 : memref<64x128xf32, #tpu.memory_space<vmem>>) target(%dma_start3A_433 : memref<10240x128xf32, #tpu.memory_space<vmem_shared>>) offsets(%arg33 : memref<64xi32, #tpu.memory_space<vmem>>) semaphore(%arg44 : memref<!tpu.dma_semaphore, #tpu.memory_space<semaphore_mem>>) {add = true}
      %dma_start3A_434 = arith.constant 0 : i32
      %dma_start3A_435 = tpu.memref_slice %arg9[%dma_start3A_434] : memref<10240xf32, #tpu.memory_space<vmem_shared>> -> memref<10240xf32, #tpu.memory_space<vmem_shared>>
      tpu.enqueue_indirect_dma source(%arg35 : memref<64xf32, #tpu.memory_space<vmem>>) target(%dma_start3A_435 : memref<10240xf32, #tpu.memory_space<vmem_shared>>) offsets(%arg33 : memref<64xi32, #tpu.memory_space<vmem>>) semaphore(%arg49 : memref<!tpu.dma_semaphore, #tpu.memory_space<semaphore_mem>>) {add = true}
      %add3A_436 = arith.constant 5 : i32
      %add3A_437 = arith.addi %add3A_424, %add3A_436 : i32
      %lt3A_438 = arith.cmpi slt, %add3A_437, %min3A_11 : i32
      %convert_element_type3A_439 = arith.extui %lt3A_438 : i1 to i32
      %cond3A_440 = arith.constant 0 : i32
      %cond3A_441 = arith.cmpi ne, %convert_element_type3A_439, %cond3A_440 : i32
      scf.if %cond3A_441 {
        %add3A_551 = arith.constant 5 : i32
        %add3A_552 = arith.addi %add3A_424, %add3A_551 : i32
        %mul3A_553 = arith.constant 64 : i32
        %mul3A_554 = arith.muli %add3A_552, %mul3A_553 : i32
        %add3A_555 = arith.addi %mul3A_6, %mul3A_554 : i32
        %dma_start3A_556 = tpu.memref_slice %arg3[%add3A_555] : memref<640000xi32, #tpu.memory_space<hbm>> -> memref<64xi32, #tpu.memory_space<hbm>>
        %dma_start3A_557 = tpu.memref_slice %arg3[%add3A_555] : memref<640000xi32, #tpu.memory_space<hbm>> -> memref<64xi32, #tpu.memory_space<hbm>>
        tpu.enqueue_dma source(%dma_start3A_557 : memref<64xi32, #tpu.memory_space<hbm>>) target(%arg18 : memref<64xi32, #tpu.memory_space<vmem>>) target_semaphore(%arg54 : memref<!tpu.dma_semaphore, #tpu.memory_space<semaphore_mem>>)
        %add3A_558 = arith.constant 320000 : i32
        %add3A_559 = arith.addi %add3A_558, %add3A_555 : i32
        %dma_start3A_560 = tpu.memref_slice %arg3[%add3A_559] : memref<640000xi32, #tpu.memory_space<hbm>> -> memref<64xi32, #tpu.memory_space<hbm>>
        %dma_start3A_561 = tpu.memref_slice %arg3[%add3A_559] : memref<640000xi32, #tpu.memory_space<hbm>> -> memref<64xi32, #tpu.memory_space<hbm>>
        tpu.enqueue_dma source(%dma_start3A_561 : memref<64xi32, #tpu.memory_space<hbm>>) target(%arg28 : memref<64xi32, #tpu.memory_space<vmem>>) target_semaphore(%arg54 : memref<!tpu.dma_semaphore, #tpu.memory_space<semaphore_mem>>)
      } else {
      }
      %add3A_442 = arith.constant 4 : i32
      %add3A_443 = arith.addi %add3A_365, %add3A_442 : i32
      %dma_wait3A_444 = arith.constant 0 : i32
      %dma_wait3A_445 = arith.constant 0 : i32
      %dma_wait3A_446 = tpu.memref_slice %arg2[%dma_wait3A_444, %dma_wait3A_445] : memref<10000x128xf32, #tpu.memory_space<hbm>> -> memref<64x128xf32, #tpu.memory_space<hbm>>
      %dma_wait3A_447 = arith.constant 0 : i32
      %dma_wait3A_448 = arith.constant 0 : i32
      %dma_wait3A_449 = tpu.memref_slice %arg2[%dma_wait3A_447, %dma_wait3A_448] : memref<10000x128xf32, #tpu.memory_space<hbm>> -> memref<64x128xf32, #tpu.memory_space<hbm>>
      tpu.wait_dma2 semaphore(%arg40 : memref<!tpu.dma_semaphore, #tpu.memory_space<semaphore_mem>>) src(%dma_wait3A_449 : memref<64x128xf32, #tpu.memory_space<hbm>>) dst(%arg14 : memref<64x128xf32, #tpu.memory_space<vmem>>)
      %dma_start3A_450 = arith.constant 0 : i32
      %dma_start3A_451 = arith.constant 0 : i32
      %dma_start3A_452 = tpu.memref_slice %arg8[%dma_start3A_450, %dma_start3A_451] : memref<10240x128xf32, #tpu.memory_space<vmem_shared>> -> memref<10240x128xf32, #tpu.memory_space<vmem_shared>>
      tpu.enqueue_indirect_dma source(%arg14 : memref<64x128xf32, #tpu.memory_space<vmem>>) target(%dma_start3A_452 : memref<10240x128xf32, #tpu.memory_space<vmem_shared>>) offsets(%arg34 : memref<64xi32, #tpu.memory_space<vmem>>) semaphore(%arg45 : memref<!tpu.dma_semaphore, #tpu.memory_space<semaphore_mem>>) {add = true}
      %dma_start3A_453 = arith.constant 0 : i32
      %dma_start3A_454 = tpu.memref_slice %arg9[%dma_start3A_453] : memref<10240xf32, #tpu.memory_space<vmem_shared>> -> memref<10240xf32, #tpu.memory_space<vmem_shared>>
      tpu.enqueue_indirect_dma source(%arg35 : memref<64xf32, #tpu.memory_space<vmem>>) target(%dma_start3A_454 : memref<10240xf32, #tpu.memory_space<vmem_shared>>) offsets(%arg34 : memref<64xi32, #tpu.memory_space<vmem>>) semaphore(%arg50 : memref<!tpu.dma_semaphore, #tpu.memory_space<semaphore_mem>>) {add = true}
      %add3A_455 = arith.constant 5 : i32
      %add3A_456 = arith.addi %add3A_443, %add3A_455 : i32
      %lt3A_457 = arith.cmpi slt, %add3A_456, %min3A_11 : i32
      %convert_element_type3A_458 = arith.extui %lt3A_457 : i1 to i32
      %cond3A_459 = arith.constant 0 : i32
      %cond3A_460 = arith.cmpi ne, %convert_element_type3A_458, %cond3A_459 : i32
      scf.if %cond3A_460 {
        %add3A_551 = arith.constant 5 : i32
        %add3A_552 = arith.addi %add3A_443, %add3A_551 : i32
        %mul3A_553 = arith.constant 64 : i32
        %mul3A_554 = arith.muli %add3A_552, %mul3A_553 : i32
        %add3A_555 = arith.addi %mul3A_6, %mul3A_554 : i32
        %dma_start3A_556 = tpu.memref_slice %arg3[%add3A_555] : memref<640000xi32, #tpu.memory_space<hbm>> -> memref<64xi32, #tpu.memory_space<hbm>>
        %dma_start3A_557 = tpu.memref_slice %arg3[%add3A_555] : memref<640000xi32, #tpu.memory_space<hbm>> -> memref<64xi32, #tpu.memory_space<hbm>>
        tpu.enqueue_dma source(%dma_start3A_557 : memref<64xi32, #tpu.memory_space<hbm>>) target(%arg19 : memref<64xi32, #tpu.memory_space<vmem>>) target_semaphore(%arg55 : memref<!tpu.dma_semaphore, #tpu.memory_space<semaphore_mem>>)
        %add3A_558 = arith.constant 320000 : i32
        %add3A_559 = arith.addi %add3A_558, %add3A_555 : i32
        %dma_start3A_560 = tpu.memref_slice %arg3[%add3A_559] : memref<640000xi32, #tpu.memory_space<hbm>> -> memref<64xi32, #tpu.memory_space<hbm>>
        %dma_start3A_561 = tpu.memref_slice %arg3[%add3A_559] : memref<640000xi32, #tpu.memory_space<hbm>> -> memref<64xi32, #tpu.memory_space<hbm>>
        tpu.enqueue_dma source(%dma_start3A_561 : memref<64xi32, #tpu.memory_space<hbm>>) target(%arg29 : memref<64xi32, #tpu.memory_space<vmem>>) target_semaphore(%arg55 : memref<!tpu.dma_semaphore, #tpu.memory_space<semaphore_mem>>)
      } else {
      }
      %add3A_461 = arith.constant 0 : i32
      %add3A_462 = arith.addi %add3A_365, %add3A_461 : i32
      %dma_wait3A_463 = arith.constant 0 : i32
      %dma_wait3A_464 = arith.constant 0 : i32
      %dma_wait3A_465 = tpu.memref_slice %arg8[%dma_wait3A_463, %dma_wait3A_464] : memref<10240x128xf32, #tpu.memory_space<vmem_shared>> -> memref<64x128xf32, #tpu.memory_space<vmem_shared>>
      %dma_wait3A_466 = arith.constant 0 : i32
      %dma_wait3A_467 = arith.constant 0 : i32
      %dma_wait3A_468 = tpu.memref_slice %arg8[%dma_wait3A_466, %dma_wait3A_467] : memref<10240x128xf32, #tpu.memory_space<vmem_shared>> -> memref<64x128xf32, #tpu.memory_space<vmem_shared>>
      tpu.wait_dma2 semaphore(%arg41 : memref<!tpu.dma_semaphore, #tpu.memory_space<semaphore_mem>>) src(%arg10 : memref<64x128xf32, #tpu.memory_space<vmem>>) dst(%dma_wait3A_468 : memref<64x128xf32, #tpu.memory_space<vmem_shared>>)
      %dma_wait3A_469 = arith.constant 0 : i32
      %dma_wait3A_470 = tpu.memref_slice %arg9[%dma_wait3A_469] : memref<10240xf32, #tpu.memory_space<vmem_shared>> -> memref<64xf32, #tpu.memory_space<vmem_shared>>
      %dma_wait3A_471 = arith.constant 0 : i32
      %dma_wait3A_472 = tpu.memref_slice %arg9[%dma_wait3A_471] : memref<10240xf32, #tpu.memory_space<vmem_shared>> -> memref<64xf32, #tpu.memory_space<vmem_shared>>
      tpu.wait_dma2 semaphore(%arg46 : memref<!tpu.dma_semaphore, #tpu.memory_space<semaphore_mem>>) src(%arg35 : memref<64xf32, #tpu.memory_space<vmem>>) dst(%dma_wait3A_472 : memref<64xf32, #tpu.memory_space<vmem_shared>>)
      %add3A_473 = arith.constant 5 : i32
      %add3A_474 = arith.addi %add3A_462, %add3A_473 : i32
      %lt3A_475 = arith.cmpi slt, %add3A_474, %min3A_11 : i32
      %convert_element_type3A_476 = arith.extui %lt3A_475 : i1 to i32
      %cond3A_477 = arith.constant 0 : i32
      %cond3A_478 = arith.cmpi ne, %convert_element_type3A_476, %cond3A_477 : i32
      scf.if %cond3A_478 {
        %dma_wait3A_551 = arith.constant 0 : i32
        %dma_wait3A_552 = tpu.memref_slice %arg3[%dma_wait3A_551] : memref<640000xi32, #tpu.memory_space<hbm>> -> memref<64xi32, #tpu.memory_space<hbm>>
        %dma_wait3A_553 = arith.constant 0 : i32
        %dma_wait3A_554 = tpu.memref_slice %arg3[%dma_wait3A_553] : memref<640000xi32, #tpu.memory_space<hbm>> -> memref<64xi32, #tpu.memory_space<hbm>>
        tpu.wait_dma2 semaphore(%arg51 : memref<!tpu.dma_semaphore, #tpu.memory_space<semaphore_mem>>) src(%dma_wait3A_554 : memref<64xi32, #tpu.memory_space<hbm>>) dst(%arg15 : memref<64xi32, #tpu.memory_space<vmem>>)
        %dma_wait3A_555 = arith.constant 0 : i32
        %dma_wait3A_556 = tpu.memref_slice %arg3[%dma_wait3A_555] : memref<640000xi32, #tpu.memory_space<hbm>> -> memref<64xi32, #tpu.memory_space<hbm>>
        %dma_wait3A_557 = arith.constant 0 : i32
        %dma_wait3A_558 = tpu.memref_slice %arg3[%dma_wait3A_557] : memref<640000xi32, #tpu.memory_space<hbm>> -> memref<64xi32, #tpu.memory_space<hbm>>
        tpu.wait_dma2 semaphore(%arg51 : memref<!tpu.dma_semaphore, #tpu.memory_space<semaphore_mem>>) src(%dma_wait3A_558 : memref<64xi32, #tpu.memory_space<hbm>>) dst(%arg25 : memref<64xi32, #tpu.memory_space<vmem>>)
        %dma_start3A_559 = arith.constant 0 : i32
        %dma_start3A_560 = arith.constant 0 : i32
        %dma_start3A_561 = tpu.memref_slice %arg2[%dma_start3A_559, %dma_start3A_560] : memref<10000x128xf32, #tpu.memory_space<hbm>> -> memref<10000x128xf32, #tpu.memory_space<hbm>>
        tpu.enqueue_indirect_dma source(%dma_start3A_561 : memref<10000x128xf32, #tpu.memory_space<hbm>>) target(%arg10 : memref<64x128xf32, #tpu.memory_space<vmem>>) offsets(%arg15 : memref<64xi32, #tpu.memory_space<vmem>>) semaphore(%arg36 : memref<!tpu.dma_semaphore, #tpu.memory_space<semaphore_mem>>)
      } else {
      }
      %add3A_479 = arith.constant 1 : i32
      %add3A_480 = arith.addi %add3A_365, %add3A_479 : i32
      %dma_wait3A_481 = arith.constant 0 : i32
      %dma_wait3A_482 = arith.constant 0 : i32
      %dma_wait3A_483 = tpu.memref_slice %arg8[%dma_wait3A_481, %dma_wait3A_482] : memref<10240x128xf32, #tpu.memory_space<vmem_shared>> -> memref<64x128xf32, #tpu.memory_space<vmem_shared>>
      %dma_wait3A_484 = arith.constant 0 : i32
      %dma_wait3A_485 = arith.constant 0 : i32
      %dma_wait3A_486 = tpu.memref_slice %arg8[%dma_wait3A_484, %dma_wait3A_485] : memref<10240x128xf32, #tpu.memory_space<vmem_shared>> -> memref<64x128xf32, #tpu.memory_space<vmem_shared>>
      tpu.wait_dma2 semaphore(%arg42 : memref<!tpu.dma_semaphore, #tpu.memory_space<semaphore_mem>>) src(%arg11 : memref<64x128xf32, #tpu.memory_space<vmem>>) dst(%dma_wait3A_486 : memref<64x128xf32, #tpu.memory_space<vmem_shared>>)
      %dma_wait3A_487 = arith.constant 0 : i32
      %dma_wait3A_488 = tpu.memref_slice %arg9[%dma_wait3A_487] : memref<10240xf32, #tpu.memory_space<vmem_shared>> -> memref<64xf32, #tpu.memory_space<vmem_shared>>
      %dma_wait3A_489 = arith.constant 0 : i32
      %dma_wait3A_490 = tpu.memref_slice %arg9[%dma_wait3A_489] : memref<10240xf32, #tpu.memory_space<vmem_shared>> -> memref<64xf32, #tpu.memory_space<vmem_shared>>
      tpu.wait_dma2 semaphore(%arg47 : memref<!tpu.dma_semaphore, #tpu.memory_space<semaphore_mem>>) src(%arg35 : memref<64xf32, #tpu.memory_space<vmem>>) dst(%dma_wait3A_490 : memref<64xf32, #tpu.memory_space<vmem_shared>>)
      %add3A_491 = arith.constant 5 : i32
      %add3A_492 = arith.addi %add3A_480, %add3A_491 : i32
      %lt3A_493 = arith.cmpi slt, %add3A_492, %min3A_11 : i32
      %convert_element_type3A_494 = arith.extui %lt3A_493 : i1 to i32
      %cond3A_495 = arith.constant 0 : i32
      %cond3A_496 = arith.cmpi ne, %convert_element_type3A_494, %cond3A_495 : i32
      scf.if %cond3A_496 {
        %dma_wait3A_551 = arith.constant 0 : i32
        %dma_wait3A_552 = tpu.memref_slice %arg3[%dma_wait3A_551] : memref<640000xi32, #tpu.memory_space<hbm>> -> memref<64xi32, #tpu.memory_space<hbm>>
        %dma_wait3A_553 = arith.constant 0 : i32
        %dma_wait3A_554 = tpu.memref_slice %arg3[%dma_wait3A_553] : memref<640000xi32, #tpu.memory_space<hbm>> -> memref<64xi32, #tpu.memory_space<hbm>>
        tpu.wait_dma2 semaphore(%arg52 : memref<!tpu.dma_semaphore, #tpu.memory_space<semaphore_mem>>) src(%dma_wait3A_554 : memref<64xi32, #tpu.memory_space<hbm>>) dst(%arg16 : memref<64xi32, #tpu.memory_space<vmem>>)
        %dma_wait3A_555 = arith.constant 0 : i32
        %dma_wait3A_556 = tpu.memref_slice %arg3[%dma_wait3A_555] : memref<640000xi32, #tpu.memory_space<hbm>> -> memref<64xi32, #tpu.memory_space<hbm>>
        %dma_wait3A_557 = arith.constant 0 : i32
        %dma_wait3A_558 = tpu.memref_slice %arg3[%dma_wait3A_557] : memref<640000xi32, #tpu.memory_space<hbm>> -> memref<64xi32, #tpu.memory_space<hbm>>
        tpu.wait_dma2 semaphore(%arg52 : memref<!tpu.dma_semaphore, #tpu.memory_space<semaphore_mem>>) src(%dma_wait3A_558 : memref<64xi32, #tpu.memory_space<hbm>>) dst(%arg26 : memref<64xi32, #tpu.memory_space<vmem>>)
        %dma_start3A_559 = arith.constant 0 : i32
        %dma_start3A_560 = arith.constant 0 : i32
        %dma_start3A_561 = tpu.memref_slice %arg2[%dma_start3A_559, %dma_start3A_560] : memref<10000x128xf32, #tpu.memory_space<hbm>> -> memref<10000x128xf32, #tpu.memory_space<hbm>>
        tpu.enqueue_indirect_dma source(%dma_start3A_561 : memref<10000x128xf32, #tpu.memory_space<hbm>>) target(%arg11 : memref<64x128xf32, #tpu.memory_space<vmem>>) offsets(%arg16 : memref<64xi32, #tpu.memory_space<vmem>>) semaphore(%arg37 : memref<!tpu.dma_semaphore, #tpu.memory_space<semaphore_mem>>)
      } else {
      }
      %add3A_497 = arith.constant 2 : i32
      %add3A_498 = arith.addi %add3A_365, %add3A_497 : i32
      %dma_wait3A_499 = arith.constant 0 : i32
      %dma_wait3A_500 = arith.constant 0 : i32
      %dma_wait3A_501 = tpu.memref_slice %arg8[%dma_wait3A_499, %dma_wait3A_500] : memref<10240x128xf32, #tpu.memory_space<vmem_shared>> -> memref<64x128xf32, #tpu.memory_space<vmem_shared>>
      %dma_wait3A_502 = arith.constant 0 : i32
      %dma_wait3A_503 = arith.constant 0 : i32
      %dma_wait3A_504 = tpu.memref_slice %arg8[%dma_wait3A_502, %dma_wait3A_503] : memref<10240x128xf32, #tpu.memory_space<vmem_shared>> -> memref<64x128xf32, #tpu.memory_space<vmem_shared>>
      tpu.wait_dma2 semaphore(%arg43 : memref<!tpu.dma_semaphore, #tpu.memory_space<semaphore_mem>>) src(%arg12 : memref<64x128xf32, #tpu.memory_space<vmem>>) dst(%dma_wait3A_504 : memref<64x128xf32, #tpu.memory_space<vmem_shared>>)
      %dma_wait3A_505 = arith.constant 0 : i32
      %dma_wait3A_506 = tpu.memref_slice %arg9[%dma_wait3A_505] : memref<10240xf32, #tpu.memory_space<vmem_shared>> -> memref<64xf32, #tpu.memory_space<vmem_shared>>
      %dma_wait3A_507 = arith.constant 0 : i32
      %dma_wait3A_508 = tpu.memref_slice %arg9[%dma_wait3A_507] : memref<10240xf32, #tpu.memory_space<vmem_shared>> -> memref<64xf32, #tpu.memory_space<vmem_shared>>
      tpu.wait_dma2 semaphore(%arg48 : memref<!tpu.dma_semaphore, #tpu.memory_space<semaphore_mem>>) src(%arg35 : memref<64xf32, #tpu.memory_space<vmem>>) dst(%dma_wait3A_508 : memref<64xf32, #tpu.memory_space<vmem_shared>>)
      %add3A_509 = arith.constant 5 : i32
      %add3A_510 = arith.addi %add3A_498, %add3A_509 : i32
      %lt3A_511 = arith.cmpi slt, %add3A_510, %min3A_11 : i32
      %convert_element_type3A_512 = arith.extui %lt3A_511 : i1 to i32
      %cond3A_513 = arith.constant 0 : i32
      %cond3A_514 = arith.cmpi ne, %convert_element_type3A_512, %cond3A_513 : i32
      scf.if %cond3A_514 {
        %dma_wait3A_551 = arith.constant 0 : i32
        %dma_wait3A_552 = tpu.memref_slice %arg3[%dma_wait3A_551] : memref<640000xi32, #tpu.memory_space<hbm>> -> memref<64xi32, #tpu.memory_space<hbm>>
        %dma_wait3A_553 = arith.constant 0 : i32
        %dma_wait3A_554 = tpu.memref_slice %arg3[%dma_wait3A_553] : memref<640000xi32, #tpu.memory_space<hbm>> -> memref<64xi32, #tpu.memory_space<hbm>>
        tpu.wait_dma2 semaphore(%arg53 : memref<!tpu.dma_semaphore, #tpu.memory_space<semaphore_mem>>) src(%dma_wait3A_554 : memref<64xi32, #tpu.memory_space<hbm>>) dst(%arg17 : memref<64xi32, #tpu.memory_space<vmem>>)
        %dma_wait3A_555 = arith.constant 0 : i32
        %dma_wait3A_556 = tpu.memref_slice %arg3[%dma_wait3A_555] : memref<640000xi32, #tpu.memory_space<hbm>> -> memref<64xi32, #tpu.memory_space<hbm>>
        %dma_wait3A_557 = arith.constant 0 : i32
        %dma_wait3A_558 = tpu.memref_slice %arg3[%dma_wait3A_557] : memref<640000xi32, #tpu.memory_space<hbm>> -> memref<64xi32, #tpu.memory_space<hbm>>
        tpu.wait_dma2 semaphore(%arg53 : memref<!tpu.dma_semaphore, #tpu.memory_space<semaphore_mem>>) src(%dma_wait3A_558 : memref<64xi32, #tpu.memory_space<hbm>>) dst(%arg27 : memref<64xi32, #tpu.memory_space<vmem>>)
        %dma_start3A_559 = arith.constant 0 : i32
        %dma_start3A_560 = arith.constant 0 : i32
        %dma_start3A_561 = tpu.memref_slice %arg2[%dma_start3A_559, %dma_start3A_560] : memref<10000x128xf32, #tpu.memory_space<hbm>> -> memref<10000x128xf32, #tpu.memory_space<hbm>>
        tpu.enqueue_indirect_dma source(%dma_start3A_561 : memref<10000x128xf32, #tpu.memory_space<hbm>>) target(%arg12 : memref<64x128xf32, #tpu.memory_space<vmem>>) offsets(%arg17 : memref<64xi32, #tpu.memory_space<vmem>>) semaphore(%arg38 : memref<!tpu.dma_semaphore, #tpu.memory_space<semaphore_mem>>)
      } else {
      }
      %add3A_515 = arith.constant 3 : i32
      %add3A_516 = arith.addi %add3A_365, %add3A_515 : i32
      %dma_wait3A_517 = arith.constant 0 : i32
      %dma_wait3A_518 = arith.constant 0 : i32
      %dma_wait3A_519 = tpu.memref_slice %arg8[%dma_wait3A_517, %dma_wait3A_518] : memref<10240x128xf32, #tpu.memory_space<vmem_shared>> -> memref<64x128xf32, #tpu.memory_space<vmem_shared>>
      %dma_wait3A_520 = arith.constant 0 : i32
      %dma_wait3A_521 = arith.constant 0 : i32
      %dma_wait3A_522 = tpu.memref_slice %arg8[%dma_wait3A_520, %dma_wait3A_521] : memref<10240x128xf32, #tpu.memory_space<vmem_shared>> -> memref<64x128xf32, #tpu.memory_space<vmem_shared>>
      tpu.wait_dma2 semaphore(%arg44 : memref<!tpu.dma_semaphore, #tpu.memory_space<semaphore_mem>>) src(%arg13 : memref<64x128xf32, #tpu.memory_space<vmem>>) dst(%dma_wait3A_522 : memref<64x128xf32, #tpu.memory_space<vmem_shared>>)
      %dma_wait3A_523 = arith.constant 0 : i32
      %dma_wait3A_524 = tpu.memref_slice %arg9[%dma_wait3A_523] : memref<10240xf32, #tpu.memory_space<vmem_shared>> -> memref<64xf32, #tpu.memory_space<vmem_shared>>
      %dma_wait3A_525 = arith.constant 0 : i32
      %dma_wait3A_526 = tpu.memref_slice %arg9[%dma_wait3A_525] : memref<10240xf32, #tpu.memory_space<vmem_shared>> -> memref<64xf32, #tpu.memory_space<vmem_shared>>
      tpu.wait_dma2 semaphore(%arg49 : memref<!tpu.dma_semaphore, #tpu.memory_space<semaphore_mem>>) src(%arg35 : memref<64xf32, #tpu.memory_space<vmem>>) dst(%dma_wait3A_526 : memref<64xf32, #tpu.memory_space<vmem_shared>>)
      %add3A_527 = arith.constant 5 : i32
      %add3A_528 = arith.addi %add3A_516, %add3A_527 : i32
      %lt3A_529 = arith.cmpi slt, %add3A_528, %min3A_11 : i32
      %convert_element_type3A_530 = arith.extui %lt3A_529 : i1 to i32
      %cond3A_531 = arith.constant 0 : i32
      %cond3A_532 = arith.cmpi ne, %convert_element_type3A_530, %cond3A_531 : i32
      scf.if %cond3A_532 {
        %dma_wait3A_551 = arith.constant 0 : i32
        %dma_wait3A_552 = tpu.memref_slice %arg3[%dma_wait3A_551] : memref<640000xi32, #tpu.memory_space<hbm>> -> memref<64xi32, #tpu.memory_space<hbm>>
        %dma_wait3A_553 = arith.constant 0 : i32
        %dma_wait3A_554 = tpu.memref_slice %arg3[%dma_wait3A_553] : memref<640000xi32, #tpu.memory_space<hbm>> -> memref<64xi32, #tpu.memory_space<hbm>>
        tpu.wait_dma2 semaphore(%arg54 : memref<!tpu.dma_semaphore, #tpu.memory_space<semaphore_mem>>) src(%dma_wait3A_554 : memref<64xi32, #tpu.memory_space<hbm>>) dst(%arg18 : memref<64xi32, #tpu.memory_space<vmem>>)
        %dma_wait3A_555 = arith.constant 0 : i32
        %dma_wait3A_556 = tpu.memref_slice %arg3[%dma_wait3A_555] : memref<640000xi32, #tpu.memory_space<hbm>> -> memref<64xi32, #tpu.memory_space<hbm>>
        %dma_wait3A_557 = arith.constant 0 : i32
        %dma_wait3A_558 = tpu.memref_slice %arg3[%dma_wait3A_557] : memref<640000xi32, #tpu.memory_space<hbm>> -> memref<64xi32, #tpu.memory_space<hbm>>
        tpu.wait_dma2 semaphore(%arg54 : memref<!tpu.dma_semaphore, #tpu.memory_space<semaphore_mem>>) src(%dma_wait3A_558 : memref<64xi32, #tpu.memory_space<hbm>>) dst(%arg28 : memref<64xi32, #tpu.memory_space<vmem>>)
        %dma_start3A_559 = arith.constant 0 : i32
        %dma_start3A_560 = arith.constant 0 : i32
        %dma_start3A_561 = tpu.memref_slice %arg2[%dma_start3A_559, %dma_start3A_560] : memref<10000x128xf32, #tpu.memory_space<hbm>> -> memref<10000x128xf32, #tpu.memory_space<hbm>>
        tpu.enqueue_indirect_dma source(%dma_start3A_561 : memref<10000x128xf32, #tpu.memory_space<hbm>>) target(%arg13 : memref<64x128xf32, #tpu.memory_space<vmem>>) offsets(%arg18 : memref<64xi32, #tpu.memory_space<vmem>>) semaphore(%arg39 : memref<!tpu.dma_semaphore, #tpu.memory_space<semaphore_mem>>)
      } else {
      }
      %add3A_533 = arith.constant 4 : i32
      %add3A_534 = arith.addi %add3A_365, %add3A_533 : i32
      %dma_wait3A_535 = arith.constant 0 : i32
      %dma_wait3A_536 = arith.constant 0 : i32
      %dma_wait3A_537 = tpu.memref_slice %arg8[%dma_wait3A_535, %dma_wait3A_536] : memref<10240x128xf32, #tpu.memory_space<vmem_shared>> -> memref<64x128xf32, #tpu.memory_space<vmem_shared>>
      %dma_wait3A_538 = arith.constant 0 : i32
      %dma_wait3A_539 = arith.constant 0 : i32
      %dma_wait3A_540 = tpu.memref_slice %arg8[%dma_wait3A_538, %dma_wait3A_539] : memref<10240x128xf32, #tpu.memory_space<vmem_shared>> -> memref<64x128xf32, #tpu.memory_space<vmem_shared>>
      tpu.wait_dma2 semaphore(%arg45 : memref<!tpu.dma_semaphore, #tpu.memory_space<semaphore_mem>>) src(%arg14 : memref<64x128xf32, #tpu.memory_space<vmem>>) dst(%dma_wait3A_540 : memref<64x128xf32, #tpu.memory_space<vmem_shared>>)
      %dma_wait3A_541 = arith.constant 0 : i32
      %dma_wait3A_542 = tpu.memref_slice %arg9[%dma_wait3A_541] : memref<10240xf32, #tpu.memory_space<vmem_shared>> -> memref<64xf32, #tpu.memory_space<vmem_shared>>
      %dma_wait3A_543 = arith.constant 0 : i32
      %dma_wait3A_544 = tpu.memref_slice %arg9[%dma_wait3A_543] : memref<10240xf32, #tpu.memory_space<vmem_shared>> -> memref<64xf32, #tpu.memory_space<vmem_shared>>
      tpu.wait_dma2 semaphore(%arg50 : memref<!tpu.dma_semaphore, #tpu.memory_space<semaphore_mem>>) src(%arg35 : memref<64xf32, #tpu.memory_space<vmem>>) dst(%dma_wait3A_544 : memref<64xf32, #tpu.memory_space<vmem_shared>>)
      %add3A_545 = arith.constant 5 : i32
      %add3A_546 = arith.addi %add3A_534, %add3A_545 : i32
      %lt3A_547 = arith.cmpi slt, %add3A_546, %min3A_11 : i32
      %convert_element_type3A_548 = arith.extui %lt3A_547 : i1 to i32
      %cond3A_549 = arith.constant 0 : i32
      %cond3A_550 = arith.cmpi ne, %convert_element_type3A_548, %cond3A_549 : i32
      scf.if %cond3A_550 {
        %dma_wait3A_551 = arith.constant 0 : i32
        %dma_wait3A_552 = tpu.memref_slice %arg3[%dma_wait3A_551] : memref<640000xi32, #tpu.memory_space<hbm>> -> memref<64xi32, #tpu.memory_space<hbm>>
        %dma_wait3A_553 = arith.constant 0 : i32
        %dma_wait3A_554 = tpu.memref_slice %arg3[%dma_wait3A_553] : memref<640000xi32, #tpu.memory_space<hbm>> -> memref<64xi32, #tpu.memory_space<hbm>>
        tpu.wait_dma2 semaphore(%arg55 : memref<!tpu.dma_semaphore, #tpu.memory_space<semaphore_mem>>) src(%dma_wait3A_554 : memref<64xi32, #tpu.memory_space<hbm>>) dst(%arg19 : memref<64xi32, #tpu.memory_space<vmem>>)
        %dma_wait3A_555 = arith.constant 0 : i32
        %dma_wait3A_556 = tpu.memref_slice %arg3[%dma_wait3A_555] : memref<640000xi32, #tpu.memory_space<hbm>> -> memref<64xi32, #tpu.memory_space<hbm>>
        %dma_wait3A_557 = arith.constant 0 : i32
        %dma_wait3A_558 = tpu.memref_slice %arg3[%dma_wait3A_557] : memref<640000xi32, #tpu.memory_space<hbm>> -> memref<64xi32, #tpu.memory_space<hbm>>
        tpu.wait_dma2 semaphore(%arg55 : memref<!tpu.dma_semaphore, #tpu.memory_space<semaphore_mem>>) src(%dma_wait3A_558 : memref<64xi32, #tpu.memory_space<hbm>>) dst(%arg29 : memref<64xi32, #tpu.memory_space<vmem>>)
        %dma_start3A_559 = arith.constant 0 : i32
        %dma_start3A_560 = arith.constant 0 : i32
        %dma_start3A_561 = tpu.memref_slice %arg2[%dma_start3A_559, %dma_start3A_560] : memref<10000x128xf32, #tpu.memory_space<hbm>> -> memref<10000x128xf32, #tpu.memory_space<hbm>>
        tpu.enqueue_indirect_dma source(%dma_start3A_561 : memref<10000x128xf32, #tpu.memory_space<hbm>>) target(%arg14 : memref<64x128xf32, #tpu.memory_space<vmem>>) offsets(%arg19 : memref<64xi32, #tpu.memory_space<vmem>>) semaphore(%arg40 : memref<!tpu.dma_semaphore, #tpu.memory_space<semaphore_mem>>)
      } else {
      }
    }
    %barrier3A_173 = arith.constant 0 : index
    tpu.barrier barrier_id(%barrier3A_173)
    %mul3A_174 = arith.constant 10240 : i32
    %mul3A_175 = arith.muli %arg0, %mul3A_174 : i32
    %add3A_176 = arith.addi %mul3A_175, %mul3A_2 : i32
    "tpu.region"() ({
      %run_scoped3A = tpu.sem_alloc : memref<!tpu.dma_semaphore, #tpu.memory_space<semaphore_mem>>
      %dma_start3A_177 = arith.constant 0 : i32
      %dma_start3A_178 = tpu.memref_slice %arg6[%add3A_176, %dma_start3A_177] : memref<20480x128xf32, #tpu.memory_space<hbm>> -> memref<640x128xf32, #tpu.memory_space<hbm>>
      %dma_start3A_179 = arith.constant 0 : i32
      %dma_start3A_180 = tpu.memref_slice %arg8[%mul3A_2, %dma_start3A_179] : memref<10240x128xf32, #tpu.memory_space<vmem_shared>> -> memref<640x128xf32, #tpu.memory_space<vmem_shared>>
      tpu.enqueue_dma source(%dma_start3A_180 : memref<640x128xf32, #tpu.memory_space<vmem_shared>>) target(%dma_start3A_178 : memref<640x128xf32, #tpu.memory_space<hbm>>) target_semaphore(%run_scoped3A : memref<!tpu.dma_semaphore, #tpu.memory_space<semaphore_mem>>)
      %dma_wait3A_181 = arith.constant 0 : i32
      %dma_wait3A_182 = tpu.memref_slice %arg6[%add3A_176, %dma_wait3A_181] : memref<20480x128xf32, #tpu.memory_space<hbm>> -> memref<640x128xf32, #tpu.memory_space<hbm>>
      %dma_wait3A_183 = arith.constant 0 : i32
      %dma_wait3A_184 = tpu.memref_slice %arg8[%mul3A_2, %dma_wait3A_183] : memref<10240x128xf32, #tpu.memory_space<vmem_shared>> -> memref<640x128xf32, #tpu.memory_space<vmem_shared>>
      tpu.wait_dma2 semaphore(%run_scoped3A : memref<!tpu.dma_semaphore, #tpu.memory_space<semaphore_mem>>) src(%dma_wait3A_184 : memref<640x128xf32, #tpu.memory_space<vmem_shared>>) dst(%dma_wait3A_182 : memref<640x128xf32, #tpu.memory_space<hbm>>)
      tpu.yield
    }) : () -> ()
    "tpu.region"() ({
      %run_scoped3A = tpu.sem_alloc : memref<!tpu.dma_semaphore, #tpu.memory_space<semaphore_mem>>
      %dma_start3A_177 = tpu.memref_slice %arg7[%add3A_176] : memref<20480xf32, #tpu.memory_space<hbm>> -> memref<640xf32, #tpu.memory_space<hbm>>
      %dma_start3A_178 = tpu.memref_slice %arg9[%mul3A_2] : memref<10240xf32, #tpu.memory_space<vmem_shared>> -> memref<640xf32, #tpu.memory_space<vmem_shared>>
      tpu.enqueue_dma source(%dma_start3A_178 : memref<640xf32, #tpu.memory_space<vmem_shared>>) target(%dma_start3A_177 : memref<640xf32, #tpu.memory_space<hbm>>) target_semaphore(%run_scoped3A : memref<!tpu.dma_semaphore, #tpu.memory_space<semaphore_mem>>)
      %dma_wait3A_179 = tpu.memref_slice %arg7[%add3A_176] : memref<20480xf32, #tpu.memory_space<hbm>> -> memref<640xf32, #tpu.memory_space<hbm>>
      %dma_wait3A_180 = tpu.memref_slice %arg9[%mul3A_2] : memref<10240xf32, #tpu.memory_space<vmem_shared>> -> memref<640xf32, #tpu.memory_space<vmem_shared>>
      tpu.wait_dma2 semaphore(%run_scoped3A : memref<!tpu.dma_semaphore, #tpu.memory_space<semaphore_mem>>) src(%dma_wait3A_180 : memref<640xf32, #tpu.memory_space<vmem_shared>>) dst(%dma_wait3A_179 : memref<640xf32, #tpu.memory_space<hbm>>)
      tpu.yield
    }) : () -> ()
    return
  }
}

#map = affine_map<(d0, d1) -> (0, 0)>
#map1 = affine_map<(d0, d1) -> (0)>
module attributes {stable_mosaic.version = 14 : i64} {
  func.func @_sc_agg_body(%arg0: i32, %arg1: i32, %arg2: memref<10000x128xf32, #tpu.memory_space<hbm>>, %arg3: memref<640000xi32, #tpu.memory_space<hbm>>, %arg4: memref<64x128xf32, #tpu.memory_space<hbm>>, %arg5: memref<20480x128xf32, #tpu.memory_space<hbm>>, %arg6: memref<10240x128xf32, #tpu.memory_space<vmem_shared>>, %arg7: memref<64x128xf32, #tpu.memory_space<vmem>>, %arg8: memref<64x128xf32, #tpu.memory_space<vmem>>, %arg9: memref<64x128xf32, #tpu.memory_space<vmem>>, %arg10: memref<64x128xf32, #tpu.memory_space<vmem>>, %arg11: memref<64x128xf32, #tpu.memory_space<vmem>>, %arg12: memref<64xi32, #tpu.memory_space<vmem>>, %arg13: memref<64xi32, #tpu.memory_space<vmem>>, %arg14: memref<64xi32, #tpu.memory_space<vmem>>, %arg15: memref<64xi32, #tpu.memory_space<vmem>>, %arg16: memref<64xi32, #tpu.memory_space<vmem>>, %arg17: memref<64xi32, #tpu.memory_space<vmem>>, %arg18: memref<64xi32, #tpu.memory_space<vmem>>, %arg19: memref<64xi32, #tpu.memory_space<vmem>>, %arg20: memref<64xi32, #tpu.memory_space<vmem>>, %arg21: memref<64xi32, #tpu.memory_space<vmem>>, %arg22: memref<64xi32, #tpu.memory_space<vmem>>, %arg23: memref<64xi32, #tpu.memory_space<vmem>>, %arg24: memref<64xi32, #tpu.memory_space<vmem>>, %arg25: memref<64xi32, #tpu.memory_space<vmem>>, %arg26: memref<64xi32, #tpu.memory_space<vmem>>, %arg27: memref<64xi32, #tpu.memory_space<vmem>>, %arg28: memref<64xi32, #tpu.memory_space<vmem>>, %arg29: memref<64xi32, #tpu.memory_space<vmem>>, %arg30: memref<64xi32, #tpu.memory_space<vmem>>, %arg31: memref<64xi32, #tpu.memory_space<vmem>>, %arg32: memref<!tpu.dma_semaphore, #tpu.memory_space<semaphore_mem>>, %arg33: memref<!tpu.dma_semaphore, #tpu.memory_space<semaphore_mem>>, %arg34: memref<!tpu.dma_semaphore, #tpu.memory_space<semaphore_mem>>, %arg35: memref<!tpu.dma_semaphore, #tpu.memory_space<semaphore_mem>>, %arg36: memref<!tpu.dma_semaphore, #tpu.memory_space<semaphore_mem>>, %arg37: memref<!tpu.dma_semaphore, #tpu.memory_space<semaphore_mem>>, %arg38: memref<!tpu.dma_semaphore, #tpu.memory_space<semaphore_mem>>, %arg39: memref<!tpu.dma_semaphore, #tpu.memory_space<semaphore_mem>>, %arg40: memref<!tpu.dma_semaphore, #tpu.memory_space<semaphore_mem>>, %arg41: memref<!tpu.dma_semaphore, #tpu.memory_space<semaphore_mem>>, %arg42: memref<!tpu.dma_semaphore, #tpu.memory_space<semaphore_mem>>, %arg43: memref<!tpu.dma_semaphore, #tpu.memory_space<semaphore_mem>>, %arg44: memref<!tpu.dma_semaphore, #tpu.memory_space<semaphore_mem>>, %arg45: memref<!tpu.dma_semaphore, #tpu.memory_space<semaphore_mem>>, %arg46: memref<!tpu.dma_semaphore, #tpu.memory_space<semaphore_mem>>, %arg47: memref<!tpu.dma_semaphore, #tpu.memory_space<semaphore_mem>>, %arg48: memref<!tpu.dma_semaphore, #tpu.memory_space<semaphore_mem>>, %arg49: memref<!tpu.dma_semaphore, #tpu.memory_space<semaphore_mem>>, %arg50: memref<!tpu.dma_semaphore, #tpu.memory_space<semaphore_mem>>, %arg51: memref<!tpu.dma_semaphore, #tpu.memory_space<semaphore_mem>>) attributes {dimension_semantics = [#tpu.dimension_semantics<core_parallel>, #tpu.dimension_semantics<subcore_parallel>], iteration_bounds = array<i64: 2, 16>, scalar_prefetch = 0 : i64, scratch_operands = 46 : i64, tpu.core_type = #tpu.core_type<sc_vector_subcore>, window_params = [{transform_indices = #map}, {transform_indices = #map1}, {transform_indices = #map}, {transform_indices = #map}]} {
    %mul3A = arith.constant 2 : i32
    %mul3A_0 = arith.muli %arg1, %mul3A : i32
    %add3A = arith.addi %mul3A_0, %arg0 : i32
    %mul3A_1 = arith.constant 640 : i32
    %mul3A_2 = arith.muli %arg1, %mul3A_1 : i32
    %mul3A_3 = arith.constant 160 : i32
    %mul3A_4 = arith.muli %add3A, %mul3A_3 : i32
    %mul3A_5 = arith.constant 64 : i32
    %mul3A_6 = arith.muli %mul3A_4, %mul3A_5 : i32
    %mul3A_7 = arith.constant 160 : i32
    %mul3A_8 = arith.muli %add3A, %mul3A_7 : i32
    %sub3A = arith.constant 5000 : i32
    %sub3A_9 = arith.subi %sub3A, %mul3A_8 : i32
    %max3A = arith.constant 0 : i32
    %max3A_10 = arith.maxsi %sub3A_9, %max3A : i32
    %min3A = arith.constant 160 : i32
    %min3A_11 = arith.minsi %min3A, %max3A_10 : i32
    "tpu.region"() ({
      %run_scoped3A = tpu.sem_alloc : memref<!tpu.dma_semaphore, #tpu.memory_space<semaphore_mem>>
      tpu.enqueue_dma source(%arg4 : memref<64x128xf32, #tpu.memory_space<hbm>>) target(%arg7 : memref<64x128xf32, #tpu.memory_space<vmem>>) target_semaphore(%run_scoped3A : memref<!tpu.dma_semaphore, #tpu.memory_space<semaphore_mem>>)
      tpu.wait_dma2 semaphore(%run_scoped3A : memref<!tpu.dma_semaphore, #tpu.memory_space<semaphore_mem>>) src(%arg4 : memref<64x128xf32, #tpu.memory_space<hbm>>) dst(%arg7 : memref<64x128xf32, #tpu.memory_space<vmem>>)
      tpu.yield
    }) : () -> ()
    %add3A_12 = arith.constant 0 : i32
    %add3A_13 = arith.addi %mul3A_2, %add3A_12 : i32
    "tpu.region"() ({
      %run_scoped3A = tpu.sem_alloc : memref<!tpu.dma_semaphore, #tpu.memory_space<semaphore_mem>>
      %dma_start3A_155 = arith.constant 0 : i32
      %dma_start3A_156 = tpu.memref_slice %arg6[%add3A_13, %dma_start3A_155] : memref<10240x128xf32, #tpu.memory_space<vmem_shared>> -> memref<64x128xf32, #tpu.memory_space<vmem_shared>>
      %dma_start3A_157 = arith.constant 0 : i32
      %dma_start3A_158 = tpu.memref_slice %arg6[%add3A_13, %dma_start3A_157] : memref<10240x128xf32, #tpu.memory_space<vmem_shared>> -> memref<64x128xf32, #tpu.memory_space<vmem_shared>>
      tpu.enqueue_dma source(%arg7 : memref<64x128xf32, #tpu.memory_space<vmem>>) target(%dma_start3A_158 : memref<64x128xf32, #tpu.memory_space<vmem_shared>>) target_semaphore(%run_scoped3A : memref<!tpu.dma_semaphore, #tpu.memory_space<semaphore_mem>>)
      %dma_wait3A_159 = arith.constant 0 : i32
      %dma_wait3A_160 = tpu.memref_slice %arg6[%add3A_13, %dma_wait3A_159] : memref<10240x128xf32, #tpu.memory_space<vmem_shared>> -> memref<64x128xf32, #tpu.memory_space<vmem_shared>>
      %dma_wait3A_161 = arith.constant 0 : i32
      %dma_wait3A_162 = tpu.memref_slice %arg6[%add3A_13, %dma_wait3A_161] : memref<10240x128xf32, #tpu.memory_space<vmem_shared>> -> memref<64x128xf32, #tpu.memory_space<vmem_shared>>
      tpu.wait_dma2 semaphore(%run_scoped3A : memref<!tpu.dma_semaphore, #tpu.memory_space<semaphore_mem>>) src(%arg7 : memref<64x128xf32, #tpu.memory_space<vmem>>) dst(%dma_wait3A_162 : memref<64x128xf32, #tpu.memory_space<vmem_shared>>)
      tpu.yield
    }) : () -> ()
    %add3A_14 = arith.constant 64 : i32
    %add3A_15 = arith.addi %mul3A_2, %add3A_14 : i32
    "tpu.region"() ({
      %run_scoped3A = tpu.sem_alloc : memref<!tpu.dma_semaphore, #tpu.memory_space<semaphore_mem>>
      %dma_start3A_155 = arith.constant 0 : i32
      %dma_start3A_156 = tpu.memref_slice %arg6[%add3A_15, %dma_start3A_155] : memref<10240x128xf32, #tpu.memory_space<vmem_shared>> -> memref<64x128xf32, #tpu.memory_space<vmem_shared>>
      %dma_start3A_157 = arith.constant 0 : i32
      %dma_start3A_158 = tpu.memref_slice %arg6[%add3A_15, %dma_start3A_157] : memref<10240x128xf32, #tpu.memory_space<vmem_shared>> -> memref<64x128xf32, #tpu.memory_space<vmem_shared>>
      tpu.enqueue_dma source(%arg7 : memref<64x128xf32, #tpu.memory_space<vmem>>) target(%dma_start3A_158 : memref<64x128xf32, #tpu.memory_space<vmem_shared>>) target_semaphore(%run_scoped3A : memref<!tpu.dma_semaphore, #tpu.memory_space<semaphore_mem>>)
      %dma_wait3A_159 = arith.constant 0 : i32
      %dma_wait3A_160 = tpu.memref_slice %arg6[%add3A_15, %dma_wait3A_159] : memref<10240x128xf32, #tpu.memory_space<vmem_shared>> -> memref<64x128xf32, #tpu.memory_space<vmem_shared>>
      %dma_wait3A_161 = arith.constant 0 : i32
      %dma_wait3A_162 = tpu.memref_slice %arg6[%add3A_15, %dma_wait3A_161] : memref<10240x128xf32, #tpu.memory_space<vmem_shared>> -> memref<64x128xf32, #tpu.memory_space<vmem_shared>>
      tpu.wait_dma2 semaphore(%run_scoped3A : memref<!tpu.dma_semaphore, #tpu.memory_space<semaphore_mem>>) src(%arg7 : memref<64x128xf32, #tpu.memory_space<vmem>>) dst(%dma_wait3A_162 : memref<64x128xf32, #tpu.memory_space<vmem_shared>>)
      tpu.yield
    }) : () -> ()
    %add3A_16 = arith.constant 128 : i32
    %add3A_17 = arith.addi %mul3A_2, %add3A_16 : i32
    "tpu.region"() ({
      %run_scoped3A = tpu.sem_alloc : memref<!tpu.dma_semaphore, #tpu.memory_space<semaphore_mem>>
      %dma_start3A_155 = arith.constant 0 : i32
      %dma_start3A_156 = tpu.memref_slice %arg6[%add3A_17, %dma_start3A_155] : memref<10240x128xf32, #tpu.memory_space<vmem_shared>> -> memref<64x128xf32, #tpu.memory_space<vmem_shared>>
      %dma_start3A_157 = arith.constant 0 : i32
      %dma_start3A_158 = tpu.memref_slice %arg6[%add3A_17, %dma_start3A_157] : memref<10240x128xf32, #tpu.memory_space<vmem_shared>> -> memref<64x128xf32, #tpu.memory_space<vmem_shared>>
      tpu.enqueue_dma source(%arg7 : memref<64x128xf32, #tpu.memory_space<vmem>>) target(%dma_start3A_158 : memref<64x128xf32, #tpu.memory_space<vmem_shared>>) target_semaphore(%run_scoped3A : memref<!tpu.dma_semaphore, #tpu.memory_space<semaphore_mem>>)
      %dma_wait3A_159 = arith.constant 0 : i32
      %dma_wait3A_160 = tpu.memref_slice %arg6[%add3A_17, %dma_wait3A_159] : memref<10240x128xf32, #tpu.memory_space<vmem_shared>> -> memref<64x128xf32, #tpu.memory_space<vmem_shared>>
      %dma_wait3A_161 = arith.constant 0 : i32
      %dma_wait3A_162 = tpu.memref_slice %arg6[%add3A_17, %dma_wait3A_161] : memref<10240x128xf32, #tpu.memory_space<vmem_shared>> -> memref<64x128xf32, #tpu.memory_space<vmem_shared>>
      tpu.wait_dma2 semaphore(%run_scoped3A : memref<!tpu.dma_semaphore, #tpu.memory_space<semaphore_mem>>) src(%arg7 : memref<64x128xf32, #tpu.memory_space<vmem>>) dst(%dma_wait3A_162 : memref<64x128xf32, #tpu.memory_space<vmem_shared>>)
      tpu.yield
    }) : () -> ()
    %add3A_18 = arith.constant 192 : i32
    %add3A_19 = arith.addi %mul3A_2, %add3A_18 : i32
    "tpu.region"() ({
      %run_scoped3A = tpu.sem_alloc : memref<!tpu.dma_semaphore, #tpu.memory_space<semaphore_mem>>
      %dma_start3A_155 = arith.constant 0 : i32
      %dma_start3A_156 = tpu.memref_slice %arg6[%add3A_19, %dma_start3A_155] : memref<10240x128xf32, #tpu.memory_space<vmem_shared>> -> memref<64x128xf32, #tpu.memory_space<vmem_shared>>
      %dma_start3A_157 = arith.constant 0 : i32
      %dma_start3A_158 = tpu.memref_slice %arg6[%add3A_19, %dma_start3A_157] : memref<10240x128xf32, #tpu.memory_space<vmem_shared>> -> memref<64x128xf32, #tpu.memory_space<vmem_shared>>
      tpu.enqueue_dma source(%arg7 : memref<64x128xf32, #tpu.memory_space<vmem>>) target(%dma_start3A_158 : memref<64x128xf32, #tpu.memory_space<vmem_shared>>) target_semaphore(%run_scoped3A : memref<!tpu.dma_semaphore, #tpu.memory_space<semaphore_mem>>)
      %dma_wait3A_159 = arith.constant 0 : i32
      %dma_wait3A_160 = tpu.memref_slice %arg6[%add3A_19, %dma_wait3A_159] : memref<10240x128xf32, #tpu.memory_space<vmem_shared>> -> memref<64x128xf32, #tpu.memory_space<vmem_shared>>
      %dma_wait3A_161 = arith.constant 0 : i32
      %dma_wait3A_162 = tpu.memref_slice %arg6[%add3A_19, %dma_wait3A_161] : memref<10240x128xf32, #tpu.memory_space<vmem_shared>> -> memref<64x128xf32, #tpu.memory_space<vmem_shared>>
      tpu.wait_dma2 semaphore(%run_scoped3A : memref<!tpu.dma_semaphore, #tpu.memory_space<semaphore_mem>>) src(%arg7 : memref<64x128xf32, #tpu.memory_space<vmem>>) dst(%dma_wait3A_162 : memref<64x128xf32, #tpu.memory_space<vmem_shared>>)
      tpu.yield
    }) : () -> ()
    %add3A_20 = arith.constant 256 : i32
    %add3A_21 = arith.addi %mul3A_2, %add3A_20 : i32
    "tpu.region"() ({
      %run_scoped3A = tpu.sem_alloc : memref<!tpu.dma_semaphore, #tpu.memory_space<semaphore_mem>>
      %dma_start3A_155 = arith.constant 0 : i32
      %dma_start3A_156 = tpu.memref_slice %arg6[%add3A_21, %dma_start3A_155] : memref<10240x128xf32, #tpu.memory_space<vmem_shared>> -> memref<64x128xf32, #tpu.memory_space<vmem_shared>>
      %dma_start3A_157 = arith.constant 0 : i32
      %dma_start3A_158 = tpu.memref_slice %arg6[%add3A_21, %dma_start3A_157] : memref<10240x128xf32, #tpu.memory_space<vmem_shared>> -> memref<64x128xf32, #tpu.memory_space<vmem_shared>>
      tpu.enqueue_dma source(%arg7 : memref<64x128xf32, #tpu.memory_space<vmem>>) target(%dma_start3A_158 : memref<64x128xf32, #tpu.memory_space<vmem_shared>>) target_semaphore(%run_scoped3A : memref<!tpu.dma_semaphore, #tpu.memory_space<semaphore_mem>>)
      %dma_wait3A_159 = arith.constant 0 : i32
      %dma_wait3A_160 = tpu.memref_slice %arg6[%add3A_21, %dma_wait3A_159] : memref<10240x128xf32, #tpu.memory_space<vmem_shared>> -> memref<64x128xf32, #tpu.memory_space<vmem_shared>>
      %dma_wait3A_161 = arith.constant 0 : i32
      %dma_wait3A_162 = tpu.memref_slice %arg6[%add3A_21, %dma_wait3A_161] : memref<10240x128xf32, #tpu.memory_space<vmem_shared>> -> memref<64x128xf32, #tpu.memory_space<vmem_shared>>
      tpu.wait_dma2 semaphore(%run_scoped3A : memref<!tpu.dma_semaphore, #tpu.memory_space<semaphore_mem>>) src(%arg7 : memref<64x128xf32, #tpu.memory_space<vmem>>) dst(%dma_wait3A_162 : memref<64x128xf32, #tpu.memory_space<vmem_shared>>)
      tpu.yield
    }) : () -> ()
    %add3A_22 = arith.constant 320 : i32
    %add3A_23 = arith.addi %mul3A_2, %add3A_22 : i32
    "tpu.region"() ({
      %run_scoped3A = tpu.sem_alloc : memref<!tpu.dma_semaphore, #tpu.memory_space<semaphore_mem>>
      %dma_start3A_155 = arith.constant 0 : i32
      %dma_start3A_156 = tpu.memref_slice %arg6[%add3A_23, %dma_start3A_155] : memref<10240x128xf32, #tpu.memory_space<vmem_shared>> -> memref<64x128xf32, #tpu.memory_space<vmem_shared>>
      %dma_start3A_157 = arith.constant 0 : i32
      %dma_start3A_158 = tpu.memref_slice %arg6[%add3A_23, %dma_start3A_157] : memref<10240x128xf32, #tpu.memory_space<vmem_shared>> -> memref<64x128xf32, #tpu.memory_space<vmem_shared>>
      tpu.enqueue_dma source(%arg7 : memref<64x128xf32, #tpu.memory_space<vmem>>) target(%dma_start3A_158 : memref<64x128xf32, #tpu.memory_space<vmem_shared>>) target_semaphore(%run_scoped3A : memref<!tpu.dma_semaphore, #tpu.memory_space<semaphore_mem>>)
      %dma_wait3A_159 = arith.constant 0 : i32
      %dma_wait3A_160 = tpu.memref_slice %arg6[%add3A_23, %dma_wait3A_159] : memref<10240x128xf32, #tpu.memory_space<vmem_shared>> -> memref<64x128xf32, #tpu.memory_space<vmem_shared>>
      %dma_wait3A_161 = arith.constant 0 : i32
      %dma_wait3A_162 = tpu.memref_slice %arg6[%add3A_23, %dma_wait3A_161] : memref<10240x128xf32, #tpu.memory_space<vmem_shared>> -> memref<64x128xf32, #tpu.memory_space<vmem_shared>>
      tpu.wait_dma2 semaphore(%run_scoped3A : memref<!tpu.dma_semaphore, #tpu.memory_space<semaphore_mem>>) src(%arg7 : memref<64x128xf32, #tpu.memory_space<vmem>>) dst(%dma_wait3A_162 : memref<64x128xf32, #tpu.memory_space<vmem_shared>>)
      tpu.yield
    }) : () -> ()
    %add3A_24 = arith.constant 384 : i32
    %add3A_25 = arith.addi %mul3A_2, %add3A_24 : i32
    "tpu.region"() ({
      %run_scoped3A = tpu.sem_alloc : memref<!tpu.dma_semaphore, #tpu.memory_space<semaphore_mem>>
      %dma_start3A_155 = arith.constant 0 : i32
      %dma_start3A_156 = tpu.memref_slice %arg6[%add3A_25, %dma_start3A_155] : memref<10240x128xf32, #tpu.memory_space<vmem_shared>> -> memref<64x128xf32, #tpu.memory_space<vmem_shared>>
      %dma_start3A_157 = arith.constant 0 : i32
      %dma_start3A_158 = tpu.memref_slice %arg6[%add3A_25, %dma_start3A_157] : memref<10240x128xf32, #tpu.memory_space<vmem_shared>> -> memref<64x128xf32, #tpu.memory_space<vmem_shared>>
      tpu.enqueue_dma source(%arg7 : memref<64x128xf32, #tpu.memory_space<vmem>>) target(%dma_start3A_158 : memref<64x128xf32, #tpu.memory_space<vmem_shared>>) target_semaphore(%run_scoped3A : memref<!tpu.dma_semaphore, #tpu.memory_space<semaphore_mem>>)
      %dma_wait3A_159 = arith.constant 0 : i32
      %dma_wait3A_160 = tpu.memref_slice %arg6[%add3A_25, %dma_wait3A_159] : memref<10240x128xf32, #tpu.memory_space<vmem_shared>> -> memref<64x128xf32, #tpu.memory_space<vmem_shared>>
      %dma_wait3A_161 = arith.constant 0 : i32
      %dma_wait3A_162 = tpu.memref_slice %arg6[%add3A_25, %dma_wait3A_161] : memref<10240x128xf32, #tpu.memory_space<vmem_shared>> -> memref<64x128xf32, #tpu.memory_space<vmem_shared>>
      tpu.wait_dma2 semaphore(%run_scoped3A : memref<!tpu.dma_semaphore, #tpu.memory_space<semaphore_mem>>) src(%arg7 : memref<64x128xf32, #tpu.memory_space<vmem>>) dst(%dma_wait3A_162 : memref<64x128xf32, #tpu.memory_space<vmem_shared>>)
      tpu.yield
    }) : () -> ()
    %add3A_26 = arith.constant 448 : i32
    %add3A_27 = arith.addi %mul3A_2, %add3A_26 : i32
    "tpu.region"() ({
      %run_scoped3A = tpu.sem_alloc : memref<!tpu.dma_semaphore, #tpu.memory_space<semaphore_mem>>
      %dma_start3A_155 = arith.constant 0 : i32
      %dma_start3A_156 = tpu.memref_slice %arg6[%add3A_27, %dma_start3A_155] : memref<10240x128xf32, #tpu.memory_space<vmem_shared>> -> memref<64x128xf32, #tpu.memory_space<vmem_shared>>
      %dma_start3A_157 = arith.constant 0 : i32
      %dma_start3A_158 = tpu.memref_slice %arg6[%add3A_27, %dma_start3A_157] : memref<10240x128xf32, #tpu.memory_space<vmem_shared>> -> memref<64x128xf32, #tpu.memory_space<vmem_shared>>
      tpu.enqueue_dma source(%arg7 : memref<64x128xf32, #tpu.memory_space<vmem>>) target(%dma_start3A_158 : memref<64x128xf32, #tpu.memory_space<vmem_shared>>) target_semaphore(%run_scoped3A : memref<!tpu.dma_semaphore, #tpu.memory_space<semaphore_mem>>)
      %dma_wait3A_159 = arith.constant 0 : i32
      %dma_wait3A_160 = tpu.memref_slice %arg6[%add3A_27, %dma_wait3A_159] : memref<10240x128xf32, #tpu.memory_space<vmem_shared>> -> memref<64x128xf32, #tpu.memory_space<vmem_shared>>
      %dma_wait3A_161 = arith.constant 0 : i32
      %dma_wait3A_162 = tpu.memref_slice %arg6[%add3A_27, %dma_wait3A_161] : memref<10240x128xf32, #tpu.memory_space<vmem_shared>> -> memref<64x128xf32, #tpu.memory_space<vmem_shared>>
      tpu.wait_dma2 semaphore(%run_scoped3A : memref<!tpu.dma_semaphore, #tpu.memory_space<semaphore_mem>>) src(%arg7 : memref<64x128xf32, #tpu.memory_space<vmem>>) dst(%dma_wait3A_162 : memref<64x128xf32, #tpu.memory_space<vmem_shared>>)
      tpu.yield
    }) : () -> ()
    %add3A_28 = arith.constant 512 : i32
    %add3A_29 = arith.addi %mul3A_2, %add3A_28 : i32
    "tpu.region"() ({
      %run_scoped3A = tpu.sem_alloc : memref<!tpu.dma_semaphore, #tpu.memory_space<semaphore_mem>>
      %dma_start3A_155 = arith.constant 0 : i32
      %dma_start3A_156 = tpu.memref_slice %arg6[%add3A_29, %dma_start3A_155] : memref<10240x128xf32, #tpu.memory_space<vmem_shared>> -> memref<64x128xf32, #tpu.memory_space<vmem_shared>>
      %dma_start3A_157 = arith.constant 0 : i32
      %dma_start3A_158 = tpu.memref_slice %arg6[%add3A_29, %dma_start3A_157] : memref<10240x128xf32, #tpu.memory_space<vmem_shared>> -> memref<64x128xf32, #tpu.memory_space<vmem_shared>>
      tpu.enqueue_dma source(%arg7 : memref<64x128xf32, #tpu.memory_space<vmem>>) target(%dma_start3A_158 : memref<64x128xf32, #tpu.memory_space<vmem_shared>>) target_semaphore(%run_scoped3A : memref<!tpu.dma_semaphore, #tpu.memory_space<semaphore_mem>>)
      %dma_wait3A_159 = arith.constant 0 : i32
      %dma_wait3A_160 = tpu.memref_slice %arg6[%add3A_29, %dma_wait3A_159] : memref<10240x128xf32, #tpu.memory_space<vmem_shared>> -> memref<64x128xf32, #tpu.memory_space<vmem_shared>>
      %dma_wait3A_161 = arith.constant 0 : i32
      %dma_wait3A_162 = tpu.memref_slice %arg6[%add3A_29, %dma_wait3A_161] : memref<10240x128xf32, #tpu.memory_space<vmem_shared>> -> memref<64x128xf32, #tpu.memory_space<vmem_shared>>
      tpu.wait_dma2 semaphore(%run_scoped3A : memref<!tpu.dma_semaphore, #tpu.memory_space<semaphore_mem>>) src(%arg7 : memref<64x128xf32, #tpu.memory_space<vmem>>) dst(%dma_wait3A_162 : memref<64x128xf32, #tpu.memory_space<vmem_shared>>)
      tpu.yield
    }) : () -> ()
    %add3A_30 = arith.constant 576 : i32
    %add3A_31 = arith.addi %mul3A_2, %add3A_30 : i32
    "tpu.region"() ({
      %run_scoped3A = tpu.sem_alloc : memref<!tpu.dma_semaphore, #tpu.memory_space<semaphore_mem>>
      %dma_start3A_155 = arith.constant 0 : i32
      %dma_start3A_156 = tpu.memref_slice %arg6[%add3A_31, %dma_start3A_155] : memref<10240x128xf32, #tpu.memory_space<vmem_shared>> -> memref<64x128xf32, #tpu.memory_space<vmem_shared>>
      %dma_start3A_157 = arith.constant 0 : i32
      %dma_start3A_158 = tpu.memref_slice %arg6[%add3A_31, %dma_start3A_157] : memref<10240x128xf32, #tpu.memory_space<vmem_shared>> -> memref<64x128xf32, #tpu.memory_space<vmem_shared>>
      tpu.enqueue_dma source(%arg7 : memref<64x128xf32, #tpu.memory_space<vmem>>) target(%dma_start3A_158 : memref<64x128xf32, #tpu.memory_space<vmem_shared>>) target_semaphore(%run_scoped3A : memref<!tpu.dma_semaphore, #tpu.memory_space<semaphore_mem>>)
      %dma_wait3A_159 = arith.constant 0 : i32
      %dma_wait3A_160 = tpu.memref_slice %arg6[%add3A_31, %dma_wait3A_159] : memref<10240x128xf32, #tpu.memory_space<vmem_shared>> -> memref<64x128xf32, #tpu.memory_space<vmem_shared>>
      %dma_wait3A_161 = arith.constant 0 : i32
      %dma_wait3A_162 = tpu.memref_slice %arg6[%add3A_31, %dma_wait3A_161] : memref<10240x128xf32, #tpu.memory_space<vmem_shared>> -> memref<64x128xf32, #tpu.memory_space<vmem_shared>>
      tpu.wait_dma2 semaphore(%run_scoped3A : memref<!tpu.dma_semaphore, #tpu.memory_space<semaphore_mem>>) src(%arg7 : memref<64x128xf32, #tpu.memory_space<vmem>>) dst(%dma_wait3A_162 : memref<64x128xf32, #tpu.memory_space<vmem_shared>>)
      tpu.yield
    }) : () -> ()
    %barrier3A = arith.constant 0 : index
    tpu.barrier barrier_id(%barrier3A)
    %add3A_32 = arith.constant 0 : i32
    %add3A_33 = arith.addi %mul3A_6, %add3A_32 : i32
    %dma_start3A = tpu.memref_slice %arg3[%add3A_33] : memref<640000xi32, #tpu.memory_space<hbm>> -> memref<64xi32, #tpu.memory_space<hbm>>
    %dma_start3A_34 = tpu.memref_slice %arg3[%add3A_33] : memref<640000xi32, #tpu.memory_space<hbm>> -> memref<64xi32, #tpu.memory_space<hbm>>
    tpu.enqueue_dma source(%dma_start3A_34 : memref<64xi32, #tpu.memory_space<hbm>>) target(%arg12 : memref<64xi32, #tpu.memory_space<vmem>>) target_semaphore(%arg42 : memref<!tpu.dma_semaphore, #tpu.memory_space<semaphore_mem>>)
    %add3A_35 = arith.constant 320000 : i32
    %add3A_36 = arith.addi %add3A_35, %add3A_33 : i32
    %dma_start3A_37 = tpu.memref_slice %arg3[%add3A_36] : memref<640000xi32, #tpu.memory_space<hbm>> -> memref<64xi32, #tpu.memory_space<hbm>>
    %dma_start3A_38 = tpu.memref_slice %arg3[%add3A_36] : memref<640000xi32, #tpu.memory_space<hbm>> -> memref<64xi32, #tpu.memory_space<hbm>>
    tpu.enqueue_dma source(%dma_start3A_38 : memref<64xi32, #tpu.memory_space<hbm>>) target(%arg22 : memref<64xi32, #tpu.memory_space<vmem>>) target_semaphore(%arg42 : memref<!tpu.dma_semaphore, #tpu.memory_space<semaphore_mem>>)
    %add3A_39 = arith.constant 64 : i32
    %add3A_40 = arith.addi %mul3A_6, %add3A_39 : i32
    %dma_start3A_41 = tpu.memref_slice %arg3[%add3A_40] : memref<640000xi32, #tpu.memory_space<hbm>> -> memref<64xi32, #tpu.memory_space<hbm>>
    %dma_start3A_42 = tpu.memref_slice %arg3[%add3A_40] : memref<640000xi32, #tpu.memory_space<hbm>> -> memref<64xi32, #tpu.memory_space<hbm>>
    tpu.enqueue_dma source(%dma_start3A_42 : memref<64xi32, #tpu.memory_space<hbm>>) target(%arg13 : memref<64xi32, #tpu.memory_space<vmem>>) target_semaphore(%arg43 : memref<!tpu.dma_semaphore, #tpu.memory_space<semaphore_mem>>)
    %add3A_43 = arith.constant 320000 : i32
    %add3A_44 = arith.addi %add3A_43, %add3A_40 : i32
    %dma_start3A_45 = tpu.memref_slice %arg3[%add3A_44] : memref<640000xi32, #tpu.memory_space<hbm>> -> memref<64xi32, #tpu.memory_space<hbm>>
    %dma_start3A_46 = tpu.memref_slice %arg3[%add3A_44] : memref<640000xi32, #tpu.memory_space<hbm>> -> memref<64xi32, #tpu.memory_space<hbm>>
    tpu.enqueue_dma source(%dma_start3A_46 : memref<64xi32, #tpu.memory_space<hbm>>) target(%arg23 : memref<64xi32, #tpu.memory_space<vmem>>) target_semaphore(%arg43 : memref<!tpu.dma_semaphore, #tpu.memory_space<semaphore_mem>>)
    %add3A_47 = arith.constant 128 : i32
    %add3A_48 = arith.addi %mul3A_6, %add3A_47 : i32
    %dma_start3A_49 = tpu.memref_slice %arg3[%add3A_48] : memref<640000xi32, #tpu.memory_space<hbm>> -> memref<64xi32, #tpu.memory_space<hbm>>
    %dma_start3A_50 = tpu.memref_slice %arg3[%add3A_48] : memref<640000xi32, #tpu.memory_space<hbm>> -> memref<64xi32, #tpu.memory_space<hbm>>
    tpu.enqueue_dma source(%dma_start3A_50 : memref<64xi32, #tpu.memory_space<hbm>>) target(%arg14 : memref<64xi32, #tpu.memory_space<vmem>>) target_semaphore(%arg44 : memref<!tpu.dma_semaphore, #tpu.memory_space<semaphore_mem>>)
    %add3A_51 = arith.constant 320000 : i32
    %add3A_52 = arith.addi %add3A_51, %add3A_48 : i32
    %dma_start3A_53 = tpu.memref_slice %arg3[%add3A_52] : memref<640000xi32, #tpu.memory_space<hbm>> -> memref<64xi32, #tpu.memory_space<hbm>>
    %dma_start3A_54 = tpu.memref_slice %arg3[%add3A_52] : memref<640000xi32, #tpu.memory_space<hbm>> -> memref<64xi32, #tpu.memory_space<hbm>>
    tpu.enqueue_dma source(%dma_start3A_54 : memref<64xi32, #tpu.memory_space<hbm>>) target(%arg24 : memref<64xi32, #tpu.memory_space<vmem>>) target_semaphore(%arg44 : memref<!tpu.dma_semaphore, #tpu.memory_space<semaphore_mem>>)
    %add3A_55 = arith.constant 192 : i32
    %add3A_56 = arith.addi %mul3A_6, %add3A_55 : i32
    %dma_start3A_57 = tpu.memref_slice %arg3[%add3A_56] : memref<640000xi32, #tpu.memory_space<hbm>> -> memref<64xi32, #tpu.memory_space<hbm>>
    %dma_start3A_58 = tpu.memref_slice %arg3[%add3A_56] : memref<640000xi32, #tpu.memory_space<hbm>> -> memref<64xi32, #tpu.memory_space<hbm>>
    tpu.enqueue_dma source(%dma_start3A_58 : memref<64xi32, #tpu.memory_space<hbm>>) target(%arg15 : memref<64xi32, #tpu.memory_space<vmem>>) target_semaphore(%arg45 : memref<!tpu.dma_semaphore, #tpu.memory_space<semaphore_mem>>)
    %add3A_59 = arith.constant 320000 : i32
    %add3A_60 = arith.addi %add3A_59, %add3A_56 : i32
    %dma_start3A_61 = tpu.memref_slice %arg3[%add3A_60] : memref<640000xi32, #tpu.memory_space<hbm>> -> memref<64xi32, #tpu.memory_space<hbm>>
    %dma_start3A_62 = tpu.memref_slice %arg3[%add3A_60] : memref<640000xi32, #tpu.memory_space<hbm>> -> memref<64xi32, #tpu.memory_space<hbm>>
    tpu.enqueue_dma source(%dma_start3A_62 : memref<64xi32, #tpu.memory_space<hbm>>) target(%arg25 : memref<64xi32, #tpu.memory_space<vmem>>) target_semaphore(%arg45 : memref<!tpu.dma_semaphore, #tpu.memory_space<semaphore_mem>>)
    %add3A_63 = arith.constant 256 : i32
    %add3A_64 = arith.addi %mul3A_6, %add3A_63 : i32
    %dma_start3A_65 = tpu.memref_slice %arg3[%add3A_64] : memref<640000xi32, #tpu.memory_space<hbm>> -> memref<64xi32, #tpu.memory_space<hbm>>
    %dma_start3A_66 = tpu.memref_slice %arg3[%add3A_64] : memref<640000xi32, #tpu.memory_space<hbm>> -> memref<64xi32, #tpu.memory_space<hbm>>
    tpu.enqueue_dma source(%dma_start3A_66 : memref<64xi32, #tpu.memory_space<hbm>>) target(%arg16 : memref<64xi32, #tpu.memory_space<vmem>>) target_semaphore(%arg46 : memref<!tpu.dma_semaphore, #tpu.memory_space<semaphore_mem>>)
    %add3A_67 = arith.constant 320000 : i32
    %add3A_68 = arith.addi %add3A_67, %add3A_64 : i32
    %dma_start3A_69 = tpu.memref_slice %arg3[%add3A_68] : memref<640000xi32, #tpu.memory_space<hbm>> -> memref<64xi32, #tpu.memory_space<hbm>>
    %dma_start3A_70 = tpu.memref_slice %arg3[%add3A_68] : memref<640000xi32, #tpu.memory_space<hbm>> -> memref<64xi32, #tpu.memory_space<hbm>>
    tpu.enqueue_dma source(%dma_start3A_70 : memref<64xi32, #tpu.memory_space<hbm>>) target(%arg26 : memref<64xi32, #tpu.memory_space<vmem>>) target_semaphore(%arg46 : memref<!tpu.dma_semaphore, #tpu.memory_space<semaphore_mem>>)
    %dma_wait3A = arith.constant 0 : i32
    %dma_wait3A_71 = tpu.memref_slice %arg3[%dma_wait3A] : memref<640000xi32, #tpu.memory_space<hbm>> -> memref<64xi32, #tpu.memory_space<hbm>>
    %dma_wait3A_72 = arith.constant 0 : i32
    %dma_wait3A_73 = tpu.memref_slice %arg3[%dma_wait3A_72] : memref<640000xi32, #tpu.memory_space<hbm>> -> memref<64xi32, #tpu.memory_space<hbm>>
    tpu.wait_dma2 semaphore(%arg42 : memref<!tpu.dma_semaphore, #tpu.memory_space<semaphore_mem>>) src(%dma_wait3A_73 : memref<64xi32, #tpu.memory_space<hbm>>) dst(%arg12 : memref<64xi32, #tpu.memory_space<vmem>>)
    %dma_wait3A_74 = arith.constant 0 : i32
    %dma_wait3A_75 = tpu.memref_slice %arg3[%dma_wait3A_74] : memref<640000xi32, #tpu.memory_space<hbm>> -> memref<64xi32, #tpu.memory_space<hbm>>
    %dma_wait3A_76 = arith.constant 0 : i32
    %dma_wait3A_77 = tpu.memref_slice %arg3[%dma_wait3A_76] : memref<640000xi32, #tpu.memory_space<hbm>> -> memref<64xi32, #tpu.memory_space<hbm>>
    tpu.wait_dma2 semaphore(%arg42 : memref<!tpu.dma_semaphore, #tpu.memory_space<semaphore_mem>>) src(%dma_wait3A_77 : memref<64xi32, #tpu.memory_space<hbm>>) dst(%arg22 : memref<64xi32, #tpu.memory_space<vmem>>)
    %dma_start3A_78 = arith.constant 0 : i32
    %dma_start3A_79 = arith.constant 0 : i32
    %dma_start3A_80 = tpu.memref_slice %arg2[%dma_start3A_78, %dma_start3A_79] : memref<10000x128xf32, #tpu.memory_space<hbm>> -> memref<10000x128xf32, #tpu.memory_space<hbm>>
    tpu.enqueue_indirect_dma source(%dma_start3A_80 : memref<10000x128xf32, #tpu.memory_space<hbm>>) target(%arg7 : memref<64x128xf32, #tpu.memory_space<vmem>>) offsets(%arg12 : memref<64xi32, #tpu.memory_space<vmem>>) semaphore(%arg32 : memref<!tpu.dma_semaphore, #tpu.memory_space<semaphore_mem>>)
    %dma_wait3A_81 = arith.constant 0 : i32
    %dma_wait3A_82 = tpu.memref_slice %arg3[%dma_wait3A_81] : memref<640000xi32, #tpu.memory_space<hbm>> -> memref<64xi32, #tpu.memory_space<hbm>>
    %dma_wait3A_83 = arith.constant 0 : i32
    %dma_wait3A_84 = tpu.memref_slice %arg3[%dma_wait3A_83] : memref<640000xi32, #tpu.memory_space<hbm>> -> memref<64xi32, #tpu.memory_space<hbm>>
    tpu.wait_dma2 semaphore(%arg43 : memref<!tpu.dma_semaphore, #tpu.memory_space<semaphore_mem>>) src(%dma_wait3A_84 : memref<64xi32, #tpu.memory_space<hbm>>) dst(%arg13 : memref<64xi32, #tpu.memory_space<vmem>>)
    %dma_wait3A_85 = arith.constant 0 : i32
    %dma_wait3A_86 = tpu.memref_slice %arg3[%dma_wait3A_85] : memref<640000xi32, #tpu.memory_space<hbm>> -> memref<64xi32, #tpu.memory_space<hbm>>
    %dma_wait3A_87 = arith.constant 0 : i32
    %dma_wait3A_88 = tpu.memref_slice %arg3[%dma_wait3A_87] : memref<640000xi32, #tpu.memory_space<hbm>> -> memref<64xi32, #tpu.memory_space<hbm>>
    tpu.wait_dma2 semaphore(%arg43 : memref<!tpu.dma_semaphore, #tpu.memory_space<semaphore_mem>>) src(%dma_wait3A_88 : memref<64xi32, #tpu.memory_space<hbm>>) dst(%arg23 : memref<64xi32, #tpu.memory_space<vmem>>)
    %dma_start3A_89 = arith.constant 0 : i32
    %dma_start3A_90 = arith.constant 0 : i32
    %dma_start3A_91 = tpu.memref_slice %arg2[%dma_start3A_89, %dma_start3A_90] : memref<10000x128xf32, #tpu.memory_space<hbm>> -> memref<10000x128xf32, #tpu.memory_space<hbm>>
    tpu.enqueue_indirect_dma source(%dma_start3A_91 : memref<10000x128xf32, #tpu.memory_space<hbm>>) target(%arg8 : memref<64x128xf32, #tpu.memory_space<vmem>>) offsets(%arg13 : memref<64xi32, #tpu.memory_space<vmem>>) semaphore(%arg33 : memref<!tpu.dma_semaphore, #tpu.memory_space<semaphore_mem>>)
    %dma_wait3A_92 = arith.constant 0 : i32
    %dma_wait3A_93 = tpu.memref_slice %arg3[%dma_wait3A_92] : memref<640000xi32, #tpu.memory_space<hbm>> -> memref<64xi32, #tpu.memory_space<hbm>>
    %dma_wait3A_94 = arith.constant 0 : i32
    %dma_wait3A_95 = tpu.memref_slice %arg3[%dma_wait3A_94] : memref<640000xi32, #tpu.memory_space<hbm>> -> memref<64xi32, #tpu.memory_space<hbm>>
    tpu.wait_dma2 semaphore(%arg44 : memref<!tpu.dma_semaphore, #tpu.memory_space<semaphore_mem>>) src(%dma_wait3A_95 : memref<64xi32, #tpu.memory_space<hbm>>) dst(%arg14 : memref<64xi32, #tpu.memory_space<vmem>>)
    %dma_wait3A_96 = arith.constant 0 : i32
    %dma_wait3A_97 = tpu.memref_slice %arg3[%dma_wait3A_96] : memref<640000xi32, #tpu.memory_space<hbm>> -> memref<64xi32, #tpu.memory_space<hbm>>
    %dma_wait3A_98 = arith.constant 0 : i32
    %dma_wait3A_99 = tpu.memref_slice %arg3[%dma_wait3A_98] : memref<640000xi32, #tpu.memory_space<hbm>> -> memref<64xi32, #tpu.memory_space<hbm>>
    tpu.wait_dma2 semaphore(%arg44 : memref<!tpu.dma_semaphore, #tpu.memory_space<semaphore_mem>>) src(%dma_wait3A_99 : memref<64xi32, #tpu.memory_space<hbm>>) dst(%arg24 : memref<64xi32, #tpu.memory_space<vmem>>)
    %dma_start3A_100 = arith.constant 0 : i32
    %dma_start3A_101 = arith.constant 0 : i32
    %dma_start3A_102 = tpu.memref_slice %arg2[%dma_start3A_100, %dma_start3A_101] : memref<10000x128xf32, #tpu.memory_space<hbm>> -> memref<10000x128xf32, #tpu.memory_space<hbm>>
    tpu.enqueue_indirect_dma source(%dma_start3A_102 : memref<10000x128xf32, #tpu.memory_space<hbm>>) target(%arg9 : memref<64x128xf32, #tpu.memory_space<vmem>>) offsets(%arg14 : memref<64xi32, #tpu.memory_space<vmem>>) semaphore(%arg34 : memref<!tpu.dma_semaphore, #tpu.memory_space<semaphore_mem>>)
    %dma_wait3A_103 = arith.constant 0 : i32
    %dma_wait3A_104 = tpu.memref_slice %arg3[%dma_wait3A_103] : memref<640000xi32, #tpu.memory_space<hbm>> -> memref<64xi32, #tpu.memory_space<hbm>>
    %dma_wait3A_105 = arith.constant 0 : i32
    %dma_wait3A_106 = tpu.memref_slice %arg3[%dma_wait3A_105] : memref<640000xi32, #tpu.memory_space<hbm>> -> memref<64xi32, #tpu.memory_space<hbm>>
    tpu.wait_dma2 semaphore(%arg45 : memref<!tpu.dma_semaphore, #tpu.memory_space<semaphore_mem>>) src(%dma_wait3A_106 : memref<64xi32, #tpu.memory_space<hbm>>) dst(%arg15 : memref<64xi32, #tpu.memory_space<vmem>>)
    %dma_wait3A_107 = arith.constant 0 : i32
    %dma_wait3A_108 = tpu.memref_slice %arg3[%dma_wait3A_107] : memref<640000xi32, #tpu.memory_space<hbm>> -> memref<64xi32, #tpu.memory_space<hbm>>
    %dma_wait3A_109 = arith.constant 0 : i32
    %dma_wait3A_110 = tpu.memref_slice %arg3[%dma_wait3A_109] : memref<640000xi32, #tpu.memory_space<hbm>> -> memref<64xi32, #tpu.memory_space<hbm>>
    tpu.wait_dma2 semaphore(%arg45 : memref<!tpu.dma_semaphore, #tpu.memory_space<semaphore_mem>>) src(%dma_wait3A_110 : memref<64xi32, #tpu.memory_space<hbm>>) dst(%arg25 : memref<64xi32, #tpu.memory_space<vmem>>)
    %dma_start3A_111 = arith.constant 0 : i32
    %dma_start3A_112 = arith.constant 0 : i32
    %dma_start3A_113 = tpu.memref_slice %arg2[%dma_start3A_111, %dma_start3A_112] : memref<10000x128xf32, #tpu.memory_space<hbm>> -> memref<10000x128xf32, #tpu.memory_space<hbm>>
    tpu.enqueue_indirect_dma source(%dma_start3A_113 : memref<10000x128xf32, #tpu.memory_space<hbm>>) target(%arg10 : memref<64x128xf32, #tpu.memory_space<vmem>>) offsets(%arg15 : memref<64xi32, #tpu.memory_space<vmem>>) semaphore(%arg35 : memref<!tpu.dma_semaphore, #tpu.memory_space<semaphore_mem>>)
    %dma_wait3A_114 = arith.constant 0 : i32
    %dma_wait3A_115 = tpu.memref_slice %arg3[%dma_wait3A_114] : memref<640000xi32, #tpu.memory_space<hbm>> -> memref<64xi32, #tpu.memory_space<hbm>>
    %dma_wait3A_116 = arith.constant 0 : i32
    %dma_wait3A_117 = tpu.memref_slice %arg3[%dma_wait3A_116] : memref<640000xi32, #tpu.memory_space<hbm>> -> memref<64xi32, #tpu.memory_space<hbm>>
    tpu.wait_dma2 semaphore(%arg46 : memref<!tpu.dma_semaphore, #tpu.memory_space<semaphore_mem>>) src(%dma_wait3A_117 : memref<64xi32, #tpu.memory_space<hbm>>) dst(%arg16 : memref<64xi32, #tpu.memory_space<vmem>>)
    %dma_wait3A_118 = arith.constant 0 : i32
    %dma_wait3A_119 = tpu.memref_slice %arg3[%dma_wait3A_118] : memref<640000xi32, #tpu.memory_space<hbm>> -> memref<64xi32, #tpu.memory_space<hbm>>
    %dma_wait3A_120 = arith.constant 0 : i32
    %dma_wait3A_121 = tpu.memref_slice %arg3[%dma_wait3A_120] : memref<640000xi32, #tpu.memory_space<hbm>> -> memref<64xi32, #tpu.memory_space<hbm>>
    tpu.wait_dma2 semaphore(%arg46 : memref<!tpu.dma_semaphore, #tpu.memory_space<semaphore_mem>>) src(%dma_wait3A_121 : memref<64xi32, #tpu.memory_space<hbm>>) dst(%arg26 : memref<64xi32, #tpu.memory_space<vmem>>)
    %dma_start3A_122 = arith.constant 0 : i32
    %dma_start3A_123 = arith.constant 0 : i32
    %dma_start3A_124 = tpu.memref_slice %arg2[%dma_start3A_122, %dma_start3A_123] : memref<10000x128xf32, #tpu.memory_space<hbm>> -> memref<10000x128xf32, #tpu.memory_space<hbm>>
    tpu.enqueue_indirect_dma source(%dma_start3A_124 : memref<10000x128xf32, #tpu.memory_space<hbm>>) target(%arg11 : memref<64x128xf32, #tpu.memory_space<vmem>>) offsets(%arg16 : memref<64xi32, #tpu.memory_space<vmem>>) semaphore(%arg36 : memref<!tpu.dma_semaphore, #tpu.memory_space<semaphore_mem>>)
    %jit3A = arith.constant 10 : i32
    %div3A = arith.divsi %min3A_11, %jit3A : i32
    %sign3A = arith.constant 0 : i32
    %sign3A_125 = arith.cmpi sgt, %min3A_11, %sign3A : i32
    %sign3A_126 = arith.extui %sign3A_125 : i1 to i32
    %sign3A_127 = arith.constant 0 : i32
    %sign3A_128 = arith.cmpi slt, %min3A_11, %sign3A_127 : i32
    %sign3A_129 = arith.extui %sign3A_128 : i1 to i32
    %sign3A_130 = arith.subi %sign3A_126, %sign3A_129 : i32
    %sign3A_131 = arith.constant 0 : i32
    %sign3A_132 = arith.cmpi sgt, %jit3A, %sign3A_131 : i32
    %sign3A_133 = arith.extui %sign3A_132 : i1 to i32
    %sign3A_134 = arith.constant 0 : i32
    %sign3A_135 = arith.cmpi slt, %jit3A, %sign3A_134 : i32
    %sign3A_136 = arith.extui %sign3A_135 : i1 to i32
    %sign3A_137 = arith.subi %sign3A_133, %sign3A_136 : i32
    %ne3A = arith.cmpi ne, %sign3A_130, %sign3A_137 : i32
    %rem3A = arith.remsi %min3A_11, %jit3A : i32
    %ne3A_138 = arith.constant 0 : i32
    %ne3A_139 = arith.cmpi ne, %rem3A, %ne3A_138 : i32
    %and3A = arith.andi %ne3A, %ne3A_139 : i1
    %sub3A_140 = arith.constant 1 : i32
    %sub3A_141 = arith.subi %div3A, %sub3A_140 : i32
    %select_n3A = arith.select %and3A, %sub3A_141, %div3A : i32
    %while3A = arith.constant 0 : i32
    %while3A_142 = arith.constant 0 : i32
    %while3A_143 = arith.subi %select_n3A, %while3A_142 : i32
    %while3A_144 = arith.addi %while3A_142, %while3A_143 : i32
    %while3A_145 = arith.constant 1 : i32
    %while3A_146 = arith.divsi %while3A_143, %while3A_145 : i32
    %while3A_147 = arith.muli %while3A_146, %while3A_145 : i32
    %while3A_148 = arith.addi %while3A_142, %while3A_147 : i32
    %while3A_149 = arith.constant 1 : i32
    scf.for %while3A_155 = %while3A_142 to %while3A_148 step %while3A_149  : i32 {
      %mul3A_156 = arith.constant 2 : i32
      %mul3A_157 = arith.muli %while3A_155, %mul3A_156 : i32
      %mul3A_158 = arith.constant 5 : i32
      %mul3A_159 = arith.muli %mul3A_157, %mul3A_158 : i32
      %add3A_160 = arith.constant 0 : i32
      %add3A_161 = arith.addi %mul3A_159, %add3A_160 : i32
      %dma_wait3A_162 = arith.constant 0 : i32
      %dma_wait3A_163 = arith.constant 0 : i32
      %dma_wait3A_164 = tpu.memref_slice %arg2[%dma_wait3A_162, %dma_wait3A_163] : memref<10000x128xf32, #tpu.memory_space<hbm>> -> memref<64x128xf32, #tpu.memory_space<hbm>>
      %dma_wait3A_165 = arith.constant 0 : i32
      %dma_wait3A_166 = arith.constant 0 : i32
      %dma_wait3A_167 = tpu.memref_slice %arg2[%dma_wait3A_165, %dma_wait3A_166] : memref<10000x128xf32, #tpu.memory_space<hbm>> -> memref<64x128xf32, #tpu.memory_space<hbm>>
      tpu.wait_dma2 semaphore(%arg32 : memref<!tpu.dma_semaphore, #tpu.memory_space<semaphore_mem>>) src(%dma_wait3A_167 : memref<64x128xf32, #tpu.memory_space<hbm>>) dst(%arg7 : memref<64x128xf32, #tpu.memory_space<vmem>>)
      %dma_start3A_168 = arith.constant 0 : i32
      %dma_start3A_169 = arith.constant 0 : i32
      %dma_start3A_170 = tpu.memref_slice %arg6[%dma_start3A_168, %dma_start3A_169] : memref<10240x128xf32, #tpu.memory_space<vmem_shared>> -> memref<10240x128xf32, #tpu.memory_space<vmem_shared>>
      tpu.enqueue_indirect_dma source(%arg7 : memref<64x128xf32, #tpu.memory_space<vmem>>) target(%dma_start3A_170 : memref<10240x128xf32, #tpu.memory_space<vmem_shared>>) offsets(%arg22 : memref<64xi32, #tpu.memory_space<vmem>>) semaphore(%arg37 : memref<!tpu.dma_semaphore, #tpu.memory_space<semaphore_mem>>) {add = true}
      %add3A_171 = arith.constant 5 : i32
      %add3A_172 = arith.addi %add3A_161, %add3A_171 : i32
      %lt3A = arith.cmpi slt, %add3A_172, %min3A_11 : i32
      %convert_element_type3A = arith.extui %lt3A : i1 to i32
      %cond3A = arith.constant 0 : i32
      %cond3A_173 = arith.cmpi ne, %convert_element_type3A, %cond3A : i32
      scf.if %cond3A_173 {
        %add3A_469 = arith.constant 5 : i32
        %add3A_470 = arith.addi %add3A_161, %add3A_469 : i32
        %mul3A_471 = arith.constant 64 : i32
        %mul3A_472 = arith.muli %add3A_470, %mul3A_471 : i32
        %add3A_473 = arith.addi %mul3A_6, %mul3A_472 : i32
        %dma_start3A_474 = tpu.memref_slice %arg3[%add3A_473] : memref<640000xi32, #tpu.memory_space<hbm>> -> memref<64xi32, #tpu.memory_space<hbm>>
        %dma_start3A_475 = tpu.memref_slice %arg3[%add3A_473] : memref<640000xi32, #tpu.memory_space<hbm>> -> memref<64xi32, #tpu.memory_space<hbm>>
        tpu.enqueue_dma source(%dma_start3A_475 : memref<64xi32, #tpu.memory_space<hbm>>) target(%arg17 : memref<64xi32, #tpu.memory_space<vmem>>) target_semaphore(%arg47 : memref<!tpu.dma_semaphore, #tpu.memory_space<semaphore_mem>>)
        %add3A_476 = arith.constant 320000 : i32
        %add3A_477 = arith.addi %add3A_476, %add3A_473 : i32
        %dma_start3A_478 = tpu.memref_slice %arg3[%add3A_477] : memref<640000xi32, #tpu.memory_space<hbm>> -> memref<64xi32, #tpu.memory_space<hbm>>
        %dma_start3A_479 = tpu.memref_slice %arg3[%add3A_477] : memref<640000xi32, #tpu.memory_space<hbm>> -> memref<64xi32, #tpu.memory_space<hbm>>
        tpu.enqueue_dma source(%dma_start3A_479 : memref<64xi32, #tpu.memory_space<hbm>>) target(%arg27 : memref<64xi32, #tpu.memory_space<vmem>>) target_semaphore(%arg47 : memref<!tpu.dma_semaphore, #tpu.memory_space<semaphore_mem>>)
      } else {
      }
      %add3A_174 = arith.constant 1 : i32
      %add3A_175 = arith.addi %mul3A_159, %add3A_174 : i32
      %dma_wait3A_176 = arith.constant 0 : i32
      %dma_wait3A_177 = arith.constant 0 : i32
      %dma_wait3A_178 = tpu.memref_slice %arg2[%dma_wait3A_176, %dma_wait3A_177] : memref<10000x128xf32, #tpu.memory_space<hbm>> -> memref<64x128xf32, #tpu.memory_space<hbm>>
      %dma_wait3A_179 = arith.constant 0 : i32
      %dma_wait3A_180 = arith.constant 0 : i32
      %dma_wait3A_181 = tpu.memref_slice %arg2[%dma_wait3A_179, %dma_wait3A_180] : memref<10000x128xf32, #tpu.memory_space<hbm>> -> memref<64x128xf32, #tpu.memory_space<hbm>>
      tpu.wait_dma2 semaphore(%arg33 : memref<!tpu.dma_semaphore, #tpu.memory_space<semaphore_mem>>) src(%dma_wait3A_181 : memref<64x128xf32, #tpu.memory_space<hbm>>) dst(%arg8 : memref<64x128xf32, #tpu.memory_space<vmem>>)
      %dma_start3A_182 = arith.constant 0 : i32
      %dma_start3A_183 = arith.constant 0 : i32
      %dma_start3A_184 = tpu.memref_slice %arg6[%dma_start3A_182, %dma_start3A_183] : memref<10240x128xf32, #tpu.memory_space<vmem_shared>> -> memref<10240x128xf32, #tpu.memory_space<vmem_shared>>
      tpu.enqueue_indirect_dma source(%arg8 : memref<64x128xf32, #tpu.memory_space<vmem>>) target(%dma_start3A_184 : memref<10240x128xf32, #tpu.memory_space<vmem_shared>>) offsets(%arg23 : memref<64xi32, #tpu.memory_space<vmem>>) semaphore(%arg38 : memref<!tpu.dma_semaphore, #tpu.memory_space<semaphore_mem>>) {add = true}
      %add3A_185 = arith.constant 5 : i32
      %add3A_186 = arith.addi %add3A_175, %add3A_185 : i32
      %lt3A_187 = arith.cmpi slt, %add3A_186, %min3A_11 : i32
      %convert_element_type3A_188 = arith.extui %lt3A_187 : i1 to i32
      %cond3A_189 = arith.constant 0 : i32
      %cond3A_190 = arith.cmpi ne, %convert_element_type3A_188, %cond3A_189 : i32
      scf.if %cond3A_190 {
        %add3A_469 = arith.constant 5 : i32
        %add3A_470 = arith.addi %add3A_175, %add3A_469 : i32
        %mul3A_471 = arith.constant 64 : i32
        %mul3A_472 = arith.muli %add3A_470, %mul3A_471 : i32
        %add3A_473 = arith.addi %mul3A_6, %mul3A_472 : i32
        %dma_start3A_474 = tpu.memref_slice %arg3[%add3A_473] : memref<640000xi32, #tpu.memory_space<hbm>> -> memref<64xi32, #tpu.memory_space<hbm>>
        %dma_start3A_475 = tpu.memref_slice %arg3[%add3A_473] : memref<640000xi32, #tpu.memory_space<hbm>> -> memref<64xi32, #tpu.memory_space<hbm>>
        tpu.enqueue_dma source(%dma_start3A_475 : memref<64xi32, #tpu.memory_space<hbm>>) target(%arg18 : memref<64xi32, #tpu.memory_space<vmem>>) target_semaphore(%arg48 : memref<!tpu.dma_semaphore, #tpu.memory_space<semaphore_mem>>)
        %add3A_476 = arith.constant 320000 : i32
        %add3A_477 = arith.addi %add3A_476, %add3A_473 : i32
        %dma_start3A_478 = tpu.memref_slice %arg3[%add3A_477] : memref<640000xi32, #tpu.memory_space<hbm>> -> memref<64xi32, #tpu.memory_space<hbm>>
        %dma_start3A_479 = tpu.memref_slice %arg3[%add3A_477] : memref<640000xi32, #tpu.memory_space<hbm>> -> memref<64xi32, #tpu.memory_space<hbm>>
        tpu.enqueue_dma source(%dma_start3A_479 : memref<64xi32, #tpu.memory_space<hbm>>) target(%arg28 : memref<64xi32, #tpu.memory_space<vmem>>) target_semaphore(%arg48 : memref<!tpu.dma_semaphore, #tpu.memory_space<semaphore_mem>>)
      } else {
      }
      %add3A_191 = arith.constant 2 : i32
      %add3A_192 = arith.addi %mul3A_159, %add3A_191 : i32
      %dma_wait3A_193 = arith.constant 0 : i32
      %dma_wait3A_194 = arith.constant 0 : i32
      %dma_wait3A_195 = tpu.memref_slice %arg2[%dma_wait3A_193, %dma_wait3A_194] : memref<10000x128xf32, #tpu.memory_space<hbm>> -> memref<64x128xf32, #tpu.memory_space<hbm>>
      %dma_wait3A_196 = arith.constant 0 : i32
      %dma_wait3A_197 = arith.constant 0 : i32
      %dma_wait3A_198 = tpu.memref_slice %arg2[%dma_wait3A_196, %dma_wait3A_197] : memref<10000x128xf32, #tpu.memory_space<hbm>> -> memref<64x128xf32, #tpu.memory_space<hbm>>
      tpu.wait_dma2 semaphore(%arg34 : memref<!tpu.dma_semaphore, #tpu.memory_space<semaphore_mem>>) src(%dma_wait3A_198 : memref<64x128xf32, #tpu.memory_space<hbm>>) dst(%arg9 : memref<64x128xf32, #tpu.memory_space<vmem>>)
      %dma_start3A_199 = arith.constant 0 : i32
      %dma_start3A_200 = arith.constant 0 : i32
      %dma_start3A_201 = tpu.memref_slice %arg6[%dma_start3A_199, %dma_start3A_200] : memref<10240x128xf32, #tpu.memory_space<vmem_shared>> -> memref<10240x128xf32, #tpu.memory_space<vmem_shared>>
      tpu.enqueue_indirect_dma source(%arg9 : memref<64x128xf32, #tpu.memory_space<vmem>>) target(%dma_start3A_201 : memref<10240x128xf32, #tpu.memory_space<vmem_shared>>) offsets(%arg24 : memref<64xi32, #tpu.memory_space<vmem>>) semaphore(%arg39 : memref<!tpu.dma_semaphore, #tpu.memory_space<semaphore_mem>>) {add = true}
      %add3A_202 = arith.constant 5 : i32
      %add3A_203 = arith.addi %add3A_192, %add3A_202 : i32
      %lt3A_204 = arith.cmpi slt, %add3A_203, %min3A_11 : i32
      %convert_element_type3A_205 = arith.extui %lt3A_204 : i1 to i32
      %cond3A_206 = arith.constant 0 : i32
      %cond3A_207 = arith.cmpi ne, %convert_element_type3A_205, %cond3A_206 : i32
      scf.if %cond3A_207 {
        %add3A_469 = arith.constant 5 : i32
        %add3A_470 = arith.addi %add3A_192, %add3A_469 : i32
        %mul3A_471 = arith.constant 64 : i32
        %mul3A_472 = arith.muli %add3A_470, %mul3A_471 : i32
        %add3A_473 = arith.addi %mul3A_6, %mul3A_472 : i32
        %dma_start3A_474 = tpu.memref_slice %arg3[%add3A_473] : memref<640000xi32, #tpu.memory_space<hbm>> -> memref<64xi32, #tpu.memory_space<hbm>>
        %dma_start3A_475 = tpu.memref_slice %arg3[%add3A_473] : memref<640000xi32, #tpu.memory_space<hbm>> -> memref<64xi32, #tpu.memory_space<hbm>>
        tpu.enqueue_dma source(%dma_start3A_475 : memref<64xi32, #tpu.memory_space<hbm>>) target(%arg19 : memref<64xi32, #tpu.memory_space<vmem>>) target_semaphore(%arg49 : memref<!tpu.dma_semaphore, #tpu.memory_space<semaphore_mem>>)
        %add3A_476 = arith.constant 320000 : i32
        %add3A_477 = arith.addi %add3A_476, %add3A_473 : i32
        %dma_start3A_478 = tpu.memref_slice %arg3[%add3A_477] : memref<640000xi32, #tpu.memory_space<hbm>> -> memref<64xi32, #tpu.memory_space<hbm>>
        %dma_start3A_479 = tpu.memref_slice %arg3[%add3A_477] : memref<640000xi32, #tpu.memory_space<hbm>> -> memref<64xi32, #tpu.memory_space<hbm>>
        tpu.enqueue_dma source(%dma_start3A_479 : memref<64xi32, #tpu.memory_space<hbm>>) target(%arg29 : memref<64xi32, #tpu.memory_space<vmem>>) target_semaphore(%arg49 : memref<!tpu.dma_semaphore, #tpu.memory_space<semaphore_mem>>)
      } else {
      }
      %add3A_208 = arith.constant 3 : i32
      %add3A_209 = arith.addi %mul3A_159, %add3A_208 : i32
      %dma_wait3A_210 = arith.constant 0 : i32
      %dma_wait3A_211 = arith.constant 0 : i32
      %dma_wait3A_212 = tpu.memref_slice %arg2[%dma_wait3A_210, %dma_wait3A_211] : memref<10000x128xf32, #tpu.memory_space<hbm>> -> memref<64x128xf32, #tpu.memory_space<hbm>>
      %dma_wait3A_213 = arith.constant 0 : i32
      %dma_wait3A_214 = arith.constant 0 : i32
      %dma_wait3A_215 = tpu.memref_slice %arg2[%dma_wait3A_213, %dma_wait3A_214] : memref<10000x128xf32, #tpu.memory_space<hbm>> -> memref<64x128xf32, #tpu.memory_space<hbm>>
      tpu.wait_dma2 semaphore(%arg35 : memref<!tpu.dma_semaphore, #tpu.memory_space<semaphore_mem>>) src(%dma_wait3A_215 : memref<64x128xf32, #tpu.memory_space<hbm>>) dst(%arg10 : memref<64x128xf32, #tpu.memory_space<vmem>>)
      %dma_start3A_216 = arith.constant 0 : i32
      %dma_start3A_217 = arith.constant 0 : i32
      %dma_start3A_218 = tpu.memref_slice %arg6[%dma_start3A_216, %dma_start3A_217] : memref<10240x128xf32, #tpu.memory_space<vmem_shared>> -> memref<10240x128xf32, #tpu.memory_space<vmem_shared>>
      tpu.enqueue_indirect_dma source(%arg10 : memref<64x128xf32, #tpu.memory_space<vmem>>) target(%dma_start3A_218 : memref<10240x128xf32, #tpu.memory_space<vmem_shared>>) offsets(%arg25 : memref<64xi32, #tpu.memory_space<vmem>>) semaphore(%arg40 : memref<!tpu.dma_semaphore, #tpu.memory_space<semaphore_mem>>) {add = true}
      %add3A_219 = arith.constant 5 : i32
      %add3A_220 = arith.addi %add3A_209, %add3A_219 : i32
      %lt3A_221 = arith.cmpi slt, %add3A_220, %min3A_11 : i32
      %convert_element_type3A_222 = arith.extui %lt3A_221 : i1 to i32
      %cond3A_223 = arith.constant 0 : i32
      %cond3A_224 = arith.cmpi ne, %convert_element_type3A_222, %cond3A_223 : i32
      scf.if %cond3A_224 {
        %add3A_469 = arith.constant 5 : i32
        %add3A_470 = arith.addi %add3A_209, %add3A_469 : i32
        %mul3A_471 = arith.constant 64 : i32
        %mul3A_472 = arith.muli %add3A_470, %mul3A_471 : i32
        %add3A_473 = arith.addi %mul3A_6, %mul3A_472 : i32
        %dma_start3A_474 = tpu.memref_slice %arg3[%add3A_473] : memref<640000xi32, #tpu.memory_space<hbm>> -> memref<64xi32, #tpu.memory_space<hbm>>
        %dma_start3A_475 = tpu.memref_slice %arg3[%add3A_473] : memref<640000xi32, #tpu.memory_space<hbm>> -> memref<64xi32, #tpu.memory_space<hbm>>
        tpu.enqueue_dma source(%dma_start3A_475 : memref<64xi32, #tpu.memory_space<hbm>>) target(%arg20 : memref<64xi32, #tpu.memory_space<vmem>>) target_semaphore(%arg50 : memref<!tpu.dma_semaphore, #tpu.memory_space<semaphore_mem>>)
        %add3A_476 = arith.constant 320000 : i32
        %add3A_477 = arith.addi %add3A_476, %add3A_473 : i32
        %dma_start3A_478 = tpu.memref_slice %arg3[%add3A_477] : memref<640000xi32, #tpu.memory_space<hbm>> -> memref<64xi32, #tpu.memory_space<hbm>>
        %dma_start3A_479 = tpu.memref_slice %arg3[%add3A_477] : memref<640000xi32, #tpu.memory_space<hbm>> -> memref<64xi32, #tpu.memory_space<hbm>>
        tpu.enqueue_dma source(%dma_start3A_479 : memref<64xi32, #tpu.memory_space<hbm>>) target(%arg30 : memref<64xi32, #tpu.memory_space<vmem>>) target_semaphore(%arg50 : memref<!tpu.dma_semaphore, #tpu.memory_space<semaphore_mem>>)
      } else {
      }
      %add3A_225 = arith.constant 4 : i32
      %add3A_226 = arith.addi %mul3A_159, %add3A_225 : i32
      %dma_wait3A_227 = arith.constant 0 : i32
      %dma_wait3A_228 = arith.constant 0 : i32
      %dma_wait3A_229 = tpu.memref_slice %arg2[%dma_wait3A_227, %dma_wait3A_228] : memref<10000x128xf32, #tpu.memory_space<hbm>> -> memref<64x128xf32, #tpu.memory_space<hbm>>
      %dma_wait3A_230 = arith.constant 0 : i32
      %dma_wait3A_231 = arith.constant 0 : i32
      %dma_wait3A_232 = tpu.memref_slice %arg2[%dma_wait3A_230, %dma_wait3A_231] : memref<10000x128xf32, #tpu.memory_space<hbm>> -> memref<64x128xf32, #tpu.memory_space<hbm>>
      tpu.wait_dma2 semaphore(%arg36 : memref<!tpu.dma_semaphore, #tpu.memory_space<semaphore_mem>>) src(%dma_wait3A_232 : memref<64x128xf32, #tpu.memory_space<hbm>>) dst(%arg11 : memref<64x128xf32, #tpu.memory_space<vmem>>)
      %dma_start3A_233 = arith.constant 0 : i32
      %dma_start3A_234 = arith.constant 0 : i32
      %dma_start3A_235 = tpu.memref_slice %arg6[%dma_start3A_233, %dma_start3A_234] : memref<10240x128xf32, #tpu.memory_space<vmem_shared>> -> memref<10240x128xf32, #tpu.memory_space<vmem_shared>>
      tpu.enqueue_indirect_dma source(%arg11 : memref<64x128xf32, #tpu.memory_space<vmem>>) target(%dma_start3A_235 : memref<10240x128xf32, #tpu.memory_space<vmem_shared>>) offsets(%arg26 : memref<64xi32, #tpu.memory_space<vmem>>) semaphore(%arg41 : memref<!tpu.dma_semaphore, #tpu.memory_space<semaphore_mem>>) {add = true}
      %add3A_236 = arith.constant 5 : i32
      %add3A_237 = arith.addi %add3A_226, %add3A_236 : i32
      %lt3A_238 = arith.cmpi slt, %add3A_237, %min3A_11 : i32
      %convert_element_type3A_239 = arith.extui %lt3A_238 : i1 to i32
      %cond3A_240 = arith.constant 0 : i32
      %cond3A_241 = arith.cmpi ne, %convert_element_type3A_239, %cond3A_240 : i32
      scf.if %cond3A_241 {
        %add3A_469 = arith.constant 5 : i32
        %add3A_470 = arith.addi %add3A_226, %add3A_469 : i32
        %mul3A_471 = arith.constant 64 : i32
        %mul3A_472 = arith.muli %add3A_470, %mul3A_471 : i32
        %add3A_473 = arith.addi %mul3A_6, %mul3A_472 : i32
        %dma_start3A_474 = tpu.memref_slice %arg3[%add3A_473] : memref<640000xi32, #tpu.memory_space<hbm>> -> memref<64xi32, #tpu.memory_space<hbm>>
        %dma_start3A_475 = tpu.memref_slice %arg3[%add3A_473] : memref<640000xi32, #tpu.memory_space<hbm>> -> memref<64xi32, #tpu.memory_space<hbm>>
        tpu.enqueue_dma source(%dma_start3A_475 : memref<64xi32, #tpu.memory_space<hbm>>) target(%arg21 : memref<64xi32, #tpu.memory_space<vmem>>) target_semaphore(%arg51 : memref<!tpu.dma_semaphore, #tpu.memory_space<semaphore_mem>>)
        %add3A_476 = arith.constant 320000 : i32
        %add3A_477 = arith.addi %add3A_476, %add3A_473 : i32
        %dma_start3A_478 = tpu.memref_slice %arg3[%add3A_477] : memref<640000xi32, #tpu.memory_space<hbm>> -> memref<64xi32, #tpu.memory_space<hbm>>
        %dma_start3A_479 = tpu.memref_slice %arg3[%add3A_477] : memref<640000xi32, #tpu.memory_space<hbm>> -> memref<64xi32, #tpu.memory_space<hbm>>
        tpu.enqueue_dma source(%dma_start3A_479 : memref<64xi32, #tpu.memory_space<hbm>>) target(%arg31 : memref<64xi32, #tpu.memory_space<vmem>>) target_semaphore(%arg51 : memref<!tpu.dma_semaphore, #tpu.memory_space<semaphore_mem>>)
      } else {
      }
      %add3A_242 = arith.constant 0 : i32
      %add3A_243 = arith.addi %mul3A_159, %add3A_242 : i32
      %dma_wait3A_244 = arith.constant 0 : i32
      %dma_wait3A_245 = arith.constant 0 : i32
      %dma_wait3A_246 = tpu.memref_slice %arg6[%dma_wait3A_244, %dma_wait3A_245] : memref<10240x128xf32, #tpu.memory_space<vmem_shared>> -> memref<64x128xf32, #tpu.memory_space<vmem_shared>>
      %dma_wait3A_247 = arith.constant 0 : i32
      %dma_wait3A_248 = arith.constant 0 : i32
      %dma_wait3A_249 = tpu.memref_slice %arg6[%dma_wait3A_247, %dma_wait3A_248] : memref<10240x128xf32, #tpu.memory_space<vmem_shared>> -> memref<64x128xf32, #tpu.memory_space<vmem_shared>>
      tpu.wait_dma2 semaphore(%arg37 : memref<!tpu.dma_semaphore, #tpu.memory_space<semaphore_mem>>) src(%arg7 : memref<64x128xf32, #tpu.memory_space<vmem>>) dst(%dma_wait3A_249 : memref<64x128xf32, #tpu.memory_space<vmem_shared>>)
      %add3A_250 = arith.constant 5 : i32
      %add3A_251 = arith.addi %add3A_243, %add3A_250 : i32
      %lt3A_252 = arith.cmpi slt, %add3A_251, %min3A_11 : i32
      %convert_element_type3A_253 = arith.extui %lt3A_252 : i1 to i32
      %cond3A_254 = arith.constant 0 : i32
      %cond3A_255 = arith.cmpi ne, %convert_element_type3A_253, %cond3A_254 : i32
      scf.if %cond3A_255 {
        %dma_wait3A_469 = arith.constant 0 : i32
        %dma_wait3A_470 = tpu.memref_slice %arg3[%dma_wait3A_469] : memref<640000xi32, #tpu.memory_space<hbm>> -> memref<64xi32, #tpu.memory_space<hbm>>
        %dma_wait3A_471 = arith.constant 0 : i32
        %dma_wait3A_472 = tpu.memref_slice %arg3[%dma_wait3A_471] : memref<640000xi32, #tpu.memory_space<hbm>> -> memref<64xi32, #tpu.memory_space<hbm>>
        tpu.wait_dma2 semaphore(%arg47 : memref<!tpu.dma_semaphore, #tpu.memory_space<semaphore_mem>>) src(%dma_wait3A_472 : memref<64xi32, #tpu.memory_space<hbm>>) dst(%arg17 : memref<64xi32, #tpu.memory_space<vmem>>)
        %dma_wait3A_473 = arith.constant 0 : i32
        %dma_wait3A_474 = tpu.memref_slice %arg3[%dma_wait3A_473] : memref<640000xi32, #tpu.memory_space<hbm>> -> memref<64xi32, #tpu.memory_space<hbm>>
        %dma_wait3A_475 = arith.constant 0 : i32
        %dma_wait3A_476 = tpu.memref_slice %arg3[%dma_wait3A_475] : memref<640000xi32, #tpu.memory_space<hbm>> -> memref<64xi32, #tpu.memory_space<hbm>>
        tpu.wait_dma2 semaphore(%arg47 : memref<!tpu.dma_semaphore, #tpu.memory_space<semaphore_mem>>) src(%dma_wait3A_476 : memref<64xi32, #tpu.memory_space<hbm>>) dst(%arg27 : memref<64xi32, #tpu.memory_space<vmem>>)
        %dma_start3A_477 = arith.constant 0 : i32
        %dma_start3A_478 = arith.constant 0 : i32
        %dma_start3A_479 = tpu.memref_slice %arg2[%dma_start3A_477, %dma_start3A_478] : memref<10000x128xf32, #tpu.memory_space<hbm>> -> memref<10000x128xf32, #tpu.memory_space<hbm>>
        tpu.enqueue_indirect_dma source(%dma_start3A_479 : memref<10000x128xf32, #tpu.memory_space<hbm>>) target(%arg7 : memref<64x128xf32, #tpu.memory_space<vmem>>) offsets(%arg17 : memref<64xi32, #tpu.memory_space<vmem>>) semaphore(%arg32 : memref<!tpu.dma_semaphore, #tpu.memory_space<semaphore_mem>>)
      } else {
      }
      %add3A_256 = arith.constant 1 : i32
      %add3A_257 = arith.addi %mul3A_159, %add3A_256 : i32
      %dma_wait3A_258 = arith.constant 0 : i32
      %dma_wait3A_259 = arith.constant 0 : i32
      %dma_wait3A_260 = tpu.memref_slice %arg6[%dma_wait3A_258, %dma_wait3A_259] : memref<10240x128xf32, #tpu.memory_space<vmem_shared>> -> memref<64x128xf32, #tpu.memory_space<vmem_shared>>
      %dma_wait3A_261 = arith.constant 0 : i32
      %dma_wait3A_262 = arith.constant 0 : i32
      %dma_wait3A_263 = tpu.memref_slice %arg6[%dma_wait3A_261, %dma_wait3A_262] : memref<10240x128xf32, #tpu.memory_space<vmem_shared>> -> memref<64x128xf32, #tpu.memory_space<vmem_shared>>
      tpu.wait_dma2 semaphore(%arg38 : memref<!tpu.dma_semaphore, #tpu.memory_space<semaphore_mem>>) src(%arg8 : memref<64x128xf32, #tpu.memory_space<vmem>>) dst(%dma_wait3A_263 : memref<64x128xf32, #tpu.memory_space<vmem_shared>>)
      %add3A_264 = arith.constant 5 : i32
      %add3A_265 = arith.addi %add3A_257, %add3A_264 : i32
      %lt3A_266 = arith.cmpi slt, %add3A_265, %min3A_11 : i32
      %convert_element_type3A_267 = arith.extui %lt3A_266 : i1 to i32
      %cond3A_268 = arith.constant 0 : i32
      %cond3A_269 = arith.cmpi ne, %convert_element_type3A_267, %cond3A_268 : i32
      scf.if %cond3A_269 {
        %dma_wait3A_469 = arith.constant 0 : i32
        %dma_wait3A_470 = tpu.memref_slice %arg3[%dma_wait3A_469] : memref<640000xi32, #tpu.memory_space<hbm>> -> memref<64xi32, #tpu.memory_space<hbm>>
        %dma_wait3A_471 = arith.constant 0 : i32
        %dma_wait3A_472 = tpu.memref_slice %arg3[%dma_wait3A_471] : memref<640000xi32, #tpu.memory_space<hbm>> -> memref<64xi32, #tpu.memory_space<hbm>>
        tpu.wait_dma2 semaphore(%arg48 : memref<!tpu.dma_semaphore, #tpu.memory_space<semaphore_mem>>) src(%dma_wait3A_472 : memref<64xi32, #tpu.memory_space<hbm>>) dst(%arg18 : memref<64xi32, #tpu.memory_space<vmem>>)
        %dma_wait3A_473 = arith.constant 0 : i32
        %dma_wait3A_474 = tpu.memref_slice %arg3[%dma_wait3A_473] : memref<640000xi32, #tpu.memory_space<hbm>> -> memref<64xi32, #tpu.memory_space<hbm>>
        %dma_wait3A_475 = arith.constant 0 : i32
        %dma_wait3A_476 = tpu.memref_slice %arg3[%dma_wait3A_475] : memref<640000xi32, #tpu.memory_space<hbm>> -> memref<64xi32, #tpu.memory_space<hbm>>
        tpu.wait_dma2 semaphore(%arg48 : memref<!tpu.dma_semaphore, #tpu.memory_space<semaphore_mem>>) src(%dma_wait3A_476 : memref<64xi32, #tpu.memory_space<hbm>>) dst(%arg28 : memref<64xi32, #tpu.memory_space<vmem>>)
        %dma_start3A_477 = arith.constant 0 : i32
        %dma_start3A_478 = arith.constant 0 : i32
        %dma_start3A_479 = tpu.memref_slice %arg2[%dma_start3A_477, %dma_start3A_478] : memref<10000x128xf32, #tpu.memory_space<hbm>> -> memref<10000x128xf32, #tpu.memory_space<hbm>>
        tpu.enqueue_indirect_dma source(%dma_start3A_479 : memref<10000x128xf32, #tpu.memory_space<hbm>>) target(%arg8 : memref<64x128xf32, #tpu.memory_space<vmem>>) offsets(%arg18 : memref<64xi32, #tpu.memory_space<vmem>>) semaphore(%arg33 : memref<!tpu.dma_semaphore, #tpu.memory_space<semaphore_mem>>)
      } else {
      }
      %add3A_270 = arith.constant 2 : i32
      %add3A_271 = arith.addi %mul3A_159, %add3A_270 : i32
      %dma_wait3A_272 = arith.constant 0 : i32
      %dma_wait3A_273 = arith.constant 0 : i32
      %dma_wait3A_274 = tpu.memref_slice %arg6[%dma_wait3A_272, %dma_wait3A_273] : memref<10240x128xf32, #tpu.memory_space<vmem_shared>> -> memref<64x128xf32, #tpu.memory_space<vmem_shared>>
      %dma_wait3A_275 = arith.constant 0 : i32
      %dma_wait3A_276 = arith.constant 0 : i32
      %dma_wait3A_277 = tpu.memref_slice %arg6[%dma_wait3A_275, %dma_wait3A_276] : memref<10240x128xf32, #tpu.memory_space<vmem_shared>> -> memref<64x128xf32, #tpu.memory_space<vmem_shared>>
      tpu.wait_dma2 semaphore(%arg39 : memref<!tpu.dma_semaphore, #tpu.memory_space<semaphore_mem>>) src(%arg9 : memref<64x128xf32, #tpu.memory_space<vmem>>) dst(%dma_wait3A_277 : memref<64x128xf32, #tpu.memory_space<vmem_shared>>)
      %add3A_278 = arith.constant 5 : i32
      %add3A_279 = arith.addi %add3A_271, %add3A_278 : i32
      %lt3A_280 = arith.cmpi slt, %add3A_279, %min3A_11 : i32
      %convert_element_type3A_281 = arith.extui %lt3A_280 : i1 to i32
      %cond3A_282 = arith.constant 0 : i32
      %cond3A_283 = arith.cmpi ne, %convert_element_type3A_281, %cond3A_282 : i32
      scf.if %cond3A_283 {
        %dma_wait3A_469 = arith.constant 0 : i32
        %dma_wait3A_470 = tpu.memref_slice %arg3[%dma_wait3A_469] : memref<640000xi32, #tpu.memory_space<hbm>> -> memref<64xi32, #tpu.memory_space<hbm>>
        %dma_wait3A_471 = arith.constant 0 : i32
        %dma_wait3A_472 = tpu.memref_slice %arg3[%dma_wait3A_471] : memref<640000xi32, #tpu.memory_space<hbm>> -> memref<64xi32, #tpu.memory_space<hbm>>
        tpu.wait_dma2 semaphore(%arg49 : memref<!tpu.dma_semaphore, #tpu.memory_space<semaphore_mem>>) src(%dma_wait3A_472 : memref<64xi32, #tpu.memory_space<hbm>>) dst(%arg19 : memref<64xi32, #tpu.memory_space<vmem>>)
        %dma_wait3A_473 = arith.constant 0 : i32
        %dma_wait3A_474 = tpu.memref_slice %arg3[%dma_wait3A_473] : memref<640000xi32, #tpu.memory_space<hbm>> -> memref<64xi32, #tpu.memory_space<hbm>>
        %dma_wait3A_475 = arith.constant 0 : i32
        %dma_wait3A_476 = tpu.memref_slice %arg3[%dma_wait3A_475] : memref<640000xi32, #tpu.memory_space<hbm>> -> memref<64xi32, #tpu.memory_space<hbm>>
        tpu.wait_dma2 semaphore(%arg49 : memref<!tpu.dma_semaphore, #tpu.memory_space<semaphore_mem>>) src(%dma_wait3A_476 : memref<64xi32, #tpu.memory_space<hbm>>) dst(%arg29 : memref<64xi32, #tpu.memory_space<vmem>>)
        %dma_start3A_477 = arith.constant 0 : i32
        %dma_start3A_478 = arith.constant 0 : i32
        %dma_start3A_479 = tpu.memref_slice %arg2[%dma_start3A_477, %dma_start3A_478] : memref<10000x128xf32, #tpu.memory_space<hbm>> -> memref<10000x128xf32, #tpu.memory_space<hbm>>
        tpu.enqueue_indirect_dma source(%dma_start3A_479 : memref<10000x128xf32, #tpu.memory_space<hbm>>) target(%arg9 : memref<64x128xf32, #tpu.memory_space<vmem>>) offsets(%arg19 : memref<64xi32, #tpu.memory_space<vmem>>) semaphore(%arg34 : memref<!tpu.dma_semaphore, #tpu.memory_space<semaphore_mem>>)
      } else {
      }
      %add3A_284 = arith.constant 3 : i32
      %add3A_285 = arith.addi %mul3A_159, %add3A_284 : i32
      %dma_wait3A_286 = arith.constant 0 : i32
      %dma_wait3A_287 = arith.constant 0 : i32
      %dma_wait3A_288 = tpu.memref_slice %arg6[%dma_wait3A_286, %dma_wait3A_287] : memref<10240x128xf32, #tpu.memory_space<vmem_shared>> -> memref<64x128xf32, #tpu.memory_space<vmem_shared>>
      %dma_wait3A_289 = arith.constant 0 : i32
      %dma_wait3A_290 = arith.constant 0 : i32
      %dma_wait3A_291 = tpu.memref_slice %arg6[%dma_wait3A_289, %dma_wait3A_290] : memref<10240x128xf32, #tpu.memory_space<vmem_shared>> -> memref<64x128xf32, #tpu.memory_space<vmem_shared>>
      tpu.wait_dma2 semaphore(%arg40 : memref<!tpu.dma_semaphore, #tpu.memory_space<semaphore_mem>>) src(%arg10 : memref<64x128xf32, #tpu.memory_space<vmem>>) dst(%dma_wait3A_291 : memref<64x128xf32, #tpu.memory_space<vmem_shared>>)
      %add3A_292 = arith.constant 5 : i32
      %add3A_293 = arith.addi %add3A_285, %add3A_292 : i32
      %lt3A_294 = arith.cmpi slt, %add3A_293, %min3A_11 : i32
      %convert_element_type3A_295 = arith.extui %lt3A_294 : i1 to i32
      %cond3A_296 = arith.constant 0 : i32
      %cond3A_297 = arith.cmpi ne, %convert_element_type3A_295, %cond3A_296 : i32
      scf.if %cond3A_297 {
        %dma_wait3A_469 = arith.constant 0 : i32
        %dma_wait3A_470 = tpu.memref_slice %arg3[%dma_wait3A_469] : memref<640000xi32, #tpu.memory_space<hbm>> -> memref<64xi32, #tpu.memory_space<hbm>>
        %dma_wait3A_471 = arith.constant 0 : i32
        %dma_wait3A_472 = tpu.memref_slice %arg3[%dma_wait3A_471] : memref<640000xi32, #tpu.memory_space<hbm>> -> memref<64xi32, #tpu.memory_space<hbm>>
        tpu.wait_dma2 semaphore(%arg50 : memref<!tpu.dma_semaphore, #tpu.memory_space<semaphore_mem>>) src(%dma_wait3A_472 : memref<64xi32, #tpu.memory_space<hbm>>) dst(%arg20 : memref<64xi32, #tpu.memory_space<vmem>>)
        %dma_wait3A_473 = arith.constant 0 : i32
        %dma_wait3A_474 = tpu.memref_slice %arg3[%dma_wait3A_473] : memref<640000xi32, #tpu.memory_space<hbm>> -> memref<64xi32, #tpu.memory_space<hbm>>
        %dma_wait3A_475 = arith.constant 0 : i32
        %dma_wait3A_476 = tpu.memref_slice %arg3[%dma_wait3A_475] : memref<640000xi32, #tpu.memory_space<hbm>> -> memref<64xi32, #tpu.memory_space<hbm>>
        tpu.wait_dma2 semaphore(%arg50 : memref<!tpu.dma_semaphore, #tpu.memory_space<semaphore_mem>>) src(%dma_wait3A_476 : memref<64xi32, #tpu.memory_space<hbm>>) dst(%arg30 : memref<64xi32, #tpu.memory_space<vmem>>)
        %dma_start3A_477 = arith.constant 0 : i32
        %dma_start3A_478 = arith.constant 0 : i32
        %dma_start3A_479 = tpu.memref_slice %arg2[%dma_start3A_477, %dma_start3A_478] : memref<10000x128xf32, #tpu.memory_space<hbm>> -> memref<10000x128xf32, #tpu.memory_space<hbm>>
        tpu.enqueue_indirect_dma source(%dma_start3A_479 : memref<10000x128xf32, #tpu.memory_space<hbm>>) target(%arg10 : memref<64x128xf32, #tpu.memory_space<vmem>>) offsets(%arg20 : memref<64xi32, #tpu.memory_space<vmem>>) semaphore(%arg35 : memref<!tpu.dma_semaphore, #tpu.memory_space<semaphore_mem>>)
      } else {
      }
      %add3A_298 = arith.constant 4 : i32
      %add3A_299 = arith.addi %mul3A_159, %add3A_298 : i32
      %dma_wait3A_300 = arith.constant 0 : i32
      %dma_wait3A_301 = arith.constant 0 : i32
      %dma_wait3A_302 = tpu.memref_slice %arg6[%dma_wait3A_300, %dma_wait3A_301] : memref<10240x128xf32, #tpu.memory_space<vmem_shared>> -> memref<64x128xf32, #tpu.memory_space<vmem_shared>>
      %dma_wait3A_303 = arith.constant 0 : i32
      %dma_wait3A_304 = arith.constant 0 : i32
      %dma_wait3A_305 = tpu.memref_slice %arg6[%dma_wait3A_303, %dma_wait3A_304] : memref<10240x128xf32, #tpu.memory_space<vmem_shared>> -> memref<64x128xf32, #tpu.memory_space<vmem_shared>>
      tpu.wait_dma2 semaphore(%arg41 : memref<!tpu.dma_semaphore, #tpu.memory_space<semaphore_mem>>) src(%arg11 : memref<64x128xf32, #tpu.memory_space<vmem>>) dst(%dma_wait3A_305 : memref<64x128xf32, #tpu.memory_space<vmem_shared>>)
      %add3A_306 = arith.constant 5 : i32
      %add3A_307 = arith.addi %add3A_299, %add3A_306 : i32
      %lt3A_308 = arith.cmpi slt, %add3A_307, %min3A_11 : i32
      %convert_element_type3A_309 = arith.extui %lt3A_308 : i1 to i32
      %cond3A_310 = arith.constant 0 : i32
      %cond3A_311 = arith.cmpi ne, %convert_element_type3A_309, %cond3A_310 : i32
      scf.if %cond3A_311 {
        %dma_wait3A_469 = arith.constant 0 : i32
        %dma_wait3A_470 = tpu.memref_slice %arg3[%dma_wait3A_469] : memref<640000xi32, #tpu.memory_space<hbm>> -> memref<64xi32, #tpu.memory_space<hbm>>
        %dma_wait3A_471 = arith.constant 0 : i32
        %dma_wait3A_472 = tpu.memref_slice %arg3[%dma_wait3A_471] : memref<640000xi32, #tpu.memory_space<hbm>> -> memref<64xi32, #tpu.memory_space<hbm>>
        tpu.wait_dma2 semaphore(%arg51 : memref<!tpu.dma_semaphore, #tpu.memory_space<semaphore_mem>>) src(%dma_wait3A_472 : memref<64xi32, #tpu.memory_space<hbm>>) dst(%arg21 : memref<64xi32, #tpu.memory_space<vmem>>)
        %dma_wait3A_473 = arith.constant 0 : i32
        %dma_wait3A_474 = tpu.memref_slice %arg3[%dma_wait3A_473] : memref<640000xi32, #tpu.memory_space<hbm>> -> memref<64xi32, #tpu.memory_space<hbm>>
        %dma_wait3A_475 = arith.constant 0 : i32
        %dma_wait3A_476 = tpu.memref_slice %arg3[%dma_wait3A_475] : memref<640000xi32, #tpu.memory_space<hbm>> -> memref<64xi32, #tpu.memory_space<hbm>>
        tpu.wait_dma2 semaphore(%arg51 : memref<!tpu.dma_semaphore, #tpu.memory_space<semaphore_mem>>) src(%dma_wait3A_476 : memref<64xi32, #tpu.memory_space<hbm>>) dst(%arg31 : memref<64xi32, #tpu.memory_space<vmem>>)
        %dma_start3A_477 = arith.constant 0 : i32
        %dma_start3A_478 = arith.constant 0 : i32
        %dma_start3A_479 = tpu.memref_slice %arg2[%dma_start3A_477, %dma_start3A_478] : memref<10000x128xf32, #tpu.memory_space<hbm>> -> memref<10000x128xf32, #tpu.memory_space<hbm>>
        tpu.enqueue_indirect_dma source(%dma_start3A_479 : memref<10000x128xf32, #tpu.memory_space<hbm>>) target(%arg11 : memref<64x128xf32, #tpu.memory_space<vmem>>) offsets(%arg21 : memref<64xi32, #tpu.memory_space<vmem>>) semaphore(%arg36 : memref<!tpu.dma_semaphore, #tpu.memory_space<semaphore_mem>>)
      } else {
      }
      %add3A_312 = arith.constant 5 : i32
      %add3A_313 = arith.addi %mul3A_159, %add3A_312 : i32
      %add3A_314 = arith.constant 0 : i32
      %add3A_315 = arith.addi %add3A_313, %add3A_314 : i32
      %dma_wait3A_316 = arith.constant 0 : i32
      %dma_wait3A_317 = arith.constant 0 : i32
      %dma_wait3A_318 = tpu.memref_slice %arg2[%dma_wait3A_316, %dma_wait3A_317] : memref<10000x128xf32, #tpu.memory_space<hbm>> -> memref<64x128xf32, #tpu.memory_space<hbm>>
      %dma_wait3A_319 = arith.constant 0 : i32
      %dma_wait3A_320 = arith.constant 0 : i32
      %dma_wait3A_321 = tpu.memref_slice %arg2[%dma_wait3A_319, %dma_wait3A_320] : memref<10000x128xf32, #tpu.memory_space<hbm>> -> memref<64x128xf32, #tpu.memory_space<hbm>>
      tpu.wait_dma2 semaphore(%arg32 : memref<!tpu.dma_semaphore, #tpu.memory_space<semaphore_mem>>) src(%dma_wait3A_321 : memref<64x128xf32, #tpu.memory_space<hbm>>) dst(%arg7 : memref<64x128xf32, #tpu.memory_space<vmem>>)
      %dma_start3A_322 = arith.constant 0 : i32
      %dma_start3A_323 = arith.constant 0 : i32
      %dma_start3A_324 = tpu.memref_slice %arg6[%dma_start3A_322, %dma_start3A_323] : memref<10240x128xf32, #tpu.memory_space<vmem_shared>> -> memref<10240x128xf32, #tpu.memory_space<vmem_shared>>
      tpu.enqueue_indirect_dma source(%arg7 : memref<64x128xf32, #tpu.memory_space<vmem>>) target(%dma_start3A_324 : memref<10240x128xf32, #tpu.memory_space<vmem_shared>>) offsets(%arg27 : memref<64xi32, #tpu.memory_space<vmem>>) semaphore(%arg37 : memref<!tpu.dma_semaphore, #tpu.memory_space<semaphore_mem>>) {add = true}
      %add3A_325 = arith.constant 5 : i32
      %add3A_326 = arith.addi %add3A_315, %add3A_325 : i32
      %lt3A_327 = arith.cmpi slt, %add3A_326, %min3A_11 : i32
      %convert_element_type3A_328 = arith.extui %lt3A_327 : i1 to i32
      %cond3A_329 = arith.constant 0 : i32
      %cond3A_330 = arith.cmpi ne, %convert_element_type3A_328, %cond3A_329 : i32
      scf.if %cond3A_330 {
        %add3A_469 = arith.constant 5 : i32
        %add3A_470 = arith.addi %add3A_315, %add3A_469 : i32
        %mul3A_471 = arith.constant 64 : i32
        %mul3A_472 = arith.muli %add3A_470, %mul3A_471 : i32
        %add3A_473 = arith.addi %mul3A_6, %mul3A_472 : i32
        %dma_start3A_474 = tpu.memref_slice %arg3[%add3A_473] : memref<640000xi32, #tpu.memory_space<hbm>> -> memref<64xi32, #tpu.memory_space<hbm>>
        %dma_start3A_475 = tpu.memref_slice %arg3[%add3A_473] : memref<640000xi32, #tpu.memory_space<hbm>> -> memref<64xi32, #tpu.memory_space<hbm>>
        tpu.enqueue_dma source(%dma_start3A_475 : memref<64xi32, #tpu.memory_space<hbm>>) target(%arg12 : memref<64xi32, #tpu.memory_space<vmem>>) target_semaphore(%arg42 : memref<!tpu.dma_semaphore, #tpu.memory_space<semaphore_mem>>)
        %add3A_476 = arith.constant 320000 : i32
        %add3A_477 = arith.addi %add3A_476, %add3A_473 : i32
        %dma_start3A_478 = tpu.memref_slice %arg3[%add3A_477] : memref<640000xi32, #tpu.memory_space<hbm>> -> memref<64xi32, #tpu.memory_space<hbm>>
        %dma_start3A_479 = tpu.memref_slice %arg3[%add3A_477] : memref<640000xi32, #tpu.memory_space<hbm>> -> memref<64xi32, #tpu.memory_space<hbm>>
        tpu.enqueue_dma source(%dma_start3A_479 : memref<64xi32, #tpu.memory_space<hbm>>) target(%arg22 : memref<64xi32, #tpu.memory_space<vmem>>) target_semaphore(%arg42 : memref<!tpu.dma_semaphore, #tpu.memory_space<semaphore_mem>>)
      } else {
      }
      %add3A_331 = arith.constant 1 : i32
      %add3A_332 = arith.addi %add3A_313, %add3A_331 : i32
      %dma_wait3A_333 = arith.constant 0 : i32
      %dma_wait3A_334 = arith.constant 0 : i32
      %dma_wait3A_335 = tpu.memref_slice %arg2[%dma_wait3A_333, %dma_wait3A_334] : memref<10000x128xf32, #tpu.memory_space<hbm>> -> memref<64x128xf32, #tpu.memory_space<hbm>>
      %dma_wait3A_336 = arith.constant 0 : i32
      %dma_wait3A_337 = arith.constant 0 : i32
      %dma_wait3A_338 = tpu.memref_slice %arg2[%dma_wait3A_336, %dma_wait3A_337] : memref<10000x128xf32, #tpu.memory_space<hbm>> -> memref<64x128xf32, #tpu.memory_space<hbm>>
      tpu.wait_dma2 semaphore(%arg33 : memref<!tpu.dma_semaphore, #tpu.memory_space<semaphore_mem>>) src(%dma_wait3A_338 : memref<64x128xf32, #tpu.memory_space<hbm>>) dst(%arg8 : memref<64x128xf32, #tpu.memory_space<vmem>>)
      %dma_start3A_339 = arith.constant 0 : i32
      %dma_start3A_340 = arith.constant 0 : i32
      %dma_start3A_341 = tpu.memref_slice %arg6[%dma_start3A_339, %dma_start3A_340] : memref<10240x128xf32, #tpu.memory_space<vmem_shared>> -> memref<10240x128xf32, #tpu.memory_space<vmem_shared>>
      tpu.enqueue_indirect_dma source(%arg8 : memref<64x128xf32, #tpu.memory_space<vmem>>) target(%dma_start3A_341 : memref<10240x128xf32, #tpu.memory_space<vmem_shared>>) offsets(%arg28 : memref<64xi32, #tpu.memory_space<vmem>>) semaphore(%arg38 : memref<!tpu.dma_semaphore, #tpu.memory_space<semaphore_mem>>) {add = true}
      %add3A_342 = arith.constant 5 : i32
      %add3A_343 = arith.addi %add3A_332, %add3A_342 : i32
      %lt3A_344 = arith.cmpi slt, %add3A_343, %min3A_11 : i32
      %convert_element_type3A_345 = arith.extui %lt3A_344 : i1 to i32
      %cond3A_346 = arith.constant 0 : i32
      %cond3A_347 = arith.cmpi ne, %convert_element_type3A_345, %cond3A_346 : i32
      scf.if %cond3A_347 {
        %add3A_469 = arith.constant 5 : i32
        %add3A_470 = arith.addi %add3A_332, %add3A_469 : i32
        %mul3A_471 = arith.constant 64 : i32
        %mul3A_472 = arith.muli %add3A_470, %mul3A_471 : i32
        %add3A_473 = arith.addi %mul3A_6, %mul3A_472 : i32
        %dma_start3A_474 = tpu.memref_slice %arg3[%add3A_473] : memref<640000xi32, #tpu.memory_space<hbm>> -> memref<64xi32, #tpu.memory_space<hbm>>
        %dma_start3A_475 = tpu.memref_slice %arg3[%add3A_473] : memref<640000xi32, #tpu.memory_space<hbm>> -> memref<64xi32, #tpu.memory_space<hbm>>
        tpu.enqueue_dma source(%dma_start3A_475 : memref<64xi32, #tpu.memory_space<hbm>>) target(%arg13 : memref<64xi32, #tpu.memory_space<vmem>>) target_semaphore(%arg43 : memref<!tpu.dma_semaphore, #tpu.memory_space<semaphore_mem>>)
        %add3A_476 = arith.constant 320000 : i32
        %add3A_477 = arith.addi %add3A_476, %add3A_473 : i32
        %dma_start3A_478 = tpu.memref_slice %arg3[%add3A_477] : memref<640000xi32, #tpu.memory_space<hbm>> -> memref<64xi32, #tpu.memory_space<hbm>>
        %dma_start3A_479 = tpu.memref_slice %arg3[%add3A_477] : memref<640000xi32, #tpu.memory_space<hbm>> -> memref<64xi32, #tpu.memory_space<hbm>>
        tpu.enqueue_dma source(%dma_start3A_479 : memref<64xi32, #tpu.memory_space<hbm>>) target(%arg23 : memref<64xi32, #tpu.memory_space<vmem>>) target_semaphore(%arg43 : memref<!tpu.dma_semaphore, #tpu.memory_space<semaphore_mem>>)
      } else {
      }
      %add3A_348 = arith.constant 2 : i32
      %add3A_349 = arith.addi %add3A_313, %add3A_348 : i32
      %dma_wait3A_350 = arith.constant 0 : i32
      %dma_wait3A_351 = arith.constant 0 : i32
      %dma_wait3A_352 = tpu.memref_slice %arg2[%dma_wait3A_350, %dma_wait3A_351] : memref<10000x128xf32, #tpu.memory_space<hbm>> -> memref<64x128xf32, #tpu.memory_space<hbm>>
      %dma_wait3A_353 = arith.constant 0 : i32
      %dma_wait3A_354 = arith.constant 0 : i32
      %dma_wait3A_355 = tpu.memref_slice %arg2[%dma_wait3A_353, %dma_wait3A_354] : memref<10000x128xf32, #tpu.memory_space<hbm>> -> memref<64x128xf32, #tpu.memory_space<hbm>>
      tpu.wait_dma2 semaphore(%arg34 : memref<!tpu.dma_semaphore, #tpu.memory_space<semaphore_mem>>) src(%dma_wait3A_355 : memref<64x128xf32, #tpu.memory_space<hbm>>) dst(%arg9 : memref<64x128xf32, #tpu.memory_space<vmem>>)
      %dma_start3A_356 = arith.constant 0 : i32
      %dma_start3A_357 = arith.constant 0 : i32
      %dma_start3A_358 = tpu.memref_slice %arg6[%dma_start3A_356, %dma_start3A_357] : memref<10240x128xf32, #tpu.memory_space<vmem_shared>> -> memref<10240x128xf32, #tpu.memory_space<vmem_shared>>
      tpu.enqueue_indirect_dma source(%arg9 : memref<64x128xf32, #tpu.memory_space<vmem>>) target(%dma_start3A_358 : memref<10240x128xf32, #tpu.memory_space<vmem_shared>>) offsets(%arg29 : memref<64xi32, #tpu.memory_space<vmem>>) semaphore(%arg39 : memref<!tpu.dma_semaphore, #tpu.memory_space<semaphore_mem>>) {add = true}
      %add3A_359 = arith.constant 5 : i32
      %add3A_360 = arith.addi %add3A_349, %add3A_359 : i32
      %lt3A_361 = arith.cmpi slt, %add3A_360, %min3A_11 : i32
      %convert_element_type3A_362 = arith.extui %lt3A_361 : i1 to i32
      %cond3A_363 = arith.constant 0 : i32
      %cond3A_364 = arith.cmpi ne, %convert_element_type3A_362, %cond3A_363 : i32
      scf.if %cond3A_364 {
        %add3A_469 = arith.constant 5 : i32
        %add3A_470 = arith.addi %add3A_349, %add3A_469 : i32
        %mul3A_471 = arith.constant 64 : i32
        %mul3A_472 = arith.muli %add3A_470, %mul3A_471 : i32
        %add3A_473 = arith.addi %mul3A_6, %mul3A_472 : i32
        %dma_start3A_474 = tpu.memref_slice %arg3[%add3A_473] : memref<640000xi32, #tpu.memory_space<hbm>> -> memref<64xi32, #tpu.memory_space<hbm>>
        %dma_start3A_475 = tpu.memref_slice %arg3[%add3A_473] : memref<640000xi32, #tpu.memory_space<hbm>> -> memref<64xi32, #tpu.memory_space<hbm>>
        tpu.enqueue_dma source(%dma_start3A_475 : memref<64xi32, #tpu.memory_space<hbm>>) target(%arg14 : memref<64xi32, #tpu.memory_space<vmem>>) target_semaphore(%arg44 : memref<!tpu.dma_semaphore, #tpu.memory_space<semaphore_mem>>)
        %add3A_476 = arith.constant 320000 : i32
        %add3A_477 = arith.addi %add3A_476, %add3A_473 : i32
        %dma_start3A_478 = tpu.memref_slice %arg3[%add3A_477] : memref<640000xi32, #tpu.memory_space<hbm>> -> memref<64xi32, #tpu.memory_space<hbm>>
        %dma_start3A_479 = tpu.memref_slice %arg3[%add3A_477] : memref<640000xi32, #tpu.memory_space<hbm>> -> memref<64xi32, #tpu.memory_space<hbm>>
        tpu.enqueue_dma source(%dma_start3A_479 : memref<64xi32, #tpu.memory_space<hbm>>) target(%arg24 : memref<64xi32, #tpu.memory_space<vmem>>) target_semaphore(%arg44 : memref<!tpu.dma_semaphore, #tpu.memory_space<semaphore_mem>>)
      } else {
      }
      %add3A_365 = arith.constant 3 : i32
      %add3A_366 = arith.addi %add3A_313, %add3A_365 : i32
      %dma_wait3A_367 = arith.constant 0 : i32
      %dma_wait3A_368 = arith.constant 0 : i32
      %dma_wait3A_369 = tpu.memref_slice %arg2[%dma_wait3A_367, %dma_wait3A_368] : memref<10000x128xf32, #tpu.memory_space<hbm>> -> memref<64x128xf32, #tpu.memory_space<hbm>>
      %dma_wait3A_370 = arith.constant 0 : i32
      %dma_wait3A_371 = arith.constant 0 : i32
      %dma_wait3A_372 = tpu.memref_slice %arg2[%dma_wait3A_370, %dma_wait3A_371] : memref<10000x128xf32, #tpu.memory_space<hbm>> -> memref<64x128xf32, #tpu.memory_space<hbm>>
      tpu.wait_dma2 semaphore(%arg35 : memref<!tpu.dma_semaphore, #tpu.memory_space<semaphore_mem>>) src(%dma_wait3A_372 : memref<64x128xf32, #tpu.memory_space<hbm>>) dst(%arg10 : memref<64x128xf32, #tpu.memory_space<vmem>>)
      %dma_start3A_373 = arith.constant 0 : i32
      %dma_start3A_374 = arith.constant 0 : i32
      %dma_start3A_375 = tpu.memref_slice %arg6[%dma_start3A_373, %dma_start3A_374] : memref<10240x128xf32, #tpu.memory_space<vmem_shared>> -> memref<10240x128xf32, #tpu.memory_space<vmem_shared>>
      tpu.enqueue_indirect_dma source(%arg10 : memref<64x128xf32, #tpu.memory_space<vmem>>) target(%dma_start3A_375 : memref<10240x128xf32, #tpu.memory_space<vmem_shared>>) offsets(%arg30 : memref<64xi32, #tpu.memory_space<vmem>>) semaphore(%arg40 : memref<!tpu.dma_semaphore, #tpu.memory_space<semaphore_mem>>) {add = true}
      %add3A_376 = arith.constant 5 : i32
      %add3A_377 = arith.addi %add3A_366, %add3A_376 : i32
      %lt3A_378 = arith.cmpi slt, %add3A_377, %min3A_11 : i32
      %convert_element_type3A_379 = arith.extui %lt3A_378 : i1 to i32
      %cond3A_380 = arith.constant 0 : i32
      %cond3A_381 = arith.cmpi ne, %convert_element_type3A_379, %cond3A_380 : i32
      scf.if %cond3A_381 {
        %add3A_469 = arith.constant 5 : i32
        %add3A_470 = arith.addi %add3A_366, %add3A_469 : i32
        %mul3A_471 = arith.constant 64 : i32
        %mul3A_472 = arith.muli %add3A_470, %mul3A_471 : i32
        %add3A_473 = arith.addi %mul3A_6, %mul3A_472 : i32
        %dma_start3A_474 = tpu.memref_slice %arg3[%add3A_473] : memref<640000xi32, #tpu.memory_space<hbm>> -> memref<64xi32, #tpu.memory_space<hbm>>
        %dma_start3A_475 = tpu.memref_slice %arg3[%add3A_473] : memref<640000xi32, #tpu.memory_space<hbm>> -> memref<64xi32, #tpu.memory_space<hbm>>
        tpu.enqueue_dma source(%dma_start3A_475 : memref<64xi32, #tpu.memory_space<hbm>>) target(%arg15 : memref<64xi32, #tpu.memory_space<vmem>>) target_semaphore(%arg45 : memref<!tpu.dma_semaphore, #tpu.memory_space<semaphore_mem>>)
        %add3A_476 = arith.constant 320000 : i32
        %add3A_477 = arith.addi %add3A_476, %add3A_473 : i32
        %dma_start3A_478 = tpu.memref_slice %arg3[%add3A_477] : memref<640000xi32, #tpu.memory_space<hbm>> -> memref<64xi32, #tpu.memory_space<hbm>>
        %dma_start3A_479 = tpu.memref_slice %arg3[%add3A_477] : memref<640000xi32, #tpu.memory_space<hbm>> -> memref<64xi32, #tpu.memory_space<hbm>>
        tpu.enqueue_dma source(%dma_start3A_479 : memref<64xi32, #tpu.memory_space<hbm>>) target(%arg25 : memref<64xi32, #tpu.memory_space<vmem>>) target_semaphore(%arg45 : memref<!tpu.dma_semaphore, #tpu.memory_space<semaphore_mem>>)
      } else {
      }
      %add3A_382 = arith.constant 4 : i32
      %add3A_383 = arith.addi %add3A_313, %add3A_382 : i32
      %dma_wait3A_384 = arith.constant 0 : i32
      %dma_wait3A_385 = arith.constant 0 : i32
      %dma_wait3A_386 = tpu.memref_slice %arg2[%dma_wait3A_384, %dma_wait3A_385] : memref<10000x128xf32, #tpu.memory_space<hbm>> -> memref<64x128xf32, #tpu.memory_space<hbm>>
      %dma_wait3A_387 = arith.constant 0 : i32
      %dma_wait3A_388 = arith.constant 0 : i32
      %dma_wait3A_389 = tpu.memref_slice %arg2[%dma_wait3A_387, %dma_wait3A_388] : memref<10000x128xf32, #tpu.memory_space<hbm>> -> memref<64x128xf32, #tpu.memory_space<hbm>>
      tpu.wait_dma2 semaphore(%arg36 : memref<!tpu.dma_semaphore, #tpu.memory_space<semaphore_mem>>) src(%dma_wait3A_389 : memref<64x128xf32, #tpu.memory_space<hbm>>) dst(%arg11 : memref<64x128xf32, #tpu.memory_space<vmem>>)
      %dma_start3A_390 = arith.constant 0 : i32
      %dma_start3A_391 = arith.constant 0 : i32
      %dma_start3A_392 = tpu.memref_slice %arg6[%dma_start3A_390, %dma_start3A_391] : memref<10240x128xf32, #tpu.memory_space<vmem_shared>> -> memref<10240x128xf32, #tpu.memory_space<vmem_shared>>
      tpu.enqueue_indirect_dma source(%arg11 : memref<64x128xf32, #tpu.memory_space<vmem>>) target(%dma_start3A_392 : memref<10240x128xf32, #tpu.memory_space<vmem_shared>>) offsets(%arg31 : memref<64xi32, #tpu.memory_space<vmem>>) semaphore(%arg41 : memref<!tpu.dma_semaphore, #tpu.memory_space<semaphore_mem>>) {add = true}
      %add3A_393 = arith.constant 5 : i32
      %add3A_394 = arith.addi %add3A_383, %add3A_393 : i32
      %lt3A_395 = arith.cmpi slt, %add3A_394, %min3A_11 : i32
      %convert_element_type3A_396 = arith.extui %lt3A_395 : i1 to i32
      %cond3A_397 = arith.constant 0 : i32
      %cond3A_398 = arith.cmpi ne, %convert_element_type3A_396, %cond3A_397 : i32
      scf.if %cond3A_398 {
        %add3A_469 = arith.constant 5 : i32
        %add3A_470 = arith.addi %add3A_383, %add3A_469 : i32
        %mul3A_471 = arith.constant 64 : i32
        %mul3A_472 = arith.muli %add3A_470, %mul3A_471 : i32
        %add3A_473 = arith.addi %mul3A_6, %mul3A_472 : i32
        %dma_start3A_474 = tpu.memref_slice %arg3[%add3A_473] : memref<640000xi32, #tpu.memory_space<hbm>> -> memref<64xi32, #tpu.memory_space<hbm>>
        %dma_start3A_475 = tpu.memref_slice %arg3[%add3A_473] : memref<640000xi32, #tpu.memory_space<hbm>> -> memref<64xi32, #tpu.memory_space<hbm>>
        tpu.enqueue_dma source(%dma_start3A_475 : memref<64xi32, #tpu.memory_space<hbm>>) target(%arg16 : memref<64xi32, #tpu.memory_space<vmem>>) target_semaphore(%arg46 : memref<!tpu.dma_semaphore, #tpu.memory_space<semaphore_mem>>)
        %add3A_476 = arith.constant 320000 : i32
        %add3A_477 = arith.addi %add3A_476, %add3A_473 : i32
        %dma_start3A_478 = tpu.memref_slice %arg3[%add3A_477] : memref<640000xi32, #tpu.memory_space<hbm>> -> memref<64xi32, #tpu.memory_space<hbm>>
        %dma_start3A_479 = tpu.memref_slice %arg3[%add3A_477] : memref<640000xi32, #tpu.memory_space<hbm>> -> memref<64xi32, #tpu.memory_space<hbm>>
        tpu.enqueue_dma source(%dma_start3A_479 : memref<64xi32, #tpu.memory_space<hbm>>) target(%arg26 : memref<64xi32, #tpu.memory_space<vmem>>) target_semaphore(%arg46 : memref<!tpu.dma_semaphore, #tpu.memory_space<semaphore_mem>>)
      } else {
      }
      %add3A_399 = arith.constant 0 : i32
      %add3A_400 = arith.addi %add3A_313, %add3A_399 : i32
      %dma_wait3A_401 = arith.constant 0 : i32
      %dma_wait3A_402 = arith.constant 0 : i32
      %dma_wait3A_403 = tpu.memref_slice %arg6[%dma_wait3A_401, %dma_wait3A_402] : memref<10240x128xf32, #tpu.memory_space<vmem_shared>> -> memref<64x128xf32, #tpu.memory_space<vmem_shared>>
      %dma_wait3A_404 = arith.constant 0 : i32
      %dma_wait3A_405 = arith.constant 0 : i32
      %dma_wait3A_406 = tpu.memref_slice %arg6[%dma_wait3A_404, %dma_wait3A_405] : memref<10240x128xf32, #tpu.memory_space<vmem_shared>> -> memref<64x128xf32, #tpu.memory_space<vmem_shared>>
      tpu.wait_dma2 semaphore(%arg37 : memref<!tpu.dma_semaphore, #tpu.memory_space<semaphore_mem>>) src(%arg7 : memref<64x128xf32, #tpu.memory_space<vmem>>) dst(%dma_wait3A_406 : memref<64x128xf32, #tpu.memory_space<vmem_shared>>)
      %add3A_407 = arith.constant 5 : i32
      %add3A_408 = arith.addi %add3A_400, %add3A_407 : i32
      %lt3A_409 = arith.cmpi slt, %add3A_408, %min3A_11 : i32
      %convert_element_type3A_410 = arith.extui %lt3A_409 : i1 to i32
      %cond3A_411 = arith.constant 0 : i32
      %cond3A_412 = arith.cmpi ne, %convert_element_type3A_410, %cond3A_411 : i32
      scf.if %cond3A_412 {
        %dma_wait3A_469 = arith.constant 0 : i32
        %dma_wait3A_470 = tpu.memref_slice %arg3[%dma_wait3A_469] : memref<640000xi32, #tpu.memory_space<hbm>> -> memref<64xi32, #tpu.memory_space<hbm>>
        %dma_wait3A_471 = arith.constant 0 : i32
        %dma_wait3A_472 = tpu.memref_slice %arg3[%dma_wait3A_471] : memref<640000xi32, #tpu.memory_space<hbm>> -> memref<64xi32, #tpu.memory_space<hbm>>
        tpu.wait_dma2 semaphore(%arg42 : memref<!tpu.dma_semaphore, #tpu.memory_space<semaphore_mem>>) src(%dma_wait3A_472 : memref<64xi32, #tpu.memory_space<hbm>>) dst(%arg12 : memref<64xi32, #tpu.memory_space<vmem>>)
        %dma_wait3A_473 = arith.constant 0 : i32
        %dma_wait3A_474 = tpu.memref_slice %arg3[%dma_wait3A_473] : memref<640000xi32, #tpu.memory_space<hbm>> -> memref<64xi32, #tpu.memory_space<hbm>>
        %dma_wait3A_475 = arith.constant 0 : i32
        %dma_wait3A_476 = tpu.memref_slice %arg3[%dma_wait3A_475] : memref<640000xi32, #tpu.memory_space<hbm>> -> memref<64xi32, #tpu.memory_space<hbm>>
        tpu.wait_dma2 semaphore(%arg42 : memref<!tpu.dma_semaphore, #tpu.memory_space<semaphore_mem>>) src(%dma_wait3A_476 : memref<64xi32, #tpu.memory_space<hbm>>) dst(%arg22 : memref<64xi32, #tpu.memory_space<vmem>>)
        %dma_start3A_477 = arith.constant 0 : i32
        %dma_start3A_478 = arith.constant 0 : i32
        %dma_start3A_479 = tpu.memref_slice %arg2[%dma_start3A_477, %dma_start3A_478] : memref<10000x128xf32, #tpu.memory_space<hbm>> -> memref<10000x128xf32, #tpu.memory_space<hbm>>
        tpu.enqueue_indirect_dma source(%dma_start3A_479 : memref<10000x128xf32, #tpu.memory_space<hbm>>) target(%arg7 : memref<64x128xf32, #tpu.memory_space<vmem>>) offsets(%arg12 : memref<64xi32, #tpu.memory_space<vmem>>) semaphore(%arg32 : memref<!tpu.dma_semaphore, #tpu.memory_space<semaphore_mem>>)
      } else {
      }
      %add3A_413 = arith.constant 1 : i32
      %add3A_414 = arith.addi %add3A_313, %add3A_413 : i32
      %dma_wait3A_415 = arith.constant 0 : i32
      %dma_wait3A_416 = arith.constant 0 : i32
      %dma_wait3A_417 = tpu.memref_slice %arg6[%dma_wait3A_415, %dma_wait3A_416] : memref<10240x128xf32, #tpu.memory_space<vmem_shared>> -> memref<64x128xf32, #tpu.memory_space<vmem_shared>>
      %dma_wait3A_418 = arith.constant 0 : i32
      %dma_wait3A_419 = arith.constant 0 : i32
      %dma_wait3A_420 = tpu.memref_slice %arg6[%dma_wait3A_418, %dma_wait3A_419] : memref<10240x128xf32, #tpu.memory_space<vmem_shared>> -> memref<64x128xf32, #tpu.memory_space<vmem_shared>>
      tpu.wait_dma2 semaphore(%arg38 : memref<!tpu.dma_semaphore, #tpu.memory_space<semaphore_mem>>) src(%arg8 : memref<64x128xf32, #tpu.memory_space<vmem>>) dst(%dma_wait3A_420 : memref<64x128xf32, #tpu.memory_space<vmem_shared>>)
      %add3A_421 = arith.constant 5 : i32
      %add3A_422 = arith.addi %add3A_414, %add3A_421 : i32
      %lt3A_423 = arith.cmpi slt, %add3A_422, %min3A_11 : i32
      %convert_element_type3A_424 = arith.extui %lt3A_423 : i1 to i32
      %cond3A_425 = arith.constant 0 : i32
      %cond3A_426 = arith.cmpi ne, %convert_element_type3A_424, %cond3A_425 : i32
      scf.if %cond3A_426 {
        %dma_wait3A_469 = arith.constant 0 : i32
        %dma_wait3A_470 = tpu.memref_slice %arg3[%dma_wait3A_469] : memref<640000xi32, #tpu.memory_space<hbm>> -> memref<64xi32, #tpu.memory_space<hbm>>
        %dma_wait3A_471 = arith.constant 0 : i32
        %dma_wait3A_472 = tpu.memref_slice %arg3[%dma_wait3A_471] : memref<640000xi32, #tpu.memory_space<hbm>> -> memref<64xi32, #tpu.memory_space<hbm>>
        tpu.wait_dma2 semaphore(%arg43 : memref<!tpu.dma_semaphore, #tpu.memory_space<semaphore_mem>>) src(%dma_wait3A_472 : memref<64xi32, #tpu.memory_space<hbm>>) dst(%arg13 : memref<64xi32, #tpu.memory_space<vmem>>)
        %dma_wait3A_473 = arith.constant 0 : i32
        %dma_wait3A_474 = tpu.memref_slice %arg3[%dma_wait3A_473] : memref<640000xi32, #tpu.memory_space<hbm>> -> memref<64xi32, #tpu.memory_space<hbm>>
        %dma_wait3A_475 = arith.constant 0 : i32
        %dma_wait3A_476 = tpu.memref_slice %arg3[%dma_wait3A_475] : memref<640000xi32, #tpu.memory_space<hbm>> -> memref<64xi32, #tpu.memory_space<hbm>>
        tpu.wait_dma2 semaphore(%arg43 : memref<!tpu.dma_semaphore, #tpu.memory_space<semaphore_mem>>) src(%dma_wait3A_476 : memref<64xi32, #tpu.memory_space<hbm>>) dst(%arg23 : memref<64xi32, #tpu.memory_space<vmem>>)
        %dma_start3A_477 = arith.constant 0 : i32
        %dma_start3A_478 = arith.constant 0 : i32
        %dma_start3A_479 = tpu.memref_slice %arg2[%dma_start3A_477, %dma_start3A_478] : memref<10000x128xf32, #tpu.memory_space<hbm>> -> memref<10000x128xf32, #tpu.memory_space<hbm>>
        tpu.enqueue_indirect_dma source(%dma_start3A_479 : memref<10000x128xf32, #tpu.memory_space<hbm>>) target(%arg8 : memref<64x128xf32, #tpu.memory_space<vmem>>) offsets(%arg13 : memref<64xi32, #tpu.memory_space<vmem>>) semaphore(%arg33 : memref<!tpu.dma_semaphore, #tpu.memory_space<semaphore_mem>>)
      } else {
      }
      %add3A_427 = arith.constant 2 : i32
      %add3A_428 = arith.addi %add3A_313, %add3A_427 : i32
      %dma_wait3A_429 = arith.constant 0 : i32
      %dma_wait3A_430 = arith.constant 0 : i32
      %dma_wait3A_431 = tpu.memref_slice %arg6[%dma_wait3A_429, %dma_wait3A_430] : memref<10240x128xf32, #tpu.memory_space<vmem_shared>> -> memref<64x128xf32, #tpu.memory_space<vmem_shared>>
      %dma_wait3A_432 = arith.constant 0 : i32
      %dma_wait3A_433 = arith.constant 0 : i32
      %dma_wait3A_434 = tpu.memref_slice %arg6[%dma_wait3A_432, %dma_wait3A_433] : memref<10240x128xf32, #tpu.memory_space<vmem_shared>> -> memref<64x128xf32, #tpu.memory_space<vmem_shared>>
      tpu.wait_dma2 semaphore(%arg39 : memref<!tpu.dma_semaphore, #tpu.memory_space<semaphore_mem>>) src(%arg9 : memref<64x128xf32, #tpu.memory_space<vmem>>) dst(%dma_wait3A_434 : memref<64x128xf32, #tpu.memory_space<vmem_shared>>)
      %add3A_435 = arith.constant 5 : i32
      %add3A_436 = arith.addi %add3A_428, %add3A_435 : i32
      %lt3A_437 = arith.cmpi slt, %add3A_436, %min3A_11 : i32
      %convert_element_type3A_438 = arith.extui %lt3A_437 : i1 to i32
      %cond3A_439 = arith.constant 0 : i32
      %cond3A_440 = arith.cmpi ne, %convert_element_type3A_438, %cond3A_439 : i32
      scf.if %cond3A_440 {
        %dma_wait3A_469 = arith.constant 0 : i32
        %dma_wait3A_470 = tpu.memref_slice %arg3[%dma_wait3A_469] : memref<640000xi32, #tpu.memory_space<hbm>> -> memref<64xi32, #tpu.memory_space<hbm>>
        %dma_wait3A_471 = arith.constant 0 : i32
        %dma_wait3A_472 = tpu.memref_slice %arg3[%dma_wait3A_471] : memref<640000xi32, #tpu.memory_space<hbm>> -> memref<64xi32, #tpu.memory_space<hbm>>
        tpu.wait_dma2 semaphore(%arg44 : memref<!tpu.dma_semaphore, #tpu.memory_space<semaphore_mem>>) src(%dma_wait3A_472 : memref<64xi32, #tpu.memory_space<hbm>>) dst(%arg14 : memref<64xi32, #tpu.memory_space<vmem>>)
        %dma_wait3A_473 = arith.constant 0 : i32
        %dma_wait3A_474 = tpu.memref_slice %arg3[%dma_wait3A_473] : memref<640000xi32, #tpu.memory_space<hbm>> -> memref<64xi32, #tpu.memory_space<hbm>>
        %dma_wait3A_475 = arith.constant 0 : i32
        %dma_wait3A_476 = tpu.memref_slice %arg3[%dma_wait3A_475] : memref<640000xi32, #tpu.memory_space<hbm>> -> memref<64xi32, #tpu.memory_space<hbm>>
        tpu.wait_dma2 semaphore(%arg44 : memref<!tpu.dma_semaphore, #tpu.memory_space<semaphore_mem>>) src(%dma_wait3A_476 : memref<64xi32, #tpu.memory_space<hbm>>) dst(%arg24 : memref<64xi32, #tpu.memory_space<vmem>>)
        %dma_start3A_477 = arith.constant 0 : i32
        %dma_start3A_478 = arith.constant 0 : i32
        %dma_start3A_479 = tpu.memref_slice %arg2[%dma_start3A_477, %dma_start3A_478] : memref<10000x128xf32, #tpu.memory_space<hbm>> -> memref<10000x128xf32, #tpu.memory_space<hbm>>
        tpu.enqueue_indirect_dma source(%dma_start3A_479 : memref<10000x128xf32, #tpu.memory_space<hbm>>) target(%arg9 : memref<64x128xf32, #tpu.memory_space<vmem>>) offsets(%arg14 : memref<64xi32, #tpu.memory_space<vmem>>) semaphore(%arg34 : memref<!tpu.dma_semaphore, #tpu.memory_space<semaphore_mem>>)
      } else {
      }
      %add3A_441 = arith.constant 3 : i32
      %add3A_442 = arith.addi %add3A_313, %add3A_441 : i32
      %dma_wait3A_443 = arith.constant 0 : i32
      %dma_wait3A_444 = arith.constant 0 : i32
      %dma_wait3A_445 = tpu.memref_slice %arg6[%dma_wait3A_443, %dma_wait3A_444] : memref<10240x128xf32, #tpu.memory_space<vmem_shared>> -> memref<64x128xf32, #tpu.memory_space<vmem_shared>>
      %dma_wait3A_446 = arith.constant 0 : i32
      %dma_wait3A_447 = arith.constant 0 : i32
      %dma_wait3A_448 = tpu.memref_slice %arg6[%dma_wait3A_446, %dma_wait3A_447] : memref<10240x128xf32, #tpu.memory_space<vmem_shared>> -> memref<64x128xf32, #tpu.memory_space<vmem_shared>>
      tpu.wait_dma2 semaphore(%arg40 : memref<!tpu.dma_semaphore, #tpu.memory_space<semaphore_mem>>) src(%arg10 : memref<64x128xf32, #tpu.memory_space<vmem>>) dst(%dma_wait3A_448 : memref<64x128xf32, #tpu.memory_space<vmem_shared>>)
      %add3A_449 = arith.constant 5 : i32
      %add3A_450 = arith.addi %add3A_442, %add3A_449 : i32
      %lt3A_451 = arith.cmpi slt, %add3A_450, %min3A_11 : i32
      %convert_element_type3A_452 = arith.extui %lt3A_451 : i1 to i32
      %cond3A_453 = arith.constant 0 : i32
      %cond3A_454 = arith.cmpi ne, %convert_element_type3A_452, %cond3A_453 : i32
      scf.if %cond3A_454 {
        %dma_wait3A_469 = arith.constant 0 : i32
        %dma_wait3A_470 = tpu.memref_slice %arg3[%dma_wait3A_469] : memref<640000xi32, #tpu.memory_space<hbm>> -> memref<64xi32, #tpu.memory_space<hbm>>
        %dma_wait3A_471 = arith.constant 0 : i32
        %dma_wait3A_472 = tpu.memref_slice %arg3[%dma_wait3A_471] : memref<640000xi32, #tpu.memory_space<hbm>> -> memref<64xi32, #tpu.memory_space<hbm>>
        tpu.wait_dma2 semaphore(%arg45 : memref<!tpu.dma_semaphore, #tpu.memory_space<semaphore_mem>>) src(%dma_wait3A_472 : memref<64xi32, #tpu.memory_space<hbm>>) dst(%arg15 : memref<64xi32, #tpu.memory_space<vmem>>)
        %dma_wait3A_473 = arith.constant 0 : i32
        %dma_wait3A_474 = tpu.memref_slice %arg3[%dma_wait3A_473] : memref<640000xi32, #tpu.memory_space<hbm>> -> memref<64xi32, #tpu.memory_space<hbm>>
        %dma_wait3A_475 = arith.constant 0 : i32
        %dma_wait3A_476 = tpu.memref_slice %arg3[%dma_wait3A_475] : memref<640000xi32, #tpu.memory_space<hbm>> -> memref<64xi32, #tpu.memory_space<hbm>>
        tpu.wait_dma2 semaphore(%arg45 : memref<!tpu.dma_semaphore, #tpu.memory_space<semaphore_mem>>) src(%dma_wait3A_476 : memref<64xi32, #tpu.memory_space<hbm>>) dst(%arg25 : memref<64xi32, #tpu.memory_space<vmem>>)
        %dma_start3A_477 = arith.constant 0 : i32
        %dma_start3A_478 = arith.constant 0 : i32
        %dma_start3A_479 = tpu.memref_slice %arg2[%dma_start3A_477, %dma_start3A_478] : memref<10000x128xf32, #tpu.memory_space<hbm>> -> memref<10000x128xf32, #tpu.memory_space<hbm>>
        tpu.enqueue_indirect_dma source(%dma_start3A_479 : memref<10000x128xf32, #tpu.memory_space<hbm>>) target(%arg10 : memref<64x128xf32, #tpu.memory_space<vmem>>) offsets(%arg15 : memref<64xi32, #tpu.memory_space<vmem>>) semaphore(%arg35 : memref<!tpu.dma_semaphore, #tpu.memory_space<semaphore_mem>>)
      } else {
      }
      %add3A_455 = arith.constant 4 : i32
      %add3A_456 = arith.addi %add3A_313, %add3A_455 : i32
      %dma_wait3A_457 = arith.constant 0 : i32
      %dma_wait3A_458 = arith.constant 0 : i32
      %dma_wait3A_459 = tpu.memref_slice %arg6[%dma_wait3A_457, %dma_wait3A_458] : memref<10240x128xf32, #tpu.memory_space<vmem_shared>> -> memref<64x128xf32, #tpu.memory_space<vmem_shared>>
      %dma_wait3A_460 = arith.constant 0 : i32
      %dma_wait3A_461 = arith.constant 0 : i32
      %dma_wait3A_462 = tpu.memref_slice %arg6[%dma_wait3A_460, %dma_wait3A_461] : memref<10240x128xf32, #tpu.memory_space<vmem_shared>> -> memref<64x128xf32, #tpu.memory_space<vmem_shared>>
      tpu.wait_dma2 semaphore(%arg41 : memref<!tpu.dma_semaphore, #tpu.memory_space<semaphore_mem>>) src(%arg11 : memref<64x128xf32, #tpu.memory_space<vmem>>) dst(%dma_wait3A_462 : memref<64x128xf32, #tpu.memory_space<vmem_shared>>)
      %add3A_463 = arith.constant 5 : i32
      %add3A_464 = arith.addi %add3A_456, %add3A_463 : i32
      %lt3A_465 = arith.cmpi slt, %add3A_464, %min3A_11 : i32
      %convert_element_type3A_466 = arith.extui %lt3A_465 : i1 to i32
      %cond3A_467 = arith.constant 0 : i32
      %cond3A_468 = arith.cmpi ne, %convert_element_type3A_466, %cond3A_467 : i32
      scf.if %cond3A_468 {
        %dma_wait3A_469 = arith.constant 0 : i32
        %dma_wait3A_470 = tpu.memref_slice %arg3[%dma_wait3A_469] : memref<640000xi32, #tpu.memory_space<hbm>> -> memref<64xi32, #tpu.memory_space<hbm>>
        %dma_wait3A_471 = arith.constant 0 : i32
        %dma_wait3A_472 = tpu.memref_slice %arg3[%dma_wait3A_471] : memref<640000xi32, #tpu.memory_space<hbm>> -> memref<64xi32, #tpu.memory_space<hbm>>
        tpu.wait_dma2 semaphore(%arg46 : memref<!tpu.dma_semaphore, #tpu.memory_space<semaphore_mem>>) src(%dma_wait3A_472 : memref<64xi32, #tpu.memory_space<hbm>>) dst(%arg16 : memref<64xi32, #tpu.memory_space<vmem>>)
        %dma_wait3A_473 = arith.constant 0 : i32
        %dma_wait3A_474 = tpu.memref_slice %arg3[%dma_wait3A_473] : memref<640000xi32, #tpu.memory_space<hbm>> -> memref<64xi32, #tpu.memory_space<hbm>>
        %dma_wait3A_475 = arith.constant 0 : i32
        %dma_wait3A_476 = tpu.memref_slice %arg3[%dma_wait3A_475] : memref<640000xi32, #tpu.memory_space<hbm>> -> memref<64xi32, #tpu.memory_space<hbm>>
        tpu.wait_dma2 semaphore(%arg46 : memref<!tpu.dma_semaphore, #tpu.memory_space<semaphore_mem>>) src(%dma_wait3A_476 : memref<64xi32, #tpu.memory_space<hbm>>) dst(%arg26 : memref<64xi32, #tpu.memory_space<vmem>>)
        %dma_start3A_477 = arith.constant 0 : i32
        %dma_start3A_478 = arith.constant 0 : i32
        %dma_start3A_479 = tpu.memref_slice %arg2[%dma_start3A_477, %dma_start3A_478] : memref<10000x128xf32, #tpu.memory_space<hbm>> -> memref<10000x128xf32, #tpu.memory_space<hbm>>
        tpu.enqueue_indirect_dma source(%dma_start3A_479 : memref<10000x128xf32, #tpu.memory_space<hbm>>) target(%arg11 : memref<64x128xf32, #tpu.memory_space<vmem>>) offsets(%arg16 : memref<64xi32, #tpu.memory_space<vmem>>) semaphore(%arg36 : memref<!tpu.dma_semaphore, #tpu.memory_space<semaphore_mem>>)
      } else {
      }
    }
    %while3A_150 = arith.constant 1 : i32
    scf.for %while3A_155 = %while3A_148 to %while3A_144 step %while3A_150  : i32 {
      %mul3A_156 = arith.constant 2 : i32
      %mul3A_157 = arith.muli %while3A_155, %mul3A_156 : i32
      %mul3A_158 = arith.constant 5 : i32
      %mul3A_159 = arith.muli %mul3A_157, %mul3A_158 : i32
      %add3A_160 = arith.constant 0 : i32
      %add3A_161 = arith.addi %mul3A_159, %add3A_160 : i32
      %dma_wait3A_162 = arith.constant 0 : i32
      %dma_wait3A_163 = arith.constant 0 : i32
      %dma_wait3A_164 = tpu.memref_slice %arg2[%dma_wait3A_162, %dma_wait3A_163] : memref<10000x128xf32, #tpu.memory_space<hbm>> -> memref<64x128xf32, #tpu.memory_space<hbm>>
      %dma_wait3A_165 = arith.constant 0 : i32
      %dma_wait3A_166 = arith.constant 0 : i32
      %dma_wait3A_167 = tpu.memref_slice %arg2[%dma_wait3A_165, %dma_wait3A_166] : memref<10000x128xf32, #tpu.memory_space<hbm>> -> memref<64x128xf32, #tpu.memory_space<hbm>>
      tpu.wait_dma2 semaphore(%arg32 : memref<!tpu.dma_semaphore, #tpu.memory_space<semaphore_mem>>) src(%dma_wait3A_167 : memref<64x128xf32, #tpu.memory_space<hbm>>) dst(%arg7 : memref<64x128xf32, #tpu.memory_space<vmem>>)
      %dma_start3A_168 = arith.constant 0 : i32
      %dma_start3A_169 = arith.constant 0 : i32
      %dma_start3A_170 = tpu.memref_slice %arg6[%dma_start3A_168, %dma_start3A_169] : memref<10240x128xf32, #tpu.memory_space<vmem_shared>> -> memref<10240x128xf32, #tpu.memory_space<vmem_shared>>
      tpu.enqueue_indirect_dma source(%arg7 : memref<64x128xf32, #tpu.memory_space<vmem>>) target(%dma_start3A_170 : memref<10240x128xf32, #tpu.memory_space<vmem_shared>>) offsets(%arg22 : memref<64xi32, #tpu.memory_space<vmem>>) semaphore(%arg37 : memref<!tpu.dma_semaphore, #tpu.memory_space<semaphore_mem>>) {add = true}
      %add3A_171 = arith.constant 5 : i32
      %add3A_172 = arith.addi %add3A_161, %add3A_171 : i32
      %lt3A = arith.cmpi slt, %add3A_172, %min3A_11 : i32
      %convert_element_type3A = arith.extui %lt3A : i1 to i32
      %cond3A = arith.constant 0 : i32
      %cond3A_173 = arith.cmpi ne, %convert_element_type3A, %cond3A : i32
      scf.if %cond3A_173 {
        %add3A_469 = arith.constant 5 : i32
        %add3A_470 = arith.addi %add3A_161, %add3A_469 : i32
        %mul3A_471 = arith.constant 64 : i32
        %mul3A_472 = arith.muli %add3A_470, %mul3A_471 : i32
        %add3A_473 = arith.addi %mul3A_6, %mul3A_472 : i32
        %dma_start3A_474 = tpu.memref_slice %arg3[%add3A_473] : memref<640000xi32, #tpu.memory_space<hbm>> -> memref<64xi32, #tpu.memory_space<hbm>>
        %dma_start3A_475 = tpu.memref_slice %arg3[%add3A_473] : memref<640000xi32, #tpu.memory_space<hbm>> -> memref<64xi32, #tpu.memory_space<hbm>>
        tpu.enqueue_dma source(%dma_start3A_475 : memref<64xi32, #tpu.memory_space<hbm>>) target(%arg17 : memref<64xi32, #tpu.memory_space<vmem>>) target_semaphore(%arg47 : memref<!tpu.dma_semaphore, #tpu.memory_space<semaphore_mem>>)
        %add3A_476 = arith.constant 320000 : i32
        %add3A_477 = arith.addi %add3A_476, %add3A_473 : i32
        %dma_start3A_478 = tpu.memref_slice %arg3[%add3A_477] : memref<640000xi32, #tpu.memory_space<hbm>> -> memref<64xi32, #tpu.memory_space<hbm>>
        %dma_start3A_479 = tpu.memref_slice %arg3[%add3A_477] : memref<640000xi32, #tpu.memory_space<hbm>> -> memref<64xi32, #tpu.memory_space<hbm>>
        tpu.enqueue_dma source(%dma_start3A_479 : memref<64xi32, #tpu.memory_space<hbm>>) target(%arg27 : memref<64xi32, #tpu.memory_space<vmem>>) target_semaphore(%arg47 : memref<!tpu.dma_semaphore, #tpu.memory_space<semaphore_mem>>)
      } else {
      }
      %add3A_174 = arith.constant 1 : i32
      %add3A_175 = arith.addi %mul3A_159, %add3A_174 : i32
      %dma_wait3A_176 = arith.constant 0 : i32
      %dma_wait3A_177 = arith.constant 0 : i32
      %dma_wait3A_178 = tpu.memref_slice %arg2[%dma_wait3A_176, %dma_wait3A_177] : memref<10000x128xf32, #tpu.memory_space<hbm>> -> memref<64x128xf32, #tpu.memory_space<hbm>>
      %dma_wait3A_179 = arith.constant 0 : i32
      %dma_wait3A_180 = arith.constant 0 : i32
      %dma_wait3A_181 = tpu.memref_slice %arg2[%dma_wait3A_179, %dma_wait3A_180] : memref<10000x128xf32, #tpu.memory_space<hbm>> -> memref<64x128xf32, #tpu.memory_space<hbm>>
      tpu.wait_dma2 semaphore(%arg33 : memref<!tpu.dma_semaphore, #tpu.memory_space<semaphore_mem>>) src(%dma_wait3A_181 : memref<64x128xf32, #tpu.memory_space<hbm>>) dst(%arg8 : memref<64x128xf32, #tpu.memory_space<vmem>>)
      %dma_start3A_182 = arith.constant 0 : i32
      %dma_start3A_183 = arith.constant 0 : i32
      %dma_start3A_184 = tpu.memref_slice %arg6[%dma_start3A_182, %dma_start3A_183] : memref<10240x128xf32, #tpu.memory_space<vmem_shared>> -> memref<10240x128xf32, #tpu.memory_space<vmem_shared>>
      tpu.enqueue_indirect_dma source(%arg8 : memref<64x128xf32, #tpu.memory_space<vmem>>) target(%dma_start3A_184 : memref<10240x128xf32, #tpu.memory_space<vmem_shared>>) offsets(%arg23 : memref<64xi32, #tpu.memory_space<vmem>>) semaphore(%arg38 : memref<!tpu.dma_semaphore, #tpu.memory_space<semaphore_mem>>) {add = true}
      %add3A_185 = arith.constant 5 : i32
      %add3A_186 = arith.addi %add3A_175, %add3A_185 : i32
      %lt3A_187 = arith.cmpi slt, %add3A_186, %min3A_11 : i32
      %convert_element_type3A_188 = arith.extui %lt3A_187 : i1 to i32
      %cond3A_189 = arith.constant 0 : i32
      %cond3A_190 = arith.cmpi ne, %convert_element_type3A_188, %cond3A_189 : i32
      scf.if %cond3A_190 {
        %add3A_469 = arith.constant 5 : i32
        %add3A_470 = arith.addi %add3A_175, %add3A_469 : i32
        %mul3A_471 = arith.constant 64 : i32
        %mul3A_472 = arith.muli %add3A_470, %mul3A_471 : i32
        %add3A_473 = arith.addi %mul3A_6, %mul3A_472 : i32
        %dma_start3A_474 = tpu.memref_slice %arg3[%add3A_473] : memref<640000xi32, #tpu.memory_space<hbm>> -> memref<64xi32, #tpu.memory_space<hbm>>
        %dma_start3A_475 = tpu.memref_slice %arg3[%add3A_473] : memref<640000xi32, #tpu.memory_space<hbm>> -> memref<64xi32, #tpu.memory_space<hbm>>
        tpu.enqueue_dma source(%dma_start3A_475 : memref<64xi32, #tpu.memory_space<hbm>>) target(%arg18 : memref<64xi32, #tpu.memory_space<vmem>>) target_semaphore(%arg48 : memref<!tpu.dma_semaphore, #tpu.memory_space<semaphore_mem>>)
        %add3A_476 = arith.constant 320000 : i32
        %add3A_477 = arith.addi %add3A_476, %add3A_473 : i32
        %dma_start3A_478 = tpu.memref_slice %arg3[%add3A_477] : memref<640000xi32, #tpu.memory_space<hbm>> -> memref<64xi32, #tpu.memory_space<hbm>>
        %dma_start3A_479 = tpu.memref_slice %arg3[%add3A_477] : memref<640000xi32, #tpu.memory_space<hbm>> -> memref<64xi32, #tpu.memory_space<hbm>>
        tpu.enqueue_dma source(%dma_start3A_479 : memref<64xi32, #tpu.memory_space<hbm>>) target(%arg28 : memref<64xi32, #tpu.memory_space<vmem>>) target_semaphore(%arg48 : memref<!tpu.dma_semaphore, #tpu.memory_space<semaphore_mem>>)
      } else {
      }
      %add3A_191 = arith.constant 2 : i32
      %add3A_192 = arith.addi %mul3A_159, %add3A_191 : i32
      %dma_wait3A_193 = arith.constant 0 : i32
      %dma_wait3A_194 = arith.constant 0 : i32
      %dma_wait3A_195 = tpu.memref_slice %arg2[%dma_wait3A_193, %dma_wait3A_194] : memref<10000x128xf32, #tpu.memory_space<hbm>> -> memref<64x128xf32, #tpu.memory_space<hbm>>
      %dma_wait3A_196 = arith.constant 0 : i32
      %dma_wait3A_197 = arith.constant 0 : i32
      %dma_wait3A_198 = tpu.memref_slice %arg2[%dma_wait3A_196, %dma_wait3A_197] : memref<10000x128xf32, #tpu.memory_space<hbm>> -> memref<64x128xf32, #tpu.memory_space<hbm>>
      tpu.wait_dma2 semaphore(%arg34 : memref<!tpu.dma_semaphore, #tpu.memory_space<semaphore_mem>>) src(%dma_wait3A_198 : memref<64x128xf32, #tpu.memory_space<hbm>>) dst(%arg9 : memref<64x128xf32, #tpu.memory_space<vmem>>)
      %dma_start3A_199 = arith.constant 0 : i32
      %dma_start3A_200 = arith.constant 0 : i32
      %dma_start3A_201 = tpu.memref_slice %arg6[%dma_start3A_199, %dma_start3A_200] : memref<10240x128xf32, #tpu.memory_space<vmem_shared>> -> memref<10240x128xf32, #tpu.memory_space<vmem_shared>>
      tpu.enqueue_indirect_dma source(%arg9 : memref<64x128xf32, #tpu.memory_space<vmem>>) target(%dma_start3A_201 : memref<10240x128xf32, #tpu.memory_space<vmem_shared>>) offsets(%arg24 : memref<64xi32, #tpu.memory_space<vmem>>) semaphore(%arg39 : memref<!tpu.dma_semaphore, #tpu.memory_space<semaphore_mem>>) {add = true}
      %add3A_202 = arith.constant 5 : i32
      %add3A_203 = arith.addi %add3A_192, %add3A_202 : i32
      %lt3A_204 = arith.cmpi slt, %add3A_203, %min3A_11 : i32
      %convert_element_type3A_205 = arith.extui %lt3A_204 : i1 to i32
      %cond3A_206 = arith.constant 0 : i32
      %cond3A_207 = arith.cmpi ne, %convert_element_type3A_205, %cond3A_206 : i32
      scf.if %cond3A_207 {
        %add3A_469 = arith.constant 5 : i32
        %add3A_470 = arith.addi %add3A_192, %add3A_469 : i32
        %mul3A_471 = arith.constant 64 : i32
        %mul3A_472 = arith.muli %add3A_470, %mul3A_471 : i32
        %add3A_473 = arith.addi %mul3A_6, %mul3A_472 : i32
        %dma_start3A_474 = tpu.memref_slice %arg3[%add3A_473] : memref<640000xi32, #tpu.memory_space<hbm>> -> memref<64xi32, #tpu.memory_space<hbm>>
        %dma_start3A_475 = tpu.memref_slice %arg3[%add3A_473] : memref<640000xi32, #tpu.memory_space<hbm>> -> memref<64xi32, #tpu.memory_space<hbm>>
        tpu.enqueue_dma source(%dma_start3A_475 : memref<64xi32, #tpu.memory_space<hbm>>) target(%arg19 : memref<64xi32, #tpu.memory_space<vmem>>) target_semaphore(%arg49 : memref<!tpu.dma_semaphore, #tpu.memory_space<semaphore_mem>>)
        %add3A_476 = arith.constant 320000 : i32
        %add3A_477 = arith.addi %add3A_476, %add3A_473 : i32
        %dma_start3A_478 = tpu.memref_slice %arg3[%add3A_477] : memref<640000xi32, #tpu.memory_space<hbm>> -> memref<64xi32, #tpu.memory_space<hbm>>
        %dma_start3A_479 = tpu.memref_slice %arg3[%add3A_477] : memref<640000xi32, #tpu.memory_space<hbm>> -> memref<64xi32, #tpu.memory_space<hbm>>
        tpu.enqueue_dma source(%dma_start3A_479 : memref<64xi32, #tpu.memory_space<hbm>>) target(%arg29 : memref<64xi32, #tpu.memory_space<vmem>>) target_semaphore(%arg49 : memref<!tpu.dma_semaphore, #tpu.memory_space<semaphore_mem>>)
      } else {
      }
      %add3A_208 = arith.constant 3 : i32
      %add3A_209 = arith.addi %mul3A_159, %add3A_208 : i32
      %dma_wait3A_210 = arith.constant 0 : i32
      %dma_wait3A_211 = arith.constant 0 : i32
      %dma_wait3A_212 = tpu.memref_slice %arg2[%dma_wait3A_210, %dma_wait3A_211] : memref<10000x128xf32, #tpu.memory_space<hbm>> -> memref<64x128xf32, #tpu.memory_space<hbm>>
      %dma_wait3A_213 = arith.constant 0 : i32
      %dma_wait3A_214 = arith.constant 0 : i32
      %dma_wait3A_215 = tpu.memref_slice %arg2[%dma_wait3A_213, %dma_wait3A_214] : memref<10000x128xf32, #tpu.memory_space<hbm>> -> memref<64x128xf32, #tpu.memory_space<hbm>>
      tpu.wait_dma2 semaphore(%arg35 : memref<!tpu.dma_semaphore, #tpu.memory_space<semaphore_mem>>) src(%dma_wait3A_215 : memref<64x128xf32, #tpu.memory_space<hbm>>) dst(%arg10 : memref<64x128xf32, #tpu.memory_space<vmem>>)
      %dma_start3A_216 = arith.constant 0 : i32
      %dma_start3A_217 = arith.constant 0 : i32
      %dma_start3A_218 = tpu.memref_slice %arg6[%dma_start3A_216, %dma_start3A_217] : memref<10240x128xf32, #tpu.memory_space<vmem_shared>> -> memref<10240x128xf32, #tpu.memory_space<vmem_shared>>
      tpu.enqueue_indirect_dma source(%arg10 : memref<64x128xf32, #tpu.memory_space<vmem>>) target(%dma_start3A_218 : memref<10240x128xf32, #tpu.memory_space<vmem_shared>>) offsets(%arg25 : memref<64xi32, #tpu.memory_space<vmem>>) semaphore(%arg40 : memref<!tpu.dma_semaphore, #tpu.memory_space<semaphore_mem>>) {add = true}
      %add3A_219 = arith.constant 5 : i32
      %add3A_220 = arith.addi %add3A_209, %add3A_219 : i32
      %lt3A_221 = arith.cmpi slt, %add3A_220, %min3A_11 : i32
      %convert_element_type3A_222 = arith.extui %lt3A_221 : i1 to i32
      %cond3A_223 = arith.constant 0 : i32
      %cond3A_224 = arith.cmpi ne, %convert_element_type3A_222, %cond3A_223 : i32
      scf.if %cond3A_224 {
        %add3A_469 = arith.constant 5 : i32
        %add3A_470 = arith.addi %add3A_209, %add3A_469 : i32
        %mul3A_471 = arith.constant 64 : i32
        %mul3A_472 = arith.muli %add3A_470, %mul3A_471 : i32
        %add3A_473 = arith.addi %mul3A_6, %mul3A_472 : i32
        %dma_start3A_474 = tpu.memref_slice %arg3[%add3A_473] : memref<640000xi32, #tpu.memory_space<hbm>> -> memref<64xi32, #tpu.memory_space<hbm>>
        %dma_start3A_475 = tpu.memref_slice %arg3[%add3A_473] : memref<640000xi32, #tpu.memory_space<hbm>> -> memref<64xi32, #tpu.memory_space<hbm>>
        tpu.enqueue_dma source(%dma_start3A_475 : memref<64xi32, #tpu.memory_space<hbm>>) target(%arg20 : memref<64xi32, #tpu.memory_space<vmem>>) target_semaphore(%arg50 : memref<!tpu.dma_semaphore, #tpu.memory_space<semaphore_mem>>)
        %add3A_476 = arith.constant 320000 : i32
        %add3A_477 = arith.addi %add3A_476, %add3A_473 : i32
        %dma_start3A_478 = tpu.memref_slice %arg3[%add3A_477] : memref<640000xi32, #tpu.memory_space<hbm>> -> memref<64xi32, #tpu.memory_space<hbm>>
        %dma_start3A_479 = tpu.memref_slice %arg3[%add3A_477] : memref<640000xi32, #tpu.memory_space<hbm>> -> memref<64xi32, #tpu.memory_space<hbm>>
        tpu.enqueue_dma source(%dma_start3A_479 : memref<64xi32, #tpu.memory_space<hbm>>) target(%arg30 : memref<64xi32, #tpu.memory_space<vmem>>) target_semaphore(%arg50 : memref<!tpu.dma_semaphore, #tpu.memory_space<semaphore_mem>>)
      } else {
      }
      %add3A_225 = arith.constant 4 : i32
      %add3A_226 = arith.addi %mul3A_159, %add3A_225 : i32
      %dma_wait3A_227 = arith.constant 0 : i32
      %dma_wait3A_228 = arith.constant 0 : i32
      %dma_wait3A_229 = tpu.memref_slice %arg2[%dma_wait3A_227, %dma_wait3A_228] : memref<10000x128xf32, #tpu.memory_space<hbm>> -> memref<64x128xf32, #tpu.memory_space<hbm>>
      %dma_wait3A_230 = arith.constant 0 : i32
      %dma_wait3A_231 = arith.constant 0 : i32
      %dma_wait3A_232 = tpu.memref_slice %arg2[%dma_wait3A_230, %dma_wait3A_231] : memref<10000x128xf32, #tpu.memory_space<hbm>> -> memref<64x128xf32, #tpu.memory_space<hbm>>
      tpu.wait_dma2 semaphore(%arg36 : memref<!tpu.dma_semaphore, #tpu.memory_space<semaphore_mem>>) src(%dma_wait3A_232 : memref<64x128xf32, #tpu.memory_space<hbm>>) dst(%arg11 : memref<64x128xf32, #tpu.memory_space<vmem>>)
      %dma_start3A_233 = arith.constant 0 : i32
      %dma_start3A_234 = arith.constant 0 : i32
      %dma_start3A_235 = tpu.memref_slice %arg6[%dma_start3A_233, %dma_start3A_234] : memref<10240x128xf32, #tpu.memory_space<vmem_shared>> -> memref<10240x128xf32, #tpu.memory_space<vmem_shared>>
      tpu.enqueue_indirect_dma source(%arg11 : memref<64x128xf32, #tpu.memory_space<vmem>>) target(%dma_start3A_235 : memref<10240x128xf32, #tpu.memory_space<vmem_shared>>) offsets(%arg26 : memref<64xi32, #tpu.memory_space<vmem>>) semaphore(%arg41 : memref<!tpu.dma_semaphore, #tpu.memory_space<semaphore_mem>>) {add = true}
      %add3A_236 = arith.constant 5 : i32
      %add3A_237 = arith.addi %add3A_226, %add3A_236 : i32
      %lt3A_238 = arith.cmpi slt, %add3A_237, %min3A_11 : i32
      %convert_element_type3A_239 = arith.extui %lt3A_238 : i1 to i32
      %cond3A_240 = arith.constant 0 : i32
      %cond3A_241 = arith.cmpi ne, %convert_element_type3A_239, %cond3A_240 : i32
      scf.if %cond3A_241 {
        %add3A_469 = arith.constant 5 : i32
        %add3A_470 = arith.addi %add3A_226, %add3A_469 : i32
        %mul3A_471 = arith.constant 64 : i32
        %mul3A_472 = arith.muli %add3A_470, %mul3A_471 : i32
        %add3A_473 = arith.addi %mul3A_6, %mul3A_472 : i32
        %dma_start3A_474 = tpu.memref_slice %arg3[%add3A_473] : memref<640000xi32, #tpu.memory_space<hbm>> -> memref<64xi32, #tpu.memory_space<hbm>>
        %dma_start3A_475 = tpu.memref_slice %arg3[%add3A_473] : memref<640000xi32, #tpu.memory_space<hbm>> -> memref<64xi32, #tpu.memory_space<hbm>>
        tpu.enqueue_dma source(%dma_start3A_475 : memref<64xi32, #tpu.memory_space<hbm>>) target(%arg21 : memref<64xi32, #tpu.memory_space<vmem>>) target_semaphore(%arg51 : memref<!tpu.dma_semaphore, #tpu.memory_space<semaphore_mem>>)
        %add3A_476 = arith.constant 320000 : i32
        %add3A_477 = arith.addi %add3A_476, %add3A_473 : i32
        %dma_start3A_478 = tpu.memref_slice %arg3[%add3A_477] : memref<640000xi32, #tpu.memory_space<hbm>> -> memref<64xi32, #tpu.memory_space<hbm>>
        %dma_start3A_479 = tpu.memref_slice %arg3[%add3A_477] : memref<640000xi32, #tpu.memory_space<hbm>> -> memref<64xi32, #tpu.memory_space<hbm>>
        tpu.enqueue_dma source(%dma_start3A_479 : memref<64xi32, #tpu.memory_space<hbm>>) target(%arg31 : memref<64xi32, #tpu.memory_space<vmem>>) target_semaphore(%arg51 : memref<!tpu.dma_semaphore, #tpu.memory_space<semaphore_mem>>)
      } else {
      }
      %add3A_242 = arith.constant 0 : i32
      %add3A_243 = arith.addi %mul3A_159, %add3A_242 : i32
      %dma_wait3A_244 = arith.constant 0 : i32
      %dma_wait3A_245 = arith.constant 0 : i32
      %dma_wait3A_246 = tpu.memref_slice %arg6[%dma_wait3A_244, %dma_wait3A_245] : memref<10240x128xf32, #tpu.memory_space<vmem_shared>> -> memref<64x128xf32, #tpu.memory_space<vmem_shared>>
      %dma_wait3A_247 = arith.constant 0 : i32
      %dma_wait3A_248 = arith.constant 0 : i32
      %dma_wait3A_249 = tpu.memref_slice %arg6[%dma_wait3A_247, %dma_wait3A_248] : memref<10240x128xf32, #tpu.memory_space<vmem_shared>> -> memref<64x128xf32, #tpu.memory_space<vmem_shared>>
      tpu.wait_dma2 semaphore(%arg37 : memref<!tpu.dma_semaphore, #tpu.memory_space<semaphore_mem>>) src(%arg7 : memref<64x128xf32, #tpu.memory_space<vmem>>) dst(%dma_wait3A_249 : memref<64x128xf32, #tpu.memory_space<vmem_shared>>)
      %add3A_250 = arith.constant 5 : i32
      %add3A_251 = arith.addi %add3A_243, %add3A_250 : i32
      %lt3A_252 = arith.cmpi slt, %add3A_251, %min3A_11 : i32
      %convert_element_type3A_253 = arith.extui %lt3A_252 : i1 to i32
      %cond3A_254 = arith.constant 0 : i32
      %cond3A_255 = arith.cmpi ne, %convert_element_type3A_253, %cond3A_254 : i32
      scf.if %cond3A_255 {
        %dma_wait3A_469 = arith.constant 0 : i32
        %dma_wait3A_470 = tpu.memref_slice %arg3[%dma_wait3A_469] : memref<640000xi32, #tpu.memory_space<hbm>> -> memref<64xi32, #tpu.memory_space<hbm>>
        %dma_wait3A_471 = arith.constant 0 : i32
        %dma_wait3A_472 = tpu.memref_slice %arg3[%dma_wait3A_471] : memref<640000xi32, #tpu.memory_space<hbm>> -> memref<64xi32, #tpu.memory_space<hbm>>
        tpu.wait_dma2 semaphore(%arg47 : memref<!tpu.dma_semaphore, #tpu.memory_space<semaphore_mem>>) src(%dma_wait3A_472 : memref<64xi32, #tpu.memory_space<hbm>>) dst(%arg17 : memref<64xi32, #tpu.memory_space<vmem>>)
        %dma_wait3A_473 = arith.constant 0 : i32
        %dma_wait3A_474 = tpu.memref_slice %arg3[%dma_wait3A_473] : memref<640000xi32, #tpu.memory_space<hbm>> -> memref<64xi32, #tpu.memory_space<hbm>>
        %dma_wait3A_475 = arith.constant 0 : i32
        %dma_wait3A_476 = tpu.memref_slice %arg3[%dma_wait3A_475] : memref<640000xi32, #tpu.memory_space<hbm>> -> memref<64xi32, #tpu.memory_space<hbm>>
        tpu.wait_dma2 semaphore(%arg47 : memref<!tpu.dma_semaphore, #tpu.memory_space<semaphore_mem>>) src(%dma_wait3A_476 : memref<64xi32, #tpu.memory_space<hbm>>) dst(%arg27 : memref<64xi32, #tpu.memory_space<vmem>>)
        %dma_start3A_477 = arith.constant 0 : i32
        %dma_start3A_478 = arith.constant 0 : i32
        %dma_start3A_479 = tpu.memref_slice %arg2[%dma_start3A_477, %dma_start3A_478] : memref<10000x128xf32, #tpu.memory_space<hbm>> -> memref<10000x128xf32, #tpu.memory_space<hbm>>
        tpu.enqueue_indirect_dma source(%dma_start3A_479 : memref<10000x128xf32, #tpu.memory_space<hbm>>) target(%arg7 : memref<64x128xf32, #tpu.memory_space<vmem>>) offsets(%arg17 : memref<64xi32, #tpu.memory_space<vmem>>) semaphore(%arg32 : memref<!tpu.dma_semaphore, #tpu.memory_space<semaphore_mem>>)
      } else {
      }
      %add3A_256 = arith.constant 1 : i32
      %add3A_257 = arith.addi %mul3A_159, %add3A_256 : i32
      %dma_wait3A_258 = arith.constant 0 : i32
      %dma_wait3A_259 = arith.constant 0 : i32
      %dma_wait3A_260 = tpu.memref_slice %arg6[%dma_wait3A_258, %dma_wait3A_259] : memref<10240x128xf32, #tpu.memory_space<vmem_shared>> -> memref<64x128xf32, #tpu.memory_space<vmem_shared>>
      %dma_wait3A_261 = arith.constant 0 : i32
      %dma_wait3A_262 = arith.constant 0 : i32
      %dma_wait3A_263 = tpu.memref_slice %arg6[%dma_wait3A_261, %dma_wait3A_262] : memref<10240x128xf32, #tpu.memory_space<vmem_shared>> -> memref<64x128xf32, #tpu.memory_space<vmem_shared>>
      tpu.wait_dma2 semaphore(%arg38 : memref<!tpu.dma_semaphore, #tpu.memory_space<semaphore_mem>>) src(%arg8 : memref<64x128xf32, #tpu.memory_space<vmem>>) dst(%dma_wait3A_263 : memref<64x128xf32, #tpu.memory_space<vmem_shared>>)
      %add3A_264 = arith.constant 5 : i32
      %add3A_265 = arith.addi %add3A_257, %add3A_264 : i32
      %lt3A_266 = arith.cmpi slt, %add3A_265, %min3A_11 : i32
      %convert_element_type3A_267 = arith.extui %lt3A_266 : i1 to i32
      %cond3A_268 = arith.constant 0 : i32
      %cond3A_269 = arith.cmpi ne, %convert_element_type3A_267, %cond3A_268 : i32
      scf.if %cond3A_269 {
        %dma_wait3A_469 = arith.constant 0 : i32
        %dma_wait3A_470 = tpu.memref_slice %arg3[%dma_wait3A_469] : memref<640000xi32, #tpu.memory_space<hbm>> -> memref<64xi32, #tpu.memory_space<hbm>>
        %dma_wait3A_471 = arith.constant 0 : i32
        %dma_wait3A_472 = tpu.memref_slice %arg3[%dma_wait3A_471] : memref<640000xi32, #tpu.memory_space<hbm>> -> memref<64xi32, #tpu.memory_space<hbm>>
        tpu.wait_dma2 semaphore(%arg48 : memref<!tpu.dma_semaphore, #tpu.memory_space<semaphore_mem>>) src(%dma_wait3A_472 : memref<64xi32, #tpu.memory_space<hbm>>) dst(%arg18 : memref<64xi32, #tpu.memory_space<vmem>>)
        %dma_wait3A_473 = arith.constant 0 : i32
        %dma_wait3A_474 = tpu.memref_slice %arg3[%dma_wait3A_473] : memref<640000xi32, #tpu.memory_space<hbm>> -> memref<64xi32, #tpu.memory_space<hbm>>
        %dma_wait3A_475 = arith.constant 0 : i32
        %dma_wait3A_476 = tpu.memref_slice %arg3[%dma_wait3A_475] : memref<640000xi32, #tpu.memory_space<hbm>> -> memref<64xi32, #tpu.memory_space<hbm>>
        tpu.wait_dma2 semaphore(%arg48 : memref<!tpu.dma_semaphore, #tpu.memory_space<semaphore_mem>>) src(%dma_wait3A_476 : memref<64xi32, #tpu.memory_space<hbm>>) dst(%arg28 : memref<64xi32, #tpu.memory_space<vmem>>)
        %dma_start3A_477 = arith.constant 0 : i32
        %dma_start3A_478 = arith.constant 0 : i32
        %dma_start3A_479 = tpu.memref_slice %arg2[%dma_start3A_477, %dma_start3A_478] : memref<10000x128xf32, #tpu.memory_space<hbm>> -> memref<10000x128xf32, #tpu.memory_space<hbm>>
        tpu.enqueue_indirect_dma source(%dma_start3A_479 : memref<10000x128xf32, #tpu.memory_space<hbm>>) target(%arg8 : memref<64x128xf32, #tpu.memory_space<vmem>>) offsets(%arg18 : memref<64xi32, #tpu.memory_space<vmem>>) semaphore(%arg33 : memref<!tpu.dma_semaphore, #tpu.memory_space<semaphore_mem>>)
      } else {
      }
      %add3A_270 = arith.constant 2 : i32
      %add3A_271 = arith.addi %mul3A_159, %add3A_270 : i32
      %dma_wait3A_272 = arith.constant 0 : i32
      %dma_wait3A_273 = arith.constant 0 : i32
      %dma_wait3A_274 = tpu.memref_slice %arg6[%dma_wait3A_272, %dma_wait3A_273] : memref<10240x128xf32, #tpu.memory_space<vmem_shared>> -> memref<64x128xf32, #tpu.memory_space<vmem_shared>>
      %dma_wait3A_275 = arith.constant 0 : i32
      %dma_wait3A_276 = arith.constant 0 : i32
      %dma_wait3A_277 = tpu.memref_slice %arg6[%dma_wait3A_275, %dma_wait3A_276] : memref<10240x128xf32, #tpu.memory_space<vmem_shared>> -> memref<64x128xf32, #tpu.memory_space<vmem_shared>>
      tpu.wait_dma2 semaphore(%arg39 : memref<!tpu.dma_semaphore, #tpu.memory_space<semaphore_mem>>) src(%arg9 : memref<64x128xf32, #tpu.memory_space<vmem>>) dst(%dma_wait3A_277 : memref<64x128xf32, #tpu.memory_space<vmem_shared>>)
      %add3A_278 = arith.constant 5 : i32
      %add3A_279 = arith.addi %add3A_271, %add3A_278 : i32
      %lt3A_280 = arith.cmpi slt, %add3A_279, %min3A_11 : i32
      %convert_element_type3A_281 = arith.extui %lt3A_280 : i1 to i32
      %cond3A_282 = arith.constant 0 : i32
      %cond3A_283 = arith.cmpi ne, %convert_element_type3A_281, %cond3A_282 : i32
      scf.if %cond3A_283 {
        %dma_wait3A_469 = arith.constant 0 : i32
        %dma_wait3A_470 = tpu.memref_slice %arg3[%dma_wait3A_469] : memref<640000xi32, #tpu.memory_space<hbm>> -> memref<64xi32, #tpu.memory_space<hbm>>
        %dma_wait3A_471 = arith.constant 0 : i32
        %dma_wait3A_472 = tpu.memref_slice %arg3[%dma_wait3A_471] : memref<640000xi32, #tpu.memory_space<hbm>> -> memref<64xi32, #tpu.memory_space<hbm>>
        tpu.wait_dma2 semaphore(%arg49 : memref<!tpu.dma_semaphore, #tpu.memory_space<semaphore_mem>>) src(%dma_wait3A_472 : memref<64xi32, #tpu.memory_space<hbm>>) dst(%arg19 : memref<64xi32, #tpu.memory_space<vmem>>)
        %dma_wait3A_473 = arith.constant 0 : i32
        %dma_wait3A_474 = tpu.memref_slice %arg3[%dma_wait3A_473] : memref<640000xi32, #tpu.memory_space<hbm>> -> memref<64xi32, #tpu.memory_space<hbm>>
        %dma_wait3A_475 = arith.constant 0 : i32
        %dma_wait3A_476 = tpu.memref_slice %arg3[%dma_wait3A_475] : memref<640000xi32, #tpu.memory_space<hbm>> -> memref<64xi32, #tpu.memory_space<hbm>>
        tpu.wait_dma2 semaphore(%arg49 : memref<!tpu.dma_semaphore, #tpu.memory_space<semaphore_mem>>) src(%dma_wait3A_476 : memref<64xi32, #tpu.memory_space<hbm>>) dst(%arg29 : memref<64xi32, #tpu.memory_space<vmem>>)
        %dma_start3A_477 = arith.constant 0 : i32
        %dma_start3A_478 = arith.constant 0 : i32
        %dma_start3A_479 = tpu.memref_slice %arg2[%dma_start3A_477, %dma_start3A_478] : memref<10000x128xf32, #tpu.memory_space<hbm>> -> memref<10000x128xf32, #tpu.memory_space<hbm>>
        tpu.enqueue_indirect_dma source(%dma_start3A_479 : memref<10000x128xf32, #tpu.memory_space<hbm>>) target(%arg9 : memref<64x128xf32, #tpu.memory_space<vmem>>) offsets(%arg19 : memref<64xi32, #tpu.memory_space<vmem>>) semaphore(%arg34 : memref<!tpu.dma_semaphore, #tpu.memory_space<semaphore_mem>>)
      } else {
      }
      %add3A_284 = arith.constant 3 : i32
      %add3A_285 = arith.addi %mul3A_159, %add3A_284 : i32
      %dma_wait3A_286 = arith.constant 0 : i32
      %dma_wait3A_287 = arith.constant 0 : i32
      %dma_wait3A_288 = tpu.memref_slice %arg6[%dma_wait3A_286, %dma_wait3A_287] : memref<10240x128xf32, #tpu.memory_space<vmem_shared>> -> memref<64x128xf32, #tpu.memory_space<vmem_shared>>
      %dma_wait3A_289 = arith.constant 0 : i32
      %dma_wait3A_290 = arith.constant 0 : i32
      %dma_wait3A_291 = tpu.memref_slice %arg6[%dma_wait3A_289, %dma_wait3A_290] : memref<10240x128xf32, #tpu.memory_space<vmem_shared>> -> memref<64x128xf32, #tpu.memory_space<vmem_shared>>
      tpu.wait_dma2 semaphore(%arg40 : memref<!tpu.dma_semaphore, #tpu.memory_space<semaphore_mem>>) src(%arg10 : memref<64x128xf32, #tpu.memory_space<vmem>>) dst(%dma_wait3A_291 : memref<64x128xf32, #tpu.memory_space<vmem_shared>>)
      %add3A_292 = arith.constant 5 : i32
      %add3A_293 = arith.addi %add3A_285, %add3A_292 : i32
      %lt3A_294 = arith.cmpi slt, %add3A_293, %min3A_11 : i32
      %convert_element_type3A_295 = arith.extui %lt3A_294 : i1 to i32
      %cond3A_296 = arith.constant 0 : i32
      %cond3A_297 = arith.cmpi ne, %convert_element_type3A_295, %cond3A_296 : i32
      scf.if %cond3A_297 {
        %dma_wait3A_469 = arith.constant 0 : i32
        %dma_wait3A_470 = tpu.memref_slice %arg3[%dma_wait3A_469] : memref<640000xi32, #tpu.memory_space<hbm>> -> memref<64xi32, #tpu.memory_space<hbm>>
        %dma_wait3A_471 = arith.constant 0 : i32
        %dma_wait3A_472 = tpu.memref_slice %arg3[%dma_wait3A_471] : memref<640000xi32, #tpu.memory_space<hbm>> -> memref<64xi32, #tpu.memory_space<hbm>>
        tpu.wait_dma2 semaphore(%arg50 : memref<!tpu.dma_semaphore, #tpu.memory_space<semaphore_mem>>) src(%dma_wait3A_472 : memref<64xi32, #tpu.memory_space<hbm>>) dst(%arg20 : memref<64xi32, #tpu.memory_space<vmem>>)
        %dma_wait3A_473 = arith.constant 0 : i32
        %dma_wait3A_474 = tpu.memref_slice %arg3[%dma_wait3A_473] : memref<640000xi32, #tpu.memory_space<hbm>> -> memref<64xi32, #tpu.memory_space<hbm>>
        %dma_wait3A_475 = arith.constant 0 : i32
        %dma_wait3A_476 = tpu.memref_slice %arg3[%dma_wait3A_475] : memref<640000xi32, #tpu.memory_space<hbm>> -> memref<64xi32, #tpu.memory_space<hbm>>
        tpu.wait_dma2 semaphore(%arg50 : memref<!tpu.dma_semaphore, #tpu.memory_space<semaphore_mem>>) src(%dma_wait3A_476 : memref<64xi32, #tpu.memory_space<hbm>>) dst(%arg30 : memref<64xi32, #tpu.memory_space<vmem>>)
        %dma_start3A_477 = arith.constant 0 : i32
        %dma_start3A_478 = arith.constant 0 : i32
        %dma_start3A_479 = tpu.memref_slice %arg2[%dma_start3A_477, %dma_start3A_478] : memref<10000x128xf32, #tpu.memory_space<hbm>> -> memref<10000x128xf32, #tpu.memory_space<hbm>>
        tpu.enqueue_indirect_dma source(%dma_start3A_479 : memref<10000x128xf32, #tpu.memory_space<hbm>>) target(%arg10 : memref<64x128xf32, #tpu.memory_space<vmem>>) offsets(%arg20 : memref<64xi32, #tpu.memory_space<vmem>>) semaphore(%arg35 : memref<!tpu.dma_semaphore, #tpu.memory_space<semaphore_mem>>)
      } else {
      }
      %add3A_298 = arith.constant 4 : i32
      %add3A_299 = arith.addi %mul3A_159, %add3A_298 : i32
      %dma_wait3A_300 = arith.constant 0 : i32
      %dma_wait3A_301 = arith.constant 0 : i32
      %dma_wait3A_302 = tpu.memref_slice %arg6[%dma_wait3A_300, %dma_wait3A_301] : memref<10240x128xf32, #tpu.memory_space<vmem_shared>> -> memref<64x128xf32, #tpu.memory_space<vmem_shared>>
      %dma_wait3A_303 = arith.constant 0 : i32
      %dma_wait3A_304 = arith.constant 0 : i32
      %dma_wait3A_305 = tpu.memref_slice %arg6[%dma_wait3A_303, %dma_wait3A_304] : memref<10240x128xf32, #tpu.memory_space<vmem_shared>> -> memref<64x128xf32, #tpu.memory_space<vmem_shared>>
      tpu.wait_dma2 semaphore(%arg41 : memref<!tpu.dma_semaphore, #tpu.memory_space<semaphore_mem>>) src(%arg11 : memref<64x128xf32, #tpu.memory_space<vmem>>) dst(%dma_wait3A_305 : memref<64x128xf32, #tpu.memory_space<vmem_shared>>)
      %add3A_306 = arith.constant 5 : i32
      %add3A_307 = arith.addi %add3A_299, %add3A_306 : i32
      %lt3A_308 = arith.cmpi slt, %add3A_307, %min3A_11 : i32
      %convert_element_type3A_309 = arith.extui %lt3A_308 : i1 to i32
      %cond3A_310 = arith.constant 0 : i32
      %cond3A_311 = arith.cmpi ne, %convert_element_type3A_309, %cond3A_310 : i32
      scf.if %cond3A_311 {
        %dma_wait3A_469 = arith.constant 0 : i32
        %dma_wait3A_470 = tpu.memref_slice %arg3[%dma_wait3A_469] : memref<640000xi32, #tpu.memory_space<hbm>> -> memref<64xi32, #tpu.memory_space<hbm>>
        %dma_wait3A_471 = arith.constant 0 : i32
        %dma_wait3A_472 = tpu.memref_slice %arg3[%dma_wait3A_471] : memref<640000xi32, #tpu.memory_space<hbm>> -> memref<64xi32, #tpu.memory_space<hbm>>
        tpu.wait_dma2 semaphore(%arg51 : memref<!tpu.dma_semaphore, #tpu.memory_space<semaphore_mem>>) src(%dma_wait3A_472 : memref<64xi32, #tpu.memory_space<hbm>>) dst(%arg21 : memref<64xi32, #tpu.memory_space<vmem>>)
        %dma_wait3A_473 = arith.constant 0 : i32
        %dma_wait3A_474 = tpu.memref_slice %arg3[%dma_wait3A_473] : memref<640000xi32, #tpu.memory_space<hbm>> -> memref<64xi32, #tpu.memory_space<hbm>>
        %dma_wait3A_475 = arith.constant 0 : i32
        %dma_wait3A_476 = tpu.memref_slice %arg3[%dma_wait3A_475] : memref<640000xi32, #tpu.memory_space<hbm>> -> memref<64xi32, #tpu.memory_space<hbm>>
        tpu.wait_dma2 semaphore(%arg51 : memref<!tpu.dma_semaphore, #tpu.memory_space<semaphore_mem>>) src(%dma_wait3A_476 : memref<64xi32, #tpu.memory_space<hbm>>) dst(%arg31 : memref<64xi32, #tpu.memory_space<vmem>>)
        %dma_start3A_477 = arith.constant 0 : i32
        %dma_start3A_478 = arith.constant 0 : i32
        %dma_start3A_479 = tpu.memref_slice %arg2[%dma_start3A_477, %dma_start3A_478] : memref<10000x128xf32, #tpu.memory_space<hbm>> -> memref<10000x128xf32, #tpu.memory_space<hbm>>
        tpu.enqueue_indirect_dma source(%dma_start3A_479 : memref<10000x128xf32, #tpu.memory_space<hbm>>) target(%arg11 : memref<64x128xf32, #tpu.memory_space<vmem>>) offsets(%arg21 : memref<64xi32, #tpu.memory_space<vmem>>) semaphore(%arg36 : memref<!tpu.dma_semaphore, #tpu.memory_space<semaphore_mem>>)
      } else {
      }
      %add3A_312 = arith.constant 5 : i32
      %add3A_313 = arith.addi %mul3A_159, %add3A_312 : i32
      %add3A_314 = arith.constant 0 : i32
      %add3A_315 = arith.addi %add3A_313, %add3A_314 : i32
      %dma_wait3A_316 = arith.constant 0 : i32
      %dma_wait3A_317 = arith.constant 0 : i32
      %dma_wait3A_318 = tpu.memref_slice %arg2[%dma_wait3A_316, %dma_wait3A_317] : memref<10000x128xf32, #tpu.memory_space<hbm>> -> memref<64x128xf32, #tpu.memory_space<hbm>>
      %dma_wait3A_319 = arith.constant 0 : i32
      %dma_wait3A_320 = arith.constant 0 : i32
      %dma_wait3A_321 = tpu.memref_slice %arg2[%dma_wait3A_319, %dma_wait3A_320] : memref<10000x128xf32, #tpu.memory_space<hbm>> -> memref<64x128xf32, #tpu.memory_space<hbm>>
      tpu.wait_dma2 semaphore(%arg32 : memref<!tpu.dma_semaphore, #tpu.memory_space<semaphore_mem>>) src(%dma_wait3A_321 : memref<64x128xf32, #tpu.memory_space<hbm>>) dst(%arg7 : memref<64x128xf32, #tpu.memory_space<vmem>>)
      %dma_start3A_322 = arith.constant 0 : i32
      %dma_start3A_323 = arith.constant 0 : i32
      %dma_start3A_324 = tpu.memref_slice %arg6[%dma_start3A_322, %dma_start3A_323] : memref<10240x128xf32, #tpu.memory_space<vmem_shared>> -> memref<10240x128xf32, #tpu.memory_space<vmem_shared>>
      tpu.enqueue_indirect_dma source(%arg7 : memref<64x128xf32, #tpu.memory_space<vmem>>) target(%dma_start3A_324 : memref<10240x128xf32, #tpu.memory_space<vmem_shared>>) offsets(%arg27 : memref<64xi32, #tpu.memory_space<vmem>>) semaphore(%arg37 : memref<!tpu.dma_semaphore, #tpu.memory_space<semaphore_mem>>) {add = true}
      %add3A_325 = arith.constant 5 : i32
      %add3A_326 = arith.addi %add3A_315, %add3A_325 : i32
      %lt3A_327 = arith.cmpi slt, %add3A_326, %min3A_11 : i32
      %convert_element_type3A_328 = arith.extui %lt3A_327 : i1 to i32
      %cond3A_329 = arith.constant 0 : i32
      %cond3A_330 = arith.cmpi ne, %convert_element_type3A_328, %cond3A_329 : i32
      scf.if %cond3A_330 {
        %add3A_469 = arith.constant 5 : i32
        %add3A_470 = arith.addi %add3A_315, %add3A_469 : i32
        %mul3A_471 = arith.constant 64 : i32
        %mul3A_472 = arith.muli %add3A_470, %mul3A_471 : i32
        %add3A_473 = arith.addi %mul3A_6, %mul3A_472 : i32
        %dma_start3A_474 = tpu.memref_slice %arg3[%add3A_473] : memref<640000xi32, #tpu.memory_space<hbm>> -> memref<64xi32, #tpu.memory_space<hbm>>
        %dma_start3A_475 = tpu.memref_slice %arg3[%add3A_473] : memref<640000xi32, #tpu.memory_space<hbm>> -> memref<64xi32, #tpu.memory_space<hbm>>
        tpu.enqueue_dma source(%dma_start3A_475 : memref<64xi32, #tpu.memory_space<hbm>>) target(%arg12 : memref<64xi32, #tpu.memory_space<vmem>>) target_semaphore(%arg42 : memref<!tpu.dma_semaphore, #tpu.memory_space<semaphore_mem>>)
        %add3A_476 = arith.constant 320000 : i32
        %add3A_477 = arith.addi %add3A_476, %add3A_473 : i32
        %dma_start3A_478 = tpu.memref_slice %arg3[%add3A_477] : memref<640000xi32, #tpu.memory_space<hbm>> -> memref<64xi32, #tpu.memory_space<hbm>>
        %dma_start3A_479 = tpu.memref_slice %arg3[%add3A_477] : memref<640000xi32, #tpu.memory_space<hbm>> -> memref<64xi32, #tpu.memory_space<hbm>>
        tpu.enqueue_dma source(%dma_start3A_479 : memref<64xi32, #tpu.memory_space<hbm>>) target(%arg22 : memref<64xi32, #tpu.memory_space<vmem>>) target_semaphore(%arg42 : memref<!tpu.dma_semaphore, #tpu.memory_space<semaphore_mem>>)
      } else {
      }
      %add3A_331 = arith.constant 1 : i32
      %add3A_332 = arith.addi %add3A_313, %add3A_331 : i32
      %dma_wait3A_333 = arith.constant 0 : i32
      %dma_wait3A_334 = arith.constant 0 : i32
      %dma_wait3A_335 = tpu.memref_slice %arg2[%dma_wait3A_333, %dma_wait3A_334] : memref<10000x128xf32, #tpu.memory_space<hbm>> -> memref<64x128xf32, #tpu.memory_space<hbm>>
      %dma_wait3A_336 = arith.constant 0 : i32
      %dma_wait3A_337 = arith.constant 0 : i32
      %dma_wait3A_338 = tpu.memref_slice %arg2[%dma_wait3A_336, %dma_wait3A_337] : memref<10000x128xf32, #tpu.memory_space<hbm>> -> memref<64x128xf32, #tpu.memory_space<hbm>>
      tpu.wait_dma2 semaphore(%arg33 : memref<!tpu.dma_semaphore, #tpu.memory_space<semaphore_mem>>) src(%dma_wait3A_338 : memref<64x128xf32, #tpu.memory_space<hbm>>) dst(%arg8 : memref<64x128xf32, #tpu.memory_space<vmem>>)
      %dma_start3A_339 = arith.constant 0 : i32
      %dma_start3A_340 = arith.constant 0 : i32
      %dma_start3A_341 = tpu.memref_slice %arg6[%dma_start3A_339, %dma_start3A_340] : memref<10240x128xf32, #tpu.memory_space<vmem_shared>> -> memref<10240x128xf32, #tpu.memory_space<vmem_shared>>
      tpu.enqueue_indirect_dma source(%arg8 : memref<64x128xf32, #tpu.memory_space<vmem>>) target(%dma_start3A_341 : memref<10240x128xf32, #tpu.memory_space<vmem_shared>>) offsets(%arg28 : memref<64xi32, #tpu.memory_space<vmem>>) semaphore(%arg38 : memref<!tpu.dma_semaphore, #tpu.memory_space<semaphore_mem>>) {add = true}
      %add3A_342 = arith.constant 5 : i32
      %add3A_343 = arith.addi %add3A_332, %add3A_342 : i32
      %lt3A_344 = arith.cmpi slt, %add3A_343, %min3A_11 : i32
      %convert_element_type3A_345 = arith.extui %lt3A_344 : i1 to i32
      %cond3A_346 = arith.constant 0 : i32
      %cond3A_347 = arith.cmpi ne, %convert_element_type3A_345, %cond3A_346 : i32
      scf.if %cond3A_347 {
        %add3A_469 = arith.constant 5 : i32
        %add3A_470 = arith.addi %add3A_332, %add3A_469 : i32
        %mul3A_471 = arith.constant 64 : i32
        %mul3A_472 = arith.muli %add3A_470, %mul3A_471 : i32
        %add3A_473 = arith.addi %mul3A_6, %mul3A_472 : i32
        %dma_start3A_474 = tpu.memref_slice %arg3[%add3A_473] : memref<640000xi32, #tpu.memory_space<hbm>> -> memref<64xi32, #tpu.memory_space<hbm>>
        %dma_start3A_475 = tpu.memref_slice %arg3[%add3A_473] : memref<640000xi32, #tpu.memory_space<hbm>> -> memref<64xi32, #tpu.memory_space<hbm>>
        tpu.enqueue_dma source(%dma_start3A_475 : memref<64xi32, #tpu.memory_space<hbm>>) target(%arg13 : memref<64xi32, #tpu.memory_space<vmem>>) target_semaphore(%arg43 : memref<!tpu.dma_semaphore, #tpu.memory_space<semaphore_mem>>)
        %add3A_476 = arith.constant 320000 : i32
        %add3A_477 = arith.addi %add3A_476, %add3A_473 : i32
        %dma_start3A_478 = tpu.memref_slice %arg3[%add3A_477] : memref<640000xi32, #tpu.memory_space<hbm>> -> memref<64xi32, #tpu.memory_space<hbm>>
        %dma_start3A_479 = tpu.memref_slice %arg3[%add3A_477] : memref<640000xi32, #tpu.memory_space<hbm>> -> memref<64xi32, #tpu.memory_space<hbm>>
        tpu.enqueue_dma source(%dma_start3A_479 : memref<64xi32, #tpu.memory_space<hbm>>) target(%arg23 : memref<64xi32, #tpu.memory_space<vmem>>) target_semaphore(%arg43 : memref<!tpu.dma_semaphore, #tpu.memory_space<semaphore_mem>>)
      } else {
      }
      %add3A_348 = arith.constant 2 : i32
      %add3A_349 = arith.addi %add3A_313, %add3A_348 : i32
      %dma_wait3A_350 = arith.constant 0 : i32
      %dma_wait3A_351 = arith.constant 0 : i32
      %dma_wait3A_352 = tpu.memref_slice %arg2[%dma_wait3A_350, %dma_wait3A_351] : memref<10000x128xf32, #tpu.memory_space<hbm>> -> memref<64x128xf32, #tpu.memory_space<hbm>>
      %dma_wait3A_353 = arith.constant 0 : i32
      %dma_wait3A_354 = arith.constant 0 : i32
      %dma_wait3A_355 = tpu.memref_slice %arg2[%dma_wait3A_353, %dma_wait3A_354] : memref<10000x128xf32, #tpu.memory_space<hbm>> -> memref<64x128xf32, #tpu.memory_space<hbm>>
      tpu.wait_dma2 semaphore(%arg34 : memref<!tpu.dma_semaphore, #tpu.memory_space<semaphore_mem>>) src(%dma_wait3A_355 : memref<64x128xf32, #tpu.memory_space<hbm>>) dst(%arg9 : memref<64x128xf32, #tpu.memory_space<vmem>>)
      %dma_start3A_356 = arith.constant 0 : i32
      %dma_start3A_357 = arith.constant 0 : i32
      %dma_start3A_358 = tpu.memref_slice %arg6[%dma_start3A_356, %dma_start3A_357] : memref<10240x128xf32, #tpu.memory_space<vmem_shared>> -> memref<10240x128xf32, #tpu.memory_space<vmem_shared>>
      tpu.enqueue_indirect_dma source(%arg9 : memref<64x128xf32, #tpu.memory_space<vmem>>) target(%dma_start3A_358 : memref<10240x128xf32, #tpu.memory_space<vmem_shared>>) offsets(%arg29 : memref<64xi32, #tpu.memory_space<vmem>>) semaphore(%arg39 : memref<!tpu.dma_semaphore, #tpu.memory_space<semaphore_mem>>) {add = true}
      %add3A_359 = arith.constant 5 : i32
      %add3A_360 = arith.addi %add3A_349, %add3A_359 : i32
      %lt3A_361 = arith.cmpi slt, %add3A_360, %min3A_11 : i32
      %convert_element_type3A_362 = arith.extui %lt3A_361 : i1 to i32
      %cond3A_363 = arith.constant 0 : i32
      %cond3A_364 = arith.cmpi ne, %convert_element_type3A_362, %cond3A_363 : i32
      scf.if %cond3A_364 {
        %add3A_469 = arith.constant 5 : i32
        %add3A_470 = arith.addi %add3A_349, %add3A_469 : i32
        %mul3A_471 = arith.constant 64 : i32
        %mul3A_472 = arith.muli %add3A_470, %mul3A_471 : i32
        %add3A_473 = arith.addi %mul3A_6, %mul3A_472 : i32
        %dma_start3A_474 = tpu.memref_slice %arg3[%add3A_473] : memref<640000xi32, #tpu.memory_space<hbm>> -> memref<64xi32, #tpu.memory_space<hbm>>
        %dma_start3A_475 = tpu.memref_slice %arg3[%add3A_473] : memref<640000xi32, #tpu.memory_space<hbm>> -> memref<64xi32, #tpu.memory_space<hbm>>
        tpu.enqueue_dma source(%dma_start3A_475 : memref<64xi32, #tpu.memory_space<hbm>>) target(%arg14 : memref<64xi32, #tpu.memory_space<vmem>>) target_semaphore(%arg44 : memref<!tpu.dma_semaphore, #tpu.memory_space<semaphore_mem>>)
        %add3A_476 = arith.constant 320000 : i32
        %add3A_477 = arith.addi %add3A_476, %add3A_473 : i32
        %dma_start3A_478 = tpu.memref_slice %arg3[%add3A_477] : memref<640000xi32, #tpu.memory_space<hbm>> -> memref<64xi32, #tpu.memory_space<hbm>>
        %dma_start3A_479 = tpu.memref_slice %arg3[%add3A_477] : memref<640000xi32, #tpu.memory_space<hbm>> -> memref<64xi32, #tpu.memory_space<hbm>>
        tpu.enqueue_dma source(%dma_start3A_479 : memref<64xi32, #tpu.memory_space<hbm>>) target(%arg24 : memref<64xi32, #tpu.memory_space<vmem>>) target_semaphore(%arg44 : memref<!tpu.dma_semaphore, #tpu.memory_space<semaphore_mem>>)
      } else {
      }
      %add3A_365 = arith.constant 3 : i32
      %add3A_366 = arith.addi %add3A_313, %add3A_365 : i32
      %dma_wait3A_367 = arith.constant 0 : i32
      %dma_wait3A_368 = arith.constant 0 : i32
      %dma_wait3A_369 = tpu.memref_slice %arg2[%dma_wait3A_367, %dma_wait3A_368] : memref<10000x128xf32, #tpu.memory_space<hbm>> -> memref<64x128xf32, #tpu.memory_space<hbm>>
      %dma_wait3A_370 = arith.constant 0 : i32
      %dma_wait3A_371 = arith.constant 0 : i32
      %dma_wait3A_372 = tpu.memref_slice %arg2[%dma_wait3A_370, %dma_wait3A_371] : memref<10000x128xf32, #tpu.memory_space<hbm>> -> memref<64x128xf32, #tpu.memory_space<hbm>>
      tpu.wait_dma2 semaphore(%arg35 : memref<!tpu.dma_semaphore, #tpu.memory_space<semaphore_mem>>) src(%dma_wait3A_372 : memref<64x128xf32, #tpu.memory_space<hbm>>) dst(%arg10 : memref<64x128xf32, #tpu.memory_space<vmem>>)
      %dma_start3A_373 = arith.constant 0 : i32
      %dma_start3A_374 = arith.constant 0 : i32
      %dma_start3A_375 = tpu.memref_slice %arg6[%dma_start3A_373, %dma_start3A_374] : memref<10240x128xf32, #tpu.memory_space<vmem_shared>> -> memref<10240x128xf32, #tpu.memory_space<vmem_shared>>
      tpu.enqueue_indirect_dma source(%arg10 : memref<64x128xf32, #tpu.memory_space<vmem>>) target(%dma_start3A_375 : memref<10240x128xf32, #tpu.memory_space<vmem_shared>>) offsets(%arg30 : memref<64xi32, #tpu.memory_space<vmem>>) semaphore(%arg40 : memref<!tpu.dma_semaphore, #tpu.memory_space<semaphore_mem>>) {add = true}
      %add3A_376 = arith.constant 5 : i32
      %add3A_377 = arith.addi %add3A_366, %add3A_376 : i32
      %lt3A_378 = arith.cmpi slt, %add3A_377, %min3A_11 : i32
      %convert_element_type3A_379 = arith.extui %lt3A_378 : i1 to i32
      %cond3A_380 = arith.constant 0 : i32
      %cond3A_381 = arith.cmpi ne, %convert_element_type3A_379, %cond3A_380 : i32
      scf.if %cond3A_381 {
        %add3A_469 = arith.constant 5 : i32
        %add3A_470 = arith.addi %add3A_366, %add3A_469 : i32
        %mul3A_471 = arith.constant 64 : i32
        %mul3A_472 = arith.muli %add3A_470, %mul3A_471 : i32
        %add3A_473 = arith.addi %mul3A_6, %mul3A_472 : i32
        %dma_start3A_474 = tpu.memref_slice %arg3[%add3A_473] : memref<640000xi32, #tpu.memory_space<hbm>> -> memref<64xi32, #tpu.memory_space<hbm>>
        %dma_start3A_475 = tpu.memref_slice %arg3[%add3A_473] : memref<640000xi32, #tpu.memory_space<hbm>> -> memref<64xi32, #tpu.memory_space<hbm>>
        tpu.enqueue_dma source(%dma_start3A_475 : memref<64xi32, #tpu.memory_space<hbm>>) target(%arg15 : memref<64xi32, #tpu.memory_space<vmem>>) target_semaphore(%arg45 : memref<!tpu.dma_semaphore, #tpu.memory_space<semaphore_mem>>)
        %add3A_476 = arith.constant 320000 : i32
        %add3A_477 = arith.addi %add3A_476, %add3A_473 : i32
        %dma_start3A_478 = tpu.memref_slice %arg3[%add3A_477] : memref<640000xi32, #tpu.memory_space<hbm>> -> memref<64xi32, #tpu.memory_space<hbm>>
        %dma_start3A_479 = tpu.memref_slice %arg3[%add3A_477] : memref<640000xi32, #tpu.memory_space<hbm>> -> memref<64xi32, #tpu.memory_space<hbm>>
        tpu.enqueue_dma source(%dma_start3A_479 : memref<64xi32, #tpu.memory_space<hbm>>) target(%arg25 : memref<64xi32, #tpu.memory_space<vmem>>) target_semaphore(%arg45 : memref<!tpu.dma_semaphore, #tpu.memory_space<semaphore_mem>>)
      } else {
      }
      %add3A_382 = arith.constant 4 : i32
      %add3A_383 = arith.addi %add3A_313, %add3A_382 : i32
      %dma_wait3A_384 = arith.constant 0 : i32
      %dma_wait3A_385 = arith.constant 0 : i32
      %dma_wait3A_386 = tpu.memref_slice %arg2[%dma_wait3A_384, %dma_wait3A_385] : memref<10000x128xf32, #tpu.memory_space<hbm>> -> memref<64x128xf32, #tpu.memory_space<hbm>>
      %dma_wait3A_387 = arith.constant 0 : i32
      %dma_wait3A_388 = arith.constant 0 : i32
      %dma_wait3A_389 = tpu.memref_slice %arg2[%dma_wait3A_387, %dma_wait3A_388] : memref<10000x128xf32, #tpu.memory_space<hbm>> -> memref<64x128xf32, #tpu.memory_space<hbm>>
      tpu.wait_dma2 semaphore(%arg36 : memref<!tpu.dma_semaphore, #tpu.memory_space<semaphore_mem>>) src(%dma_wait3A_389 : memref<64x128xf32, #tpu.memory_space<hbm>>) dst(%arg11 : memref<64x128xf32, #tpu.memory_space<vmem>>)
      %dma_start3A_390 = arith.constant 0 : i32
      %dma_start3A_391 = arith.constant 0 : i32
      %dma_start3A_392 = tpu.memref_slice %arg6[%dma_start3A_390, %dma_start3A_391] : memref<10240x128xf32, #tpu.memory_space<vmem_shared>> -> memref<10240x128xf32, #tpu.memory_space<vmem_shared>>
      tpu.enqueue_indirect_dma source(%arg11 : memref<64x128xf32, #tpu.memory_space<vmem>>) target(%dma_start3A_392 : memref<10240x128xf32, #tpu.memory_space<vmem_shared>>) offsets(%arg31 : memref<64xi32, #tpu.memory_space<vmem>>) semaphore(%arg41 : memref<!tpu.dma_semaphore, #tpu.memory_space<semaphore_mem>>) {add = true}
      %add3A_393 = arith.constant 5 : i32
      %add3A_394 = arith.addi %add3A_383, %add3A_393 : i32
      %lt3A_395 = arith.cmpi slt, %add3A_394, %min3A_11 : i32
      %convert_element_type3A_396 = arith.extui %lt3A_395 : i1 to i32
      %cond3A_397 = arith.constant 0 : i32
      %cond3A_398 = arith.cmpi ne, %convert_element_type3A_396, %cond3A_397 : i32
      scf.if %cond3A_398 {
        %add3A_469 = arith.constant 5 : i32
        %add3A_470 = arith.addi %add3A_383, %add3A_469 : i32
        %mul3A_471 = arith.constant 64 : i32
        %mul3A_472 = arith.muli %add3A_470, %mul3A_471 : i32
        %add3A_473 = arith.addi %mul3A_6, %mul3A_472 : i32
        %dma_start3A_474 = tpu.memref_slice %arg3[%add3A_473] : memref<640000xi32, #tpu.memory_space<hbm>> -> memref<64xi32, #tpu.memory_space<hbm>>
        %dma_start3A_475 = tpu.memref_slice %arg3[%add3A_473] : memref<640000xi32, #tpu.memory_space<hbm>> -> memref<64xi32, #tpu.memory_space<hbm>>
        tpu.enqueue_dma source(%dma_start3A_475 : memref<64xi32, #tpu.memory_space<hbm>>) target(%arg16 : memref<64xi32, #tpu.memory_space<vmem>>) target_semaphore(%arg46 : memref<!tpu.dma_semaphore, #tpu.memory_space<semaphore_mem>>)
        %add3A_476 = arith.constant 320000 : i32
        %add3A_477 = arith.addi %add3A_476, %add3A_473 : i32
        %dma_start3A_478 = tpu.memref_slice %arg3[%add3A_477] : memref<640000xi32, #tpu.memory_space<hbm>> -> memref<64xi32, #tpu.memory_space<hbm>>
        %dma_start3A_479 = tpu.memref_slice %arg3[%add3A_477] : memref<640000xi32, #tpu.memory_space<hbm>> -> memref<64xi32, #tpu.memory_space<hbm>>
        tpu.enqueue_dma source(%dma_start3A_479 : memref<64xi32, #tpu.memory_space<hbm>>) target(%arg26 : memref<64xi32, #tpu.memory_space<vmem>>) target_semaphore(%arg46 : memref<!tpu.dma_semaphore, #tpu.memory_space<semaphore_mem>>)
      } else {
      }
      %add3A_399 = arith.constant 0 : i32
      %add3A_400 = arith.addi %add3A_313, %add3A_399 : i32
      %dma_wait3A_401 = arith.constant 0 : i32
      %dma_wait3A_402 = arith.constant 0 : i32
      %dma_wait3A_403 = tpu.memref_slice %arg6[%dma_wait3A_401, %dma_wait3A_402] : memref<10240x128xf32, #tpu.memory_space<vmem_shared>> -> memref<64x128xf32, #tpu.memory_space<vmem_shared>>
      %dma_wait3A_404 = arith.constant 0 : i32
      %dma_wait3A_405 = arith.constant 0 : i32
      %dma_wait3A_406 = tpu.memref_slice %arg6[%dma_wait3A_404, %dma_wait3A_405] : memref<10240x128xf32, #tpu.memory_space<vmem_shared>> -> memref<64x128xf32, #tpu.memory_space<vmem_shared>>
      tpu.wait_dma2 semaphore(%arg37 : memref<!tpu.dma_semaphore, #tpu.memory_space<semaphore_mem>>) src(%arg7 : memref<64x128xf32, #tpu.memory_space<vmem>>) dst(%dma_wait3A_406 : memref<64x128xf32, #tpu.memory_space<vmem_shared>>)
      %add3A_407 = arith.constant 5 : i32
      %add3A_408 = arith.addi %add3A_400, %add3A_407 : i32
      %lt3A_409 = arith.cmpi slt, %add3A_408, %min3A_11 : i32
      %convert_element_type3A_410 = arith.extui %lt3A_409 : i1 to i32
      %cond3A_411 = arith.constant 0 : i32
      %cond3A_412 = arith.cmpi ne, %convert_element_type3A_410, %cond3A_411 : i32
      scf.if %cond3A_412 {
        %dma_wait3A_469 = arith.constant 0 : i32
        %dma_wait3A_470 = tpu.memref_slice %arg3[%dma_wait3A_469] : memref<640000xi32, #tpu.memory_space<hbm>> -> memref<64xi32, #tpu.memory_space<hbm>>
        %dma_wait3A_471 = arith.constant 0 : i32
        %dma_wait3A_472 = tpu.memref_slice %arg3[%dma_wait3A_471] : memref<640000xi32, #tpu.memory_space<hbm>> -> memref<64xi32, #tpu.memory_space<hbm>>
        tpu.wait_dma2 semaphore(%arg42 : memref<!tpu.dma_semaphore, #tpu.memory_space<semaphore_mem>>) src(%dma_wait3A_472 : memref<64xi32, #tpu.memory_space<hbm>>) dst(%arg12 : memref<64xi32, #tpu.memory_space<vmem>>)
        %dma_wait3A_473 = arith.constant 0 : i32
        %dma_wait3A_474 = tpu.memref_slice %arg3[%dma_wait3A_473] : memref<640000xi32, #tpu.memory_space<hbm>> -> memref<64xi32, #tpu.memory_space<hbm>>
        %dma_wait3A_475 = arith.constant 0 : i32
        %dma_wait3A_476 = tpu.memref_slice %arg3[%dma_wait3A_475] : memref<640000xi32, #tpu.memory_space<hbm>> -> memref<64xi32, #tpu.memory_space<hbm>>
        tpu.wait_dma2 semaphore(%arg42 : memref<!tpu.dma_semaphore, #tpu.memory_space<semaphore_mem>>) src(%dma_wait3A_476 : memref<64xi32, #tpu.memory_space<hbm>>) dst(%arg22 : memref<64xi32, #tpu.memory_space<vmem>>)
        %dma_start3A_477 = arith.constant 0 : i32
        %dma_start3A_478 = arith.constant 0 : i32
        %dma_start3A_479 = tpu.memref_slice %arg2[%dma_start3A_477, %dma_start3A_478] : memref<10000x128xf32, #tpu.memory_space<hbm>> -> memref<10000x128xf32, #tpu.memory_space<hbm>>
        tpu.enqueue_indirect_dma source(%dma_start3A_479 : memref<10000x128xf32, #tpu.memory_space<hbm>>) target(%arg7 : memref<64x128xf32, #tpu.memory_space<vmem>>) offsets(%arg12 : memref<64xi32, #tpu.memory_space<vmem>>) semaphore(%arg32 : memref<!tpu.dma_semaphore, #tpu.memory_space<semaphore_mem>>)
      } else {
      }
      %add3A_413 = arith.constant 1 : i32
      %add3A_414 = arith.addi %add3A_313, %add3A_413 : i32
      %dma_wait3A_415 = arith.constant 0 : i32
      %dma_wait3A_416 = arith.constant 0 : i32
      %dma_wait3A_417 = tpu.memref_slice %arg6[%dma_wait3A_415, %dma_wait3A_416] : memref<10240x128xf32, #tpu.memory_space<vmem_shared>> -> memref<64x128xf32, #tpu.memory_space<vmem_shared>>
      %dma_wait3A_418 = arith.constant 0 : i32
      %dma_wait3A_419 = arith.constant 0 : i32
      %dma_wait3A_420 = tpu.memref_slice %arg6[%dma_wait3A_418, %dma_wait3A_419] : memref<10240x128xf32, #tpu.memory_space<vmem_shared>> -> memref<64x128xf32, #tpu.memory_space<vmem_shared>>
      tpu.wait_dma2 semaphore(%arg38 : memref<!tpu.dma_semaphore, #tpu.memory_space<semaphore_mem>>) src(%arg8 : memref<64x128xf32, #tpu.memory_space<vmem>>) dst(%dma_wait3A_420 : memref<64x128xf32, #tpu.memory_space<vmem_shared>>)
      %add3A_421 = arith.constant 5 : i32
      %add3A_422 = arith.addi %add3A_414, %add3A_421 : i32
      %lt3A_423 = arith.cmpi slt, %add3A_422, %min3A_11 : i32
      %convert_element_type3A_424 = arith.extui %lt3A_423 : i1 to i32
      %cond3A_425 = arith.constant 0 : i32
      %cond3A_426 = arith.cmpi ne, %convert_element_type3A_424, %cond3A_425 : i32
      scf.if %cond3A_426 {
        %dma_wait3A_469 = arith.constant 0 : i32
        %dma_wait3A_470 = tpu.memref_slice %arg3[%dma_wait3A_469] : memref<640000xi32, #tpu.memory_space<hbm>> -> memref<64xi32, #tpu.memory_space<hbm>>
        %dma_wait3A_471 = arith.constant 0 : i32
        %dma_wait3A_472 = tpu.memref_slice %arg3[%dma_wait3A_471] : memref<640000xi32, #tpu.memory_space<hbm>> -> memref<64xi32, #tpu.memory_space<hbm>>
        tpu.wait_dma2 semaphore(%arg43 : memref<!tpu.dma_semaphore, #tpu.memory_space<semaphore_mem>>) src(%dma_wait3A_472 : memref<64xi32, #tpu.memory_space<hbm>>) dst(%arg13 : memref<64xi32, #tpu.memory_space<vmem>>)
        %dma_wait3A_473 = arith.constant 0 : i32
        %dma_wait3A_474 = tpu.memref_slice %arg3[%dma_wait3A_473] : memref<640000xi32, #tpu.memory_space<hbm>> -> memref<64xi32, #tpu.memory_space<hbm>>
        %dma_wait3A_475 = arith.constant 0 : i32
        %dma_wait3A_476 = tpu.memref_slice %arg3[%dma_wait3A_475] : memref<640000xi32, #tpu.memory_space<hbm>> -> memref<64xi32, #tpu.memory_space<hbm>>
        tpu.wait_dma2 semaphore(%arg43 : memref<!tpu.dma_semaphore, #tpu.memory_space<semaphore_mem>>) src(%dma_wait3A_476 : memref<64xi32, #tpu.memory_space<hbm>>) dst(%arg23 : memref<64xi32, #tpu.memory_space<vmem>>)
        %dma_start3A_477 = arith.constant 0 : i32
        %dma_start3A_478 = arith.constant 0 : i32
        %dma_start3A_479 = tpu.memref_slice %arg2[%dma_start3A_477, %dma_start3A_478] : memref<10000x128xf32, #tpu.memory_space<hbm>> -> memref<10000x128xf32, #tpu.memory_space<hbm>>
        tpu.enqueue_indirect_dma source(%dma_start3A_479 : memref<10000x128xf32, #tpu.memory_space<hbm>>) target(%arg8 : memref<64x128xf32, #tpu.memory_space<vmem>>) offsets(%arg13 : memref<64xi32, #tpu.memory_space<vmem>>) semaphore(%arg33 : memref<!tpu.dma_semaphore, #tpu.memory_space<semaphore_mem>>)
      } else {
      }
      %add3A_427 = arith.constant 2 : i32
      %add3A_428 = arith.addi %add3A_313, %add3A_427 : i32
      %dma_wait3A_429 = arith.constant 0 : i32
      %dma_wait3A_430 = arith.constant 0 : i32
      %dma_wait3A_431 = tpu.memref_slice %arg6[%dma_wait3A_429, %dma_wait3A_430] : memref<10240x128xf32, #tpu.memory_space<vmem_shared>> -> memref<64x128xf32, #tpu.memory_space<vmem_shared>>
      %dma_wait3A_432 = arith.constant 0 : i32
      %dma_wait3A_433 = arith.constant 0 : i32
      %dma_wait3A_434 = tpu.memref_slice %arg6[%dma_wait3A_432, %dma_wait3A_433] : memref<10240x128xf32, #tpu.memory_space<vmem_shared>> -> memref<64x128xf32, #tpu.memory_space<vmem_shared>>
      tpu.wait_dma2 semaphore(%arg39 : memref<!tpu.dma_semaphore, #tpu.memory_space<semaphore_mem>>) src(%arg9 : memref<64x128xf32, #tpu.memory_space<vmem>>) dst(%dma_wait3A_434 : memref<64x128xf32, #tpu.memory_space<vmem_shared>>)
      %add3A_435 = arith.constant 5 : i32
      %add3A_436 = arith.addi %add3A_428, %add3A_435 : i32
      %lt3A_437 = arith.cmpi slt, %add3A_436, %min3A_11 : i32
      %convert_element_type3A_438 = arith.extui %lt3A_437 : i1 to i32
      %cond3A_439 = arith.constant 0 : i32
      %cond3A_440 = arith.cmpi ne, %convert_element_type3A_438, %cond3A_439 : i32
      scf.if %cond3A_440 {
        %dma_wait3A_469 = arith.constant 0 : i32
        %dma_wait3A_470 = tpu.memref_slice %arg3[%dma_wait3A_469] : memref<640000xi32, #tpu.memory_space<hbm>> -> memref<64xi32, #tpu.memory_space<hbm>>
        %dma_wait3A_471 = arith.constant 0 : i32
        %dma_wait3A_472 = tpu.memref_slice %arg3[%dma_wait3A_471] : memref<640000xi32, #tpu.memory_space<hbm>> -> memref<64xi32, #tpu.memory_space<hbm>>
        tpu.wait_dma2 semaphore(%arg44 : memref<!tpu.dma_semaphore, #tpu.memory_space<semaphore_mem>>) src(%dma_wait3A_472 : memref<64xi32, #tpu.memory_space<hbm>>) dst(%arg14 : memref<64xi32, #tpu.memory_space<vmem>>)
        %dma_wait3A_473 = arith.constant 0 : i32
        %dma_wait3A_474 = tpu.memref_slice %arg3[%dma_wait3A_473] : memref<640000xi32, #tpu.memory_space<hbm>> -> memref<64xi32, #tpu.memory_space<hbm>>
        %dma_wait3A_475 = arith.constant 0 : i32
        %dma_wait3A_476 = tpu.memref_slice %arg3[%dma_wait3A_475] : memref<640000xi32, #tpu.memory_space<hbm>> -> memref<64xi32, #tpu.memory_space<hbm>>
        tpu.wait_dma2 semaphore(%arg44 : memref<!tpu.dma_semaphore, #tpu.memory_space<semaphore_mem>>) src(%dma_wait3A_476 : memref<64xi32, #tpu.memory_space<hbm>>) dst(%arg24 : memref<64xi32, #tpu.memory_space<vmem>>)
        %dma_start3A_477 = arith.constant 0 : i32
        %dma_start3A_478 = arith.constant 0 : i32
        %dma_start3A_479 = tpu.memref_slice %arg2[%dma_start3A_477, %dma_start3A_478] : memref<10000x128xf32, #tpu.memory_space<hbm>> -> memref<10000x128xf32, #tpu.memory_space<hbm>>
        tpu.enqueue_indirect_dma source(%dma_start3A_479 : memref<10000x128xf32, #tpu.memory_space<hbm>>) target(%arg9 : memref<64x128xf32, #tpu.memory_space<vmem>>) offsets(%arg14 : memref<64xi32, #tpu.memory_space<vmem>>) semaphore(%arg34 : memref<!tpu.dma_semaphore, #tpu.memory_space<semaphore_mem>>)
      } else {
      }
      %add3A_441 = arith.constant 3 : i32
      %add3A_442 = arith.addi %add3A_313, %add3A_441 : i32
      %dma_wait3A_443 = arith.constant 0 : i32
      %dma_wait3A_444 = arith.constant 0 : i32
      %dma_wait3A_445 = tpu.memref_slice %arg6[%dma_wait3A_443, %dma_wait3A_444] : memref<10240x128xf32, #tpu.memory_space<vmem_shared>> -> memref<64x128xf32, #tpu.memory_space<vmem_shared>>
      %dma_wait3A_446 = arith.constant 0 : i32
      %dma_wait3A_447 = arith.constant 0 : i32
      %dma_wait3A_448 = tpu.memref_slice %arg6[%dma_wait3A_446, %dma_wait3A_447] : memref<10240x128xf32, #tpu.memory_space<vmem_shared>> -> memref<64x128xf32, #tpu.memory_space<vmem_shared>>
      tpu.wait_dma2 semaphore(%arg40 : memref<!tpu.dma_semaphore, #tpu.memory_space<semaphore_mem>>) src(%arg10 : memref<64x128xf32, #tpu.memory_space<vmem>>) dst(%dma_wait3A_448 : memref<64x128xf32, #tpu.memory_space<vmem_shared>>)
      %add3A_449 = arith.constant 5 : i32
      %add3A_450 = arith.addi %add3A_442, %add3A_449 : i32
      %lt3A_451 = arith.cmpi slt, %add3A_450, %min3A_11 : i32
      %convert_element_type3A_452 = arith.extui %lt3A_451 : i1 to i32
      %cond3A_453 = arith.constant 0 : i32
      %cond3A_454 = arith.cmpi ne, %convert_element_type3A_452, %cond3A_453 : i32
      scf.if %cond3A_454 {
        %dma_wait3A_469 = arith.constant 0 : i32
        %dma_wait3A_470 = tpu.memref_slice %arg3[%dma_wait3A_469] : memref<640000xi32, #tpu.memory_space<hbm>> -> memref<64xi32, #tpu.memory_space<hbm>>
        %dma_wait3A_471 = arith.constant 0 : i32
        %dma_wait3A_472 = tpu.memref_slice %arg3[%dma_wait3A_471] : memref<640000xi32, #tpu.memory_space<hbm>> -> memref<64xi32, #tpu.memory_space<hbm>>
        tpu.wait_dma2 semaphore(%arg45 : memref<!tpu.dma_semaphore, #tpu.memory_space<semaphore_mem>>) src(%dma_wait3A_472 : memref<64xi32, #tpu.memory_space<hbm>>) dst(%arg15 : memref<64xi32, #tpu.memory_space<vmem>>)
        %dma_wait3A_473 = arith.constant 0 : i32
        %dma_wait3A_474 = tpu.memref_slice %arg3[%dma_wait3A_473] : memref<640000xi32, #tpu.memory_space<hbm>> -> memref<64xi32, #tpu.memory_space<hbm>>
        %dma_wait3A_475 = arith.constant 0 : i32
        %dma_wait3A_476 = tpu.memref_slice %arg3[%dma_wait3A_475] : memref<640000xi32, #tpu.memory_space<hbm>> -> memref<64xi32, #tpu.memory_space<hbm>>
        tpu.wait_dma2 semaphore(%arg45 : memref<!tpu.dma_semaphore, #tpu.memory_space<semaphore_mem>>) src(%dma_wait3A_476 : memref<64xi32, #tpu.memory_space<hbm>>) dst(%arg25 : memref<64xi32, #tpu.memory_space<vmem>>)
        %dma_start3A_477 = arith.constant 0 : i32
        %dma_start3A_478 = arith.constant 0 : i32
        %dma_start3A_479 = tpu.memref_slice %arg2[%dma_start3A_477, %dma_start3A_478] : memref<10000x128xf32, #tpu.memory_space<hbm>> -> memref<10000x128xf32, #tpu.memory_space<hbm>>
        tpu.enqueue_indirect_dma source(%dma_start3A_479 : memref<10000x128xf32, #tpu.memory_space<hbm>>) target(%arg10 : memref<64x128xf32, #tpu.memory_space<vmem>>) offsets(%arg15 : memref<64xi32, #tpu.memory_space<vmem>>) semaphore(%arg35 : memref<!tpu.dma_semaphore, #tpu.memory_space<semaphore_mem>>)
      } else {
      }
      %add3A_455 = arith.constant 4 : i32
      %add3A_456 = arith.addi %add3A_313, %add3A_455 : i32
      %dma_wait3A_457 = arith.constant 0 : i32
      %dma_wait3A_458 = arith.constant 0 : i32
      %dma_wait3A_459 = tpu.memref_slice %arg6[%dma_wait3A_457, %dma_wait3A_458] : memref<10240x128xf32, #tpu.memory_space<vmem_shared>> -> memref<64x128xf32, #tpu.memory_space<vmem_shared>>
      %dma_wait3A_460 = arith.constant 0 : i32
      %dma_wait3A_461 = arith.constant 0 : i32
      %dma_wait3A_462 = tpu.memref_slice %arg6[%dma_wait3A_460, %dma_wait3A_461] : memref<10240x128xf32, #tpu.memory_space<vmem_shared>> -> memref<64x128xf32, #tpu.memory_space<vmem_shared>>
      tpu.wait_dma2 semaphore(%arg41 : memref<!tpu.dma_semaphore, #tpu.memory_space<semaphore_mem>>) src(%arg11 : memref<64x128xf32, #tpu.memory_space<vmem>>) dst(%dma_wait3A_462 : memref<64x128xf32, #tpu.memory_space<vmem_shared>>)
      %add3A_463 = arith.constant 5 : i32
      %add3A_464 = arith.addi %add3A_456, %add3A_463 : i32
      %lt3A_465 = arith.cmpi slt, %add3A_464, %min3A_11 : i32
      %convert_element_type3A_466 = arith.extui %lt3A_465 : i1 to i32
      %cond3A_467 = arith.constant 0 : i32
      %cond3A_468 = arith.cmpi ne, %convert_element_type3A_466, %cond3A_467 : i32
      scf.if %cond3A_468 {
        %dma_wait3A_469 = arith.constant 0 : i32
        %dma_wait3A_470 = tpu.memref_slice %arg3[%dma_wait3A_469] : memref<640000xi32, #tpu.memory_space<hbm>> -> memref<64xi32, #tpu.memory_space<hbm>>
        %dma_wait3A_471 = arith.constant 0 : i32
        %dma_wait3A_472 = tpu.memref_slice %arg3[%dma_wait3A_471] : memref<640000xi32, #tpu.memory_space<hbm>> -> memref<64xi32, #tpu.memory_space<hbm>>
        tpu.wait_dma2 semaphore(%arg46 : memref<!tpu.dma_semaphore, #tpu.memory_space<semaphore_mem>>) src(%dma_wait3A_472 : memref<64xi32, #tpu.memory_space<hbm>>) dst(%arg16 : memref<64xi32, #tpu.memory_space<vmem>>)
        %dma_wait3A_473 = arith.constant 0 : i32
        %dma_wait3A_474 = tpu.memref_slice %arg3[%dma_wait3A_473] : memref<640000xi32, #tpu.memory_space<hbm>> -> memref<64xi32, #tpu.memory_space<hbm>>
        %dma_wait3A_475 = arith.constant 0 : i32
        %dma_wait3A_476 = tpu.memref_slice %arg3[%dma_wait3A_475] : memref<640000xi32, #tpu.memory_space<hbm>> -> memref<64xi32, #tpu.memory_space<hbm>>
        tpu.wait_dma2 semaphore(%arg46 : memref<!tpu.dma_semaphore, #tpu.memory_space<semaphore_mem>>) src(%dma_wait3A_476 : memref<64xi32, #tpu.memory_space<hbm>>) dst(%arg26 : memref<64xi32, #tpu.memory_space<vmem>>)
        %dma_start3A_477 = arith.constant 0 : i32
        %dma_start3A_478 = arith.constant 0 : i32
        %dma_start3A_479 = tpu.memref_slice %arg2[%dma_start3A_477, %dma_start3A_478] : memref<10000x128xf32, #tpu.memory_space<hbm>> -> memref<10000x128xf32, #tpu.memory_space<hbm>>
        tpu.enqueue_indirect_dma source(%dma_start3A_479 : memref<10000x128xf32, #tpu.memory_space<hbm>>) target(%arg11 : memref<64x128xf32, #tpu.memory_space<vmem>>) offsets(%arg16 : memref<64xi32, #tpu.memory_space<vmem>>) semaphore(%arg36 : memref<!tpu.dma_semaphore, #tpu.memory_space<semaphore_mem>>)
      } else {
      }
    }
    %barrier3A_151 = arith.constant 0 : index
    tpu.barrier barrier_id(%barrier3A_151)
    %mul3A_152 = arith.constant 10240 : i32
    %mul3A_153 = arith.muli %arg0, %mul3A_152 : i32
    %add3A_154 = arith.addi %mul3A_153, %mul3A_2 : i32
    "tpu.region"() ({
      %run_scoped3A = tpu.sem_alloc : memref<!tpu.dma_semaphore, #tpu.memory_space<semaphore_mem>>
      %dma_start3A_155 = arith.constant 0 : i32
      %dma_start3A_156 = tpu.memref_slice %arg5[%add3A_154, %dma_start3A_155] : memref<20480x128xf32, #tpu.memory_space<hbm>> -> memref<640x128xf32, #tpu.memory_space<hbm>>
      %dma_start3A_157 = arith.constant 0 : i32
      %dma_start3A_158 = tpu.memref_slice %arg6[%mul3A_2, %dma_start3A_157] : memref<10240x128xf32, #tpu.memory_space<vmem_shared>> -> memref<640x128xf32, #tpu.memory_space<vmem_shared>>
      tpu.enqueue_dma source(%dma_start3A_158 : memref<640x128xf32, #tpu.memory_space<vmem_shared>>) target(%dma_start3A_156 : memref<640x128xf32, #tpu.memory_space<hbm>>) target_semaphore(%run_scoped3A : memref<!tpu.dma_semaphore, #tpu.memory_space<semaphore_mem>>)
      %dma_wait3A_159 = arith.constant 0 : i32
      %dma_wait3A_160 = tpu.memref_slice %arg5[%add3A_154, %dma_wait3A_159] : memref<20480x128xf32, #tpu.memory_space<hbm>> -> memref<640x128xf32, #tpu.memory_space<hbm>>
      %dma_wait3A_161 = arith.constant 0 : i32
      %dma_wait3A_162 = tpu.memref_slice %arg6[%mul3A_2, %dma_wait3A_161] : memref<10240x128xf32, #tpu.memory_space<vmem_shared>> -> memref<640x128xf32, #tpu.memory_space<vmem_shared>>
      tpu.wait_dma2 semaphore(%run_scoped3A : memref<!tpu.dma_semaphore, #tpu.memory_space<semaphore_mem>>) src(%dma_wait3A_162 : memref<640x128xf32, #tpu.memory_space<vmem_shared>>) dst(%dma_wait3A_160 : memref<640x128xf32, #tpu.memory_space<hbm>>)
      tpu.yield
    }) : () -> ()
    return
  }
}

module attributes {stable_mosaic.version = 14 : i64} {
  func.func @_tc_combine_body(%arg0: i32, %arg1: memref<2x1024x128xf32, #tpu.memory_space<vmem>>, %arg2: memref<2x1024xf32, #tpu.memory_space<vmem>>, %arg3: memref<1024x128xf32, #tpu.memory_space<vmem>>, %arg4: memref<128x128xf32, #tpu.memory_space<vmem>>, %arg5: memref<128x128xf32, #tpu.memory_space<vmem>>, %arg6: memref<1x128xf32, #tpu.memory_space<vmem>>, %arg7: memref<1024x128xf32, #tpu.memory_space<vmem>>) attributes {dimension_semantics = [#tpu.dimension_semantics<arbitrary>], iteration_bounds = array<i64: 10>, scalar_prefetch = 0 : i64, scratch_operands = 0 : i64, tpu.core_type = #tpu.core_type<tc>, window_params = [{transform_indices = @transform_0, window_bounds = array<i64: 2, 1024, 128>}, {transform_indices = @transform_1, window_bounds = array<i64: 2, 1024>}, {transform_indices = @transform_2, window_bounds = array<i64: 1024, 128>}, {pipeline_mode = #tpu.pipeline_mode<synchronous>, transform_indices = @transform_3, window_bounds = array<i64: 128, 128>}, {pipeline_mode = #tpu.pipeline_mode<synchronous>, transform_indices = @transform_4, window_bounds = array<i64: 128, 128>}, {pipeline_mode = #tpu.pipeline_mode<synchronous>, transform_indices = @transform_5, window_bounds = array<i64: 1, 128>}, {transform_indices = @transform_6, window_bounds = array<i64: 1024, 128>}]} {
    %get3A = arith.constant 0 : index
    %get3A_0 = arith.constant 0 : index
    %get3A_1 = arith.constant 0 : index
    %get3A_2 = vector.load %arg1[%get3A, %get3A_0, %get3A_1] : memref<2x1024x128xf32, #tpu.memory_space<vmem>>, vector<1x1024x128xf32>
    %get3A_3 = vector.shape_cast %get3A_2 : vector<1x1024x128xf32> to vector<1024x128xf32>
    %get3A_4 = arith.constant 1 : index
    %get3A_5 = arith.constant 0 : index
    %get3A_6 = arith.constant 0 : index
    %get3A_7 = vector.load %arg1[%get3A_4, %get3A_5, %get3A_6] : memref<2x1024x128xf32, #tpu.memory_space<vmem>>, vector<1x1024x128xf32>
    %get3A_8 = vector.shape_cast %get3A_7 : vector<1x1024x128xf32> to vector<1024x128xf32>
    %add3A = arith.addf %get3A_3, %get3A_8 : vector<1024x128xf32>
    %get3A_9 = arith.constant 0 : index
    %get3A_10 = arith.constant 0 : index
    %get3A_11 = vector.load %arg2[%get3A_9, %get3A_10] : memref<2x1024xf32, #tpu.memory_space<vmem>>, vector<1x1024xf32>
    %get3A_12 = vector.shape_cast %get3A_11 : vector<1x1024xf32> to vector<1024xf32>
    %get3A_13 = arith.constant 1 : index
    %get3A_14 = arith.constant 0 : index
    %get3A_15 = vector.load %arg2[%get3A_13, %get3A_14] : memref<2x1024xf32, #tpu.memory_space<vmem>>, vector<1x1024xf32>
    %get3A_16 = vector.shape_cast %get3A_15 : vector<1x1024xf32> to vector<1024xf32>
    %add3A_17 = arith.addf %get3A_12, %get3A_16 : vector<1024xf32>
    %max3A = arith.constant 1.000000e+00 : f32
    %max3A_18 = vector.broadcast %max3A : f32 to vector<1024xf32>
    %max3A_19 = arith.maximumf %add3A_17, %max3A_18 : vector<1024xf32>
    %div3A = arith.constant 1.000000e+00 : f32
    %div3A_20 = vector.broadcast %div3A : f32 to vector<1024xf32>
    %div3A_21 = arith.divf %div3A_20, %max3A_19 : vector<1024xf32>
    %broadcast_in_dim3A = vector.shape_cast %div3A_21 : vector<1024xf32> to vector<1024x1xf32>
    %mul3A = vector.broadcast %broadcast_in_dim3A : vector<1024x1xf32> to vector<1024x128xf32>
    %mul3A_22 = arith.mulf %add3A, %mul3A : vector<1024x128xf32>
    %get3A_23 = arith.constant 0 : index
    %get3A_24 = arith.constant 0 : index
    %get3A_25 = vector.load %arg4[%get3A_23, %get3A_24] : memref<128x128xf32, #tpu.memory_space<vmem>>, vector<128x128xf32>
    %dot_general3A = arith.constant dense<0.000000e+00> : vector<1024x128xf32>
    %dot_general3A_26 = tpu.matmul %mul3A_22, %get3A_25, %dot_general3A {dimension_numbers = #tpu.dot_dimension_numbers<[1], [0], [0], [1], [0, 0, 1, 1], [], []>, transpose_lhs_hint = false} : vector<1024x128xf32>, vector<128x128xf32>, vector<1024x128xf32> -> vector<1024x128xf32>
    %get3A_27 = arith.constant 0 : index
    %get3A_28 = arith.constant 0 : index
    %get3A_29 = vector.load %arg3[%get3A_27, %get3A_28] : memref<1024x128xf32, #tpu.memory_space<vmem>>, vector<1024x128xf32>
    %get3A_30 = arith.constant 0 : index
    %get3A_31 = arith.constant 0 : index
    %get3A_32 = vector.load %arg5[%get3A_30, %get3A_31] : memref<128x128xf32, #tpu.memory_space<vmem>>, vector<128x128xf32>
    %dot_general3A_33 = arith.constant dense<0.000000e+00> : vector<1024x128xf32>
    %dot_general3A_34 = tpu.matmul %get3A_29, %get3A_32, %dot_general3A_33 {dimension_numbers = #tpu.dot_dimension_numbers<[1], [0], [0], [1], [0, 0, 1, 1], [], []>, transpose_lhs_hint = false} : vector<1024x128xf32>, vector<128x128xf32>, vector<1024x128xf32> -> vector<1024x128xf32>
    %add3A_35 = arith.addf %dot_general3A_26, %dot_general3A_34 : vector<1024x128xf32>
    %get3A_36 = arith.constant 0 : index
    %get3A_37 = arith.constant 0 : index
    %get3A_38 = vector.load %arg6[%get3A_36, %get3A_37] : memref<1x128xf32, #tpu.memory_space<vmem>>, vector<1x128xf32>
    %add3A_39 = vector.broadcast %get3A_38 : vector<1x128xf32> to vector<1024x128xf32>
    %add3A_40 = arith.addf %add3A_35, %add3A_39 : vector<1024x128xf32>
    %max3A_41 = arith.constant 0.000000e+00 : f32
    %max3A_42 = vector.broadcast %max3A_41 : f32 to vector<1024x128xf32>
    %max3A_43 = arith.maximumf %add3A_40, %max3A_42 : vector<1024x128xf32>
    %swap3A = arith.constant 0 : index
    %swap3A_44 = arith.constant 0 : index
    %swap3A_45 = vector.load %arg7[%swap3A, %swap3A_44] : memref<1024x128xf32, #tpu.memory_space<vmem>>, vector<1024x128xf32>
    tpu.vector_store %arg7[%swap3A, %swap3A_44], %max3A_43 {strides = array<i32>} : memref<1024x128xf32, #tpu.memory_space<vmem>>, vector<1024x128xf32>,
    return
  }
  func.func @transform_0(%arg0: i32) -> (i32, i32, i32) {
    %c0_i32 = arith.constant 0 : i32
    %c0_i32_0 = arith.constant 0 : i32
    %c0_i32_1 = arith.constant 0 : i32
    return %c0_i32, %arg0, %c0_i32_0 : i32, i32, i32
  }
  func.func @transform_1(%arg0: i32) -> (i32, i32) {
    %c0_i32 = arith.constant 0 : i32
    %c0_i32_0 = arith.constant 0 : i32
    return %c0_i32, %arg0 : i32, i32
  }
  func.func @transform_2(%arg0: i32) -> (i32, i32) {
    %c0_i32 = arith.constant 0 : i32
    %c0_i32_0 = arith.constant 0 : i32
    return %arg0, %c0_i32 : i32, i32
  }
  func.func @transform_3(%arg0: i32) -> (i32, i32) {
    %c0_i32 = arith.constant 0 : i32
    %c0_i32_0 = arith.constant 0 : i32
    %c0_i32_1 = arith.constant 0 : i32
    return %c0_i32, %c0_i32_0 : i32, i32
  }
  func.func @transform_4(%arg0: i32) -> (i32, i32) {
    %c0_i32 = arith.constant 0 : i32
    %c0_i32_0 = arith.constant 0 : i32
    %c0_i32_1 = arith.constant 0 : i32
    return %c0_i32, %c0_i32_0 : i32, i32
  }
  func.func @transform_5(%arg0: i32) -> (i32, i32) {
    %c0_i32 = arith.constant 0 : i32
    %c0_i32_0 = arith.constant 0 : i32
    %c0_i32_1 = arith.constant 0 : i32
    return %c0_i32, %c0_i32_0 : i32, i32
  }
  func.func @transform_6(%arg0: i32) -> (i32, i32) {
    %c0_i32 = arith.constant 0 : i32
    %c0_i32_0 = arith.constant 0 : i32
    return %arg0, %c0_i32 : i32, i32
  }
}

module attributes {stable_mosaic.version = 14 : i64} {
  func.func @_tc_combine_body(%arg0: i32, %arg1: memref<2x1024x128xf32, #tpu.memory_space<vmem>>, %arg2: memref<2x1024xf32, #tpu.memory_space<vmem>>, %arg3: memref<1024x128xf32, #tpu.memory_space<vmem>>, %arg4: memref<128x128xf32, #tpu.memory_space<vmem>>, %arg5: memref<128x128xf32, #tpu.memory_space<vmem>>, %arg6: memref<1x128xf32, #tpu.memory_space<vmem>>, %arg7: memref<1024x128xf32, #tpu.memory_space<vmem>>) attributes {dimension_semantics = [#tpu.dimension_semantics<arbitrary>], iteration_bounds = array<i64: 10>, scalar_prefetch = 0 : i64, scratch_operands = 0 : i64, tpu.core_type = #tpu.core_type<tc>, window_params = [{transform_indices = @transform_0, window_bounds = array<i64: 2, 1024, 128>}, {transform_indices = @transform_1, window_bounds = array<i64: 2, 1024>}, {transform_indices = @transform_2, window_bounds = array<i64: 1024, 128>}, {pipeline_mode = #tpu.pipeline_mode<synchronous>, transform_indices = @transform_3, window_bounds = array<i64: 128, 128>}, {pipeline_mode = #tpu.pipeline_mode<synchronous>, transform_indices = @transform_4, window_bounds = array<i64: 128, 128>}, {pipeline_mode = #tpu.pipeline_mode<synchronous>, transform_indices = @transform_5, window_bounds = array<i64: 1, 128>}, {transform_indices = @transform_6, window_bounds = array<i64: 1024, 128>}]} {
    %get3A = arith.constant 0 : index
    %get3A_0 = arith.constant 0 : index
    %get3A_1 = arith.constant 0 : index
    %get3A_2 = vector.load %arg1[%get3A, %get3A_0, %get3A_1] : memref<2x1024x128xf32, #tpu.memory_space<vmem>>, vector<1x1024x128xf32>
    %get3A_3 = vector.shape_cast %get3A_2 : vector<1x1024x128xf32> to vector<1024x128xf32>
    %get3A_4 = arith.constant 1 : index
    %get3A_5 = arith.constant 0 : index
    %get3A_6 = arith.constant 0 : index
    %get3A_7 = vector.load %arg1[%get3A_4, %get3A_5, %get3A_6] : memref<2x1024x128xf32, #tpu.memory_space<vmem>>, vector<1x1024x128xf32>
    %get3A_8 = vector.shape_cast %get3A_7 : vector<1x1024x128xf32> to vector<1024x128xf32>
    %add3A = arith.addf %get3A_3, %get3A_8 : vector<1024x128xf32>
    %get3A_9 = arith.constant 0 : index
    %get3A_10 = arith.constant 0 : index
    %get3A_11 = vector.load %arg2[%get3A_9, %get3A_10] : memref<2x1024xf32, #tpu.memory_space<vmem>>, vector<1x1024xf32>
    %get3A_12 = vector.shape_cast %get3A_11 : vector<1x1024xf32> to vector<1024xf32>
    %get3A_13 = arith.constant 1 : index
    %get3A_14 = arith.constant 0 : index
    %get3A_15 = vector.load %arg2[%get3A_13, %get3A_14] : memref<2x1024xf32, #tpu.memory_space<vmem>>, vector<1x1024xf32>
    %get3A_16 = vector.shape_cast %get3A_15 : vector<1x1024xf32> to vector<1024xf32>
    %add3A_17 = arith.addf %get3A_12, %get3A_16 : vector<1024xf32>
    %max3A = arith.constant 1.000000e+00 : f32
    %max3A_18 = vector.broadcast %max3A : f32 to vector<1024xf32>
    %max3A_19 = arith.maximumf %add3A_17, %max3A_18 : vector<1024xf32>
    %div3A = arith.constant 1.000000e+00 : f32
    %div3A_20 = vector.broadcast %div3A : f32 to vector<1024xf32>
    %div3A_21 = arith.divf %div3A_20, %max3A_19 : vector<1024xf32>
    %broadcast_in_dim3A = vector.shape_cast %div3A_21 : vector<1024xf32> to vector<1024x1xf32>
    %mul3A = vector.broadcast %broadcast_in_dim3A : vector<1024x1xf32> to vector<1024x128xf32>
    %mul3A_22 = arith.mulf %add3A, %mul3A : vector<1024x128xf32>
    %get3A_23 = arith.constant 0 : index
    %get3A_24 = arith.constant 0 : index
    %get3A_25 = vector.load %arg4[%get3A_23, %get3A_24] : memref<128x128xf32, #tpu.memory_space<vmem>>, vector<128x128xf32>
    %dot_general3A = arith.constant dense<0.000000e+00> : vector<1024x128xf32>
    %dot_general3A_26 = tpu.matmul %mul3A_22, %get3A_25, %dot_general3A {dimension_numbers = #tpu.dot_dimension_numbers<[1], [0], [0], [1], [0, 0, 1, 1], [], []>, transpose_lhs_hint = false} : vector<1024x128xf32>, vector<128x128xf32>, vector<1024x128xf32> -> vector<1024x128xf32>
    %get3A_27 = arith.constant 0 : index
    %get3A_28 = arith.constant 0 : index
    %get3A_29 = vector.load %arg3[%get3A_27, %get3A_28] : memref<1024x128xf32, #tpu.memory_space<vmem>>, vector<1024x128xf32>
    %get3A_30 = arith.constant 0 : index
    %get3A_31 = arith.constant 0 : index
    %get3A_32 = vector.load %arg5[%get3A_30, %get3A_31] : memref<128x128xf32, #tpu.memory_space<vmem>>, vector<128x128xf32>
    %dot_general3A_33 = arith.constant dense<0.000000e+00> : vector<1024x128xf32>
    %dot_general3A_34 = tpu.matmul %get3A_29, %get3A_32, %dot_general3A_33 {dimension_numbers = #tpu.dot_dimension_numbers<[1], [0], [0], [1], [0, 0, 1, 1], [], []>, transpose_lhs_hint = false} : vector<1024x128xf32>, vector<128x128xf32>, vector<1024x128xf32> -> vector<1024x128xf32>
    %add3A_35 = arith.addf %dot_general3A_26, %dot_general3A_34 : vector<1024x128xf32>
    %get3A_36 = arith.constant 0 : index
    %get3A_37 = arith.constant 0 : index
    %get3A_38 = vector.load %arg6[%get3A_36, %get3A_37] : memref<1x128xf32, #tpu.memory_space<vmem>>, vector<1x128xf32>
    %add3A_39 = vector.broadcast %get3A_38 : vector<1x128xf32> to vector<1024x128xf32>
    %add3A_40 = arith.addf %add3A_35, %add3A_39 : vector<1024x128xf32>
    %swap3A = arith.constant 0 : index
    %swap3A_41 = arith.constant 0 : index
    %swap3A_42 = vector.load %arg7[%swap3A, %swap3A_41] : memref<1024x128xf32, #tpu.memory_space<vmem>>, vector<1024x128xf32>
    tpu.vector_store %arg7[%swap3A, %swap3A_41], %add3A_40 {strides = array<i32>} : memref<1024x128xf32, #tpu.memory_space<vmem>>, vector<1024x128xf32>,
    return
  }
  func.func @transform_0(%arg0: i32) -> (i32, i32, i32) {
    %c0_i32 = arith.constant 0 : i32
    %c0_i32_0 = arith.constant 0 : i32
    %c0_i32_1 = arith.constant 0 : i32
    return %c0_i32, %arg0, %c0_i32_0 : i32, i32, i32
  }
  func.func @transform_1(%arg0: i32) -> (i32, i32) {
    %c0_i32 = arith.constant 0 : i32
    %c0_i32_0 = arith.constant 0 : i32
    return %c0_i32, %arg0 : i32, i32
  }
  func.func @transform_2(%arg0: i32) -> (i32, i32) {
    %c0_i32 = arith.constant 0 : i32
    %c0_i32_0 = arith.constant 0 : i32
    return %arg0, %c0_i32 : i32, i32
  }
  func.func @transform_3(%arg0: i32) -> (i32, i32) {
    %c0_i32 = arith.constant 0 : i32
    %c0_i32_0 = arith.constant 0 : i32
    %c0_i32_1 = arith.constant 0 : i32
    return %c0_i32, %c0_i32_0 : i32, i32
  }
  func.func @transform_4(%arg0: i32) -> (i32, i32) {
    %c0_i32 = arith.constant 0 : i32
    %c0_i32_0 = arith.constant 0 : i32
    %c0_i32_1 = arith.constant 0 : i32
    return %c0_i32, %c0_i32_0 : i32, i32
  }
  func.func @transform_5(%arg0: i32) -> (i32, i32) {
    %c0_i32 = arith.constant 0 : i32
    %c0_i32_0 = arith.constant 0 : i32
    %c0_i32_1 = arith.constant 0 : i32
    return %c0_i32, %c0_i32_0 : i32, i32
  }
  func.func @transform_6(%arg0: i32) -> (i32, i32) {
    %c0_i32 = arith.constant 0 : i32
    %c0_i32_0 = arith.constant 0 : i32
    return %arg0, %c0_i32 : i32, i32
  }
}

</mosaic_0001>

<sc_bundles>
// kernel: kernel.6.cloned.1.call-start
scs
__scs_entry_jumppad:
0x0: {  	(pc) =	sbr.rel $0x88, $3  }
0x1: {  	(tag) =	ssettag $0x0;
	lr =	simm.s32 $0x1  }
0x2: {  	[smem:$0x3F99] =	sst lr;
	_ =	strace $0xD0000000  }
0x3: {  	_ = 	snop  }
0x4: {  	_ = 	snop  }
0x5: {  	_ = 	snop  }
0x6: {  	_ = 	snop  }
0x7: {  	_ = 	snop  }
__scs_overlays_trampoline_lowered:
0x8: {  	[smem:$0x3FA8] =	sst s0  }
0x9: {  	[smem:$0x3FA9] =	sst s1  }
0xa: {  	[smem:$0x3FAA] =	sst s2  }
0xb: {  	[smem:$0x3FAB] =	sst s3  }
0xc: {  	[smem:$0x3FAC] =	sst s4  }
0xd: {  	[smem:$0x3FAD] =	sst s5  }
0xe: {  	[smem:$0x3FAE] =	sst s6  }
0xf: {  	[smem:$0x3FAF] =	sst s7  }
0x10: {  	[smem:$0x3FB0] =	sst s8  }
0x11: {  	[smem:$0x3FB1] =	sst s9;
	s0 =	simm.s32 @!p0 $0x0  }
0x12: {  	s1 =	sld [smem:$0x3F97];
	s0 =	simm.s32 @p0 $0x1  }
0x13: {  	[smem:$0x3FB2] =	sst s0;
	s0 =	simm.s32 @!p1 $0x0  }
0x14: {  	s2 =	sld [smem:$0x3F96];
	s0 =	simm.s32 @p1 $0x1  }
0x15: {  	[smem:$0x3FB3] =	sst s0;
	s0 =	simm.s32 @!p2 $0x0  }
0x16: {  	s3 =	sld [smem:$0x3FDB];
	s0 =	simm.s32 @p2 $0x1  }
0x17: {  	s4 =	simm.s32 $0x1BF5;
	[smem:$0x3FB5] =	sst s0  }
0x18: {  	s0 =	sld [smem:$0x3F98];
	_ =	swait.ge [sflag:s4], $0x0  }
0x19: {  	s7 =	sld [smem:$0x3F99]  }
0x1a: {  	s8 =	sadd.s32 $0xFFFFE003, lr  }
0x1b: {  	s9 =	sadd.s32 $0xFFFFFEF7, lr;
	s5 =	simm.s32 $0xFFFFFFFF;
	p2 =	slt.u32 s8, $0xFFFFF086  }
0x1c: {  	p1 =	slt.u32 s9, $0xF7A;
	s5 =	simm.s32 @!p2 $0x0  }
0x1d: {  	s5 =	simm.s32 @p1 $0x1;
	p0 =	seq.s32 s7, s2  }
0x1e: {  	s7 =	smul.u32 @!p0 $0xF7A, s2;
	p2 =	seq.s32 @!p0 s5, $0x0  }
0x1f: {  	s9 =	smul.u32 $0xF7A, s1;
	s8 =	simm.s32 @!p0 $0x1BF5;
	p2 =	por !p2, p0  }
0x20: {  	[sflag:s8] =	ssyncset.s32 @!p0 $0xFFFFF086;
	s6 =	sadd.s32 @!p0 s3, s7;
	s7 =	simm.s32 @!p0 $0x108  }
0x21: {  	s3 =	sadd.s32 s3, s9;
	s6 =	sadd.s32 @!p0 $0x88, s6;
	s7 =	simm.s32 @p2 $0x1082  }
0x22: {  	[simem:s7], [sflag:s8] =	dma.local @!p0 [hbm:s6], $0xF7A  }
0x23: {  	s9 =	sor.u32 $0xD0000000, s2;
	s6 =	simm.s32 $0x108;
	_ =	swait.ge @!p0 [sflag:s8], $0x0  }
0x24: {  	s3 =	sadd.s32 $0x88, s3;
	s6 =	simm.s32 @!p1 $0x1082;
	[sflag:s4] =	ssyncset.s32 $0xFFFFF086  }
0x25: {  	[simem:s6], [sflag:s4] =	dma.local [hbm:s3], $0xF7A  }
0x26: {  	[smem:$0x3F99] =	sst s1;
	(tag) =	ssettag s2;
	_ =	strace s9  }
0x27: {  	s1 =	sld [smem:$0x3FA9]  }
0x28: {  	s2 =	sld [smem:$0x3FAA]  }
0x29: {  	s4 =	sld [smem:$0x3FAC]  }
0x2a: {  	p0 =	seq.s32 s5, $0x0;
	s5 =	sld [smem:$0x3FAD]  }
0x2b: {  	s6 =	sld [smem:$0x3FAE]  }
0x2c: {  	s7 =	sld [smem:$0x3FAF]  }
0x2d: {  	s3 =	simm.s32 $0x108;
	s8 =	sld [smem:$0x3FB0]  }
0x2e: {  	s3 =	simm.s32 @!p0 $0x1082;
	s9 =	sld [smem:$0x3FB1]  }
0x2f: {  	lr =	sadd.s32 s0, s3;
	s0 =	sld [smem:$0x3FA8]  }
0x30: {  	s3 =	sld [smem:$0x3FAB]  }
0x31: {  	[smem:$0x3FB4] =	sst s10  }
0x32: {  	s10 =	sld [smem:$0x3FB2];
	_ =	sdelay $0x3  }
0x33: {  	p0 =	seq.s32 s10, $0x1;
	s10 =	sld [smem:$0x3FB4];
	_ =	sdelay $0x3  }
0x34: {  	[smem:$0x3FB4] =	sst s10  }
0x35: {  	s10 =	sld [smem:$0x3FB3];
	_ =	sdelay $0x3  }
0x36: {  	p1 =	seq.s32 s10, $0x1;
	s10 =	sld [smem:$0x3FB4];
	_ =	sdelay $0x3  }
0x37: {  	[smem:$0x3FB4] =	sst s10  }
0x38: {  	s10 =	sld [smem:$0x3FB5]  }
0x39: {  	_ = 	snop;
	(pc) =	sbr.ind lr, $3  }
0x3a: {  	_ = 	snop  }
0x3b: {  	_ = 	snop  }
0x3c: {  	p2 =	seq.s32 s10, $0x1;
	s10 =	sld [smem:$0x3FB4]  }
0x3d: {  	_ =	shalt  }
0x3e: {  	_ =	shalt  }
0x3f: {  	_ =	shalt  }
0x40: {  	_ =	shalt  }
0x41: {  	_ =	shalt  }
0x42: {  	_ =	shalt  }
0x43: {  	_ =	shalt  }
0x44: {  	_ =	shalt  }
0x45: {  	_ =	shalt  }
0x46: {  	_ =	shalt  }
0x47: {  	_ =	shalt  }
0x48: {  	_ =	shalt  }
0x49: {  	_ =	shalt  }
0x4a: {  	_ =	shalt  }
0x4b: {  	_ =	shalt  }
0x4c: {  	_ =	shalt  }
0x4d: {  	_ =	shalt  }
0x4e: {  	_ =	shalt  }
0x4f: {  	_ =	shalt  }
0x50: {  	_ =	shalt  }
0x51: {  	_ =	shalt  }
0x52: {  	_ =	shalt  }
0x53: {  	_ =	shalt  }
0x54: {  	_ =	shalt  }
0x55: {  	_ =	shalt  }
0x56: {  	_ =	shalt  }
0x57: {  	_ =	shalt  }
0x58: {  	_ =	shalt  }
0x59: {  	_ =	shalt  }
0x5a: {  	_ =	shalt  }
0x5b: {  	_ =	shalt  }
0x5c: {  	_ =	shalt  }
0x5d: {  	_ =	shalt  }
0x5e: {  	_ =	shalt  }
0x5f: {  	_ =	shalt  }
0x60: {  	_ =	shalt  }
0x61: {  	_ =	shalt  }
0x62: {  	_ =	shalt  }
0x63: {  	_ =	shalt  }
0x64: {  	_ =	shalt  }
0x65: {  	_ =	shalt  }
0x66: {  	_ =	shalt  }
0x67: {  	_ =	shalt  }
0x68: {  	_ =	shalt  }
0x69: {  	_ =	shalt  }
0x6a: {  	_ =	shalt  }
0x6b: {  	_ =	shalt  }
0x6c: {  	_ =	shalt  }
0x6d: {  	_ =	shalt  }
0x6e: {  	_ =	shalt  }
0x6f: {  	_ =	shalt  }
0x70: {  	_ =	shalt  }
0x71: {  	_ =	shalt  }
0x72: {  	_ =	shalt  }
0x73: {  	_ =	shalt  }
0x74: {  	_ =	shalt  }
0x75: {  	_ =	shalt  }
0x76: {  	_ =	shalt  }
0x77: {  	_ =	shalt  }
0x78: {  	_ =	shalt  }
0x79: {  	_ =	shalt  }
0x7a: {  	_ =	shalt  }
0x7b: {  	_ =	shalt  }
0x7c: {  	_ =	shalt  }
0x7d: {  	_ =	shalt  }
0x7e: {  	_ =	shalt  }
0x7f: {  	_ =	shalt  }
0x80: {  	_ =	shalt  }
0x81: {  	_ =	shalt  }
0x82: {  	_ =	shalt  }
0x83: {  	_ =	shalt  }
0x84: {  	_ =	shalt  }
0x85: {  	_ =	shalt  }
0x86: {  	_ =	shalt  }
0x87: {  	_ =	shalt  }
.Lfunc_end0:
.L_simem_size_0:
called_computation_lowered:
.L_overlay_start_0:
0x88: {  	s2 =	sld [smem:$0x3FD9]  }
0x89: {  	s3 =	sld [smem:$0x3FFE];
	_ =	sdelay $0x1  }
0x8a: {  	s1 =	srdreg.scid  }
0x8b: {  	s0 =	sand.u32 $0x1, s1  }
0x8c: {  	s17 =	sshll.u32 s0, $0xA;
	s2 =	sadd.s32 s3, s2  }
0x8d: {  	s2 =	sadd.s32 s2, s17  }
0x8e: {  	[smem:$0x3FC0] =	sst s2  }
0x8f: {  	_ = 	snop  }
0x90: {  	s2 =	sld [smem:$0x3FC9]  }
0x91: {  	s18 =	sld [smem:$0x3FD0];
	(tm) =	ssettm $0x1  }
0x92: {  	s4 =	sld [smem:$0x3FFB];
	_ =	sdelay $0x3  }
0x93: {  	_ =	strace s4  }
0x94: {  	s4 =	sld [smem:$0x3FFC];
	_ =	sdelay $0x3  }
0x95: {  	_ =	strace s4  }
0x96: {  	s4 =	sld [smem:$0x3FFD];
	_ =	sdelay $0x3  }
0x97: {  	_ =	strace s4  }
0x98: {  	_ =	strace $0x8FFFFFFF  }
0x99: {  	s19 =	sld [smem:$0x3FDB];
	_ =	sdelay $0x1  }
0x9a: {  	s5 =	simm.s32 $_scs_section_size  }
0x9b: {  	s6 =	simm.s32 $_size__tile_overlayer_lowered;
	s7 =	simm.s32 $_tile_overlayer_lowered  }
0x9c: {  	s22 =	simm.s32 $0x1BFF;
	s21 =	sshll.u32 s7, $0x1;
	s4 =	sadd.s32 s5, s19  }
0x9d: {  	s8 =	simm.s32 $0x0;
	s20 =	sshll.u32 s6, $0x1;
	s6 =	sadd.s32 s21, s4  }
0x9e: {  	[timem:s8], [sflag:s22] =	dma.local [hbm:s6], s20  }
0x9f: {  	_ =	swait.ge [sflag:s22], s20  }
0xa0: {  	s5 =	ssub.s32 $0x0, s20;
	[sflag:s22] =	ssyncset.done $0x0  }
0xa1: {  	[sflag:s22] =	ssyncadd.s32 s5;
	_ =	sdelay $0x1  }
0xa2: {  	s23 =	simm.s32 $0x1B8B  }
0xa3: {  	_ =	swait.ge [sflag:s23], $0x1  }
0xa4: {  	[sflag:s23] =	ssyncset.done $0x0  }
0xa5: {  	s25 =	simm.s32 $0x1B8E;
	s24 =	sld [smem:$0x3FFE];
	[sflag:s23] =	ssyncadd.s32 $0xFFFFFFFF  }
0xa6: {  	s26 =	simm.s32 $execute0_lowered;
	[smem:$0x3FD2] =	sst s25  }
0xa7: {  	s6 =	sshll.u32 s26, $0x1;
	_ =	strace $0x80000046;
	[dreg:$0x1] =	wrdreg $0xFFFFFFFF  }
0xa8: {  	s28 =	simm.s32 $_size_execute0_lowered;
	s4 =	sadd.s32 s4, s6;
	[dreg:$0x0] =	wrdreg $0x0  }
0xa9: {  	s6 =	sshll.u32 s28, $0x1;
	[dreg:$0x2] =	wrdreg s4  }
0xaa: {  	[dreg:$0x3] =	wrdreg s6  }
0xab: {  	[dreg:$0x4] =	wrdreg $0xC0  }
0xac: {  	_ =	task [dreg:s8], $0x5FFFF  }
0xad: {  	[dreg:$0x1] =	wrdreg $0xFFFFFFFF  }
0xae: {  	[dreg:$0x0] =	wrdreg $0x60  }
0xaf: {  	[dreg:$0x2] =	wrdreg s2  }
0xb0: {  	[dreg:$0x3] =	wrdreg s24  }
0xb1: {  	[dreg:$0x4] =	wrdreg s18  }
0xb2: {  	[dreg:$0x5] =	wrdreg $0x0  }
0xb3: {  	[dreg:$0x6] =	wrdreg $0x140000  }
0xb4: {  	[dreg:$0x7] =	wrdreg $0x9  }
0xb5: {  	_ =	task.clear_ibuf [dreg:s8], $0x8FFFF;
	_ =	strace $0x90000046  }
0xb6: {  	s29 =	simm.s32 $0x9;
	_ =	strace $0x80000048  }
0xb7: {  	_ =	swait.ge [sflag:s29], $0x1  }
0xb8: {  	[sflag:s29] =	ssyncadd.s32 $0xFFFFFFFF  }
0xb9: {  	_ =	strace $0x90000048  }
0xba: {  	_ =	sfence  }
0xbb: {  	s30 =	sld [smem:$0x0];
	_ =	sdelay $0x2  }
0xbc: {  	s31 =	sshll.u32 s1, $0xD;
	s1 =	sshrl.u32 s1, $0x2  }
0xbd: {  	s3 =	sand.u32 $0x4000, s31;
	s1 =	sadd.s32 s1, s30  }
0xbe: {  	s0 =	sor.u32 s3, s0;
	s1 =	sshll.u32 s1, $0x11  }
0xbf: {  	s0 =	sor.u32 s1, s0  }
0xc0: {  	s0 =	sadd.s32 $0x8F2B, s0  }
0xc1: {  	[sflag:s0] =	ssyncadd.remote.s32 $0x1  }
0xc2: {  	_ =	sfence.sel $0xFFFF  }
0xc3: {  	[dreg:$0x0] =	wrdreg $0xFFFFFFFF;
	(pc) =	sbr.abs _section_cstart, $3  }
0xc4: {  	[dreg:$0x1] =	wrdreg $0xFFFFFFFF  }
0xc5: {  	_ =	task.clear_ibuf [dreg:s8], $0x2FFFF;
	_ =	strace $0x9FFFFFFF  }
0xc6: {  	(tm) =	ssettm $0x7FFFFFFF  }
0xc7: {  	_ =	shalt  }
tec
execute0_lowered:
.L_overlay_start_1:
0x0: {  	(tag) =	ssettag $0x1  }
0x1: {  	s1 =	rddreg [dreg:$0x0]  }
0x2: {  	s6 =	rddreg [dreg:$0x1]  }
0x3: {  	s0 =	rddreg [dreg:$0x2]  }
0x4: {  	s3 =	rddreg [dreg:$0x3]  }
0x5: {  	s4 =	rddreg [dreg:$0x4];
	s2 =	srdreg.scid  }
0x6: {  	s15 =	stileid.u32;
	s5 =	simm.s32 $0x0;
	s30 =	simm.s32 $0x1E800  }
0x7: {  	s31 =	simm.s32 $0x1EC80;
	s8 =	sand.u32 $0x1, s2;
	s2 =	smul.u32 $0x280, s15  }
0x8: {  	s28 =	simm.s32 $0x9;
	s29 =	simm.s32 $0xE;
	s10 =	smul.u32 $0xFFFFFEC0, s15  }
0x9: {  	[smem:$0x7FF] =	sst s5;
	s7 =	sadd.s32 $0x2800, s6;
	s20 =	smul.u32 $0x50000, s15  }
0xa: {  	s12 =	sadd.s32 $0x16400, s6;
	s14 =	sadd.s32 $0x16200, s6;
	s22 =	smul.u32 $0x5000, s15  }
0xb: {  	s17 =	sshll.u32 s15, $0x1;
	s11 =	smul.u32 $0x2800, s8;
	_ =	strace $0x80000047  }
0xc: {  	s9 =	smul.u32 $0xFFFFFF60, s8;
	[dreg:$0x1b] =	wrdreg s12;
	s18 =	ssub.s32 $0x2, s8  }
0xd: {  	[dreg:$0x1c] =	wrdreg s14;
	s8 =	sor.u32 s8, s17;
	s19 =	sshrl.u32 s18, $0x1  }
0xe: {  	s13 =	smul.u32 $0xFFFFFF60, s8;
	s12 =	sshrl.u32 s20, $0x2;
	s5 =	sadd.s32 s2, s11  }
0xf: {  	s10 =	sadd.s32 s9, s10;
	s9 =	ssub.s32 s18, s19;
	s17 =	sadd.s32 s12, s3  }
0x10: {  	s11 =	sadd.s32 s11, s22;
	s2 =	sadd.s32 s2, s4;
	s16 =	sshll.u32 s5, $0x4  }
0x11: {  	p0 =	slt.s32 s10, $0xFFFFED18;
	s23 =	sadd.s32 $0x2000, s17;
	[smem:$0x7F0] =	sst s2  }
0x12: {  	s24 =	sadd.s32 $0x4000, s17;
	s26 =	sadd.s32 $0x6000, s17;
	[dreg:$0x1d] =	wrdreg s17  }
0x13: {  	s15 =	sadd.s32 $0xA000, s17;
	s18 =	sadd.s32 $0x4E580, s11;
	[dreg:$0x1e] =	wrdreg s23  }
0x14: {  	s19 =	sor.u32 $0x340, s11;
	s6 =	sadd.s32 s16, s6;
	[dreg:$0x1f] =	wrdreg s24  }
0x15: {  	s10 =	simm.s32 @!p0 $0xFFFFED18;
	p0 =	slt.s32 s13, $0xFFFFED18;
	[smem:$0x7E9] =	sst s26  }
0x16: {  	[smem:$0x7EB] =	sst s15;
	s16 =	sor.u32 $0x380, s11;
	s23 =	sadd.s32 $0x4E540, s11  }
0x17: {  	s26 =	sadd.s32 $0x4E500, s11;
	s14 =	sadd.s32 $0xFFFFFF88, s10;
	s10 =	smul.u32 $0x2800, s8  }
0x18: {  	s13 =	simm.s32 @!p0 $0xFFFFED18;
	s12 =	sshrl.u32 s16, $0x3;
	s24 =	sshrl.u32 s23, $0x3  }
0x19: {  	s16 =	sshrl.u32 s26, $0x3;
	s26 =	sadd.s32 $0x4E480, s11;
	s21 =	sand.u32 $0xF8, s14  }
0x1a: {  	s8 =	sadd.s32 $0x1388, s13;
	s12 =	sadd.s32 s12, s7;
	s14 =	smulhi.u32 $0x1999999A, s21  }
0x1b: {  	[dreg:$0x7] =	wrdreg s12;
	s21 =	sshrl.u32 s19, $0x3;
	s12 =	sadd.s32 s24, s7  }
0x1c: {  	s19 =	sor.u32 $0x2C0, s11;
	s10 =	sshrl.u32 s10, $0x3;
	s22 =	sadd.s32 s21, s7  }
0x1d: {  	[dreg:$0xa] =	wrdreg s12;
	s21 =	sadd.s32 $0x4E4C0, s11;
	s10 =	sadd.s32 s7, s10  }
0x1e: {  	s25 =	smax.u32 s14, $0x1;
	s14 =	sadd.s32 $0x8000, s17;
	[dreg:$0x9] =	wrdreg s22  }
0x1f: {  	s22 =	sor.u32 $0x280, s11;
	[smem:$0x7FC] =	sst s10;
	s13 =	smul.u32 $0x50, s25  }
0x20: {  	[smem:$0x7EA] =	sst s14;
	s25 =	sor.u32 $0x300, s11;
	s24 =	sshrl.u32 s22, $0x3  }
0x21: {  	s14 =	sshrl.u32 s26, $0x3;
	[dreg:$0x6] =	wrdreg s13;
	s13 =	sshrl.u32 s18, $0x3  }
0x22: {  	s18 =	sadd.s32 s16, s7;
	s16 =	sadd.s32 $0x4E440, s11;
	s20 =	sadd.s32 s13, s7  }
0x23: {  	s13 =	sshrl.u32 s25, $0x3;
	[dreg:$0xc] =	wrdreg s18;
	s25 =	sadd.s32 s24, s7  }
0x24: {  	s24 =	sor.u32 $0x1C0, s11;
	[dreg:$0x8] =	wrdreg s20;
	s15 =	sadd.s32 s13, s7  }
0x25: {  	s20 =	sshrl.u32 s19, $0x3;
	s13 =	sshrl.u32 s21, $0x3;
	[dreg:$0xf] =	wrdreg s25  }
0x26: {  	s19 =	sshrl.u32 s16, $0x3;
	s21 =	sor.u32 $0x200, s11;
	s26 =	sshrl.u32 s24, $0x3  }
0x27: {  	s16 =	sor.u32 $0x180, s11;
	[dreg:$0xb] =	wrdreg s15;
	s12 =	sadd.s32 s20, s7  }
0x28: {  	s23 =	sadd.s32 s13, s7;
	s15 =	sor.u32 $0x240, s11;
	[dreg:$0xd] =	wrdreg s12  }
0x29: {  	s20 =	sadd.s32 s19, s7;
	s22 =	sshrl.u32 s21, $0x3;
	[dreg:$0xe] =	wrdreg s23  }
0x2a: {  	s12 =	sadd.s32 s14, s7;
	s13 =	sshrl.u32 s15, $0x3;
	[dreg:$0x12] =	wrdreg s20  }
0x2b: {  	s23 =	sadd.s32 $0x4E400, s11;
	[dreg:$0x10] =	wrdreg s12;
	s18 =	sadd.s32 s13, s7  }
0x2c: {  	s14 =	sadd.s32 $0x4E3C0, s11;
	s12 =	sadd.s32 s22, s7;
	[dreg:$0x11] =	wrdreg s18  }
0x2d: {  	s13 =	sshrl.u32 s23, $0x3;
	s23 =	sadd.s32 $0xC000, s17;
	[dreg:$0x13] =	wrdreg s12  }
0x2e: {  	s15 =	sshrl.u32 s14, $0x3;
	s25 =	sadd.s32 s13, s7;
	[smem:$0x7EC] =	sst s23  }
0x2f: {  	s22 =	sor.u32 $0x140, s11;
	s13 =	sadd.s32 s26, s7;
	[dreg:$0x14] =	wrdreg s25  }
0x30: {  	s14 =	sshrl.u32 s5, $0x3;
	s12 =	sadd.s32 s15, s7;
	[dreg:$0x15] =	wrdreg s13  }
0x31: {  	s5 =	simm.s32 $0xA;
	s26 =	sadd.s32 $0x10000, s17;
	[dreg:$0x16] =	wrdreg s12  }
0x32: {  	s18 =	sadd.s32 $0x4E380, s11;
	s0 =	sadd.s32 s0, s14;
	[smem:$0x7EE] =	sst s26  }
0x33: {  	s24 =	sshrl.u32 s22, $0x3;
	s15 =	sadd.s32 $0x9C40, s10;
	[smem:$0x7F1] =	sst s0  }
0x34: {  	s11 =	sadd.s32 $0x4E340, s11;
	s22 =	sadd.s32 $0x9C50, s10;
	[smem:$0x7F2] =	sst s15  }
0x35: {  	s23 =	sadd.s32 $0x18, s10;
	s14 =	simm.s32 $0x3;
	[smem:$0x7F8] =	sst s22  }
0x36: {  	s13 =	sshrl.u32 s16, $0x3;
	s25 =	sadd.s32 $0xE000, s17;
	[smem:$0x7F9] =	sst s23  }
0x37: {  	s20 =	sshrl.u32 s18, $0x3;
	s12 =	sadd.s32 s24, s7;
	[smem:$0x7ED] =	sst s25  }
0x38: {  	s11 =	sshrl.u32 s11, $0x3;
	s16 =	sadd.s32 $0x8, s10;
	[dreg:$0x19] =	wrdreg s12  }
0x39: {  	s18 =	sadd.s32 $0x16800, s6;
	s24 =	sadd.s32 $0x9C58, s10;
	[smem:$0x7F3] =	sst s16  }
0x3a: {  	s26 =	sadd.s32 $0x9C60, s10;
	s15 =	simm.s32 $0x1A;
	[smem:$0x7F4] =	sst s18  }
0x3b: {  	s22 =	simm.s32 $0x40;
	s0 =	simm.s32 $0x2;
	[smem:$0x7FA] =	sst s24  }
0x3c: {  	s23 =	simm.s32 $0x8;
	s19 =	sadd.s32 s13, s7;
	[smem:$0x7FD] =	sst s26  }
0x3d: {  	s21 =	sadd.s32 s20, s7;
	s7 =	sadd.s32 s11, s7;
	[dreg:$0x17] =	wrdreg s19  }
0x3e: {  	s13 =	sadd.s32 $0x12000, s17;
	s20 =	sadd.s32 $0x9C48, s10;
	[dreg:$0x18] =	wrdreg s21  }
0x3f: {  	s25 =	sadd.s32 $0x20, s10;
	s24 =	simm.s32 $0x1E880;
	[smem:$0x7EF] =	sst s13  }
0x40: {  	s26 =	simm.s32 $0x1E900;
	s12 =	simm.s32 $0x1;
	[dreg:$0x1a] =	wrdreg s7  }
0x41: {  	s19 =	smax.u32 s9, $0x1;
	[smem:$0x7F6] =	sst s20;
	s21 =	sadd.s32 $0x10, s10  }
0x42: {  	[smem:$0x7FB] =	sst s25;
	s13 =	simm.s32 $0x14280;
	s20 =	simm.s32 $0x1E780  }
0x43: {  	s25 =	simm.s32 $0xD;
	s7 =	simm.s32 $0xF;
	[smem:$0x7F5] =	sst s19  }
0x44: {  	v0 =	vimm.f32 $1.000000000e+00;
	s10 =	simm.s32 $0x0;
	[smem:$0x7F7] =	sst s21;
	s19 =	simm.s32 $0x1C280  }
.LBB2_1:
0x45: {  	[smem:$0x7E6] =	sst s10  }
0x46: {  	s11 =	simm.s32 $0x0;
	s6 =	rddreg [dreg:$0x1b]  }
0x47: {  	[tilespmem:s13], [sflag:$0x1A] =	stream.linear.gather [hbm4b:s6+s11], $0x2000, $0x38;
	[tilespmem:$0x1ED00] =	vst v63  }
0x48: {  	_ =	swait.ge [sflag:s15], $0x2000  }
0x49: {  	[sflag:s15] =	ssyncset.done $0x0  }
0x4a: {  	[sflag:s15] =	ssyncadd.s32 $0xFFFFE000  }
0x4b: {  	[spmem:s17] =	stream.linear.scatter [tilespmem:s13], [sflag:$0x1A], $0x2000, $0x38;
	[tilespmem:$0x1ED00] =	vst v63  }
0x4c: {  	_ =	swait.ge [sflag:s15], $0x2000  }
0x4d: {  	[sflag:s15] =	ssyncset.done $0x0  }
0x4e: {  	s9 =	rddreg [dreg:$0x1e];
	[sflag:s15] =	ssyncadd.s32 $0xFFFFE000  }
0x4f: {  	[spmem:s9] =	stream.linear.scatter [tilespmem:s13], [sflag:$0x1A], $0x2000, $0x38;
	[tilespmem:$0x1ED00] =	vst v63  }
0x50: {  	_ =	swait.ge [sflag:s15], $0x2000  }
0x51: {  	[sflag:s15] =	ssyncset.done $0x0  }
0x52: {  	s10 =	rddreg [dreg:$0x1f];
	[sflag:s15] =	ssyncadd.s32 $0xFFFFE000  }
0x53: {  	[spmem:s10] =	stream.linear.scatter [tilespmem:s13], [sflag:$0x1A], $0x2000, $0x38;
	[tilespmem:$0x1ED00] =	vst v63  }
0x54: {  	_ =	swait.ge [sflag:s15], $0x2000  }
0x55: {  	s16 =	sld [smem:$0x7E9]  }
0x56: {  	[sflag:s15] =	ssyncset.done $0x0  }
0x57: {  	[sflag:s15] =	ssyncadd.s32 $0xFFFFE000  }
0x58: {  	[spmem:s16] =	stream.linear.scatter [tilespmem:s13], [sflag:$0x1A], $0x2000, $0x38;
	[tilespmem:$0x1ED00] =	vst v63  }
0x59: {  	_ =	swait.ge [sflag:s15], $0x2000  }
0x5a: {  	s17 =	sld [smem:$0x7EA]  }
0x5b: {  	[sflag:s15] =	ssyncset.done $0x0  }
0x5c: {  	[sflag:s15] =	ssyncadd.s32 $0xFFFFE000  }
0x5d: {  	[spmem:s17] =	stream.linear.scatter [tilespmem:s13], [sflag:$0x1A], $0x2000, $0x38;
	[tilespmem:$0x1ED00] =	vst v63  }
0x5e: {  	_ =	swait.ge [sflag:s15], $0x2000  }
0x5f: {  	s18 =	sld [smem:$0x7EB]  }
0x60: {  	[sflag:s15] =	ssyncset.done $0x0  }
0x61: {  	[sflag:s15] =	ssyncadd.s32 $0xFFFFE000  }
0x62: {  	[spmem:s18] =	stream.linear.scatter [tilespmem:s13], [sflag:$0x1A], $0x2000, $0x38;
	[tilespmem:$0x1ED00] =	vst v63  }
0x63: {  	_ =	swait.ge [sflag:s15], $0x2000  }
0x64: {  	s21 =	sld [smem:$0x7EC]  }
0x65: {  	[sflag:s15] =	ssyncset.done $0x0  }
0x66: {  	[sflag:s15] =	ssyncadd.s32 $0xFFFFE000  }
0x67: {  	[spmem:s21] =	stream.linear.scatter [tilespmem:s13], [sflag:$0x1A], $0x2000, $0x38;
	[tilespmem:$0x1ED00] =	vst v63  }
0x68: {  	_ =	swait.ge [sflag:s15], $0x2000  }
0x69: {  	s2 =	sld [smem:$0x7ED]  }
0x6a: {  	[sflag:s15] =	ssyncset.done $0x0  }
0x6b: {  	[sflag:s15] =	ssyncadd.s32 $0xFFFFE000  }
0x6c: {  	[spmem:s2] =	stream.linear.scatter [tilespmem:s13], [sflag:$0x1A], $0x2000, $0x38;
	[tilespmem:$0x1ED00] =	vst v63  }
0x6d: {  	_ =	swait.ge [sflag:s15], $0x2000  }
0x6e: {  	s9 =	sld [smem:$0x7EE]  }
0x6f: {  	[sflag:s15] =	ssyncset.done $0x0  }
0x70: {  	[sflag:s15] =	ssyncadd.s32 $0xFFFFE000  }
0x71: {  	[spmem:s9] =	stream.linear.scatter [tilespmem:s13], [sflag:$0x1A], $0x2000, $0x38;
	[tilespmem:$0x1ED00] =	vst v63  }
0x72: {  	_ =	swait.ge [sflag:s15], $0x2000  }
0x73: {  	s10 =	sld [smem:$0x7EF]  }
0x74: {  	[sflag:s15] =	ssyncset.done $0x0  }
0x75: {  	[sflag:s15] =	ssyncadd.s32 $0xFFFFE000  }
0x76: {  	[spmem:s10] =	stream.linear.scatter [tilespmem:s13], [sflag:$0x1A], $0x2000, $0x38;
	[tilespmem:$0x1ED00] =	vst v63  }
0x77: {  	_ =	swait.ge [sflag:s15], $0x2000  }
0x78: {  	s16 =	stileid.u32;
	s18 =	sld [smem:$0x7F0]  }
0x79: {  	s17 =	sshll.u32 s16, $0x6  }
0x7a: {  	s10 =	sor.u32 $0x1C1A, s17;
	s2 =	rddreg [dreg:$0x1c]  }
0x7b: {  	[sflag:s15] =	ssyncset.done $0x0;
	[smem:$0x7E7] =	sst s10;
	s21 =	sshrl.u32 s18, $0x3  }
0x7c: {  	[sflag:s15] =	ssyncadd.s32 $0xFFFFE000;
	[smem:$0x7E8] =	sst s21  }
0x7d: {  	[spmem:s21], [sflag:s10] =	dma.local [hbm:s2], $0x50  }
0x7e: {  	_ =	swait.ge [sflag:s15], $0x50  }
0x7f: {  	[sflag:s15] =	ssyncset.done $0x0  }
0x80: {  	[sflag:s15] =	ssyncadd.s32 $0xFFFFFFB0  }
0x81: {  	[tilespmem:$0x1EC80] =	vst v0  }
0x82: {  	[tilespmem:$0x1EC90] =	vst v0  }
0x83: {  	[tilespmem:$0x1ECA0] =	vst v0  }
0x84: {  	[tilespmem:$0x1ECB0] =	vst v0  }
0x85: {  	[bflag:$0x0] =	sbarrier.arrive $0xFFFF  }
0x86: {  	s9 =	sld [smem:$0x7FC];
	_ =	sdelay $0x1  }
0x87: {  	s10 =	simm.s32 $0x1E280;
	s15 =	sld [smem:$0x7F2]  }
0x88: {  	[tilespmem:s10], [sflag:$0x10] =	stream.linear.gather [hbm4b:s9+s11], $0x40, $0x38;
	[tilespmem:$0x1ED00] =	vst v63  }
0x89: {  	s16 =	sld [smem:$0x7F3]  }
0x8a: {  	[tilespmem:s20], [sflag:$0x10] =	stream.linear.gather [hbm4b:s15+s11], $0x40, $0x38;
	[tilespmem:$0x1ED00] =	vst v63  }
0x8b: {  	s17 =	sld [smem:$0x7F6];
	s15 =	simm.s32 $0x1E300  }
0x8c: {  	[tilespmem:s15], [sflag:$0x11] =	stream.linear.gather [hbm4b:s16+s11], $0x40, $0x38;
	[tilespmem:$0x1ED00] =	vst v63  }
0x8d: {  	s18 =	sld [smem:$0x7F7]  }
0x8e: {  	[tilespmem:s30], [sflag:$0x11] =	stream.linear.gather [hbm4b:s17+s11], $0x40, $0x38;
	[tilespmem:$0x1ED00] =	vst v63  }
0x8f: {  	s21 =	sld [smem:$0x7F8];
	s17 =	simm.s32 $0x1E380  }
0x90: {  	[tilespmem:s17], [sflag:$0x12] =	stream.linear.gather [hbm4b:s18+s11], $0x40, $0x38;
	[tilespmem:$0x1ED00] =	vst v63  }
0x91: {  	s2 =	sld [smem:$0x7F9]  }
0x92: {  	[tilespmem:s24], [sflag:$0x12] =	stream.linear.gather [hbm4b:s21+s11], $0x40, $0x38;
	[tilespmem:$0x1ED00] =	vst v63  }
0x93: {  	s9 =	sld [smem:$0x7FA];
	s24 =	simm.s32 $0x1E400  }
0x94: {  	[tilespmem:s24], [sflag:$0x13] =	stream.linear.gather [hbm4b:s2+s11], $0x40, $0x38;
	[tilespmem:$0x1ED00] =	vst v63  }
0x95: {  	s16 =	sld [smem:$0x7FB]  }
0x96: {  	[tilespmem:s26], [sflag:$0x13] =	stream.linear.gather [hbm4b:s9+s11], $0x40, $0x38;
	[tilespmem:$0x1ED00] =	vst v63  }
0x97: {  	s18 =	sld [smem:$0x7FD];
	s9 =	simm.s32 $0x1E480  }
0x98: {  	[tilespmem:s9], [sflag:$0x14] =	stream.linear.gather [hbm4b:s16+s11], $0x40, $0x38;
	[tilespmem:$0x1ED00] =	vst v63  }
0x99: {  	s21 =	simm.s32 $0x1E980;
	s2 =	simm.s32 $0x10  }
0x9a: {  	[tilespmem:s21], [sflag:$0x14] =	stream.linear.gather [hbm4b:s18+s11], $0x40, $0x38;
	[tilespmem:$0x1ED00] =	vst v63  }
0x9b: {  	_ =	swait.ge [sflag:s2], $0x40  }
0x9c: {  	[sflag:s2] =	ssyncset.done $0x0  }
0x9d: {  	[sflag:s2] =	ssyncadd.s32 $0xFFFFFFC0  }
0x9e: {  	_ =	swait.ge [sflag:s2], $0x40  }
0x9f: {  	[sflag:s2] =	ssyncset.done $0x0  }
0xa0: {  	s11 =	simm.s32 $0x11;
	[sflag:s2] =	ssyncadd.s32 $0xFFFFFFC0  }
0xa1: {  	[tilespmem:s13], [sflag:$0x1] =	stream.indirect.gather [hbm4b:s1+s22], $0x80, s10, s22, $0xb8;
	[tilespmem:$0x1ED00] =	vst v63  }
0xa2: {  	_ =	swait.ge [sflag:s11], $0x40  }
0xa3: {  	[sflag:s11] =	ssyncset.done $0x0  }
0xa4: {  	[sflag:s11] =	ssyncadd.s32 $0xFFFFFFC0  }
0xa5: {  	_ =	swait.ge [sflag:s11], $0x40  }
0xa6: {  	[sflag:s11] =	ssyncset.done $0x0  }
0xa7: {  	s16 =	simm.s32 $0x12;
	s13 =	simm.s32 $0x16280;
	[sflag:s11] =	ssyncadd.s32 $0xFFFFFFC0  }
0xa8: {  	[tilespmem:s13], [sflag:$0x2] =	stream.indirect.gather [hbm4b:s1+s22], $0x80, s15, s22, $0xb8;
	[tilespmem:$0x1ED00] =	vst v63  }
0xa9: {  	_ =	swait.ge [sflag:s16], $0x40  }
0xaa: {  	[sflag:s16] =	ssyncset.done $0x0  }
0xab: {  	[sflag:s16] =	ssyncadd.s32 $0xFFFFFFC0  }
0xac: {  	_ =	swait.ge [sflag:s16], $0x40  }
0xad: {  	[sflag:s16] =	ssyncset.done $0x0  }
0xae: {  	s18 =	simm.s32 $0x18280;
	s21 =	simm.s32 $0x13;
	[sflag:s16] =	ssyncadd.s32 $0xFFFFFFC0  }
0xaf: {  	[tilespmem:s18], [sflag:$0x3] =	stream.indirect.gather [hbm4b:s1+s22], $0x80, s17, s22, $0xb8;
	[tilespmem:$0x1ED00] =	vst v63  }
0xb0: {  	_ =	swait.ge [sflag:s21], $0x40  }
0xb1: {  	[sflag:s21] =	ssyncset.done $0x0  }
0xb2: {  	[sflag:s21] =	ssyncadd.s32 $0xFFFFFFC0  }
0xb3: {  	_ =	swait.ge [sflag:s21], $0x40  }
0xb4: {  	[sflag:s21] =	ssyncset.done $0x0  }
0xb5: {  	s2 =	simm.s32 $0x1A280;
	[sflag:s21] =	ssyncadd.s32 $0xFFFFFFC0  }
0xb6: {  	[tilespmem:s2], [sflag:$0x4] =	stream.indirect.gather [hbm4b:s1+s22], $0x80, s24, s22, $0xb8;
	[tilespmem:$0x1ED00] =	vst v63  }
0xb7: {  	s24 =	simm.s32 $0x14  }
0xb8: {  	_ =	swait.ge [sflag:s24], $0x40  }
0xb9: {  	[sflag:s24] =	ssyncset.done $0x0  }
0xba: {  	[sflag:s24] =	ssyncadd.s32 $0xFFFFFFC0  }
0xbb: {  	_ =	swait.ge [sflag:s24], $0x40  }
0xbc: {  	[sflag:s24] =	ssyncset.done $0x0  }
0xbd: {  	s26 =	simm.s32 $0x1C280;
	[sflag:s24] =	ssyncadd.s32 $0xFFFFFFC0  }
0xbe: {  	[tilespmem:s26], [sflag:$0x5] =	stream.indirect.gather [hbm4b:s1+s22], $0x80, s9, s22, $0xb8;
	[tilespmem:$0x1ED00] =	vst v63  }
0xbf: {  	s24 =	simm.s32 $0xE;
	s26 =	simm.s32 $0x0  }
.LBB2_2:
0xc0: {  	_ =	swait.ge [sflag:s12], $0x2000  }
0xc1: {  	s9 =	simm.s32 $0x14280;
	[sflag:s12] =	ssyncset.done $0x0  }
0xc2: {  	s11 =	sadd.s32 $0xFFFFFFF7, s24;
	s10 =	rddreg [dreg:$0x19];
	[sflag:s12] =	ssyncadd.s32 $0xFFFFE000  }
0xc3: {  	[spmem:s3] =	stream.indirect.scatter.add.f32 [tilespmem:s9], [sflag:$0x6], $0x80, s20, s22, $0xb8;
	[tilespmem:$0x1ED00] =	vst v63  }
0xc4: {  	p0 =	sge.u32 s11, s8;
	s11 =	rddreg [dreg:$0x1a]  }
0xc5: {  	[spmem:s4] =	stream.indirect.scatter.add.f32 [tilespmem:s31], [sflag:$0xB], $0x1, s20, s22, $0xb8;
	[tilespmem:$0x1ED00] =	vst v63  }
0xc6: {  	s13 =	sadd.s32 @!p0 s26, s10;
	s15 =	simm.s32 @!p0 $0x0;
	s10 =	simm.s32 @!p0 $0x1E500  }
0xc7: {  	[tilespmem:s10], [sflag:$0x15] =	stream.linear.gather @!p0 [hbm4b:s13+s15], $0x40, $0x38;
	[tilespmem:$0x1ED00] =	vst v63  }
0xc8: {  	s11 =	sadd.s32 @!p0 s26, s11;
	s13 =	simm.s32 @!p0 $0x1EA00  }
0xc9: {  	[tilespmem:s13], [sflag:$0x15] =	stream.linear.gather @!p0 [hbm4b:s11+s15], $0x40, $0x38;
	[tilespmem:$0x1ED00] =	vst v63  }
0xca: {  	_ =	swait.ge [sflag:s0], $0x2000  }
0xcb: {  	s17 =	sadd.s32 $0xFFFFFFF8, s24;
	[sflag:s0] =	ssyncset.done $0x0  }
0xcc: {  	p1 =	sge.u32 s17, s8;
	s12 =	simm.s32 $0x16280;
	[sflag:s0] =	ssyncadd.s32 $0xFFFFE000  }
0xcd: {  	[spmem:s3] =	stream.indirect.scatter.add.f32 [tilespmem:s12], [sflag:$0x7], $0x80, s30, s22, $0xb8;
	[tilespmem:$0x1ED00] =	vst v63  }
0xce: {  	s15 =	simm.s32 @!p1 $0x0;
	s11 =	rddreg [dreg:$0x17]  }
0xcf: {  	[spmem:s4] =	stream.indirect.scatter.add.f32 [tilespmem:s31], [sflag:$0xC], $0x1, s30, s22, $0xb8;
	[tilespmem:$0x1ED00] =	vst v63  }
0xd0: {  	s13 =	rddreg [dreg:$0x18];
	s11 =	sadd.s32 @!p1 s26, s11;
	s30 =	simm.s32 @!p1 $0x1E580  }
0xd1: {  	[tilespmem:s30], [sflag:$0x16] =	stream.linear.gather @!p1 [hbm4b:s11+s15], $0x40, $0x38;
	[tilespmem:$0x1ED00] =	vst v63  }
0xd2: {  	s11 =	sadd.s32 @!p1 s26, s13;
	s13 =	simm.s32 @!p1 $0x1EA80  }
0xd3: {  	[tilespmem:s13], [sflag:$0x16] =	stream.linear.gather @!p1 [hbm4b:s11+s15], $0x40, $0x38;
	[tilespmem:$0x1ED00] =	vst v63  }
0xd4: {  	_ =	swait.ge [sflag:s14], $0x2000  }
0xd5: {  	s18 =	simm.s32 $0x1E880;
	s20 =	sadd.s32 $0xFFFFFFF9, s24;
	[sflag:s14] =	ssyncset.done $0x0  }
0xd6: {  	p2 =	sge.u32 s20, s8;
	[sflag:s14] =	ssyncadd.s32 $0xFFFFE000;
	s14 =	simm.s32 $0x18280  }
0xd7: {  	[spmem:s3] =	stream.indirect.scatter.add.f32 [tilespmem:s14], [sflag:$0x8], $0x80, s18, s22, $0xb8;
	[tilespmem:$0x1ED00] =	vst v63  }
0xd8: {  	s17 =	simm.s32 @!p2 $0x0;
	s11 =	rddreg [dreg:$0x15]  }
0xd9: {  	[spmem:s4] =	stream.indirect.scatter.add.f32 [tilespmem:s31], [sflag:$0xD], $0x1, s18, s22, $0xb8;
	[tilespmem:$0x1ED00] =	vst v63  }
0xda: {  	s13 =	rddreg [dreg:$0x16];
	s15 =	sadd.s32 @!p2 s26, s11;
	s11 =	simm.s32 @!p2 $0x1E600  }
0xdb: {  	[tilespmem:s11], [sflag:$0x17] =	stream.linear.gather @!p2 [hbm4b:s15+s17], $0x40, $0x38;
	[tilespmem:$0x1ED00] =	vst v63  }
0xdc: {  	s6 =	simm.s32 $0x4;
	s13 =	sadd.s32 @!p2 s26, s13;
	s15 =	simm.s32 @!p2 $0x1EB00  }
0xdd: {  	[tilespmem:s15], [sflag:$0x17] =	stream.linear.gather @!p2 [hbm4b:s13+s17], $0x40, $0x38;
	[tilespmem:$0x1ED00] =	vst v63  }
0xde: {  	_ =	swait.ge [sflag:s6], $0x2000  }
0xdf: {  	s16 =	simm.s32 $0x1A280;
	s17 =	sadd.s32 $0xFFFFFFFA, s24;
	[sflag:s6] =	ssyncset.done $0x0  }
0xe0: {  	s15 =	simm.s32 $0x1E900;
	p3 =	sge.u32 s17, s8;
	[sflag:s6] =	ssyncadd.s32 $0xFFFFE000  }
0xe1: {  	[spmem:s3] =	stream.indirect.scatter.add.f32 [tilespmem:s16], [sflag:$0x9], $0x80, s15, s22, $0xb8;
	[tilespmem:$0x1ED00] =	vst v63  }
0xe2: {  	s13 =	rddreg [dreg:$0x13];
	s20 =	simm.s32 @!p3 $0x0  }
0xe3: {  	[spmem:s4] =	stream.indirect.scatter.add.f32 [tilespmem:s31], [sflag:$0xE], $0x1, s15, s22, $0xb8;
	[tilespmem:$0x1ED00] =	vst v63  }
0xe4: {  	s17 =	sadd.s32 @!p3 s26, s13;
	s13 =	simm.s32 @!p3 $0x1E680;
	s15 =	rddreg [dreg:$0x14]  }
0xe5: {  	[tilespmem:s13], [sflag:$0x18] =	stream.linear.gather @!p3 [hbm4b:s17+s20], $0x40, $0x38;
	[tilespmem:$0x1ED00] =	vst v63  }
0xe6: {  	s6 =	simm.s32 $0x5;
	s15 =	sadd.s32 @!p3 s26, s15;
	s17 =	simm.s32 @!p3 $0x1EB80  }
0xe7: {  	[tilespmem:s17], [sflag:$0x18] =	stream.linear.gather @!p3 [hbm4b:s15+s20], $0x40, $0x38;
	[tilespmem:$0x1ED00] =	vst v63  }
0xe8: {  	_ =	swait.ge [sflag:s6], $0x2000  }
0xe9: {  	s20 =	simm.s32 $0x1E980;
	[sflag:s6] =	ssyncset.done $0x0  }
0xea: {  	s15 =	rddreg [dreg:$0x11];
	[sflag:s6] =	ssyncadd.s32 $0xFFFFE000;
	s6 =	sadd.s32 $0xFFFFFFFB, s24  }
0xeb: {  	[spmem:s3] =	stream.indirect.scatter.add.f32 [tilespmem:s19], [sflag:$0xA], $0x80, s20, s22, $0xb8;
	[tilespmem:$0x1ED00] =	vst v63  }
0xec: {  	s17 =	rddreg [dreg:$0x12];
	p4 =	sge.u32 s6, s8  }
0xed: {  	[spmem:s4] =	stream.indirect.scatter.add.f32 [tilespmem:s31], [sflag:$0xF], $0x1, s20, s22, $0xb8;
	[tilespmem:$0x1ED00] =	vst v63  }
0xee: {  	s6 =	simm.s32 @!p4 $0x0;
	s20 =	sadd.s32 @!p4 s26, s15;
	s15 =	simm.s32 @!p4 $0x1E700  }
0xef: {  	[tilespmem:s15], [sflag:$0x19] =	stream.linear.gather @!p4 [hbm4b:s20+s6], $0x40, $0x38;
	[tilespmem:$0x1ED00] =	vst v63  }
0xf0: {  	s18 =	simm.s32 $0x6;
	s17 =	sadd.s32 @!p4 s26, s17;
	s20 =	simm.s32 @!p4 $0x1EC00  }
0xf1: {  	[tilespmem:s20], [sflag:$0x19] =	stream.linear.gather @!p4 [hbm4b:s17+s6], $0x40, $0x38;
	[tilespmem:$0x1ED00] =	vst v63  }
0xf2: {  	_ =	swait.ge [sflag:s18], $0x2000  }
0xf3: {  	[sflag:s18] =	ssyncset.done $0x0  }
0xf4: {  	[sflag:s18] =	ssyncadd.s32 $0xFFFFE000;
	s18 =	simm.s32 $0xB  }
0xf5: {  	_ =	swait.ge [sflag:s18], $0x40  }
0xf6: {  	[sflag:s18] =	ssyncset.done $0x0  }
0xf7: {  	s6 =	simm.s32 @!p0 $0x15;
	[sflag:s18] =	ssyncadd.s32 $0xFFFFFFC0  }
0xf8: {  	_ =	swait.ge @!p0 [sflag:s6], $0x40  }
0xf9: {  	[sflag:s6] =	ssyncset.done @!p0 $0x0  }
0xfa: {  	[sflag:s6] =	ssyncadd.s32 @!p0 $0xFFFFFFC0  }
0xfb: {  	_ =	swait.ge @!p0 [sflag:s6], $0x40  }
0xfc: {  	s21 =	simm.s32 $0x7;
	[sflag:s6] =	ssyncset.done @!p0 $0x0  }
0xfd: {  	s17 =	simm.s32 @!p0 $0x14280;
	[sflag:s6] =	ssyncadd.s32 @!p0 $0xFFFFFFC0;
	s6 =	simm.s32 @!p0 $0x40  }
0xfe: {  	[tilespmem:s17], [sflag:$0x1] =	stream.indirect.gather @!p0 [hbm4b:s1+s6], $0x80, s10, s6, $0xb8;
	[tilespmem:$0x1ED00] =	vst v63  }
0xff: {  	_ =	swait.ge [sflag:s21], $0x2000  }
0x100: {  	[sflag:s21] =	ssyncset.done $0x0  }
0x101: {  	[sflag:s21] =	ssyncadd.s32 $0xFFFFE000;
	s21 =	simm.s32 $0xC  }
0x102: {  	_ =	swait.ge [sflag:s21], $0x40  }
0x103: {  	[sflag:s21] =	ssyncset.done $0x0  }
0x104: {  	s6 =	simm.s32 @!p1 $0x16;
	[sflag:s21] =	ssyncadd.s32 $0xFFFFFFC0  }
0x105: {  	_ =	swait.ge @!p1 [sflag:s6], $0x40  }
0x106: {  	[sflag:s6] =	ssyncset.done @!p1 $0x0  }
0x107: {  	[sflag:s6] =	ssyncadd.s32 @!p1 $0xFFFFFFC0  }
0x108: {  	_ =	swait.ge @!p1 [sflag:s6], $0x40  }
0x109: {  	[sflag:s6] =	ssyncset.done @!p1 $0x0  }
0x10a: {  	s10 =	simm.s32 @!p1 $0x16280;
	[sflag:s6] =	ssyncadd.s32 @!p1 $0xFFFFFFC0;
	s6 =	simm.s32 @!p1 $0x40  }
0x10b: {  	[tilespmem:s10], [sflag:$0x2] =	stream.indirect.gather @!p1 [hbm4b:s1+s6], $0x80, s30, s6, $0xb8;
	[tilespmem:$0x1ED00] =	vst v63  }
0x10c: {  	_ =	swait.ge [sflag:s23], $0x2000  }
0x10d: {  	[sflag:s23] =	ssyncset.done $0x0  }
0x10e: {  	[sflag:s23] =	ssyncadd.s32 $0xFFFFE000  }
0x10f: {  	_ =	swait.ge [sflag:s25], $0x40  }
0x110: {  	[sflag:s25] =	ssyncset.done $0x0  }
0x111: {  	s6 =	simm.s32 @!p2 $0x17;
	[sflag:s25] =	ssyncadd.s32 $0xFFFFFFC0  }
0x112: {  	_ =	swait.ge @!p2 [sflag:s6], $0x40  }
0x113: {  	[sflag:s6] =	ssyncset.done @!p2 $0x0  }
0x114: {  	[sflag:s6] =	ssyncadd.s32 @!p2 $0xFFFFFFC0  }
0x115: {  	_ =	swait.ge @!p2 [sflag:s6], $0x40  }
0x116: {  	[sflag:s6] =	ssyncset.done @!p2 $0x0  }
0x117: {  	s10 =	simm.s32 @!p2 $0x18280;
	[sflag:s6] =	ssyncadd.s32 @!p2 $0xFFFFFFC0;
	s6 =	simm.s32 @!p2 $0x40  }
0x118: {  	[tilespmem:s10], [sflag:$0x3] =	stream.indirect.gather @!p2 [hbm4b:s1+s6], $0x80, s11, s6, $0xb8;
	[tilespmem:$0x1ED00] =	vst v63  }
0x119: {  	_ =	swait.ge [sflag:s28], $0x2000  }
0x11a: {  	[sflag:s28] =	ssyncset.done $0x0  }
0x11b: {  	[sflag:s28] =	ssyncadd.s32 $0xFFFFE000  }
0x11c: {  	_ =	swait.ge [sflag:s29], $0x40  }
0x11d: {  	[sflag:s29] =	ssyncset.done $0x0  }
0x11e: {  	s6 =	simm.s32 @!p3 $0x18;
	[sflag:s29] =	ssyncadd.s32 $0xFFFFFFC0  }
0x11f: {  	_ =	swait.ge @!p3 [sflag:s6], $0x40  }
0x120: {  	[sflag:s6] =	ssyncset.done @!p3 $0x0  }
0x121: {  	[sflag:s6] =	ssyncadd.s32 @!p3 $0xFFFFFFC0  }
0x122: {  	_ =	swait.ge @!p3 [sflag:s6], $0x40  }
0x123: {  	[sflag:s6] =	ssyncset.done @!p3 $0x0  }
0x124: {  	s10 =	simm.s32 @!p3 $0x1A280;
	[sflag:s6] =	ssyncadd.s32 @!p3 $0xFFFFFFC0;
	s6 =	simm.s32 @!p3 $0x40  }
0x125: {  	[tilespmem:s10], [sflag:$0x4] =	stream.indirect.gather @!p3 [hbm4b:s1+s6], $0x80, s13, s6, $0xb8;
	[tilespmem:$0x1ED00] =	vst v63  }
0x126: {  	_ =	swait.ge [sflag:s5], $0x2000  }
0x127: {  	[sflag:s5] =	ssyncset.done $0x0  }
0x128: {  	[sflag:s5] =	ssyncadd.s32 $0xFFFFE000  }
0x129: {  	_ =	swait.ge [sflag:s7], $0x40  }
0x12a: {  	[sflag:s7] =	ssyncset.done $0x0  }
0x12b: {  	s6 =	simm.s32 @!p4 $0x19;
	[sflag:s7] =	ssyncadd.s32 $0xFFFFFFC0  }
0x12c: {  	_ =	swait.ge @!p4 [sflag:s6], $0x40  }
0x12d: {  	[sflag:s6] =	ssyncset.done @!p4 $0x0  }
0x12e: {  	[sflag:s6] =	ssyncadd.s32 @!p4 $0xFFFFFFC0  }
0x12f: {  	_ =	swait.ge @!p4 [sflag:s6], $0x40  }
0x130: {  	s0 =	simm.s32 $0x1;
	[sflag:s6] =	ssyncset.done @!p4 $0x0  }
0x131: {  	s10 =	simm.s32 @!p4 $0x1C280;
	[sflag:s6] =	ssyncadd.s32 @!p4 $0xFFFFFFC0;
	s6 =	simm.s32 @!p4 $0x40  }
0x132: {  	[tilespmem:s10], [sflag:$0x5] =	stream.indirect.gather @!p4 [hbm4b:s1+s6], $0x80, s15, s6, $0xb8;
	[tilespmem:$0x1ED00] =	vst v63  }
0x133: {  	_ =	swait.ge [sflag:s0], $0x2000  }
0x134: {  	s13 =	sadd.s32 $0xFFFFFFFC, s24;
	[sflag:s0] =	ssyncset.done $0x0  }
0x135: {  	s11 =	simm.s32 $0x1EA00;
	p1 =	sge.u32 s13, s8;
	[sflag:s0] =	ssyncadd.s32 $0xFFFFE000  }
0x136: {  	[spmem:s3] =	stream.indirect.scatter.add.f32 [tilespmem:s9], [sflag:$0x6], $0x80, s11, s22, $0xb8;
	[tilespmem:$0x1ED00] =	vst v63  }
0x137: {  	s13 =	simm.s32 @!p1 $0x0;
	s6 =	rddreg [dreg:$0xf]  }
0x138: {  	[spmem:s4] =	stream.indirect.scatter.add.f32 [tilespmem:s31], [sflag:$0xB], $0x1, s11, s22, $0xb8;
	[tilespmem:$0x1ED00] =	vst v63  }
0x139: {  	s10 =	rddreg [dreg:$0x10];
	s6 =	sadd.s32 @!p1 s26, s6;
	s11 =	simm.s32 @!p1 $0x1E280  }
0x13a: {  	[tilespmem:s11], [sflag:$0x10] =	stream.linear.gather @!p1 [hbm4b:s6+s13], $0x40, $0x38;
	[tilespmem:$0x1ED00] =	vst v63  }
0x13b: {  	s0 =	simm.s32 $0x2;
	s6 =	sadd.s32 @!p1 s26, s10;
	s10 =	simm.s32 @!p1 $0x1E780  }
0x13c: {  	[tilespmem:s10], [sflag:$0x10] =	stream.linear.gather @!p1 [hbm4b:s6+s13], $0x40, $0x38;
	[tilespmem:$0x1ED00] =	vst v63  }
0x13d: {  	_ =	swait.ge [sflag:s0], $0x2000  }
0x13e: {  	s17 =	sadd.s32 $0xFFFFFFFD, s24;
	[sflag:s0] =	ssyncset.done $0x0  }
0x13f: {  	p2 =	sge.u32 s17, s8;
	s15 =	simm.s32 $0x1EA80;
	[sflag:s0] =	ssyncadd.s32 $0xFFFFE000  }
0x140: {  	[spmem:s3] =	stream.indirect.scatter.add.f32 [tilespmem:s12], [sflag:$0x7], $0x80, s15, s22, $0xb8;
	[tilespmem:$0x1ED00] =	vst v63  }
0x141: {  	s13 =	simm.s32 @!p2 $0x1E300;
	s6 =	rddreg [dreg:$0xd]  }
0x142: {  	[spmem:s4] =	stream.indirect.scatter.add.f32 [tilespmem:s31], [sflag:$0xC], $0x1, s15, s22, $0xb8;
	[tilespmem:$0x1ED00] =	vst v63  }
0x143: {  	s10 =	rddreg [dreg:$0xe];
	s6 =	sadd.s32 @!p2 s26, s6;
	s15 =	simm.s32 @!p2 $0x0  }
0x144: {  	[tilespmem:s13], [sflag:$0x11] =	stream.linear.gather @!p2 [hbm4b:s6+s15], $0x40, $0x38;
	[tilespmem:$0x1ED00] =	vst v63  }
0x145: {  	s2 =	simm.s32 $0x3;
	s6 =	sadd.s32 @!p2 s26, s10;
	s10 =	simm.s32 @!p2 $0x1E800  }
0x146: {  	[tilespmem:s10], [sflag:$0x11] =	stream.linear.gather @!p2 [hbm4b:s6+s15], $0x40, $0x38;
	[tilespmem:$0x1ED00] =	vst v63  }
0x147: {  	_ =	swait.ge [sflag:s2], $0x2000  }
0x148: {  	s15 =	sadd.s32 $0xFFFFFFFE, s24;
	[sflag:s2] =	ssyncset.done $0x0  }
0x149: {  	s10 =	simm.s32 $0x1EB00;
	p3 =	sge.u32 s15, s8;
	[sflag:s2] =	ssyncadd.s32 $0xFFFFE000  }
0x14a: {  	[spmem:s3] =	stream.indirect.scatter.add.f32 [tilespmem:s14], [sflag:$0x8], $0x80, s10, s22, $0xb8;
	[tilespmem:$0x1ED00] =	vst v63  }
0x14b: {  	s6 =	rddreg [dreg:$0xb];
	s17 =	simm.s32 @!p3 $0x0  }
0x14c: {  	[spmem:s4] =	stream.indirect.scatter.add.f32 [tilespmem:s31], [sflag:$0xD], $0x1, s10, s22, $0xb8;
	[tilespmem:$0x1ED00] =	vst v63  }
0x14d: {  	s15 =	simm.s32 @!p3 $0x1E380;
	s6 =	sadd.s32 @!p3 s26, s6;
	s10 =	rddreg [dreg:$0xc]  }
0x14e: {  	[tilespmem:s15], [sflag:$0x12] =	stream.linear.gather @!p3 [hbm4b:s6+s17], $0x40, $0x38;
	[tilespmem:$0x1ED00] =	vst v63  }
0x14f: {  	s20 =	simm.s32 $0x4;
	s6 =	sadd.s32 @!p3 s26, s10;
	s10 =	simm.s32 @!p3 $0x1E880  }
0x150: {  	[tilespmem:s10], [sflag:$0x12] =	stream.linear.gather @!p3 [hbm4b:s6+s17], $0x40, $0x38;
	[tilespmem:$0x1ED00] =	vst v63  }
0x151: {  	_ =	swait.ge [sflag:s20], $0x2000  }
0x152: {  	[sflag:s20] =	ssyncset.done $0x0  }
0x153: {  	s17 =	simm.s32 $0x1EB80;
	[sflag:s20] =	ssyncadd.s32 $0xFFFFE000  }
0x154: {  	[spmem:s3] =	stream.indirect.scatter.add.f32 [tilespmem:s16], [sflag:$0x9], $0x80, s17, s22, $0xb8;
	[tilespmem:$0x1ED00] =	vst v63  }
0x155: {  	_ = 	snop  }
0x156: {  	[spmem:s4] =	stream.indirect.scatter.add.f32 [tilespmem:s31], [sflag:$0xE], $0x1, s17, s22, $0xb8;
	[tilespmem:$0x1ED00] =	vst v63  }
0x157: {  	s6 =	rddreg [dreg:$0x9];
	s17 =	sadd.s32 $0xFFFFFFFF, s24  }
0x158: {  	s10 =	rddreg [dreg:$0xa];
	p4 =	sge.u32 s17, s8  }
0x159: {  	s6 =	sadd.s32 @!p4 s26, s6;
	s17 =	simm.s32 @!p4 $0x0;
	s30 =	simm.s32 @!p4 $0x1E400  }
0x15a: {  	[tilespmem:s30], [sflag:$0x13] =	stream.linear.gather @!p4 [hbm4b:s6+s17], $0x40, $0x38;
	[tilespmem:$0x1ED00] =	vst v63  }
0x15b: {  	s20 =	simm.s32 $0x5;
	s6 =	sadd.s32 @!p4 s26, s10;
	s10 =	simm.s32 @!p4 $0x1E900  }
0x15c: {  	[tilespmem:s10], [sflag:$0x13] =	stream.linear.gather @!p4 [hbm4b:s6+s17], $0x40, $0x38;
	[tilespmem:$0x1ED00] =	vst v63  }
0x15d: {  	_ =	swait.ge [sflag:s20], $0x2000  }
0x15e: {  	[sflag:s20] =	ssyncset.done $0x0  }
0x15f: {  	p0 =	sge.u32 s24, s8;
	[sflag:s20] =	ssyncadd.s32 $0xFFFFE000;
	s20 =	simm.s32 $0x1EC00  }
0x160: {  	[spmem:s3] =	stream.indirect.scatter.add.f32 [tilespmem:s19], [sflag:$0xA], $0x80, s20, s22, $0xb8;
	[tilespmem:$0x1ED00] =	vst v63  }
0x161: {  	s10 =	simm.s32 @!p0 $0x1E480;
	s6 =	rddreg [dreg:$0x7]  }
0x162: {  	[spmem:s4] =	stream.indirect.scatter.add.f32 [tilespmem:s31], [sflag:$0xF], $0x1, s20, s22, $0xb8;
	[tilespmem:$0x1ED00] =	vst v63  }
0x163: {  	s17 =	rddreg [dreg:$0x8];
	s6 =	sadd.s32 @!p0 s26, s6;
	s20 =	simm.s32 @!p0 $0x0  }
0x164: {  	[tilespmem:s10], [sflag:$0x14] =	stream.linear.gather @!p0 [hbm4b:s6+s20], $0x40, $0x38;
	[tilespmem:$0x1ED00] =	vst v63  }
0x165: {  	s16 =	simm.s32 $0x6;
	s6 =	sadd.s32 @!p0 s26, s17;
	s17 =	simm.s32 @!p0 $0x1E980  }
0x166: {  	[tilespmem:s17], [sflag:$0x14] =	stream.linear.gather @!p0 [hbm4b:s6+s20], $0x40, $0x38;
	[tilespmem:$0x1ED00] =	vst v63  }
0x167: {  	_ =	swait.ge [sflag:s16], $0x2000  }
0x168: {  	[sflag:s16] =	ssyncset.done $0x0  }
0x169: {  	[sflag:s16] =	ssyncadd.s32 $0xFFFFE000  }
0x16a: {  	_ =	swait.ge [sflag:s18], $0x40  }
0x16b: {  	[sflag:s18] =	ssyncset.done $0x0  }
0x16c: {  	s6 =	simm.s32 @!p1 $0x10;
	[sflag:s18] =	ssyncadd.s32 $0xFFFFFFC0  }
0x16d: {  	_ =	swait.ge @!p1 [sflag:s6], $0x40  }
0x16e: {  	[sflag:s6] =	ssyncset.done @!p1 $0x0  }
0x16f: {  	[sflag:s6] =	ssyncadd.s32 @!p1 $0xFFFFFFC0  }
0x170: {  	_ =	swait.ge @!p1 [sflag:s6], $0x40  }
0x171: {  	s9 =	simm.s32 $0x7;
	[sflag:s6] =	ssyncset.done @!p1 $0x0  }
0x172: {  	s17 =	simm.s32 @!p1 $0x14280;
	[sflag:s6] =	ssyncadd.s32 @!p1 $0xFFFFFFC0;
	s6 =	simm.s32 @!p1 $0x40  }
0x173: {  	[tilespmem:s17], [sflag:$0x1] =	stream.indirect.gather @!p1 [hbm4b:s1+s6], $0x80, s11, s6, $0xb8;
	[tilespmem:$0x1ED00] =	vst v63  }
0x174: {  	_ =	swait.ge [sflag:s9], $0x2000  }
0x175: {  	[sflag:s9] =	ssyncset.done $0x0  }
0x176: {  	[sflag:s9] =	ssyncadd.s32 $0xFFFFE000  }
0x177: {  	_ =	swait.ge [sflag:s21], $0x40  }
0x178: {  	[sflag:s21] =	ssyncset.done $0x0  }
0x179: {  	s6 =	simm.s32 @!p2 $0x11;
	[sflag:s21] =	ssyncadd.s32 $0xFFFFFFC0  }
0x17a: {  	_ =	swait.ge @!p2 [sflag:s6], $0x40  }
0x17b: {  	[sflag:s6] =	ssyncset.done @!p2 $0x0  }
0x17c: {  	[sflag:s6] =	ssyncadd.s32 @!p2 $0xFFFFFFC0  }
0x17d: {  	_ =	swait.ge @!p2 [sflag:s6], $0x40  }
0x17e: {  	[sflag:s6] =	ssyncset.done @!p2 $0x0  }
0x17f: {  	s11 =	simm.s32 @!p2 $0x16280;
	[sflag:s6] =	ssyncadd.s32 @!p2 $0xFFFFFFC0;
	s6 =	simm.s32 @!p2 $0x40  }
0x180: {  	[tilespmem:s11], [sflag:$0x2] =	stream.indirect.gather @!p2 [hbm4b:s1+s6], $0x80, s13, s6, $0xb8;
	[tilespmem:$0x1ED00] =	vst v63  }
0x181: {  	_ =	swait.ge [sflag:s23], $0x2000  }
0x182: {  	[sflag:s23] =	ssyncset.done $0x0  }
0x183: {  	[sflag:s23] =	ssyncadd.s32 $0xFFFFE000  }
0x184: {  	_ =	swait.ge [sflag:s25], $0x40  }
0x185: {  	[sflag:s25] =	ssyncset.done $0x0  }
0x186: {  	s6 =	simm.s32 @!p3 $0x12;
	[sflag:s25] =	ssyncadd.s32 $0xFFFFFFC0  }
0x187: {  	_ =	swait.ge @!p3 [sflag:s6], $0x40  }
0x188: {  	[sflag:s6] =	ssyncset.done @!p3 $0x0  }
0x189: {  	[sflag:s6] =	ssyncadd.s32 @!p3 $0xFFFFFFC0  }
0x18a: {  	_ =	swait.ge @!p3 [sflag:s6], $0x40  }
0x18b: {  	[sflag:s6] =	ssyncset.done @!p3 $0x0  }
0x18c: {  	s11 =	simm.s32 @!p3 $0x18280;
	[sflag:s6] =	ssyncadd.s32 @!p3 $0xFFFFFFC0;
	s6 =	simm.s32 @!p3 $0x40  }
0x18d: {  	[tilespmem:s11], [sflag:$0x3] =	stream.indirect.gather @!p3 [hbm4b:s1+s6], $0x80, s15, s6, $0xb8;
	[tilespmem:$0x1ED00] =	vst v63  }
0x18e: {  	_ =	swait.ge [sflag:s28], $0x2000  }
0x18f: {  	[sflag:s28] =	ssyncset.done $0x0  }
0x190: {  	[sflag:s28] =	ssyncadd.s32 $0xFFFFE000  }
0x191: {  	_ =	swait.ge [sflag:s29], $0x40  }
0x192: {  	[sflag:s29] =	ssyncset.done $0x0  }
0x193: {  	s6 =	simm.s32 @!p4 $0x13;
	[sflag:s29] =	ssyncadd.s32 $0xFFFFFFC0  }
0x194: {  	_ =	swait.ge @!p4 [sflag:s6], $0x40  }
0x195: {  	[sflag:s6] =	ssyncset.done @!p4 $0x0  }
0x196: {  	[sflag:s6] =	ssyncadd.s32 @!p4 $0xFFFFFFC0  }
0x197: {  	_ =	swait.ge @!p4 [sflag:s6], $0x40  }
0x198: {  	[sflag:s6] =	ssyncset.done @!p4 $0x0  }
0x199: {  	s11 =	simm.s32 @!p4 $0x1A280;
	[sflag:s6] =	ssyncadd.s32 @!p4 $0xFFFFFFC0;
	s6 =	simm.s32 @!p4 $0x40  }
0x19a: {  	[tilespmem:s11], [sflag:$0x4] =	stream.indirect.gather @!p4 [hbm4b:s1+s6], $0x80, s30, s6, $0xb8;
	[tilespmem:$0x1ED00] =	vst v63  }
0x19b: {  	_ =	swait.ge [sflag:s5], $0x2000  }
0x19c: {  	[sflag:s5] =	ssyncset.done $0x0  }
0x19d: {  	[sflag:s5] =	ssyncadd.s32 $0xFFFFE000  }
0x19e: {  	_ =	swait.ge [sflag:s7], $0x40  }
0x19f: {  	[sflag:s7] =	ssyncset.done $0x0  }
0x1a0: {  	s6 =	simm.s32 @!p0 $0x14;
	[sflag:s7] =	ssyncadd.s32 $0xFFFFFFC0  }
0x1a1: {  	_ =	swait.ge @!p0 [sflag:s6], $0x40  }
0x1a2: {  	[sflag:s6] =	ssyncset.done @!p0 $0x0  }
0x1a3: {  	[sflag:s6] =	ssyncadd.s32 @!p0 $0xFFFFFFC0  }
0x1a4: {  	_ =	swait.ge @!p0 [sflag:s6], $0x40  }
0x1a5: {  	s26 =	sadd.s32 $0x50, s26;
	s11 =	simm.s32 @!p0 $0x1C280;
	[sflag:s6] =	ssyncset.done @!p0 $0x0  }
0x1a6: {  	s21 =	rddreg [dreg:$0x6];
	[sflag:s6] =	ssyncadd.s32 @!p0 $0xFFFFFFC0;
	s6 =	simm.s32 @!p0 $0x40  }
0x1a7: {  	[tilespmem:s11], [sflag:$0x5] =	stream.indirect.gather @!p0 [hbm4b:s1+s6], $0x80, s10, s6, $0xb8;
	[tilespmem:$0x1ED00] =	vst v63  }
0x1a8: {  	p0 =	sne.s32 s21, s26  }
.Ltmp0:
0x1a9: {  	_ = 	snop;
	(pc) =	sbr.rel @p0 .LBB2_2-.Ltmp0, $3  }
0x1aa: {  	_ =	sdelay $0x1  }
0x1ab: {  	s12 =	simm.s32 $0x1;
	s14 =	simm.s32 $0x3  }
0x1ac: {  	s24 =	sadd.s32 $0xA, s24;
	s20 =	simm.s32 $0x1E780;
	s30 =	simm.s32 $0x1E800  }
0x1ad: {  	[bflag:$0x0] =	sbarrier.arrive $0xFFFF  }
0x1ae: {  	s10 =	sld [smem:$0x7F4]  }
0x1af: {  	s11 =	sld [smem:$0x7E7]  }
0x1b0: {  	s17 =	rddreg [dreg:$0x1d]  }
0x1b1: {  	s15 =	simm.s32 $0x1A;
	s6 =	sshrl.u32 s17, $0x3  }
0x1b2: {  	[hbm:s10], [sflag:s11] =	dma.local [spmem:s6], $0x2800  }
0x1b3: {  	_ =	swait.ge [sflag:s15], $0x2800  }
0x1b4: {  	s18 =	sld [smem:$0x7F1]  }
0x1b5: {  	s21 =	sld [smem:$0x7E8]  }
0x1b6: {  	[sflag:s15] =	ssyncset.done $0x0  }
0x1b7: {  	[sflag:s15] =	ssyncadd.s32 $0xFFFFD800  }
0x1b8: {  	[hbm:s18], [sflag:s11] =	dma.local [spmem:s21], $0x50  }
0x1b9: {  	_ =	swait.ge [sflag:s15], $0x50  }
0x1ba: {  	s24 =	sld [smem:$0x7E6]  }
0x1bb: {  	s26 =	sld [smem:$0x7F5];
	_ =	sdelay $0x1  }
0x1bc: {  	s10 =	sadd.s32 $0x1, s24  }
0x1bd: {  	p0 =	sne.s32 s10, s26  }
.Ltmp1:
0x1be: {  	_ = 	snop;
	(pc) =	sbr.rel @p0 .LBB2_1-.Ltmp1, $3  }
0x1bf: {  	_ =	sdelay $0x1  }
0x1c0: {  	s13 =	simm.s32 $0x14280;
	[sflag:s15] =	ssyncset.done $0x0  }
0x1c1: {  	[sflag:s15] =	ssyncadd.s32 $0xFFFFFFB0;
	s24 =	simm.s32 $0x1E880;
	s26 =	simm.s32 $0x1E900  }
0x1c2: {  	_ =	sfence.sel $0x180000  }
0x1c3: {  	[bflag:$0x0] =	sbarrier.arrive $0xFFFF  }
0x1c4: {  	_ =	strace $0x90000047  }
0x1c5: {  	s0 =	stileid.u32;
	[bflag:$0x2] =	sbarrier.arrive $0xFFFF  }
0x1c6: {  	p0 =	sne.s32 s0, $0x0;
	s0 =	rddreg [dreg:$0x5]  }
0x1c7: {  	s0 =	sadd.s32 @!p0 $0x100000, s0  }
0x1c8: {  	[sflag:s0] =	ssyncadd.tile.s32 @!p0 $0x1;
	_ =	shalt  }
.Lfunc_end2:
_tile_overlayer_lowered:
.L_overlay_start_2:
0x1c9: {  	(tag) =	ssettag $0x2  }
0x1ca: {  	s0 =	rddreg [dreg:$0x0];
	s2 =	stileid.u32  }
0x1cb: {  	s1 =	rddreg [dreg:$0x1];
	p0 =	sne.s32 s2, $0x0  }
0x1cc: {  	s3 =	rddreg [dreg:$0x2];
	[bflag:$0x3] =	sbarrier.arrive $0xFFFF;
	s2 =	simm.s32 @!p0 $0x1C1A  }
0x1cd: {  	[timem:s3], [sflag:s2] =	dma.local @!p0 [hbm:s0], s1  }
0x1ce: {  	s0 =	simm.s32 @!p0 $0x1A  }
0x1cf: {  	_ =	swait.ge @!p0 [sflag:s0], s1  }
0x1d0: {  	s1 =	ssub.s32 @!p0 $0x0, s1;
	[sflag:s0] =	ssyncset.done @!p0 $0x0  }
0x1d1: {  	[sflag:s0] =	ssyncadd.s32 @!p0 s1  }
0x1d2: {  	[bflag:$0x3] =	sbarrier.arrive $0xFFFF  }
0x1d3: {  	_ =	shalt  }

// kernel: kernel.9.cloned.1.call-start
scs
__scs_entry_jumppad:
0x0: {  	(pc) =	sbr.rel $0x88, $3  }
0x1: {  	(tag) =	ssettag $0x0;
	lr =	simm.s32 $0x1  }
0x2: {  	[smem:$0x3F99] =	sst lr;
	_ =	strace $0xD0000000  }
0x3: {  	_ = 	snop  }
0x4: {  	_ = 	snop  }
0x5: {  	_ = 	snop  }
0x6: {  	_ = 	snop  }
0x7: {  	_ = 	snop  }
__scs_overlays_trampoline_lowered:
0x8: {  	[smem:$0x3FA8] =	sst s0  }
0x9: {  	[smem:$0x3FA9] =	sst s1  }
0xa: {  	[smem:$0x3FAA] =	sst s2  }
0xb: {  	[smem:$0x3FAB] =	sst s3  }
0xc: {  	[smem:$0x3FAC] =	sst s4  }
0xd: {  	[smem:$0x3FAD] =	sst s5  }
0xe: {  	[smem:$0x3FAE] =	sst s6  }
0xf: {  	[smem:$0x3FAF] =	sst s7  }
0x10: {  	[smem:$0x3FB0] =	sst s8  }
0x11: {  	[smem:$0x3FB1] =	sst s9;
	s0 =	simm.s32 @!p0 $0x0  }
0x12: {  	s1 =	sld [smem:$0x3F97];
	s0 =	simm.s32 @p0 $0x1  }
0x13: {  	[smem:$0x3FB2] =	sst s0;
	s0 =	simm.s32 @!p1 $0x0  }
0x14: {  	s2 =	sld [smem:$0x3F96];
	s0 =	simm.s32 @p1 $0x1  }
0x15: {  	[smem:$0x3FB3] =	sst s0;
	s0 =	simm.s32 @!p2 $0x0  }
0x16: {  	s3 =	sld [smem:$0x3FDB];
	s0 =	simm.s32 @p2 $0x1  }
0x17: {  	s4 =	simm.s32 $0x1BF5;
	[smem:$0x3FB5] =	sst s0  }
0x18: {  	s0 =	sld [smem:$0x3F98];
	_ =	swait.ge [sflag:s4], $0x0  }
0x19: {  	s7 =	sld [smem:$0x3F99]  }
0x1a: {  	s8 =	sadd.s32 $0xFFFFE003, lr  }
0x1b: {  	s9 =	sadd.s32 $0xFFFFFEF7, lr;
	s5 =	simm.s32 $0xFFFFFFFF;
	p2 =	slt.u32 s8, $0xFFFFF086  }
0x1c: {  	p1 =	slt.u32 s9, $0xF7A;
	s5 =	simm.s32 @!p2 $0x0  }
0x1d: {  	s5 =	simm.s32 @p1 $0x1;
	p0 =	seq.s32 s7, s2  }
0x1e: {  	s7 =	smul.u32 @!p0 $0xF7A, s2;
	p2 =	seq.s32 @!p0 s5, $0x0  }
0x1f: {  	s9 =	smul.u32 $0xF7A, s1;
	s8 =	simm.s32 @!p0 $0x1BF5;
	p2 =	por !p2, p0  }
0x20: {  	[sflag:s8] =	ssyncset.s32 @!p0 $0xFFFFF086;
	s6 =	sadd.s32 @!p0 s3, s7;
	s7 =	simm.s32 @!p0 $0x108  }
0x21: {  	s3 =	sadd.s32 s3, s9;
	s6 =	sadd.s32 @!p0 $0x88, s6;
	s7 =	simm.s32 @p2 $0x1082  }
0x22: {  	[simem:s7], [sflag:s8] =	dma.local @!p0 [hbm:s6], $0xF7A  }
0x23: {  	s9 =	sor.u32 $0xD0000000, s2;
	s6 =	simm.s32 $0x108;
	_ =	swait.ge @!p0 [sflag:s8], $0x0  }
0x24: {  	s3 =	sadd.s32 $0x88, s3;
	s6 =	simm.s32 @!p1 $0x1082;
	[sflag:s4] =	ssyncset.s32 $0xFFFFF086  }
0x25: {  	[simem:s6], [sflag:s4] =	dma.local [hbm:s3], $0xF7A  }
0x26: {  	[smem:$0x3F99] =	sst s1;
	(tag) =	ssettag s2;
	_ =	strace s9  }
0x27: {  	s1 =	sld [smem:$0x3FA9]  }
0x28: {  	s2 =	sld [smem:$0x3FAA]  }
0x29: {  	s4 =	sld [smem:$0x3FAC]  }
0x2a: {  	p0 =	seq.s32 s5, $0x0;
	s5 =	sld [smem:$0x3FAD]  }
0x2b: {  	s6 =	sld [smem:$0x3FAE]  }
0x2c: {  	s7 =	sld [smem:$0x3FAF]  }
0x2d: {  	s3 =	simm.s32 $0x108;
	s8 =	sld [smem:$0x3FB0]  }
0x2e: {  	s3 =	simm.s32 @!p0 $0x1082;
	s9 =	sld [smem:$0x3FB1]  }
0x2f: {  	lr =	sadd.s32 s0, s3;
	s0 =	sld [smem:$0x3FA8]  }
0x30: {  	s3 =	sld [smem:$0x3FAB]  }
0x31: {  	[smem:$0x3FB4] =	sst s10  }
0x32: {  	s10 =	sld [smem:$0x3FB2];
	_ =	sdelay $0x3  }
0x33: {  	p0 =	seq.s32 s10, $0x1;
	s10 =	sld [smem:$0x3FB4];
	_ =	sdelay $0x3  }
0x34: {  	[smem:$0x3FB4] =	sst s10  }
0x35: {  	s10 =	sld [smem:$0x3FB3];
	_ =	sdelay $0x3  }
0x36: {  	p1 =	seq.s32 s10, $0x1;
	s10 =	sld [smem:$0x3FB4];
	_ =	sdelay $0x3  }
0x37: {  	[smem:$0x3FB4] =	sst s10  }
0x38: {  	s10 =	sld [smem:$0x3FB5]  }
0x39: {  	_ = 	snop;
	(pc) =	sbr.ind lr, $3  }
0x3a: {  	_ = 	snop  }
0x3b: {  	_ = 	snop  }
0x3c: {  	p2 =	seq.s32 s10, $0x1;
	s10 =	sld [smem:$0x3FB4]  }
0x3d: {  	_ =	shalt  }
0x3e: {  	_ =	shalt  }
0x3f: {  	_ =	shalt  }
0x40: {  	_ =	shalt  }
0x41: {  	_ =	shalt  }
0x42: {  	_ =	shalt  }
0x43: {  	_ =	shalt  }
0x44: {  	_ =	shalt  }
0x45: {  	_ =	shalt  }
0x46: {  	_ =	shalt  }
0x47: {  	_ =	shalt  }
0x48: {  	_ =	shalt  }
0x49: {  	_ =	shalt  }
0x4a: {  	_ =	shalt  }
0x4b: {  	_ =	shalt  }
0x4c: {  	_ =	shalt  }
0x4d: {  	_ =	shalt  }
0x4e: {  	_ =	shalt  }
0x4f: {  	_ =	shalt  }
0x50: {  	_ =	shalt  }
0x51: {  	_ =	shalt  }
0x52: {  	_ =	shalt  }
0x53: {  	_ =	shalt  }
0x54: {  	_ =	shalt  }
0x55: {  	_ =	shalt  }
0x56: {  	_ =	shalt  }
0x57: {  	_ =	shalt  }
0x58: {  	_ =	shalt  }
0x59: {  	_ =	shalt  }
0x5a: {  	_ =	shalt  }
0x5b: {  	_ =	shalt  }
0x5c: {  	_ =	shalt  }
0x5d: {  	_ =	shalt  }
0x5e: {  	_ =	shalt  }
0x5f: {  	_ =	shalt  }
0x60: {  	_ =	shalt  }
0x61: {  	_ =	shalt  }
0x62: {  	_ =	shalt  }
0x63: {  	_ =	shalt  }
0x64: {  	_ =	shalt  }
0x65: {  	_ =	shalt  }
0x66: {  	_ =	shalt  }
0x67: {  	_ =	shalt  }
0x68: {  	_ =	shalt  }
0x69: {  	_ =	shalt  }
0x6a: {  	_ =	shalt  }
0x6b: {  	_ =	shalt  }
0x6c: {  	_ =	shalt  }
0x6d: {  	_ =	shalt  }
0x6e: {  	_ =	shalt  }
0x6f: {  	_ =	shalt  }
0x70: {  	_ =	shalt  }
0x71: {  	_ =	shalt  }
0x72: {  	_ =	shalt  }
0x73: {  	_ =	shalt  }
0x74: {  	_ =	shalt  }
0x75: {  	_ =	shalt  }
0x76: {  	_ =	shalt  }
0x77: {  	_ =	shalt  }
0x78: {  	_ =	shalt  }
0x79: {  	_ =	shalt  }
0x7a: {  	_ =	shalt  }
0x7b: {  	_ =	shalt  }
0x7c: {  	_ =	shalt  }
0x7d: {  	_ =	shalt  }
0x7e: {  	_ =	shalt  }
0x7f: {  	_ =	shalt  }
0x80: {  	_ =	shalt  }
0x81: {  	_ =	shalt  }
0x82: {  	_ =	shalt  }
0x83: {  	_ =	shalt  }
0x84: {  	_ =	shalt  }
0x85: {  	_ =	shalt  }
0x86: {  	_ =	shalt  }
0x87: {  	_ =	shalt  }
.Lfunc_end0:
.L_simem_size_0:
called_computation.1_lowered:
.L_overlay_start_0:
0x88: {  	s2 =	sld [smem:$0x3FD9]  }
0x89: {  	s3 =	sld [smem:$0x3FFE];
	_ =	sdelay $0x1  }
0x8a: {  	s1 =	srdreg.scid  }
0x8b: {  	s0 =	sand.u32 $0x1, s1  }
0x8c: {  	s17 =	sshll.u32 s0, $0xA;
	s2 =	sadd.s32 s3, s2  }
0x8d: {  	s2 =	sadd.s32 s2, s17  }
0x8e: {  	[smem:$0x3FC0] =	sst s2  }
0x8f: {  	_ = 	snop  }
0x90: {  	s2 =	sld [smem:$0x3FD0];
	(tm) =	ssettm $0x1  }
0x91: {  	s18 =	sld [smem:$0x3FFB];
	_ =	sdelay $0x3  }
0x92: {  	_ =	strace s18  }
0x93: {  	s3 =	sld [smem:$0x3FFC];
	_ =	sdelay $0x3  }
0x94: {  	_ =	strace s3  }
0x95: {  	s3 =	sld [smem:$0x3FFD];
	_ =	sdelay $0x3  }
0x96: {  	_ =	strace s3  }
0x97: {  	_ =	strace $0x8FFFFFFF  }
0x98: {  	s19 =	sld [smem:$0x3FDB];
	_ =	sdelay $0x1  }
0x99: {  	s4 =	simm.s32 $_scs_section_size  }
0x9a: {  	s5 =	simm.s32 $_size__tile_overlayer_lowered;
	s6 =	simm.s32 $_tile_overlayer_lowered  }
0x9b: {  	s22 =	simm.s32 $0x1BFF;
	s21 =	sshll.u32 s6, $0x1;
	s3 =	sadd.s32 s4, s19  }
0x9c: {  	s7 =	simm.s32 $0x0;
	s20 =	sshll.u32 s5, $0x1;
	s5 =	sadd.s32 s21, s3  }
0x9d: {  	[timem:s7], [sflag:s22] =	dma.local [hbm:s5], s20  }
0x9e: {  	_ =	swait.ge [sflag:s22], s20  }
0x9f: {  	s4 =	ssub.s32 $0x0, s20;
	[sflag:s22] =	ssyncset.done $0x0  }
0xa0: {  	[sflag:s22] =	ssyncadd.s32 s4;
	_ =	sdelay $0x1  }
0xa1: {  	s23 =	simm.s32 $0x1B8B  }
0xa2: {  	_ =	swait.ge [sflag:s23], $0x1  }
0xa3: {  	[sflag:s23] =	ssyncset.done $0x0  }
0xa4: {  	s25 =	simm.s32 $0x1B8E;
	s24 =	sld [smem:$0x3FFE];
	[sflag:s23] =	ssyncadd.s32 $0xFFFFFFFF  }
0xa5: {  	s26 =	simm.s32 $execute0_lowered;
	[smem:$0x3FD2] =	sst s25  }
0xa6: {  	s5 =	sshll.u32 s26, $0x1;
	_ =	strace $0x80000049;
	[dreg:$0x1] =	wrdreg $0xFFFFFFFF  }
0xa7: {  	s28 =	simm.s32 $_size_execute0_lowered;
	s3 =	sadd.s32 s3, s5;
	[dreg:$0x0] =	wrdreg $0x0  }
0xa8: {  	s5 =	sshll.u32 s28, $0x1;
	[dreg:$0x2] =	wrdreg s3  }
0xa9: {  	[dreg:$0x3] =	wrdreg s5  }
0xaa: {  	[dreg:$0x4] =	wrdreg $0xC0  }
0xab: {  	_ =	task [dreg:s7], $0x5FFFF  }
0xac: {  	[dreg:$0x1] =	wrdreg $0xFFFFFFFF  }
0xad: {  	[dreg:$0x0] =	wrdreg $0x60  }
0xae: {  	[dreg:$0x2] =	wrdreg s2  }
0xaf: {  	[dreg:$0x3] =	wrdreg s24  }
0xb0: {  	[dreg:$0x4] =	wrdreg $0x0  }
0xb1: {  	[dreg:$0x5] =	wrdreg $0x9  }
0xb2: {  	_ =	task.clear_ibuf [dreg:s7], $0x6FFFF;
	_ =	strace $0x90000049  }
0xb3: {  	s29 =	simm.s32 $0x9;
	_ =	strace $0x8000004B  }
0xb4: {  	_ =	swait.ge [sflag:s29], $0x1  }
0xb5: {  	[sflag:s29] =	ssyncadd.s32 $0xFFFFFFFF  }
0xb6: {  	_ =	strace $0x9000004B  }
0xb7: {  	_ =	sfence  }
0xb8: {  	s30 =	sld [smem:$0x0];
	_ =	sdelay $0x2  }
0xb9: {  	s31 =	sshll.u32 s1, $0xD;
	s1 =	sshrl.u32 s1, $0x2  }
0xba: {  	s3 =	sand.u32 $0x4000, s31;
	s1 =	sadd.s32 s1, s30  }
0xbb: {  	s0 =	sor.u32 s3, s0;
	s1 =	sshll.u32 s1, $0x11  }
0xbc: {  	s0 =	sor.u32 s1, s0  }
0xbd: {  	s0 =	sadd.s32 $0x8F2B, s0  }
0xbe: {  	[sflag:s0] =	ssyncadd.remote.s32 $0x1  }
0xbf: {  	_ =	sfence.sel $0xFFFF  }
0xc0: {  	[dreg:$0x0] =	wrdreg $0xFFFFFFFF;
	(pc) =	sbr.abs _section_cstart, $3  }
0xc1: {  	[dreg:$0x1] =	wrdreg $0xFFFFFFFF  }
0xc2: {  	_ =	task.clear_ibuf [dreg:s7], $0x2FFFF;
	_ =	strace $0x9FFFFFFF  }
0xc3: {  	(tm) =	ssettm $0x7FFFFFFF  }
tec
execute0_lowered:
.L_overlay_start_1:
0x0: {  	(tag) =	ssettag $0x1  }
0x1: {  	s1 =	rddreg [dreg:$0x0]  }
0x2: {  	s0 =	rddreg [dreg:$0x1]  }
0x3: {  	s3 =	rddreg [dreg:$0x2]  }
0x4: {  	s2 =	srdreg.scid;
	s11 =	stileid.u32  }
0x5: {  	s5 =	simm.s32 $0x0;
	s30 =	simm.s32 $0x14000;
	s13 =	smul.u32 $0x2800, s11  }
0x6: {  	s31 =	simm.s32 $0x1E700;
	s28 =	simm.s32 $0x5;
	s14 =	smul.u32 $0xFFFFFEC0, s11  }
0x7: {  	s29 =	simm.s32 $0x6;
	s4 =	sand.u32 $0x1, s2;
	s18 =	smul.u32 $0x50000, s11  }
0x8: {  	[smem:$0x7FF] =	sst s5;
	s5 =	sadd.s32 $0x2800, s0;
	s21 =	smul.u32 $0x5000, s11  }
0x9: {  	s8 =	sadd.s32 $0x16400, s0;
	s15 =	sshll.u32 s11, $0x1;
	s6 =	smul.u32 $0x28000, s4  }
0xa: {  	_ =	strace $0x8000004A;
	s7 =	smul.u32 $0xFFFFFF60, s4;
	[dreg:$0x1e] =	wrdreg s8  }
0xb: {  	s16 =	ssub.s32 $0x2, s4;
	s9 =	sor.u32 s4, s15;
	s8 =	sshrl.u32 s18, $0x2  }
0xc: {  	s4 =	smul.u32 $0x2800, s4;
	s17 =	sshrl.u32 s16, $0x1;
	s12 =	sadd.s32 s8, s3  }
0xd: {  	s2 =	sadd.s32 s13, s6;
	s8 =	sadd.s32 $0x2000, s12;
	[dreg:$0x1f] =	wrdreg s12  }
0xe: {  	s6 =	sadd.s32 s7, s14;
	s20 =	sadd.s32 $0x4000, s12;
	[smem:$0x7E9] =	sst s8  }
0xf: {  	s7 =	smul.u32 $0xFFFFFF60, s9;
	s22 =	sadd.s32 $0x6000, s12;
	[smem:$0x7EA] =	sst s20  }
0x10: {  	s9 =	smul.u32 $0x2800, s9;
	s23 =	sadd.s32 $0x8000, s12;
	[smem:$0x7EB] =	sst s22  }
0x11: {  	s0 =	sadd.s32 s2, s0;
	s24 =	sadd.s32 $0xA000, s12;
	[smem:$0x7EC] =	sst s23  }
0x12: {  	p0 =	slt.s32 s6, $0xFFFFED18;
	s25 =	sadd.s32 $0xC000, s12;
	[smem:$0x7ED] =	sst s24  }
0x13: {  	s2 =	ssub.s32 s16, s17;
	s26 =	sadd.s32 $0xE000, s12;
	[smem:$0x7EE] =	sst s25  }
0x14: {  	s11 =	sadd.s32 $0x10000, s12;
	s13 =	sadd.s32 $0x12000, s12;
	[smem:$0x7EF] =	sst s26  }
0x15: {  	s6 =	simm.s32 @!p0 $0xFFFFED18;
	p0 =	slt.s32 s7, $0xFFFFED18;
	[smem:$0x7F0] =	sst s11  }
0x16: {  	s8 =	sadd.s32 s4, s21;
	[smem:$0x7F1] =	sst s13;
	s0 =	sadd.s32 $0x16800, s0  }
0x17: {  	s6 =	sadd.s32 $0xFFFFFF88, s6;
	s7 =	simm.s32 @!p0 $0xFFFFED18;
	s15 =	sor.u32 $0x380, s8  }
0x18: {  	s17 =	sadd.s32 $0x4E580, s8;
	s21 =	sor.u32 $0x340, s8;
	s23 =	sadd.s32 $0x4E540, s8  }
0x19: {  	s24 =	sor.u32 $0x300, s8;
	s11 =	sadd.s32 $0x4E500, s8;
	[smem:$0x7F8] =	sst s0  }
0x1a: {  	s0 =	simm.s32 $0x1;
	s10 =	sand.u32 $0xF8, s6;
	s6 =	sadd.s32 $0x1388, s7  }
0x1b: {  	s16 =	sshrl.u32 s15, $0x3;
	s22 =	sshrl.u32 s21, $0x3;
	s26 =	sshrl.u32 s24, $0x3  }
0x1c: {  	s13 =	sshrl.u32 s11, $0x3;
	s15 =	sadd.s32 $0x4E4C0, s8;
	s21 =	sadd.s32 $0x4E480, s8  }
0x1d: {  	s11 =	sor.u32 $0x200, s8;
	s19 =	smulhi.u32 $0x1999999A, s10;
	s18 =	sadd.s32 s16, s5  }
0x1e: {  	s4 =	sadd.s32 s22, s5;
	s10 =	sadd.s32 s26, s5;
	[dreg:$0x5] =	wrdreg s18  }
0x1f: {  	s22 =	sor.u32 $0x240, s8;
	s26 =	sadd.s32 $0x4E440, s8;
	[dreg:$0x7] =	wrdreg s4  }
0x20: {  	[dreg:$0x9] =	wrdreg s10;
	s4 =	sadd.s32 s13, s5;
	s24 =	sshrl.u32 s22, $0x3  }
0x21: {  	s10 =	sshrl.u32 s26, $0x3;
	s13 =	sadd.s32 $0x4E400, s8;
	s26 =	sor.u32 $0x140, s8  }
0x22: {  	s7 =	smax.u32 s19, $0x1;
	s19 =	sshrl.u32 s17, $0x3;
	[dreg:$0xa] =	wrdreg s4  }
0x23: {  	s17 =	sshrl.u32 s15, $0x3;
	s15 =	sshrl.u32 s13, $0x3;
	s13 =	simm.s32 $0x1E780  }
0x24: {  	s14 =	smul.u32 $0x50, s7;
	s7 =	sshrl.u32 s9, $0x3;
	s20 =	sadd.s32 s19, s5  }
0x25: {  	s9 =	sshrl.u32 s23, $0x3;
	s18 =	sadd.s32 s17, s5;
	[dreg:$0x19] =	wrdreg s13  }
0x26: {  	s19 =	sor.u32 $0x280, s8;
	s17 =	sor.u32 $0x1C0, s8;
	[dreg:$0x6] =	wrdreg s20  }
0x27: {  	s13 =	simm.s32 $0x9;
	s25 =	sadd.s32 s9, s5;
	[dreg:$0xc] =	wrdreg s18  }
0x28: {  	s20 =	sshrl.u32 s19, $0x3;
	s18 =	sshrl.u32 s17, $0x3;
	[dreg:$0x4] =	wrdreg s14  }
0x29: {  	s19 =	sadd.s32 $0x4E3C0, s8;
	s17 =	simm.s32 $0x1E880;
	[dreg:$0x8] =	wrdreg s25  }
0x2a: {  	s7 =	sadd.s32 s5, s7;
	s14 =	sor.u32 $0x2C0, s8;
	[dreg:$0x1b] =	wrdreg s17  }
0x2b: {  	s4 =	sadd.s32 s20, s5;
	s25 =	sadd.s32 s24, s5;
	[smem:$0x7FC] =	sst s7  }
0x2c: {  	s20 =	sor.u32 $0x180, s8;
	s24 =	sadd.s32 $0x4E380, s8;
	[dreg:$0xd] =	wrdreg s4  }
0x2d: {  	s9 =	sshrl.u32 s14, $0x3;
	[dreg:$0xf] =	wrdreg s25;
	s4 =	sadd.s32 s10, s5  }
0x2e: {  	s22 =	sshrl.u32 s20, $0x3;
	s20 =	sadd.s32 $0x9C50, s7;
	[dreg:$0x10] =	wrdreg s4  }
0x2f: {  	s25 =	sshrl.u32 s24, $0x3;
	s24 =	sadd.s32 $0x9C58, s7;
	[smem:$0x7F6] =	sst s20  }
0x30: {  	s8 =	sadd.s32 $0x4E340, s8;
	s16 =	sadd.s32 s9, s5;
	[smem:$0x7FA] =	sst s24  }
0x31: {  	s8 =	sshrl.u32 s8, $0x3;
	s4 =	sadd.s32 s18, s5;
	[dreg:$0xb] =	wrdreg s16  }
0x32: {  	s17 =	simm.s32 $0xA;
	s10 =	sadd.s32 s8, s5;
	[dreg:$0x13] =	wrdreg s4  }
0x33: {  	s9 =	sshrl.u32 s21, $0x3;
	s18 =	sadd.s32 $0x10, s7;
	[dreg:$0x18] =	wrdreg s10  }
0x34: {  	s8 =	simm.s32 $0x1E500;
	s23 =	sadd.s32 s9, s5;
	[smem:$0x7F5] =	sst s18  }
0x35: {  	s24 =	simm.s32 $0x1C000;
	s16 =	sadd.s32 s15, s5;
	[dreg:$0xe] =	wrdreg s23  }
0x36: {  	s9 =	sshrl.u32 s11, $0x3;
	s4 =	sadd.s32 s25, s5;
	[dreg:$0x12] =	wrdreg s16  }
0x37: {  	s11 =	sadd.s32 $0x9C40, s7;
	s15 =	simm.s32 $0x1E800;
	[dreg:$0x16] =	wrdreg s4  }
0x38: {  	s25 =	sadd.s32 $0x20, s7;
	s14 =	sadd.s32 s9, s5;
	[smem:$0x7F2] =	sst s11  }
0x39: {  	s9 =	sshrl.u32 s19, $0x3;
	s23 =	sadd.s32 s22, s5;
	[dreg:$0x1a] =	wrdreg s15  }
0x3a: {  	s16 =	sadd.s32 $0x9C48, s7;
	s19 =	simm.s32 $0x1E900;
	[smem:$0x7FB] =	sst s25  }
0x3b: {  	s22 =	sadd.s32 $0x18, s7;
	s15 =	simm.s32 $0x1E680;
	[dreg:$0x11] =	wrdreg s14  }
0x3c: {  	s25 =	simm.s32 $0x2;
	s11 =	simm.s32 $0x8;
	[dreg:$0x15] =	wrdreg s23  }
0x3d: {  	s4 =	simm.s32 $0x0;
	s21 =	sadd.s32 s9, s5;
	[smem:$0x7F4] =	sst s16  }
0x3e: {  	s9 =	sshrl.u32 s26, $0x3;
	s14 =	sadd.s32 $0x8, s7;
	[dreg:$0x1c] =	wrdreg s19  }
0x3f: {  	[smem:$0x7F7] =	sst s22;
	s23 =	smax.u32 s2, $0x1;
	s26 =	sadd.s32 $0x9C60, s7  }
0x40: {  	s7 =	simm.s32 $0x15;
	s16 =	simm.s32 $0x40;
	[dreg:$0x14] =	wrdreg s21  }
0x41: {  	s19 =	simm.s32 $0x16000;
	s22 =	simm.s32 $0x1A000;
	[smem:$0x7F3] =	sst s14  }
0x42: {  	s9 =	sadd.s32 s9, s5;
	s21 =	simm.s32 $0x1E980;
	[smem:$0x7F9] =	sst s23  }
0x43: {  	[smem:$0x7FD] =	sst s26;
	s23 =	simm.s32 $0x1E580;
	s14 =	simm.s32 $0x1E600  }
0x44: {  	s26 =	simm.s32 $0x3;
	s5 =	simm.s32 $0x4;
	[dreg:$0x17] =	wrdreg s9  }
0x45: {  	[dreg:$0x1d] =	wrdreg s21;
	s21 =	simm.s32 $0x18000;
	s9 =	simm.s32 $0x7  }
.LBB2_1:
0x46: {  	[smem:$0x7E8] =	sst s4  }
0x47: {  	s2 =	simm.s32 $0x0;
	s20 =	rddreg [dreg:$0x1e]  }
0x48: {  	[tilespmem:s30], [sflag:$0x15] =	stream.linear.gather [hbm4b:s20+s2], $0x2000, $0x38;
	[tilespmem:$0x1EA00] =	vst v63  }
0x49: {  	_ =	swait.ge [sflag:s7], $0x2000  }
0x4a: {  	[sflag:s7] =	ssyncset.done $0x0  }
0x4b: {  	[sflag:s7] =	ssyncadd.s32 $0xFFFFE000  }
0x4c: {  	[spmem:s12] =	stream.linear.scatter [tilespmem:s30], [sflag:$0x15], $0x2000, $0x38;
	[tilespmem:$0x1EA00] =	vst v63  }
0x4d: {  	_ =	swait.ge [sflag:s7], $0x2000  }
0x4e: {  	s10 =	sld [smem:$0x7E9]  }
0x4f: {  	[sflag:s7] =	ssyncset.done $0x0  }
0x50: {  	[sflag:s7] =	ssyncadd.s32 $0xFFFFE000  }
0x51: {  	[spmem:s10] =	stream.linear.scatter [tilespmem:s30], [sflag:$0x15], $0x2000, $0x38;
	[tilespmem:$0x1EA00] =	vst v63  }
0x52: {  	_ =	swait.ge [sflag:s7], $0x2000  }
0x53: {  	s12 =	sld [smem:$0x7EA]  }
0x54: {  	[sflag:s7] =	ssyncset.done $0x0  }
0x55: {  	[sflag:s7] =	ssyncadd.s32 $0xFFFFE000  }
0x56: {  	[spmem:s12] =	stream.linear.scatter [tilespmem:s30], [sflag:$0x15], $0x2000, $0x38;
	[tilespmem:$0x1EA00] =	vst v63  }
0x57: {  	_ =	swait.ge [sflag:s7], $0x2000  }
0x58: {  	s18 =	sld [smem:$0x7EB]  }
0x59: {  	[sflag:s7] =	ssyncset.done $0x0  }
0x5a: {  	[sflag:s7] =	ssyncadd.s32 $0xFFFFE000  }
0x5b: {  	[spmem:s18] =	stream.linear.scatter [tilespmem:s30], [sflag:$0x15], $0x2000, $0x38;
	[tilespmem:$0x1EA00] =	vst v63  }
0x5c: {  	_ =	swait.ge [sflag:s7], $0x2000  }
0x5d: {  	s20 =	sld [smem:$0x7EC]  }
0x5e: {  	[sflag:s7] =	ssyncset.done $0x0  }
0x5f: {  	[sflag:s7] =	ssyncadd.s32 $0xFFFFE000  }
0x60: {  	[spmem:s20] =	stream.linear.scatter [tilespmem:s30], [sflag:$0x15], $0x2000, $0x38;
	[tilespmem:$0x1EA00] =	vst v63  }
0x61: {  	_ =	swait.ge [sflag:s7], $0x2000  }
0x62: {  	s10 =	sld [smem:$0x7ED]  }
0x63: {  	[sflag:s7] =	ssyncset.done $0x0  }
0x64: {  	[sflag:s7] =	ssyncadd.s32 $0xFFFFE000  }
0x65: {  	[spmem:s10] =	stream.linear.scatter [tilespmem:s30], [sflag:$0x15], $0x2000, $0x38;
	[tilespmem:$0x1EA00] =	vst v63  }
0x66: {  	_ =	swait.ge [sflag:s7], $0x2000  }
0x67: {  	s12 =	sld [smem:$0x7EE]  }
0x68: {  	[sflag:s7] =	ssyncset.done $0x0  }
0x69: {  	[sflag:s7] =	ssyncadd.s32 $0xFFFFE000  }
0x6a: {  	[spmem:s12] =	stream.linear.scatter [tilespmem:s30], [sflag:$0x15], $0x2000, $0x38;
	[tilespmem:$0x1EA00] =	vst v63  }
0x6b: {  	_ =	swait.ge [sflag:s7], $0x2000  }
0x6c: {  	s18 =	sld [smem:$0x7EF]  }
0x6d: {  	[sflag:s7] =	ssyncset.done $0x0  }
0x6e: {  	[sflag:s7] =	ssyncadd.s32 $0xFFFFE000  }
0x6f: {  	[spmem:s18] =	stream.linear.scatter [tilespmem:s30], [sflag:$0x15], $0x2000, $0x38;
	[tilespmem:$0x1EA00] =	vst v63  }
0x70: {  	_ =	swait.ge [sflag:s7], $0x2000  }
0x71: {  	s20 =	sld [smem:$0x7F0]  }
0x72: {  	[sflag:s7] =	ssyncset.done $0x0  }
0x73: {  	[sflag:s7] =	ssyncadd.s32 $0xFFFFE000  }
0x74: {  	[spmem:s20] =	stream.linear.scatter [tilespmem:s30], [sflag:$0x15], $0x2000, $0x38;
	[tilespmem:$0x1EA00] =	vst v63  }
0x75: {  	_ =	swait.ge [sflag:s7], $0x2000  }
0x76: {  	s10 =	sld [smem:$0x7F1]  }
0x77: {  	[sflag:s7] =	ssyncset.done $0x0  }
0x78: {  	[sflag:s7] =	ssyncadd.s32 $0xFFFFE000  }
0x79: {  	[spmem:s10] =	stream.linear.scatter [tilespmem:s30], [sflag:$0x15], $0x2000, $0x38;
	[tilespmem:$0x1EA00] =	vst v63  }
0x7a: {  	_ =	swait.ge [sflag:s7], $0x2000  }
0x7b: {  	[sflag:s7] =	ssyncset.done $0x0  }
0x7c: {  	[sflag:s7] =	ssyncadd.s32 $0xFFFFE000  }
0x7d: {  	[bflag:$0x0] =	sbarrier.arrive $0xFFFF  }
0x7e: {  	s12 =	sld [smem:$0x7FC];
	_ =	sdelay $0x1  }
0x7f: {  	s7 =	simm.s32 $0x1E000;
	s18 =	sld [smem:$0x7F2]  }
0x80: {  	[tilespmem:s7], [sflag:$0xB] =	stream.linear.gather [hbm4b:s12+s2], $0x40, $0x38;
	[tilespmem:$0x1EA00] =	vst v63  }
0x81: {  	s20 =	sld [smem:$0x7F3]  }
0x82: {  	[tilespmem:s8], [sflag:$0xB] =	stream.linear.gather [hbm4b:s18+s2], $0x40, $0x38;
	[tilespmem:$0x1EA00] =	vst v63  }
0x83: {  	s10 =	simm.s32 $0x1E080;
	s12 =	sld [smem:$0x7F4]  }
0x84: {  	[tilespmem:s10], [sflag:$0xC] =	stream.linear.gather [hbm4b:s20+s2], $0x40, $0x38;
	[tilespmem:$0x1EA00] =	vst v63  }
0x85: {  	s18 =	sld [smem:$0x7F5]  }
0x86: {  	[tilespmem:s23], [sflag:$0xC] =	stream.linear.gather [hbm4b:s12+s2], $0x40, $0x38;
	[tilespmem:$0x1EA00] =	vst v63  }
0x87: {  	s20 =	sld [smem:$0x7F6];
	s12 =	simm.s32 $0x1E100  }
0x88: {  	[tilespmem:s12], [sflag:$0xD] =	stream.linear.gather [hbm4b:s18+s2], $0x40, $0x38;
	[tilespmem:$0x1EA00] =	vst v63  }
0x89: {  	_ = 	snop  }
0x8a: {  	[tilespmem:s14], [sflag:$0xD] =	stream.linear.gather [hbm4b:s20+s2], $0x40, $0x38;
	[tilespmem:$0x1EA00] =	vst v63  }
0x8b: {  	s14 =	sld [smem:$0x7F7];
	_ =	sdelay $0x1  }
0x8c: {  	s18 =	simm.s32 $0x1E180;
	s20 =	sld [smem:$0x7FA]  }
0x8d: {  	[tilespmem:s18], [sflag:$0xE] =	stream.linear.gather [hbm4b:s14+s2], $0x40, $0x38;
	[tilespmem:$0x1EA00] =	vst v63  }
0x8e: {  	s14 =	sld [smem:$0x7FB]  }
0x8f: {  	[tilespmem:s15], [sflag:$0xE] =	stream.linear.gather [hbm4b:s20+s2], $0x40, $0x38;
	[tilespmem:$0x1EA00] =	vst v63  }
0x90: {  	s20 =	simm.s32 $0x1E200;
	s15 =	sld [smem:$0x7FD]  }
0x91: {  	[tilespmem:s20], [sflag:$0xF] =	stream.linear.gather [hbm4b:s14+s2], $0x40, $0x38;
	[tilespmem:$0x1EA00] =	vst v63  }
0x92: {  	s4 =	simm.s32 $0xB  }
0x93: {  	[tilespmem:s31], [sflag:$0xF] =	stream.linear.gather [hbm4b:s15+s2], $0x40, $0x38;
	[tilespmem:$0x1EA00] =	vst v63  }
0x94: {  	_ =	swait.ge [sflag:s4], $0x40  }
0x95: {  	[sflag:s4] =	ssyncset.done $0x0  }
0x96: {  	[sflag:s4] =	ssyncadd.s32 $0xFFFFFFC0  }
0x97: {  	_ =	swait.ge [sflag:s4], $0x40  }
0x98: {  	[sflag:s4] =	ssyncset.done $0x0  }
0x99: {  	s14 =	simm.s32 $0xC;
	[sflag:s4] =	ssyncadd.s32 $0xFFFFFFC0  }
0x9a: {  	[tilespmem:s30], [sflag:$0x1] =	stream.indirect.gather [hbm4b:s1+s16], $0x80, s7, s16, $0xb8;
	[tilespmem:$0x1EA00] =	vst v63  }
0x9b: {  	_ =	swait.ge [sflag:s14], $0x40  }
0x9c: {  	[sflag:s14] =	ssyncset.done $0x0  }
0x9d: {  	[sflag:s14] =	ssyncadd.s32 $0xFFFFFFC0  }
0x9e: {  	_ =	swait.ge [sflag:s14], $0x40  }
0x9f: {  	[sflag:s14] =	ssyncset.done $0x0  }
0xa0: {  	s15 =	simm.s32 $0xD;
	[sflag:s14] =	ssyncadd.s32 $0xFFFFFFC0  }
0xa1: {  	[tilespmem:s19], [sflag:$0x2] =	stream.indirect.gather [hbm4b:s1+s16], $0x80, s10, s16, $0xb8;
	[tilespmem:$0x1EA00] =	vst v63  }
0xa2: {  	_ =	swait.ge [sflag:s15], $0x40  }
0xa3: {  	[sflag:s15] =	ssyncset.done $0x0  }
0xa4: {  	[sflag:s15] =	ssyncadd.s32 $0xFFFFFFC0  }
0xa5: {  	_ =	swait.ge [sflag:s15], $0x40  }
0xa6: {  	[sflag:s15] =	ssyncset.done $0x0  }
0xa7: {  	[sflag:s15] =	ssyncadd.s32 $0xFFFFFFC0;
	s15 =	simm.s32 $0xE  }
0xa8: {  	[tilespmem:s21], [sflag:$0x3] =	stream.indirect.gather [hbm4b:s1+s16], $0x80, s12, s16, $0xb8;
	[tilespmem:$0x1EA00] =	vst v63  }
0xa9: {  	_ =	swait.ge [sflag:s15], $0x40  }
0xaa: {  	[sflag:s15] =	ssyncset.done $0x0  }
0xab: {  	[sflag:s15] =	ssyncadd.s32 $0xFFFFFFC0  }
0xac: {  	_ =	swait.ge [sflag:s15], $0x40  }
0xad: {  	[sflag:s15] =	ssyncset.done $0x0  }
0xae: {  	[sflag:s15] =	ssyncadd.s32 $0xFFFFFFC0  }
0xaf: {  	[tilespmem:s22], [sflag:$0x4] =	stream.indirect.gather [hbm4b:s1+s16], $0x80, s18, s16, $0xb8;
	[tilespmem:$0x1EA00] =	vst v63  }
0xb0: {  	s18 =	simm.s32 $0xF  }
0xb1: {  	_ =	swait.ge [sflag:s18], $0x40  }
0xb2: {  	[sflag:s18] =	ssyncset.done $0x0  }
0xb3: {  	[sflag:s18] =	ssyncadd.s32 $0xFFFFFFC0  }
0xb4: {  	_ =	swait.ge [sflag:s18], $0x40  }
0xb5: {  	s31 =	simm.s32 $0x1E680;
	[sflag:s18] =	ssyncset.done $0x0  }
0xb6: {  	s14 =	simm.s32 $0x1E700;
	[sflag:s18] =	ssyncadd.s32 $0xFFFFFFC0;
	s18 =	simm.s32 $0x0  }
0xb7: {  	[tilespmem:s24], [sflag:$0x5] =	stream.indirect.gather [hbm4b:s1+s16], $0x80, s20, s16, $0xb8;
	[tilespmem:$0x1EA00] =	vst v63  }
.LBB2_2:
0xb8: {  	_ =	swait.ge [sflag:s0], $0x2000  }
0xb9: {  	s4 =	sadd.s32 $0xFFFFFFF7, s15;
	[sflag:s0] =	ssyncset.done $0x0;
	s2 =	rddreg [dreg:$0x17]  }
0xba: {  	p0 =	sge.u32 s4, s6;
	s4 =	rddreg [dreg:$0x18];
	[sflag:s0] =	ssyncadd.s32 $0xFFFFE000  }
0xbb: {  	[spmem:s3] =	stream.indirect.scatter.add.f32 [tilespmem:s30], [sflag:$0x6], $0x80, s8, s16, $0xb8;
	[tilespmem:$0x1EA00] =	vst v63  }
0xbc: {  	s2 =	sadd.s32 @!p0 s18, s2;
	s7 =	simm.s32 @!p0 $0x0;
	s20 =	simm.s32 @!p0 $0x1E280  }
0xbd: {  	[tilespmem:s20], [sflag:$0x10] =	stream.linear.gather @!p0 [hbm4b:s2+s7], $0x40, $0x38;
	[tilespmem:$0x1EA00] =	vst v63  }
0xbe: {  	s2 =	sadd.s32 @!p0 s18, s4;
	s4 =	simm.s32 @!p0 $0x1E780  }
0xbf: {  	[tilespmem:s4], [sflag:$0x10] =	stream.linear.gather @!p0 [hbm4b:s2+s7], $0x40, $0x38;
	[tilespmem:$0x1EA00] =	vst v63  }
0xc0: {  	_ =	swait.ge [sflag:s25], $0x2000  }
0xc1: {  	[sflag:s25] =	ssyncset.done $0x0  }
0xc2: {  	[sflag:s25] =	ssyncadd.s32 $0xFFFFE000  }
0xc3: {  	[spmem:s3] =	stream.indirect.scatter.add.f32 [tilespmem:s19], [sflag:$0x7], $0x80, s23, s16, $0xb8;
	[tilespmem:$0x1EA00] =	vst v63  }
0xc4: {  	s2 =	rddreg [dreg:$0x15];
	s23 =	sadd.s32 $0xFFFFFFF8, s15  }
0xc5: {  	s4 =	rddreg [dreg:$0x16];
	p1 =	sge.u32 s23, s6  }
0xc6: {  	s2 =	sadd.s32 @!p1 s18, s2;
	s7 =	simm.s32 @!p1 $0x0;
	s23 =	simm.s32 @!p1 $0x1E300  }
0xc7: {  	[tilespmem:s23], [sflag:$0x11] =	stream.linear.gather @!p1 [hbm4b:s2+s7], $0x40, $0x38;
	[tilespmem:$0x1EA00] =	vst v63  }
0xc8: {  	s8 =	sadd.s32 $0xFFFFFFF9, s15;
	s2 =	sadd.s32 @!p1 s18, s4;
	s4 =	simm.s32 @!p1 $0x1E800  }
0xc9: {  	[tilespmem:s4], [sflag:$0x11] =	stream.linear.gather @!p1 [hbm4b:s2+s7], $0x40, $0x38;
	[tilespmem:$0x1EA00] =	vst v63  }
0xca: {  	p2 =	sge.u32 s8, s6;
	_ =	swait.ge [sflag:s26], $0x2000  }
0xcb: {  	s8 =	simm.s32 @!p2 $0x0;
	[sflag:s26] =	ssyncset.done $0x0  }
0xcc: {  	s7 =	simm.s32 $0x1E600;
	s2 =	rddreg [dreg:$0x13];
	[sflag:s26] =	ssyncadd.s32 $0xFFFFE000  }
0xcd: {  	[spmem:s3] =	stream.indirect.scatter.add.f32 [tilespmem:s21], [sflag:$0x8], $0x80, s7, s16, $0xb8;
	[tilespmem:$0x1EA00] =	vst v63  }
0xce: {  	s4 =	simm.s32 @!p2 $0x1E380;
	s2 =	sadd.s32 @!p2 s18, s2;
	s7 =	rddreg [dreg:$0x14]  }
0xcf: {  	[tilespmem:s4], [sflag:$0x12] =	stream.linear.gather @!p2 [hbm4b:s2+s8], $0x40, $0x38;
	[tilespmem:$0x1EA00] =	vst v63  }
0xd0: {  	s2 =	sadd.s32 @!p2 s18, s7;
	s7 =	simm.s32 @!p2 $0x1E880  }
0xd1: {  	[tilespmem:s7], [sflag:$0x12] =	stream.linear.gather @!p2 [hbm4b:s2+s8], $0x40, $0x38;
	[tilespmem:$0x1EA00] =	vst v63  }
0xd2: {  	s10 =	sadd.s32 $0xFFFFFFFA, s15;
	_ =	swait.ge [sflag:s5], $0x2000  }
0xd3: {  	p3 =	sge.u32 s10, s6;
	[sflag:s5] =	ssyncset.done $0x0  }
0xd4: {  	s10 =	simm.s32 @!p3 $0x0;
	s2 =	rddreg [dreg:$0x11];
	[sflag:s5] =	ssyncadd.s32 $0xFFFFE000  }
0xd5: {  	[spmem:s3] =	stream.indirect.scatter.add.f32 [tilespmem:s22], [sflag:$0x9], $0x80, s31, s16, $0xb8;
	[tilespmem:$0x1EA00] =	vst v63  }
0xd6: {  	s7 =	simm.s32 @!p3 $0x1E400;
	s8 =	rddreg [dreg:$0x12];
	s2 =	sadd.s32 @!p3 s18, s2  }
0xd7: {  	[tilespmem:s7], [sflag:$0x13] =	stream.linear.gather @!p3 [hbm4b:s2+s10], $0x40, $0x38;
	[tilespmem:$0x1EA00] =	vst v63  }
0xd8: {  	s2 =	sadd.s32 @!p3 s18, s8;
	s8 =	simm.s32 @!p3 $0x1E900  }
0xd9: {  	[tilespmem:s8], [sflag:$0x13] =	stream.linear.gather @!p3 [hbm4b:s2+s10], $0x40, $0x38;
	[tilespmem:$0x1EA00] =	vst v63  }
0xda: {  	s12 =	sadd.s32 $0xFFFFFFFB, s15;
	_ =	swait.ge [sflag:s28], $0x2000  }
0xdb: {  	p4 =	sge.u32 s12, s6;
	[sflag:s28] =	ssyncset.done $0x0  }
0xdc: {  	s12 =	simm.s32 @!p4 $0x0;
	s2 =	rddreg [dreg:$0xf];
	[sflag:s28] =	ssyncadd.s32 $0xFFFFE000  }
0xdd: {  	[spmem:s3] =	stream.indirect.scatter.add.f32 [tilespmem:s24], [sflag:$0xA], $0x80, s14, s16, $0xb8;
	[tilespmem:$0x1EA00] =	vst v63  }
0xde: {  	s8 =	rddreg [dreg:$0x10];
	s10 =	sadd.s32 @!p4 s18, s2;
	s2 =	simm.s32 @!p4 $0x1E480  }
0xdf: {  	[tilespmem:s2], [sflag:$0x14] =	stream.linear.gather @!p4 [hbm4b:s10+s12], $0x40, $0x38;
	[tilespmem:$0x1EA00] =	vst v63  }
0xe0: {  	s8 =	sadd.s32 @!p4 s18, s8;
	s10 =	simm.s32 @!p4 $0x1E980  }
0xe1: {  	[tilespmem:s10], [sflag:$0x14] =	stream.linear.gather @!p4 [hbm4b:s8+s12], $0x40, $0x38;
	[tilespmem:$0x1EA00] =	vst v63  }
0xe2: {  	_ =	swait.ge [sflag:s29], $0x2000  }
0xe3: {  	[sflag:s29] =	ssyncset.done $0x0  }
0xe4: {  	s8 =	simm.s32 @!p0 $0x10;
	[sflag:s29] =	ssyncadd.s32 $0xFFFFE000  }
0xe5: {  	_ =	swait.ge @!p0 [sflag:s8], $0x40  }
0xe6: {  	[sflag:s8] =	ssyncset.done @!p0 $0x0  }
0xe7: {  	[sflag:s8] =	ssyncadd.s32 @!p0 $0xFFFFFFC0  }
0xe8: {  	_ =	swait.ge @!p0 [sflag:s8], $0x40  }
0xe9: {  	[sflag:s8] =	ssyncset.done @!p0 $0x0  }
0xea: {  	s10 =	simm.s32 @!p0 $0x14000;
	[sflag:s8] =	ssyncadd.s32 @!p0 $0xFFFFFFC0;
	s8 =	simm.s32 @!p0 $0x40  }
0xeb: {  	[tilespmem:s10], [sflag:$0x1] =	stream.indirect.gather @!p0 [hbm4b:s1+s8], $0x80, s20, s8, $0xb8;
	[tilespmem:$0x1EA00] =	vst v63  }
0xec: {  	_ =	swait.ge [sflag:s9], $0x2000  }
0xed: {  	[sflag:s9] =	ssyncset.done $0x0  }
0xee: {  	s8 =	simm.s32 @!p1 $0x11;
	[sflag:s9] =	ssyncadd.s32 $0xFFFFE000  }
0xef: {  	_ =	swait.ge @!p1 [sflag:s8], $0x40  }
0xf0: {  	[sflag:s8] =	ssyncset.done @!p1 $0x0  }
0xf1: {  	[sflag:s8] =	ssyncadd.s32 @!p1 $0xFFFFFFC0  }
0xf2: {  	_ =	swait.ge @!p1 [sflag:s8], $0x40  }
0xf3: {  	[sflag:s8] =	ssyncset.done @!p1 $0x0  }
0xf4: {  	s10 =	simm.s32 @!p1 $0x16000;
	[sflag:s8] =	ssyncadd.s32 @!p1 $0xFFFFFFC0;
	s8 =	simm.s32 @!p1 $0x40  }
0xf5: {  	[tilespmem:s10], [sflag:$0x2] =	stream.indirect.gather @!p1 [hbm4b:s1+s8], $0x80, s23, s8, $0xb8;
	[tilespmem:$0x1EA00] =	vst v63  }
0xf6: {  	_ =	swait.ge [sflag:s11], $0x2000  }
0xf7: {  	[sflag:s11] =	ssyncset.done $0x0  }
0xf8: {  	s8 =	simm.s32 @!p2 $0x12;
	[sflag:s11] =	ssyncadd.s32 $0xFFFFE000  }
0xf9: {  	_ =	swait.ge @!p2 [sflag:s8], $0x40  }
0xfa: {  	[sflag:s8] =	ssyncset.done @!p2 $0x0  }
0xfb: {  	[sflag:s8] =	ssyncadd.s32 @!p2 $0xFFFFFFC0  }
0xfc: {  	_ =	swait.ge @!p2 [sflag:s8], $0x40  }
0xfd: {  	[sflag:s8] =	ssyncset.done @!p2 $0x0  }
0xfe: {  	s10 =	simm.s32 @!p2 $0x18000;
	[sflag:s8] =	ssyncadd.s32 @!p2 $0xFFFFFFC0;
	s8 =	simm.s32 @!p2 $0x40  }
0xff: {  	[tilespmem:s10], [sflag:$0x3] =	stream.indirect.gather @!p2 [hbm4b:s1+s8], $0x80, s4, s8, $0xb8;
	[tilespmem:$0x1EA00] =	vst v63  }
0x100: {  	_ =	swait.ge [sflag:s13], $0x2000  }
0x101: {  	[sflag:s13] =	ssyncset.done $0x0  }
0x102: {  	s4 =	simm.s32 @!p3 $0x13;
	[sflag:s13] =	ssyncadd.s32 $0xFFFFE000  }
0x103: {  	_ =	swait.ge @!p3 [sflag:s4], $0x40  }
0x104: {  	[sflag:s4] =	ssyncset.done @!p3 $0x0  }
0x105: {  	[sflag:s4] =	ssyncadd.s32 @!p3 $0xFFFFFFC0  }
0x106: {  	_ =	swait.ge @!p3 [sflag:s4], $0x40  }
0x107: {  	[sflag:s4] =	ssyncset.done @!p3 $0x0  }
0x108: {  	s8 =	simm.s32 @!p3 $0x1A000;
	[sflag:s4] =	ssyncadd.s32 @!p3 $0xFFFFFFC0;
	s4 =	simm.s32 @!p3 $0x40  }
0x109: {  	[tilespmem:s8], [sflag:$0x4] =	stream.indirect.gather @!p3 [hbm4b:s1+s4], $0x80, s7, s4, $0xb8;
	[tilespmem:$0x1EA00] =	vst v63  }
0x10a: {  	_ =	swait.ge [sflag:s17], $0x2000  }
0x10b: {  	[sflag:s17] =	ssyncset.done $0x0  }
0x10c: {  	s4 =	simm.s32 @!p4 $0x14;
	[sflag:s17] =	ssyncadd.s32 $0xFFFFE000  }
0x10d: {  	_ =	swait.ge @!p4 [sflag:s4], $0x40  }
0x10e: {  	[sflag:s4] =	ssyncset.done @!p4 $0x0  }
0x10f: {  	[sflag:s4] =	ssyncadd.s32 @!p4 $0xFFFFFFC0  }
0x110: {  	_ =	swait.ge @!p4 [sflag:s4], $0x40  }
0x111: {  	[sflag:s4] =	ssyncset.done @!p4 $0x0  }
0x112: {  	s7 =	simm.s32 @!p4 $0x1C000;
	[sflag:s4] =	ssyncadd.s32 @!p4 $0xFFFFFFC0;
	s4 =	simm.s32 @!p4 $0x40  }
0x113: {  	[tilespmem:s7], [sflag:$0x5] =	stream.indirect.gather @!p4 [hbm4b:s1+s4], $0x80, s2, s4, $0xb8;
	[tilespmem:$0x1EA00] =	vst v63  }
0x114: {  	s10 =	sadd.s32 $0xFFFFFFFC, s15;
	_ =	swait.ge [sflag:s0], $0x2000  }
0x115: {  	p0 =	sge.u32 s10, s6;
	s8 =	rddreg [dreg:$0x19];
	[sflag:s0] =	ssyncset.done $0x0  }
0x116: {  	s20 =	simm.s32 @!p0 $0x1E000;
	s2 =	rddreg [dreg:$0xd];
	[sflag:s0] =	ssyncadd.s32 $0xFFFFE000  }
0x117: {  	[spmem:s3] =	stream.indirect.scatter.add.f32 [tilespmem:s30], [sflag:$0x6], $0x80, s8, s16, $0xb8;
	[tilespmem:$0x1EA00] =	vst v63  }
0x118: {  	s7 =	simm.s32 @!p0 $0x0;
	s4 =	rddreg [dreg:$0xe];
	s2 =	sadd.s32 @!p0 s18, s2  }
0x119: {  	[tilespmem:s20], [sflag:$0xB] =	stream.linear.gather @!p0 [hbm4b:s2+s7], $0x40, $0x38;
	[tilespmem:$0x1EA00] =	vst v63  }
0x11a: {  	s2 =	sadd.s32 @!p0 s18, s4;
	s4 =	simm.s32 @!p0 $0x1E500  }
0x11b: {  	[tilespmem:s4], [sflag:$0xB] =	stream.linear.gather @!p0 [hbm4b:s2+s7], $0x40, $0x38;
	[tilespmem:$0x1EA00] =	vst v63  }
0x11c: {  	s23 =	sadd.s32 $0xFFFFFFFD, s15;
	_ =	swait.ge [sflag:s25], $0x2000  }
0x11d: {  	p1 =	sge.u32 s23, s6;
	s12 =	rddreg [dreg:$0x1a];
	[sflag:s25] =	ssyncset.done $0x0  }
0x11e: {  	s23 =	simm.s32 @!p1 $0x1E080;
	s2 =	rddreg [dreg:$0xb];
	[sflag:s25] =	ssyncadd.s32 $0xFFFFE000  }
0x11f: {  	[spmem:s3] =	stream.indirect.scatter.add.f32 [tilespmem:s19], [sflag:$0x7], $0x80, s12, s16, $0xb8;
	[tilespmem:$0x1EA00] =	vst v63  }
0x120: {  	s7 =	simm.s32 @!p1 $0x0;
	s4 =	rddreg [dreg:$0xc];
	s2 =	sadd.s32 @!p1 s18, s2  }
0x121: {  	[tilespmem:s23], [sflag:$0xC] =	stream.linear.gather @!p1 [hbm4b:s2+s7], $0x40, $0x38;
	[tilespmem:$0x1EA00] =	vst v63  }
0x122: {  	s2 =	sadd.s32 @!p1 s18, s4;
	s4 =	simm.s32 @!p1 $0x1E580  }
0x123: {  	[tilespmem:s4], [sflag:$0xC] =	stream.linear.gather @!p1 [hbm4b:s2+s7], $0x40, $0x38;
	[tilespmem:$0x1EA00] =	vst v63  }
0x124: {  	_ =	swait.ge [sflag:s26], $0x2000  }
0x125: {  	s4 =	rddreg [dreg:$0x1b]  }
0x126: {  	s7 =	sadd.s32 $0xFFFFFFFE, s15;
	[sflag:s26] =	ssyncset.done $0x0;
	s2 =	rddreg [dreg:$0x9]  }
0x127: {  	p2 =	sge.u32 s7, s6;
	s7 =	rddreg [dreg:$0xa];
	[sflag:s26] =	ssyncadd.s32 $0xFFFFE000  }
0x128: {  	[spmem:s3] =	stream.indirect.scatter.add.f32 [tilespmem:s21], [sflag:$0x8], $0x80, s4, s16, $0xb8;
	[tilespmem:$0x1EA00] =	vst v63  }
0x129: {  	s8 =	simm.s32 @!p2 $0x0;
	s2 =	sadd.s32 @!p2 s18, s2;
	s4 =	simm.s32 @!p2 $0x1E100  }
0x12a: {  	[tilespmem:s4], [sflag:$0xD] =	stream.linear.gather @!p2 [hbm4b:s2+s8], $0x40, $0x38;
	[tilespmem:$0x1EA00] =	vst v63  }
0x12b: {  	s2 =	sadd.s32 @!p2 s18, s7;
	s7 =	simm.s32 @!p2 $0x1E600  }
0x12c: {  	[tilespmem:s7], [sflag:$0xD] =	stream.linear.gather @!p2 [hbm4b:s2+s8], $0x40, $0x38;
	[tilespmem:$0x1EA00] =	vst v63  }
0x12d: {  	s10 =	sadd.s32 $0xFFFFFFFF, s15;
	_ =	swait.ge [sflag:s5], $0x2000  }
0x12e: {  	p3 =	sge.u32 s10, s6;
	s8 =	rddreg [dreg:$0x1c];
	[sflag:s5] =	ssyncset.done $0x0  }
0x12f: {  	s10 =	simm.s32 @!p3 $0x0;
	s2 =	rddreg [dreg:$0x7];
	[sflag:s5] =	ssyncadd.s32 $0xFFFFE000  }
0x130: {  	[spmem:s3] =	stream.indirect.scatter.add.f32 [tilespmem:s22], [sflag:$0x9], $0x80, s8, s16, $0xb8;
	[tilespmem:$0x1EA00] =	vst v63  }
0x131: {  	s7 =	simm.s32 @!p3 $0x1E180;
	s2 =	sadd.s32 @!p3 s18, s2;
	s8 =	rddreg [dreg:$0x8]  }
0x132: {  	[tilespmem:s7], [sflag:$0xE] =	stream.linear.gather @!p3 [hbm4b:s2+s10], $0x40, $0x38;
	[tilespmem:$0x1EA00] =	vst v63  }
0x133: {  	s2 =	sadd.s32 @!p3 s18, s8;
	s8 =	simm.s32 @!p3 $0x1E680  }
0x134: {  	[tilespmem:s8], [sflag:$0xE] =	stream.linear.gather @!p3 [hbm4b:s2+s10], $0x40, $0x38;
	[tilespmem:$0x1EA00] =	vst v63  }
0x135: {  	_ =	swait.ge [sflag:s28], $0x2000  }
0x136: {  	p4 =	sge.u32 s15, s6;
	s12 =	rddreg [dreg:$0x1d];
	[sflag:s28] =	ssyncset.done $0x0  }
0x137: {  	s2 =	simm.s32 @!p4 $0x1E200;
	s8 =	rddreg [dreg:$0x5];
	[sflag:s28] =	ssyncadd.s32 $0xFFFFE000  }
0x138: {  	[spmem:s3] =	stream.indirect.scatter.add.f32 [tilespmem:s24], [sflag:$0xA], $0x80, s12, s16, $0xb8;
	[tilespmem:$0x1EA00] =	vst v63  }
0x139: {  	s10 =	rddreg [dreg:$0x6];
	s8 =	sadd.s32 @!p4 s18, s8;
	s12 =	simm.s32 @!p4 $0x0  }
0x13a: {  	[tilespmem:s2], [sflag:$0xF] =	stream.linear.gather @!p4 [hbm4b:s8+s12], $0x40, $0x38;
	[tilespmem:$0x1EA00] =	vst v63  }
0x13b: {  	s8 =	sadd.s32 @!p4 s18, s10;
	s10 =	simm.s32 @!p4 $0x1E700  }
0x13c: {  	[tilespmem:s10], [sflag:$0xF] =	stream.linear.gather @!p4 [hbm4b:s8+s12], $0x40, $0x38;
	[tilespmem:$0x1EA00] =	vst v63  }
0x13d: {  	_ =	swait.ge [sflag:s29], $0x2000  }
0x13e: {  	[sflag:s29] =	ssyncset.done $0x0  }
0x13f: {  	s8 =	simm.s32 @!p0 $0xB;
	[sflag:s29] =	ssyncadd.s32 $0xFFFFE000  }
0x140: {  	_ =	swait.ge @!p0 [sflag:s8], $0x40  }
0x141: {  	[sflag:s8] =	ssyncset.done @!p0 $0x0  }
0x142: {  	[sflag:s8] =	ssyncadd.s32 @!p0 $0xFFFFFFC0  }
0x143: {  	_ =	swait.ge @!p0 [sflag:s8], $0x40  }
0x144: {  	[sflag:s8] =	ssyncset.done @!p0 $0x0  }
0x145: {  	s10 =	simm.s32 @!p0 $0x14000;
	[sflag:s8] =	ssyncadd.s32 @!p0 $0xFFFFFFC0;
	s8 =	simm.s32 @!p0 $0x40  }
0x146: {  	[tilespmem:s10], [sflag:$0x1] =	stream.indirect.gather @!p0 [hbm4b:s1+s8], $0x80, s20, s8, $0xb8;
	[tilespmem:$0x1EA00] =	vst v63  }
0x147: {  	_ =	swait.ge [sflag:s9], $0x2000  }
0x148: {  	[sflag:s9] =	ssyncset.done $0x0  }
0x149: {  	s8 =	simm.s32 @!p1 $0xC;
	[sflag:s9] =	ssyncadd.s32 $0xFFFFE000  }
0x14a: {  	_ =	swait.ge @!p1 [sflag:s8], $0x40  }
0x14b: {  	[sflag:s8] =	ssyncset.done @!p1 $0x0  }
0x14c: {  	[sflag:s8] =	ssyncadd.s32 @!p1 $0xFFFFFFC0  }
0x14d: {  	_ =	swait.ge @!p1 [sflag:s8], $0x40  }
0x14e: {  	[sflag:s8] =	ssyncset.done @!p1 $0x0  }
0x14f: {  	s10 =	simm.s32 @!p1 $0x16000;
	[sflag:s8] =	ssyncadd.s32 @!p1 $0xFFFFFFC0;
	s8 =	simm.s32 @!p1 $0x40  }
0x150: {  	[tilespmem:s10], [sflag:$0x2] =	stream.indirect.gather @!p1 [hbm4b:s1+s8], $0x80, s23, s8, $0xb8;
	[tilespmem:$0x1EA00] =	vst v63  }
0x151: {  	_ =	swait.ge [sflag:s11], $0x2000  }
0x152: {  	[sflag:s11] =	ssyncset.done $0x0  }
0x153: {  	s8 =	simm.s32 @!p2 $0xD;
	[sflag:s11] =	ssyncadd.s32 $0xFFFFE000  }
0x154: {  	_ =	swait.ge @!p2 [sflag:s8], $0x40  }
0x155: {  	[sflag:s8] =	ssyncset.done @!p2 $0x0  }
0x156: {  	[sflag:s8] =	ssyncadd.s32 @!p2 $0xFFFFFFC0  }
0x157: {  	_ =	swait.ge @!p2 [sflag:s8], $0x40  }
0x158: {  	[sflag:s8] =	ssyncset.done @!p2 $0x0  }
0x159: {  	s10 =	simm.s32 @!p2 $0x18000;
	[sflag:s8] =	ssyncadd.s32 @!p2 $0xFFFFFFC0;
	s8 =	simm.s32 @!p2 $0x40  }
0x15a: {  	[tilespmem:s10], [sflag:$0x3] =	stream.indirect.gather @!p2 [hbm4b:s1+s8], $0x80, s4, s8, $0xb8;
	[tilespmem:$0x1EA00] =	vst v63  }
0x15b: {  	_ =	swait.ge [sflag:s13], $0x2000  }
0x15c: {  	[sflag:s13] =	ssyncset.done $0x0  }
0x15d: {  	s4 =	simm.s32 @!p3 $0xE;
	[sflag:s13] =	ssyncadd.s32 $0xFFFFE000  }
0x15e: {  	_ =	swait.ge @!p3 [sflag:s4], $0x40  }
0x15f: {  	[sflag:s4] =	ssyncset.done @!p3 $0x0  }
0x160: {  	[sflag:s4] =	ssyncadd.s32 @!p3 $0xFFFFFFC0  }
0x161: {  	_ =	swait.ge @!p3 [sflag:s4], $0x40  }
0x162: {  	[sflag:s4] =	ssyncset.done @!p3 $0x0  }
0x163: {  	s8 =	simm.s32 @!p3 $0x1A000;
	[sflag:s4] =	ssyncadd.s32 @!p3 $0xFFFFFFC0;
	s4 =	simm.s32 @!p3 $0x40  }
0x164: {  	[tilespmem:s8], [sflag:$0x4] =	stream.indirect.gather @!p3 [hbm4b:s1+s4], $0x80, s7, s4, $0xb8;
	[tilespmem:$0x1EA00] =	vst v63  }
0x165: {  	_ =	swait.ge [sflag:s17], $0x2000  }
0x166: {  	[sflag:s17] =	ssyncset.done $0x0  }
0x167: {  	s4 =	simm.s32 @!p4 $0xF;
	[sflag:s17] =	ssyncadd.s32 $0xFFFFE000  }
0x168: {  	_ =	swait.ge @!p4 [sflag:s4], $0x40  }
0x169: {  	[sflag:s4] =	ssyncset.done @!p4 $0x0  }
0x16a: {  	[sflag:s4] =	ssyncadd.s32 @!p4 $0xFFFFFFC0  }
0x16b: {  	_ =	swait.ge @!p4 [sflag:s4], $0x40  }
0x16c: {  	s18 =	sadd.s32 $0x50, s18;
	s20 =	rddreg [dreg:$0x4]  }
0x16d: {  	p0 =	sne.s32 s20, s18  }
.Ltmp0:
0x16e: {  	_ = 	snop;
	(pc) =	sbr.rel @p0 .LBB2_2-.Ltmp0, $4  }
0x16f: {  	s15 =	sadd.s32 $0xA, s15  }
0x170: {  	s23 =	simm.s32 $0x1E580;
	s7 =	simm.s32 @!p4 $0x1C000;
	[sflag:s4] =	ssyncset.done @!p4 $0x0  }
0x171: {  	s8 =	simm.s32 $0x1E500;
	[sflag:s4] =	ssyncadd.s32 @!p4 $0xFFFFFFC0;
	s4 =	simm.s32 @!p4 $0x40  }
0x172: {  	[tilespmem:s7], [sflag:$0x5] =	stream.indirect.gather @!p4 [hbm4b:s1+s4], $0x80, s2, s4, $0xb8;
	[tilespmem:$0x1EA00] =	vst v63  }
0x173: {  	[bflag:$0x0] =	sbarrier.arrive $0xFFFF  }
0x174: {  	s2 =	stileid.u32;
	s7 =	sld [smem:$0x7F8]  }
0x175: {  	s2 =	sshll.u32 s2, $0x6;
	s12 =	rddreg [dreg:$0x1f]  }
0x176: {  	s2 =	sor.u32 $0x1C15, s2;
	s4 =	sshrl.u32 s12, $0x3  }
0x177: {  	[hbm:s7], [sflag:s2] =	dma.local [spmem:s4], $0x2800  }
0x178: {  	s7 =	simm.s32 $0x15  }
0x179: {  	_ =	swait.ge [sflag:s7], $0x2800  }
0x17a: {  	s18 =	sld [smem:$0x7E8]  }
0x17b: {  	s20 =	sld [smem:$0x7F9];
	_ =	sdelay $0x1  }
0x17c: {  	s4 =	sadd.s32 $0x1, s18  }
0x17d: {  	p0 =	sne.s32 s4, s20  }
.Ltmp1:
0x17e: {  	_ = 	snop;
	(pc) =	sbr.rel @p0 .LBB2_1-.Ltmp1, $3  }
0x17f: {  	_ =	sdelay $0x1  }
0x180: {  	s14 =	simm.s32 $0x1E600;
	[sflag:s7] =	ssyncset.done $0x0  }
0x181: {  	s15 =	simm.s32 $0x1E680;
	s31 =	simm.s32 $0x1E700;
	[sflag:s7] =	ssyncadd.s32 $0xFFFFD800  }
0x182: {  	_ =	sfence.sel $0x180000  }
0x183: {  	[bflag:$0x0] =	sbarrier.arrive $0xFFFF  }
0x184: {  	_ =	strace $0x9000004A  }
0x185: {  	s0 =	stileid.u32;
	[bflag:$0x2] =	sbarrier.arrive $0xFFFF  }
0x186: {  	p0 =	sne.s32 s0, $0x0;
	s0 =	rddreg [dreg:$0x3]  }
0x187: {  	s0 =	sadd.s32 @!p0 $0x100000, s0  }
0x188: {  	[sflag:s0] =	ssyncadd.tile.s32 @!p0 $0x1;
	_ =	shalt  }
.Lfunc_end2:
_tile_overlayer_lowered:
.L_overlay_start_2:
0x189: {  	(tag) =	ssettag $0x2  }
0x18a: {  	s0 =	rddreg [dreg:$0x0];
	s2 =	stileid.u32  }
0x18b: {  	s1 =	rddreg [dreg:$0x1];
	p0 =	sne.s32 s2, $0x0  }
0x18c: {  	s3 =	rddreg [dreg:$0x2];
	[bflag:$0x3] =	sbarrier.arrive $0xFFFF;
	s2 =	simm.s32 @!p0 $0x1C15  }
0x18d: {  	[timem:s3], [sflag:s2] =	dma.local @!p0 [hbm:s0], s1  }
0x18e: {  	s0 =	simm.s32 @!p0 $0x15  }
0x18f: {  	_ =	swait.ge @!p0 [sflag:s0], s1  }
0x190: {  	s1 =	ssub.s32 @!p0 $0x0, s1;
	[sflag:s0] =	ssyncset.done @!p0 $0x0  }
0x191: {  	[sflag:s0] =	ssyncadd.s32 @!p0 s1  }
0x192: {  	[bflag:$0x3] =	sbarrier.arrive $0xFFFF  }
0x193: {  	_ =	shalt  }

</sc_bundles>
